<compile_context>
chip_gen: v7x
topology: tpu7x:2x2x1
jax: 0.10.2.dev20260603
libtpu: 0.0.44.dev20260713+nightly
codegen_flags: <defaults>
</compile_context>

<pallas_src>
import jax
import jax.numpy as jnp
from jax import lax
from jax.experimental import pallas as pl
from jax.experimental.pallas import tpu as pltpu
from jax.experimental.pallas import tpu_sc as plsc

N = 10000
E = 320000
D = 128
K = 10
ALPHA = 0.1

NPAD = 10240
EPAD = 327680
EG = EPAD // 64
NSUB = 16
EGT = EG // NSUB
NPT = NPAD // NSUB
BC = 16
NCH = NPT // BC
BG = 16
NBUF = 4


def _rsqrt16(x):
    i = lax.bitcast_convert_type(x, jnp.int32)
    y = lax.bitcast_convert_type(
        jnp.full((16,), 0x5F3759DF, jnp.int32) - (i >> 1), jnp.float32)
    for _ in range(3):
        y = y * (1.5 - 0.5 * x * y * y)
    return y


def _sc_body(inp_hbm, srcp_hbm, dstp_hbm,
             hA_hbm, hB_hbm, g_hbm,
             m_sh, deg_sh,
             src16, dst16, st0, st1, st2, st3,
             mb, h0b, hb, gb, zb, zf, norm_v, ones_v,
             gs0, gs1, gs2, gs3, as0, as1, as2, as3):
    sid = lax.axis_index("s")
    gbase = sid * EGT
    nbase = sid * NPT
    st = [st0, st1, st2, st3]
    gsem = [gs0, gs1, gs2, gs3]
    asem = [as0, as1, as2, as3]

    def _fill_z(i, c):
        r = i // 8
        col = i % 8
        zb[r, pl.ds(col * 16, 16)] = jnp.zeros((16,), jnp.float32)
        return c
    lax.fori_loop(0, BC * 8, _fill_z, None)

    def _fill_zf(i, c):
        zf[pl.ds(i * 16, 16)] = jnp.zeros((16,), jnp.float32)
        return c
    lax.fori_loop(0, NPT // 16, _fill_zf, None)

    def _fill_1(i, c):
        ones_v[pl.ds(i * 16, 16)] = jnp.ones((16,), jnp.float32)
        return c
    lax.fori_loop(0, 4, _fill_1, None)

    pltpu.sync_copy(zf, deg_sh.at[pl.ds(nbase, NPT)])
    plsc.subcore_barrier()

    def _deg_t(t, c):
        pltpu.sync_copy(dstp_hbm.at[pl.ds(gbase + t * BG, BG)], dst16)

        def _inner(q, c2):
            pltpu.sync_copy(ones_v, deg_sh.at[dst16.at[q]], add=True)
            return c2
        lax.fori_loop(0, BG, _inner, None)
        return c
    lax.fori_loop(0, EGT // BG, _deg_t, None)
    plsc.subcore_barrier()

    pltpu.sync_copy(deg_sh.at[pl.ds(nbase, NPT)], norm_v)

    def _norm(c, carry):
        d = jnp.maximum(norm_v[pl.ds(c * 16, 16)], 1.0)
        norm_v[pl.ds(c * 16, 16)] = _rsqrt16(d)
        return carry
    lax.fori_loop(0, NPT // 16, _norm, None)

    def _init(c, carry):
        row0 = c * BC
        pltpu.sync_copy(inp_hbm.at[pl.ds(nbase + row0, BC)], h0b)
        pltpu.sync_copy(zb, m_sh.at[pl.ds(nbase + row0, BC)])

        def _rows(r, cr):
            nb = plsc.load_gather(norm_v,
                                  [jnp.full((16,), row0 + r, jnp.int32)])
            for cc in range(8):
                s = pl.ds(cc * 16, 16)
                gb[r, s] = nb * h0b[r, s]
            return cr
        lax.fori_loop(0, BC, _rows, None)
        pltpu.sync_copy(gb, g_hbm.at[pl.ds(nbase + row0, BC)])
        return carry
    lax.fori_loop(0, NCH, _init, None)
    plsc.subcore_barrier()

    def _step(h0_hbm, hout_hbm, write_h, write_g):
        def _edges(t, carry):
            base = gbase + t * BG
            pltpu.sync_copy(srcp_hbm.at[pl.ds(base, BG)], src16)
            pltpu.sync_copy(dstp_hbm.at[pl.ds(base, BG)], dst16)

            gc = [None] * BG
            ac = [None] * BG
            for q in range(NBUF):
                gc[q] = pltpu.async_copy(
                    g_hbm.at[src16.at[q]], st[q], gsem[q])
            for q in range(BG):
                b = q % NBUF
                gc[q].wait()
                ac[q] = pltpu.async_copy(
                    st[b], m_sh.at[dst16.at[q]], asem[b], add=True)
                nxt = q + 2
                if q >= 2 and nxt < BG:
                    bb = nxt % NBUF
                    ac[q - 2].wait()
                    gc[nxt] = pltpu.async_copy(
                        g_hbm.at[src16.at[nxt]], st[bb], gsem[bb])
            for q in range(BG - NBUF, BG):
                ac[q].wait()
            return carry
        lax.fori_loop(0, EGT // BG, _edges, None)
        plsc.subcore_barrier()

        def _blend(c, carry):
            row0 = c * BC
            pltpu.sync_copy(m_sh.at[pl.ds(nbase + row0, BC)], mb)
            pltpu.sync_copy(zb, m_sh.at[pl.ds(nbase + row0, BC)])
            pltpu.sync_copy(h0_hbm.at[pl.ds(nbase + row0, BC)], h0b)

            def _rows(r, cr):
                nb = plsc.load_gather(norm_v,
                                      [jnp.full((16,), row0 + r, jnp.int32)])
                for cc in range(8):
                    s = pl.ds(cc * 16, 16)
                    h16 = 0.9 * nb * mb[r, s] + 0.1 * h0b[r, s]
                    hb[r, s] = h16
                    gb[r, s] = nb * h16
                return cr
            lax.fori_loop(0, BC, _rows, None)

            @pl.when(write_h)
            def _():
                pltpu.sync_copy(hb, hout_hbm.at[pl.ds(nbase + row0, BC)])

            @pl.when(write_g)
            def _():
                pltpu.sync_copy(gb, g_hbm.at[pl.ds(nbase + row0, BC)])
            return carry
        lax.fori_loop(0, NCH, _blend, None)
        plsc.subcore_barrier()

    def _pass1(k, carry):
        _step(inp_hbm, hA_hbm, k == K - 1, True)
        return carry
    lax.fori_loop(0, K, _pass1, None)

    def _pass2(k, carry):
        _step(hA_hbm, hB_hbm, k == K - 1, k < K - 1)
        return carry
    lax.fori_loop(0, K, _pass2, None)


def _appnp_sc(inp, srcp, dstp):
    mesh = plsc.VectorSubcoreMesh(
        core_axis_name="c", subcore_axis_name="s", num_cores=1)
    f32 = jnp.float32
    out_type = (
        jax.ShapeDtypeStruct((NPAD, D), f32),
        jax.ShapeDtypeStruct((NPAD, D), f32),
        jax.ShapeDtypeStruct((NPAD, D), f32),
    )
    scratch = [
        pltpu.VMEM_SHARED((NPAD, D), f32),
        pltpu.VMEM_SHARED((NPAD,), f32),
        pltpu.VMEM((BG, 64), jnp.int32),
        pltpu.VMEM((BG, 64), jnp.int32),
        pltpu.VMEM((64, D), f32),
        pltpu.VMEM((64, D), f32),
        pltpu.VMEM((64, D), f32),
        pltpu.VMEM((64, D), f32),
        pltpu.VMEM((BC, D), f32),
        pltpu.VMEM((BC, D), f32),
        pltpu.VMEM((BC, D), f32),
        pltpu.VMEM((BC, D), f32),
        pltpu.VMEM((BC, D), f32),
        pltpu.VMEM((NPT,), f32),
        pltpu.VMEM((NPT,), f32),
        pltpu.VMEM((64,), f32),
        pltpu.SemaphoreType.DMA,
        pltpu.SemaphoreType.DMA,
        pltpu.SemaphoreType.DMA,
        pltpu.SemaphoreType.DMA,
        pltpu.SemaphoreType.DMA,
        pltpu.SemaphoreType.DMA,
        pltpu.SemaphoreType.DMA,
        pltpu.SemaphoreType.DMA,
    ]
    run = pl.kernel(_sc_body, out_type=out_type, mesh=mesh,
                    scratch_types=scratch,
                    compiler_params=pltpu.CompilerParams(
                        needs_layout_passes=False))
    _, hB, _ = run(inp, srcp, dstp)
    return hB


def _mlp_body(x_ref, w1, b1, w2, b2, wh1, bh1, wh2, bh2, hl_ref, o_ref):
    x = x_ref[...]
    h1 = jnp.maximum(x @ w1[...] + b1[...], 0.0)
    hl = h1 @ w2[...] + b2[...]
    hl_ref[...] = hl
    t = jnp.maximum(hl @ wh1[...] + bh1[...], 0.0)
    o_ref[...] = t @ wh2[...] + bh2[...]


def _mlp_tc(h, W1, b1, W2, b2, Wh1, bh1, Wh2, bh2):
    BLK = 1000
    grid = (N // BLK,)

    def full(shape):
        return pl.BlockSpec(shape, lambda i: (0, 0))

    hl, out0 = pl.pallas_call(
        _mlp_body,
        grid=grid,
        in_specs=[
            pl.BlockSpec((BLK, 128), lambda i: (i, 0)),
            full((128, 128)), full((1, 128)),
            full((128, 128)), full((1, 128)),
            full((128, 64)), full((1, 64)),
            full((64, 40)), full((1, 40)),
        ],
        out_specs=[
            pl.BlockSpec((BLK, 128), lambda i: (i, 0)),
            pl.BlockSpec((BLK, 40), lambda i: (i, 0)),
        ],
        out_shape=[
            jax.ShapeDtypeStruct((N, 128), jnp.float32),
            jax.ShapeDtypeStruct((N, 40), jnp.float32),
        ],
    )(h, W1, b1.reshape(1, -1), W2, b2.reshape(1, -1),
      Wh1, bh1.reshape(1, -1), Wh2, bh2.reshape(1, -1))
    return hl, out0


@jax.jit
def kernel(input_feat, edge_index, W1, b1, W2, b2, Wh1, bh1, Wh2, bh2):
    inp = jnp.pad(input_feat, ((0, NPAD - N), (0, 0)))
    srcp = jnp.pad(edge_index[0], (0, EPAD - E),
                   constant_values=N).reshape(EG, 64)
    dstp = jnp.pad(edge_index[1], (0, EPAD - E),
                   constant_values=N).reshape(EG, 64)
    h = _appnp_sc(inp, srcp, dstp)[:N]
    h_last, out0 = _mlp_tc(h, W1, b1, W2, b2, Wh1, bh1, Wh2, bh2)
    return (out0, h_last)

# --- scband reference (transcript-rebuilt; emitter-appended) ---
"""Pipeline reference for scband-multi-appnp-76012331205029 (READ-ONLY COPY).

The authoritative reference and input builder live on the scoring server;
editing this copy changes nothing except your own understanding.
"""

import jax, jax.numpy as jnp
import numpy as np

N = 10000
E = 320000
D = 128
H = 128
C = 40
K = 10
ALPHA = 0.1


def setup_inputs(seed: int = 0) -> dict:
    key = jax.random.key(seed)
    ks = jax.random.split(key, 12)
    input_feat = jax.random.normal(ks[0], (N, D), dtype=jnp.float32)
    edge_index = jax.random.randint(ks[1], (2, E), 0, N, dtype=jnp.int32)
    s1 = 1.0 / np.sqrt(D)
    W1 = jax.random.uniform(ks[2], (D, H), jnp.float32, -s1, s1)
    b1 = jax.random.uniform(ks[3], (H,), jnp.float32, -s1, s1)
    s2 = 1.0 / np.sqrt(H)
    W2 = jax.random.uniform(ks[4], (H, H), jnp.float32, -s2, s2)
    b2 = jax.random.uniform(ks[5], (H,), jnp.float32, -s2, s2)
    Wh1 = jax.random.uniform(ks[6], (H, H // 2), jnp.float32, -s2, s2)
    bh1 = jax.random.uniform(ks[7], (H // 2,), jnp.float32, -s2, s2)
    s3 = 1.0 / np.sqrt(H // 2)
    Wh2 = jax.random.uniform(ks[8], (H // 2, C), jnp.float32, -s3, s3)
    bh2 = jax.random.uniform(ks[9], (C,), jnp.float32, -s3, s3)
    return {
        'input_feat': input_feat,
        'edge_index': edge_index,
        'W1': W1, 'b1': b1, 'W2': W2, 'b2': b2,
        'Wh1': Wh1, 'bh1': bh1, 'Wh2': Wh2, 'bh2': bh2,
    }


def _appnp(edge_index, feat):
    # DGL APPNPConv with symmetric normalization based on in-degrees
    src = edge_index[0]
    dst = edge_index[1]
    deg = jnp.zeros((N,), jnp.float32).at[dst].add(1.0)
    norm = jnp.power(jnp.clip(deg, 1.0, None), -0.5)
    h0 = feat
    h = feat
    for _ in range(K):
        h = h * norm[:, None]
        m = jnp.zeros_like(h).at[dst].add(h[src])
        h = m * norm[:, None]
        h = (1.0 - ALPHA) * h + ALPHA * h0
    return h


def reference(input_feat, edge_index, W1, b1, W2, b2, Wh1, bh1, Wh2, bh2):
    h = _appnp(edge_index, input_feat)
    h = _appnp(edge_index, h)
    # self.mlp (SimpleMLP: fc1 -> relu -> fc2)
    h_last = jax.nn.relu(h @ W1 + b1) @ W2 + b2
    # self.mlps[0] head
    out0 = jax.nn.relu(h_last @ Wh1 + bh1) @ Wh2 + bh2
    return (out0, h_last)

if __name__ == "__main__":
    import jax
    _d = setup_inputs()
    print(jax.jit(kernel)(*tuple(_d.values())))

</pallas_src>

<mosaic_0001>
#map = affine_map<(d0, d1) -> (0, 0)>
module attributes {stable_mosaic.version = 14 : i64} {
  func.func @_sc_body(%arg0: i32, %arg1: i32, %arg2: memref<10240x128xf32, #tpu.memory_space<hbm>>, %arg3: memref<5120x64xi32, #tpu.memory_space<hbm>>, %arg4: memref<5120x64xi32, #tpu.memory_space<hbm>>, %arg5: memref<10240x128xf32, #tpu.memory_space<hbm>>, %arg6: memref<10240x128xf32, #tpu.memory_space<hbm>>, %arg7: memref<10240x128xf32, #tpu.memory_space<hbm>>, %arg8: memref<10240x128xf32, #tpu.memory_space<vmem_shared>>, %arg9: memref<10240xf32, #tpu.memory_space<vmem_shared>>, %arg10: memref<16x64xi32, #tpu.memory_space<vmem>>, %arg11: memref<16x64xi32, #tpu.memory_space<vmem>>, %arg12: memref<64x128xf32, #tpu.memory_space<vmem>>, %arg13: memref<64x128xf32, #tpu.memory_space<vmem>>, %arg14: memref<64x128xf32, #tpu.memory_space<vmem>>, %arg15: memref<64x128xf32, #tpu.memory_space<vmem>>, %arg16: memref<16x128xf32, #tpu.memory_space<vmem>>, %arg17: memref<16x128xf32, #tpu.memory_space<vmem>>, %arg18: memref<16x128xf32, #tpu.memory_space<vmem>>, %arg19: memref<16x128xf32, #tpu.memory_space<vmem>>, %arg20: memref<16x128xf32, #tpu.memory_space<vmem>>, %arg21: memref<640xf32, #tpu.memory_space<vmem>>, %arg22: memref<640xf32, #tpu.memory_space<vmem>>, %arg23: memref<64xf32, #tpu.memory_space<vmem>>, %arg24: memref<!tpu.dma_semaphore, #tpu.memory_space<semaphore_mem>>, %arg25: memref<!tpu.dma_semaphore, #tpu.memory_space<semaphore_mem>>, %arg26: memref<!tpu.dma_semaphore, #tpu.memory_space<semaphore_mem>>, %arg27: memref<!tpu.dma_semaphore, #tpu.memory_space<semaphore_mem>>, %arg28: memref<!tpu.dma_semaphore, #tpu.memory_space<semaphore_mem>>, %arg29: memref<!tpu.dma_semaphore, #tpu.memory_space<semaphore_mem>>, %arg30: memref<!tpu.dma_semaphore, #tpu.memory_space<semaphore_mem>>, %arg31: memref<!tpu.dma_semaphore, #tpu.memory_space<semaphore_mem>>) attributes {dimension_semantics = [#tpu.dimension_semantics<core_parallel>, #tpu.dimension_semantics<subcore_parallel>], iteration_bounds = array<i64: 1, 16>, scalar_prefetch = 0 : i64, scratch_operands = 24 : i64, tpu.core_type = #tpu.core_type<sc_vector_subcore>, window_params = [{transform_indices = #map}, {transform_indices = #map}, {transform_indices = #map}, {transform_indices = #map}, {transform_indices = #map}, {transform_indices = #map}]} {
    %mul3A = arith.constant 320 : i32
    %mul3A_0 = arith.muli %arg1, %mul3A : i32
    %mul3A_1 = arith.constant 640 : i32
    %mul3A_2 = arith.muli %arg1, %mul3A_1 : i32
    %scan3A = arith.constant 0 : i32
    %scan3A_3 = arith.constant 128 : i32
    %scan3A_4 = arith.addi %scan3A, %scan3A_3 : i32
    %scan3A_5 = arith.constant 1 : i32
    scf.for %scan3A_44 = %scan3A to %scan3A_4 step %scan3A_5  : i32 {
      %jit3A = arith.constant 8 : i32
      %div3A = arith.divsi %scan3A_44, %jit3A : i32
      %sign3A = arith.constant 0 : i32
      %sign3A_45 = arith.cmpi sgt, %scan3A_44, %sign3A : i32
      %sign3A_46 = arith.extui %sign3A_45 : i1 to i32
      %sign3A_47 = arith.constant 0 : i32
      %sign3A_48 = arith.cmpi slt, %scan3A_44, %sign3A_47 : i32
      %sign3A_49 = arith.extui %sign3A_48 : i1 to i32
      %sign3A_50 = arith.subi %sign3A_46, %sign3A_49 : i32
      %sign3A_51 = arith.constant 0 : i32
      %sign3A_52 = arith.cmpi sgt, %jit3A, %sign3A_51 : i32
      %sign3A_53 = arith.extui %sign3A_52 : i1 to i32
      %sign3A_54 = arith.constant 0 : i32
      %sign3A_55 = arith.cmpi slt, %jit3A, %sign3A_54 : i32
      %sign3A_56 = arith.extui %sign3A_55 : i1 to i32
      %sign3A_57 = arith.subi %sign3A_53, %sign3A_56 : i32
      %ne3A = arith.cmpi ne, %sign3A_50, %sign3A_57 : i32
      %rem3A = arith.remsi %scan3A_44, %jit3A : i32
      %ne3A_58 = arith.constant 0 : i32
      %ne3A_59 = arith.cmpi ne, %rem3A, %ne3A_58 : i32
      %and3A = arith.andi %ne3A, %ne3A_59 : i1
      %sub3A = arith.constant 1 : i32
      %sub3A_60 = arith.subi %div3A, %sub3A : i32
      %select_n3A = arith.select %and3A, %sub3A_60, %div3A : i32
      %jit3A_61 = arith.constant 8 : i32
      %eq3A = arith.constant 0 : i32
      %eq3A_62 = arith.cmpi eq, %jit3A_61, %eq3A : i32
      %jit3A_63 = arith.constant 1 : i32
      %select_n3A_64 = arith.select %eq3A_62, %jit3A_63, %jit3A_61 : i32
      %rem3A_65 = arith.remsi %scan3A_44, %select_n3A_64 : i32
      %ne3A_66 = arith.constant 0 : i32
      %ne3A_67 = arith.cmpi ne, %rem3A_65, %ne3A_66 : i32
      %lt3A = arith.constant 0 : i32
      %lt3A_68 = arith.cmpi slt, %rem3A_65, %lt3A : i32
      %lt3A_69 = arith.constant 0 : i32
      %lt3A_70 = arith.cmpi slt, %select_n3A_64, %lt3A_69 : i32
      %ne3A_71 = arith.xori %lt3A_68, %lt3A_70 : i1
      %and3A_72 = arith.andi %ne3A_71, %ne3A_67 : i1
      %add3A = arith.addi %rem3A_65, %select_n3A_64 : i32
      %select_n3A_73 = arith.select %and3A_72, %add3A, %rem3A_65 : i32
      %broadcast_in_dim3A = arith.constant 0.000000e+00 : f32
      %broadcast_in_dim3A_74 = vector.broadcast %broadcast_in_dim3A : f32 to vector<16xf32>
      %mul3A_75 = arith.constant 16 : i32
      %mul3A_76 = arith.muli %select_n3A_73, %mul3A_75 : i32
      %swap3A = arith.index_cast %select_n3A : i32 to index
      %swap3A_77 = arith.index_cast %mul3A_76 : i32 to index
      %swap3A_78 = tpu.vector_load %arg20[%swap3A, %swap3A_77] {strides = array<i32>} : memref<16x128xf32, #tpu.memory_space<vmem>>, vector<16xf32>,
      tpu.vector_store %arg20[%swap3A, %swap3A_77], %broadcast_in_dim3A_74 {strides = array<i32>} : memref<16x128xf32, #tpu.memory_space<vmem>>, vector<16xf32>,
    }
    %scan3A_6 = arith.constant 128 : i32
    %scan3A_7 = arith.constant 0 : i32
    %scan3A_8 = arith.constant 40 : i32
    %scan3A_9 = arith.addi %scan3A_7, %scan3A_8 : i32
    %scan3A_10 = arith.constant 1 : i32
    scf.for %scan3A_44 = %scan3A_7 to %scan3A_9 step %scan3A_10  : i32 {
      %broadcast_in_dim3A = arith.constant 0.000000e+00 : f32
      %broadcast_in_dim3A_45 = vector.broadcast %broadcast_in_dim3A : f32 to vector<16xf32>
      %mul3A_46 = arith.constant 16 : i32
      %mul3A_47 = arith.muli %scan3A_44, %mul3A_46 : i32
      %swap3A = arith.index_cast %mul3A_47 : i32 to index
      %swap3A_48 = tpu.vector_load %arg21[%swap3A] {strides = array<i32>} : memref<640xf32, #tpu.memory_space<vmem>>, vector<16xf32>,
      tpu.vector_store %arg21[%swap3A], %broadcast_in_dim3A_45 {strides = array<i32>} : memref<640xf32, #tpu.memory_space<vmem>>, vector<16xf32>,
    }
    %scan3A_11 = arith.constant 40 : i32
    %scan3A_12 = arith.constant 0 : i32
    %scan3A_13 = arith.constant 4 : i32
    %scan3A_14 = arith.addi %scan3A_12, %scan3A_13 : i32
    %scan3A_15 = arith.constant 1 : i32
    scf.for %scan3A_44 = %scan3A_12 to %scan3A_14 step %scan3A_15  : i32 {
      %broadcast_in_dim3A = arith.constant 1.000000e+00 : f32
      %broadcast_in_dim3A_45 = vector.broadcast %broadcast_in_dim3A : f32 to vector<16xf32>
      %mul3A_46 = arith.constant 16 : i32
      %mul3A_47 = arith.muli %scan3A_44, %mul3A_46 : i32
      %swap3A = arith.index_cast %mul3A_47 : i32 to index
      %swap3A_48 = tpu.vector_load %arg23[%swap3A] {strides = array<i32>} : memref<64xf32, #tpu.memory_space<vmem>>, vector<16xf32>,
      tpu.vector_store %arg23[%swap3A], %broadcast_in_dim3A_45 {strides = array<i32>} : memref<64xf32, #tpu.memory_space<vmem>>, vector<16xf32>,
    }
    %scan3A_16 = arith.constant 4 : i32
    "tpu.region"() ({
      %run_scoped3A = tpu.sem_alloc : memref<!tpu.dma_semaphore, #tpu.memory_space<semaphore_mem>>
      %dma_start3A = tpu.memref_slice %arg9[%mul3A_2] : memref<10240xf32, #tpu.memory_space<vmem_shared>> -> memref<640xf32, #tpu.memory_space<vmem_shared>>
      %dma_start3A_44 = tpu.memref_slice %arg9[%mul3A_2] : memref<10240xf32, #tpu.memory_space<vmem_shared>> -> memref<640xf32, #tpu.memory_space<vmem_shared>>
      tpu.enqueue_dma source(%arg21 : memref<640xf32, #tpu.memory_space<vmem>>) target(%dma_start3A_44 : memref<640xf32, #tpu.memory_space<vmem_shared>>) target_semaphore(%run_scoped3A : memref<!tpu.dma_semaphore, #tpu.memory_space<semaphore_mem>>)
      %dma_wait3A = tpu.memref_slice %arg9[%mul3A_2] : memref<10240xf32, #tpu.memory_space<vmem_shared>> -> memref<640xf32, #tpu.memory_space<vmem_shared>>
      %dma_wait3A_45 = tpu.memref_slice %arg9[%mul3A_2] : memref<10240xf32, #tpu.memory_space<vmem_shared>> -> memref<640xf32, #tpu.memory_space<vmem_shared>>
      tpu.wait_dma2 semaphore(%run_scoped3A : memref<!tpu.dma_semaphore, #tpu.memory_space<semaphore_mem>>) src(%arg21 : memref<640xf32, #tpu.memory_space<vmem>>) dst(%dma_wait3A_45 : memref<640xf32, #tpu.memory_space<vmem_shared>>)
      tpu.yield
    }) : () -> ()
    %barrier3A = arith.constant 0 : index
    tpu.barrier barrier_id(%barrier3A)
    %scan3A_17 = arith.constant 0 : i32
    %scan3A_18 = arith.constant 20 : i32
    %scan3A_19 = arith.addi %scan3A_17, %scan3A_18 : i32
    %scan3A_20 = arith.constant 1 : i32
    scf.for %scan3A_44 = %scan3A_17 to %scan3A_19 step %scan3A_20  : i32 {
      %mul3A_45 = arith.constant 16 : i32
      %mul3A_46 = arith.muli %scan3A_44, %mul3A_45 : i32
      %add3A = arith.addi %mul3A_0, %mul3A_46 : i32
      "tpu.region"() ({
        %run_scoped3A = tpu.sem_alloc : memref<!tpu.dma_semaphore, #tpu.memory_space<semaphore_mem>>
        %dma_start3A = arith.constant 0 : i32
        %dma_start3A_52 = tpu.memref_slice %arg4[%add3A, %dma_start3A] : memref<5120x64xi32, #tpu.memory_space<hbm>> -> memref<16x64xi32, #tpu.memory_space<hbm>>
        %dma_start3A_53 = arith.constant 0 : i32
        %dma_start3A_54 = tpu.memref_slice %arg4[%add3A, %dma_start3A_53] : memref<5120x64xi32, #tpu.memory_space<hbm>> -> memref<16x64xi32, #tpu.memory_space<hbm>>
        tpu.enqueue_dma source(%dma_start3A_54 : memref<16x64xi32, #tpu.memory_space<hbm>>) target(%arg11 : memref<16x64xi32, #tpu.memory_space<vmem>>) target_semaphore(%run_scoped3A : memref<!tpu.dma_semaphore, #tpu.memory_space<semaphore_mem>>)
        %dma_wait3A = arith.constant 0 : i32
        %dma_wait3A_55 = tpu.memref_slice %arg4[%add3A, %dma_wait3A] : memref<5120x64xi32, #tpu.memory_space<hbm>> -> memref<16x64xi32, #tpu.memory_space<hbm>>
        %dma_wait3A_56 = arith.constant 0 : i32
        %dma_wait3A_57 = tpu.memref_slice %arg4[%add3A, %dma_wait3A_56] : memref<5120x64xi32, #tpu.memory_space<hbm>> -> memref<16x64xi32, #tpu.memory_space<hbm>>
        tpu.wait_dma2 semaphore(%run_scoped3A : memref<!tpu.dma_semaphore, #tpu.memory_space<semaphore_mem>>) src(%dma_wait3A_57 : memref<16x64xi32, #tpu.memory_space<hbm>>) dst(%arg11 : memref<16x64xi32, #tpu.memory_space<vmem>>)
        tpu.yield
      }) : () -> ()
      %scan3A_47 = arith.constant 0 : i32
      %scan3A_48 = arith.constant 16 : i32
      %scan3A_49 = arith.addi %scan3A_47, %scan3A_48 : i32
      %scan3A_50 = arith.constant 1 : i32
      scf.for %scan3A_52 = %scan3A_47 to %scan3A_49 step %scan3A_50  : i32 {
        "tpu.region"() ({
          %run_scoped3A = tpu.sem_alloc : memref<!tpu.dma_semaphore, #tpu.memory_space<semaphore_mem>>
          %dma_start3A = arith.constant 0 : i32
          %dma_start3A_53 = tpu.memref_slice %arg11[%scan3A_52, %dma_start3A] : memref<16x64xi32, #tpu.memory_space<vmem>> -> memref<1x64xi32, #tpu.memory_space<vmem>>
          %dma_start3A_54 = tpu.memref_squeeze %dma_start3A_53 : memref<1x64xi32, #tpu.memory_space<vmem>> -> memref<64xi32, #tpu.memory_space<vmem>>
          %dma_start3A_55 = arith.constant 0 : i32
          %dma_start3A_56 = tpu.memref_slice %arg9[%dma_start3A_55] : memref<10240xf32, #tpu.memory_space<vmem_shared>> -> memref<10240xf32, #tpu.memory_space<vmem_shared>>
          tpu.enqueue_indirect_dma source(%arg23 : memref<64xf32, #tpu.memory_space<vmem>>) target(%dma_start3A_56 : memref<10240xf32, #tpu.memory_space<vmem_shared>>) offsets(%dma_start3A_54 : memref<64xi32, #tpu.memory_space<vmem>>) semaphore(%run_scoped3A : memref<!tpu.dma_semaphore, #tpu.memory_space<semaphore_mem>>) {add = true}
          %dma_wait3A = arith.constant 0 : i32
          %dma_wait3A_57 = tpu.memref_slice %arg11[%scan3A_52, %dma_wait3A] : memref<16x64xi32, #tpu.memory_space<vmem>> -> memref<1x64xi32, #tpu.memory_space<vmem>>
          %dma_wait3A_58 = tpu.memref_squeeze %dma_wait3A_57 : memref<1x64xi32, #tpu.memory_space<vmem>> -> memref<64xi32, #tpu.memory_space<vmem>>
          %dma_wait3A_59 = arith.constant 0 : i32
          %dma_wait3A_60 = tpu.memref_slice %arg9[%dma_wait3A_59] : memref<10240xf32, #tpu.memory_space<vmem_shared>> -> memref<10240xf32, #tpu.memory_space<vmem_shared>>
          tpu.wait_indirect_dma semaphore(%run_scoped3A : memref<!tpu.dma_semaphore, #tpu.memory_space<semaphore_mem>>) src(%arg23 : memref<64xf32, #tpu.memory_space<vmem>>) dst(%dma_wait3A_60 : memref<10240xf32, #tpu.memory_space<vmem_shared>>)
          tpu.yield
        }) : () -> ()
      }
      %scan3A_51 = arith.constant 16 : i32
    }
    %scan3A_21 = arith.constant 20 : i32
    %barrier3A_22 = arith.constant 0 : index
    tpu.barrier barrier_id(%barrier3A_22)
    "tpu.region"() ({
      %run_scoped3A = tpu.sem_alloc : memref<!tpu.dma_semaphore, #tpu.memory_space<semaphore_mem>>
      %dma_start3A = tpu.memref_slice %arg9[%mul3A_2] : memref<10240xf32, #tpu.memory_space<vmem_shared>> -> memref<640xf32, #tpu.memory_space<vmem_shared>>
      %dma_start3A_44 = tpu.memref_slice %arg9[%mul3A_2] : memref<10240xf32, #tpu.memory_space<vmem_shared>> -> memref<640xf32, #tpu.memory_space<vmem_shared>>
      tpu.enqueue_dma source(%dma_start3A_44 : memref<640xf32, #tpu.memory_space<vmem_shared>>) target(%arg22 : memref<640xf32, #tpu.memory_space<vmem>>) target_semaphore(%run_scoped3A : memref<!tpu.dma_semaphore, #tpu.memory_space<semaphore_mem>>)
      %dma_wait3A = tpu.memref_slice %arg9[%mul3A_2] : memref<10240xf32, #tpu.memory_space<vmem_shared>> -> memref<640xf32, #tpu.memory_space<vmem_shared>>
      %dma_wait3A_45 = tpu.memref_slice %arg9[%mul3A_2] : memref<10240xf32, #tpu.memory_space<vmem_shared>> -> memref<640xf32, #tpu.memory_space<vmem_shared>>
      tpu.wait_dma2 semaphore(%run_scoped3A : memref<!tpu.dma_semaphore, #tpu.memory_space<semaphore_mem>>) src(%dma_wait3A_45 : memref<640xf32, #tpu.memory_space<vmem_shared>>) dst(%arg22 : memref<640xf32, #tpu.memory_space<vmem>>)
      tpu.yield
    }) : () -> ()
    %scan3A_23 = arith.constant 0 : i32
    %scan3A_24 = arith.constant 40 : i32
    %scan3A_25 = arith.addi %scan3A_23, %scan3A_24 : i32
    %scan3A_26 = arith.constant 1 : i32
    scf.for %scan3A_44 = %scan3A_23 to %scan3A_25 step %scan3A_26  : i32 {
      %mul3A_45 = arith.constant 16 : i32
      %mul3A_46 = arith.muli %scan3A_44, %mul3A_45 : i32
      %get3A = arith.index_cast %mul3A_46 : i32 to index
      %get3A_47 = tpu.vector_load %arg22[%get3A] {strides = array<i32>} : memref<640xf32, #tpu.memory_space<vmem>>, vector<16xf32>,
      %max3A = arith.constant 1.000000e+00 : f32
      %max3A_48 = vector.broadcast %max3A : f32 to vector<16xf32>
      %max3A_49 = arith.maximumf %get3A_47, %max3A_48 : vector<16xf32>
      %bitcast_convert_type3A = tpu.bitcast %max3A_49 : vector<16xf32> -> vector<16xi32>
      %broadcast_in_dim3A = arith.constant 1597463007 : i32
      %broadcast_in_dim3A_50 = vector.broadcast %broadcast_in_dim3A : i32 to vector<16xi32>
      %shift_right_arithmetic3A = arith.constant 1 : i32
      %shift_right_arithmetic3A_51 = vector.broadcast %shift_right_arithmetic3A : i32 to vector<16xi32>
      %shift_right_arithmetic3A_52 = arith.shrsi %bitcast_convert_type3A, %shift_right_arithmetic3A_51 : vector<16xi32>
      %sub3A = arith.subi %broadcast_in_dim3A_50, %shift_right_arithmetic3A_52 : vector<16xi32>
      %bitcast_convert_type3A_53 = tpu.bitcast %sub3A : vector<16xi32> -> vector<16xf32>
      %mul3A_54 = arith.constant 5.000000e-01 : f32
      %mul3A_55 = vector.broadcast %mul3A_54 : f32 to vector<16xf32>
      %mul3A_56 = arith.mulf %mul3A_55, %max3A_49 : vector<16xf32>
      %mul3A_57 = arith.mulf %mul3A_56, %bitcast_convert_type3A_53 : vector<16xf32>
      %mul3A_58 = arith.mulf %mul3A_57, %bitcast_convert_type3A_53 : vector<16xf32>
      %sub3A_59 = arith.constant 1.500000e+00 : f32
      %sub3A_60 = vector.broadcast %sub3A_59 : f32 to vector<16xf32>
      %sub3A_61 = arith.subf %sub3A_60, %mul3A_58 : vector<16xf32>
      %mul3A_62 = arith.mulf %bitcast_convert_type3A_53, %sub3A_61 : vector<16xf32>
      %mul3A_63 = arith.constant 5.000000e-01 : f32
      %mul3A_64 = vector.broadcast %mul3A_63 : f32 to vector<16xf32>
      %mul3A_65 = arith.mulf %mul3A_64, %max3A_49 : vector<16xf32>
      %mul3A_66 = arith.mulf %mul3A_65, %mul3A_62 : vector<16xf32>
      %mul3A_67 = arith.mulf %mul3A_66, %mul3A_62 : vector<16xf32>
      %sub3A_68 = arith.constant 1.500000e+00 : f32
      %sub3A_69 = vector.broadcast %sub3A_68 : f32 to vector<16xf32>
      %sub3A_70 = arith.subf %sub3A_69, %mul3A_67 : vector<16xf32>
      %mul3A_71 = arith.mulf %mul3A_62, %sub3A_70 : vector<16xf32>
      %mul3A_72 = arith.constant 5.000000e-01 : f32
      %mul3A_73 = vector.broadcast %mul3A_72 : f32 to vector<16xf32>
      %mul3A_74 = arith.mulf %mul3A_73, %max3A_49 : vector<16xf32>
      %mul3A_75 = arith.mulf %mul3A_74, %mul3A_71 : vector<16xf32>
      %mul3A_76 = arith.mulf %mul3A_75, %mul3A_71 : vector<16xf32>
      %sub3A_77 = arith.constant 1.500000e+00 : f32
      %sub3A_78 = vector.broadcast %sub3A_77 : f32 to vector<16xf32>
      %sub3A_79 = arith.subf %sub3A_78, %mul3A_76 : vector<16xf32>
      %mul3A_80 = arith.mulf %mul3A_71, %sub3A_79 : vector<16xf32>
      %mul3A_81 = arith.constant 16 : i32
      %mul3A_82 = arith.muli %scan3A_44, %mul3A_81 : i32
      %swap3A = arith.index_cast %mul3A_82 : i32 to index
      %swap3A_83 = tpu.vector_load %arg22[%swap3A] {strides = array<i32>} : memref<640xf32, #tpu.memory_space<vmem>>, vector<16xf32>,
      tpu.vector_store %arg22[%swap3A], %mul3A_80 {strides = array<i32>} : memref<640xf32, #tpu.memory_space<vmem>>, vector<16xf32>,
    }
    %scan3A_27 = arith.constant 40 : i32
    %scan3A_28 = arith.constant 0 : i32
    %scan3A_29 = arith.constant 40 : i32
    %scan3A_30 = arith.addi %scan3A_28, %scan3A_29 : i32
    %scan3A_31 = arith.constant 1 : i32
    scf.for %scan3A_44 = %scan3A_28 to %scan3A_30 step %scan3A_31  : i32 {
      %mul3A_45 = arith.constant 16 : i32
      %mul3A_46 = arith.muli %scan3A_44, %mul3A_45 : i32
      %add3A = arith.addi %mul3A_2, %mul3A_46 : i32
      "tpu.region"() ({
        %run_scoped3A = tpu.sem_alloc : memref<!tpu.dma_semaphore, #tpu.memory_space<semaphore_mem>>
        %dma_start3A = arith.constant 0 : i32
        %dma_start3A_54 = tpu.memref_slice %arg2[%add3A, %dma_start3A] : memref<10240x128xf32, #tpu.memory_space<hbm>> -> memref<16x128xf32, #tpu.memory_space<hbm>>
        %dma_start3A_55 = arith.constant 0 : i32
        %dma_start3A_56 = tpu.memref_slice %arg2[%add3A, %dma_start3A_55] : memref<10240x128xf32, #tpu.memory_space<hbm>> -> memref<16x128xf32, #tpu.memory_space<hbm>>
        tpu.enqueue_dma source(%dma_start3A_56 : memref<16x128xf32, #tpu.memory_space<hbm>>) target(%arg17 : memref<16x128xf32, #tpu.memory_space<vmem>>) target_semaphore(%run_scoped3A : memref<!tpu.dma_semaphore, #tpu.memory_space<semaphore_mem>>)
        %dma_wait3A = arith.constant 0 : i32
        %dma_wait3A_57 = tpu.memref_slice %arg2[%add3A, %dma_wait3A] : memref<10240x128xf32, #tpu.memory_space<hbm>> -> memref<16x128xf32, #tpu.memory_space<hbm>>
        %dma_wait3A_58 = arith.constant 0 : i32
        %dma_wait3A_59 = tpu.memref_slice %arg2[%add3A, %dma_wait3A_58] : memref<10240x128xf32, #tpu.memory_space<hbm>> -> memref<16x128xf32, #tpu.memory_space<hbm>>
        tpu.wait_dma2 semaphore(%run_scoped3A : memref<!tpu.dma_semaphore, #tpu.memory_space<semaphore_mem>>) src(%dma_wait3A_59 : memref<16x128xf32, #tpu.memory_space<hbm>>) dst(%arg17 : memref<16x128xf32, #tpu.memory_space<vmem>>)
        tpu.yield
      }) : () -> ()
      %add3A_47 = arith.addi %mul3A_2, %mul3A_46 : i32
      "tpu.region"() ({
        %run_scoped3A = tpu.sem_alloc : memref<!tpu.dma_semaphore, #tpu.memory_space<semaphore_mem>>
        %dma_start3A = arith.constant 0 : i32
        %dma_start3A_54 = tpu.memref_slice %arg8[%add3A_47, %dma_start3A] : memref<10240x128xf32, #tpu.memory_space<vmem_shared>> -> memref<16x128xf32, #tpu.memory_space<vmem_shared>>
        %dma_start3A_55 = arith.constant 0 : i32
        %dma_start3A_56 = tpu.memref_slice %arg8[%add3A_47, %dma_start3A_55] : memref<10240x128xf32, #tpu.memory_space<vmem_shared>> -> memref<16x128xf32, #tpu.memory_space<vmem_shared>>
        tpu.enqueue_dma source(%arg20 : memref<16x128xf32, #tpu.memory_space<vmem>>) target(%dma_start3A_56 : memref<16x128xf32, #tpu.memory_space<vmem_shared>>) target_semaphore(%run_scoped3A : memref<!tpu.dma_semaphore, #tpu.memory_space<semaphore_mem>>)
        %dma_wait3A = arith.constant 0 : i32
        %dma_wait3A_57 = tpu.memref_slice %arg8[%add3A_47, %dma_wait3A] : memref<10240x128xf32, #tpu.memory_space<vmem_shared>> -> memref<16x128xf32, #tpu.memory_space<vmem_shared>>
        %dma_wait3A_58 = arith.constant 0 : i32
        %dma_wait3A_59 = tpu.memref_slice %arg8[%add3A_47, %dma_wait3A_58] : memref<10240x128xf32, #tpu.memory_space<vmem_shared>> -> memref<16x128xf32, #tpu.memory_space<vmem_shared>>
        tpu.wait_dma2 semaphore(%run_scoped3A : memref<!tpu.dma_semaphore, #tpu.memory_space<semaphore_mem>>) src(%arg20 : memref<16x128xf32, #tpu.memory_space<vmem>>) dst(%dma_wait3A_59 : memref<16x128xf32, #tpu.memory_space<vmem_shared>>)
        tpu.yield
      }) : () -> ()
      %scan3A_48 = arith.constant 0 : i32
      %scan3A_49 = arith.constant 16 : i32
      %scan3A_50 = arith.addi %scan3A_48, %scan3A_49 : i32
      %scan3A_51 = arith.constant 1 : i32
      scf.for %scan3A_54 = %scan3A_48 to %scan3A_50 step %scan3A_51  : i32 {
        %add3A_55 = arith.addi %mul3A_46, %scan3A_54 : i32
        %broadcast_in_dim3A = vector.broadcast %add3A_55 : i32 to vector<16xi32>
        %gather3A = tpu.vector_load_idx %arg22[%broadcast_in_dim3A] : memref<640xf32, #tpu.memory_space<vmem>>[vector<16xi32>], vector<16xf32>,
        %get3A = arith.index_cast %scan3A_54 : i32 to index
        %get3A_56 = arith.constant 0 : index
        %get3A_57 = tpu.vector_load %arg17[%get3A, %get3A_56] {strides = array<i32>} : memref<16x128xf32, #tpu.memory_space<vmem>>, vector<16xf32>,
        %mul3A_58 = arith.mulf %gather3A, %get3A_57 : vector<16xf32>
        %swap3A = arith.index_cast %scan3A_54 : i32 to index
        %swap3A_59 = arith.constant 0 : index
        %swap3A_60 = tpu.vector_load %arg19[%swap3A, %swap3A_59] {strides = array<i32>} : memref<16x128xf32, #tpu.memory_space<vmem>>, vector<16xf32>,
        tpu.vector_store %arg19[%swap3A, %swap3A_59], %mul3A_58 {strides = array<i32>} : memref<16x128xf32, #tpu.memory_space<vmem>>, vector<16xf32>,
        %get3A_61 = arith.index_cast %scan3A_54 : i32 to index
        %get3A_62 = arith.constant 16 : index
        %get3A_63 = tpu.vector_load %arg17[%get3A_61, %get3A_62] {strides = array<i32>} : memref<16x128xf32, #tpu.memory_space<vmem>>, vector<16xf32>,
        %mul3A_64 = arith.mulf %gather3A, %get3A_63 : vector<16xf32>
        %swap3A_65 = arith.index_cast %scan3A_54 : i32 to index
        %swap3A_66 = arith.constant 16 : index
        %swap3A_67 = tpu.vector_load %arg19[%swap3A_65, %swap3A_66] {strides = array<i32>} : memref<16x128xf32, #tpu.memory_space<vmem>>, vector<16xf32>,
        tpu.vector_store %arg19[%swap3A_65, %swap3A_66], %mul3A_64 {strides = array<i32>} : memref<16x128xf32, #tpu.memory_space<vmem>>, vector<16xf32>,
        %get3A_68 = arith.index_cast %scan3A_54 : i32 to index
        %get3A_69 = arith.constant 32 : index
        %get3A_70 = tpu.vector_load %arg17[%get3A_68, %get3A_69] {strides = array<i32>} : memref<16x128xf32, #tpu.memory_space<vmem>>, vector<16xf32>,
        %mul3A_71 = arith.mulf %gather3A, %get3A_70 : vector<16xf32>
        %swap3A_72 = arith.index_cast %scan3A_54 : i32 to index
        %swap3A_73 = arith.constant 32 : index
        %swap3A_74 = tpu.vector_load %arg19[%swap3A_72, %swap3A_73] {strides = array<i32>} : memref<16x128xf32, #tpu.memory_space<vmem>>, vector<16xf32>,
        tpu.vector_store %arg19[%swap3A_72, %swap3A_73], %mul3A_71 {strides = array<i32>} : memref<16x128xf32, #tpu.memory_space<vmem>>, vector<16xf32>,
        %get3A_75 = arith.index_cast %scan3A_54 : i32 to index
        %get3A_76 = arith.constant 48 : index
        %get3A_77 = tpu.vector_load %arg17[%get3A_75, %get3A_76] {strides = array<i32>} : memref<16x128xf32, #tpu.memory_space<vmem>>, vector<16xf32>,
        %mul3A_78 = arith.mulf %gather3A, %get3A_77 : vector<16xf32>
        %swap3A_79 = arith.index_cast %scan3A_54 : i32 to index
        %swap3A_80 = arith.constant 48 : index
        %swap3A_81 = tpu.vector_load %arg19[%swap3A_79, %swap3A_80] {strides = array<i32>} : memref<16x128xf32, #tpu.memory_space<vmem>>, vector<16xf32>,
        tpu.vector_store %arg19[%swap3A_79, %swap3A_80], %mul3A_78 {strides = array<i32>} : memref<16x128xf32, #tpu.memory_space<vmem>>, vector<16xf32>,
        %get3A_82 = arith.index_cast %scan3A_54 : i32 to index
        %get3A_83 = arith.constant 64 : index
        %get3A_84 = tpu.vector_load %arg17[%get3A_82, %get3A_83] {strides = array<i32>} : memref<16x128xf32, #tpu.memory_space<vmem>>, vector<16xf32>,
        %mul3A_85 = arith.mulf %gather3A, %get3A_84 : vector<16xf32>
        %swap3A_86 = arith.index_cast %scan3A_54 : i32 to index
        %swap3A_87 = arith.constant 64 : index
        %swap3A_88 = tpu.vector_load %arg19[%swap3A_86, %swap3A_87] {strides = array<i32>} : memref<16x128xf32, #tpu.memory_space<vmem>>, vector<16xf32>,
        tpu.vector_store %arg19[%swap3A_86, %swap3A_87], %mul3A_85 {strides = array<i32>} : memref<16x128xf32, #tpu.memory_space<vmem>>, vector<16xf32>,
        %get3A_89 = arith.index_cast %scan3A_54 : i32 to index
        %get3A_90 = arith.constant 80 : index
        %get3A_91 = tpu.vector_load %arg17[%get3A_89, %get3A_90] {strides = array<i32>} : memref<16x128xf32, #tpu.memory_space<vmem>>, vector<16xf32>,
        %mul3A_92 = arith.mulf %gather3A, %get3A_91 : vector<16xf32>
        %swap3A_93 = arith.index_cast %scan3A_54 : i32 to index
        %swap3A_94 = arith.constant 80 : index
        %swap3A_95 = tpu.vector_load %arg19[%swap3A_93, %swap3A_94] {strides = array<i32>} : memref<16x128xf32, #tpu.memory_space<vmem>>, vector<16xf32>,
        tpu.vector_store %arg19[%swap3A_93, %swap3A_94], %mul3A_92 {strides = array<i32>} : memref<16x128xf32, #tpu.memory_space<vmem>>, vector<16xf32>,
        %get3A_96 = arith.index_cast %scan3A_54 : i32 to index
        %get3A_97 = arith.constant 96 : index
        %get3A_98 = tpu.vector_load %arg17[%get3A_96, %get3A_97] {strides = array<i32>} : memref<16x128xf32, #tpu.memory_space<vmem>>, vector<16xf32>,
        %mul3A_99 = arith.mulf %gather3A, %get3A_98 : vector<16xf32>
        %swap3A_100 = arith.index_cast %scan3A_54 : i32 to index
        %swap3A_101 = arith.constant 96 : index
        %swap3A_102 = tpu.vector_load %arg19[%swap3A_100, %swap3A_101] {strides = array<i32>} : memref<16x128xf32, #tpu.memory_space<vmem>>, vector<16xf32>,
        tpu.vector_store %arg19[%swap3A_100, %swap3A_101], %mul3A_99 {strides = array<i32>} : memref<16x128xf32, #tpu.memory_space<vmem>>, vector<16xf32>,
        %get3A_103 = arith.index_cast %scan3A_54 : i32 to index
        %get3A_104 = arith.constant 112 : index
        %get3A_105 = tpu.vector_load %arg17[%get3A_103, %get3A_104] {strides = array<i32>} : memref<16x128xf32, #tpu.memory_space<vmem>>, vector<16xf32>,
        %mul3A_106 = arith.mulf %gather3A, %get3A_105 : vector<16xf32>
        %swap3A_107 = arith.index_cast %scan3A_54 : i32 to index
        %swap3A_108 = arith.constant 112 : index
        %swap3A_109 = tpu.vector_load %arg19[%swap3A_107, %swap3A_108] {strides = array<i32>} : memref<16x128xf32, #tpu.memory_space<vmem>>, vector<16xf32>,
        tpu.vector_store %arg19[%swap3A_107, %swap3A_108], %mul3A_106 {strides = array<i32>} : memref<16x128xf32, #tpu.memory_space<vmem>>, vector<16xf32>,
      }
      %scan3A_52 = arith.constant 16 : i32
      %add3A_53 = arith.addi %mul3A_2, %mul3A_46 : i32
      "tpu.region"() ({
        %run_scoped3A = tpu.sem_alloc : memref<!tpu.dma_semaphore, #tpu.memory_space<semaphore_mem>>
        %dma_start3A = arith.constant 0 : i32
        %dma_start3A_54 = tpu.memref_slice %arg7[%add3A_53, %dma_start3A] : memref<10240x128xf32, #tpu.memory_space<hbm>> -> memref<16x128xf32, #tpu.memory_space<hbm>>
        %dma_start3A_55 = arith.constant 0 : i32
        %dma_start3A_56 = tpu.memref_slice %arg7[%add3A_53, %dma_start3A_55] : memref<10240x128xf32, #tpu.memory_space<hbm>> -> memref<16x128xf32, #tpu.memory_space<hbm>>
        tpu.enqueue_dma source(%arg19 : memref<16x128xf32, #tpu.memory_space<vmem>>) target(%dma_start3A_56 : memref<16x128xf32, #tpu.memory_space<hbm>>) target_semaphore(%run_scoped3A : memref<!tpu.dma_semaphore, #tpu.memory_space<semaphore_mem>>)
        %dma_wait3A = arith.constant 0 : i32
        %dma_wait3A_57 = tpu.memref_slice %arg7[%add3A_53, %dma_wait3A] : memref<10240x128xf32, #tpu.memory_space<hbm>> -> memref<16x128xf32, #tpu.memory_space<hbm>>
        %dma_wait3A_58 = arith.constant 0 : i32
        %dma_wait3A_59 = tpu.memref_slice %arg7[%add3A_53, %dma_wait3A_58] : memref<10240x128xf32, #tpu.memory_space<hbm>> -> memref<16x128xf32, #tpu.memory_space<hbm>>
        tpu.wait_dma2 semaphore(%run_scoped3A : memref<!tpu.dma_semaphore, #tpu.memory_space<semaphore_mem>>) src(%arg19 : memref<16x128xf32, #tpu.memory_space<vmem>>) dst(%dma_wait3A_59 : memref<16x128xf32, #tpu.memory_space<hbm>>)
        tpu.yield
      }) : () -> ()
    }
    %scan3A_32 = arith.constant 40 : i32
    %barrier3A_33 = arith.constant 0 : index
    tpu.barrier barrier_id(%barrier3A_33)
    %scan3A_34 = arith.constant 0 : i32
    %scan3A_35 = arith.constant 10 : i32
    %scan3A_36 = arith.addi %scan3A_34, %scan3A_35 : i32
    %scan3A_37 = arith.constant 1 : i32
    scf.for %scan3A_44 = %scan3A_34 to %scan3A_36 step %scan3A_37  : i32 {
      %eq3A = arith.constant 9 : i32
      %eq3A_45 = arith.cmpi eq, %scan3A_44, %eq3A : i32
      %scan3A_46 = arith.constant 0 : i32
      %scan3A_47 = arith.constant 20 : i32
      %scan3A_48 = arith.addi %scan3A_46, %scan3A_47 : i32
      %scan3A_49 = arith.constant 1 : i32
      scf.for %scan3A_58 = %scan3A_46 to %scan3A_48 step %scan3A_49  : i32 {
        %mul3A_59 = arith.constant 16 : i32
        %mul3A_60 = arith.muli %scan3A_58, %mul3A_59 : i32
        %add3A = arith.addi %mul3A_0, %mul3A_60 : i32
        "tpu.region"() ({
          %run_scoped3A = tpu.sem_alloc : memref<!tpu.dma_semaphore, #tpu.memory_space<semaphore_mem>>
          %dma_start3A_507 = arith.constant 0 : i32
          %dma_start3A_508 = tpu.memref_slice %arg3[%add3A, %dma_start3A_507] : memref<5120x64xi32, #tpu.memory_space<hbm>> -> memref<16x64xi32, #tpu.memory_space<hbm>>
          %dma_start3A_509 = arith.constant 0 : i32
          %dma_start3A_510 = tpu.memref_slice %arg3[%add3A, %dma_start3A_509] : memref<5120x64xi32, #tpu.memory_space<hbm>> -> memref<16x64xi32, #tpu.memory_space<hbm>>
          tpu.enqueue_dma source(%dma_start3A_510 : memref<16x64xi32, #tpu.memory_space<hbm>>) target(%arg10 : memref<16x64xi32, #tpu.memory_space<vmem>>) target_semaphore(%run_scoped3A : memref<!tpu.dma_semaphore, #tpu.memory_space<semaphore_mem>>)
          %dma_wait3A_511 = arith.constant 0 : i32
          %dma_wait3A_512 = tpu.memref_slice %arg3[%add3A, %dma_wait3A_511] : memref<5120x64xi32, #tpu.memory_space<hbm>> -> memref<16x64xi32, #tpu.memory_space<hbm>>
          %dma_wait3A_513 = arith.constant 0 : i32
          %dma_wait3A_514 = tpu.memref_slice %arg3[%add3A, %dma_wait3A_513] : memref<5120x64xi32, #tpu.memory_space<hbm>> -> memref<16x64xi32, #tpu.memory_space<hbm>>
          tpu.wait_dma2 semaphore(%run_scoped3A : memref<!tpu.dma_semaphore, #tpu.memory_space<semaphore_mem>>) src(%dma_wait3A_514 : memref<16x64xi32, #tpu.memory_space<hbm>>) dst(%arg10 : memref<16x64xi32, #tpu.memory_space<vmem>>)
          tpu.yield
        }) : () -> ()
        "tpu.region"() ({
          %run_scoped3A = tpu.sem_alloc : memref<!tpu.dma_semaphore, #tpu.memory_space<semaphore_mem>>
          %dma_start3A_507 = arith.constant 0 : i32
          %dma_start3A_508 = tpu.memref_slice %arg4[%add3A, %dma_start3A_507] : memref<5120x64xi32, #tpu.memory_space<hbm>> -> memref<16x64xi32, #tpu.memory_space<hbm>>
          %dma_start3A_509 = arith.constant 0 : i32
          %dma_start3A_510 = tpu.memref_slice %arg4[%add3A, %dma_start3A_509] : memref<5120x64xi32, #tpu.memory_space<hbm>> -> memref<16x64xi32, #tpu.memory_space<hbm>>
          tpu.enqueue_dma source(%dma_start3A_510 : memref<16x64xi32, #tpu.memory_space<hbm>>) target(%arg11 : memref<16x64xi32, #tpu.memory_space<vmem>>) target_semaphore(%run_scoped3A : memref<!tpu.dma_semaphore, #tpu.memory_space<semaphore_mem>>)
          %dma_wait3A_511 = arith.constant 0 : i32
          %dma_wait3A_512 = tpu.memref_slice %arg4[%add3A, %dma_wait3A_511] : memref<5120x64xi32, #tpu.memory_space<hbm>> -> memref<16x64xi32, #tpu.memory_space<hbm>>
          %dma_wait3A_513 = arith.constant 0 : i32
          %dma_wait3A_514 = tpu.memref_slice %arg4[%add3A, %dma_wait3A_513] : memref<5120x64xi32, #tpu.memory_space<hbm>> -> memref<16x64xi32, #tpu.memory_space<hbm>>
          tpu.wait_dma2 semaphore(%run_scoped3A : memref<!tpu.dma_semaphore, #tpu.memory_space<semaphore_mem>>) src(%dma_wait3A_514 : memref<16x64xi32, #tpu.memory_space<hbm>>) dst(%arg11 : memref<16x64xi32, #tpu.memory_space<vmem>>)
          tpu.yield
        }) : () -> ()
        %dma_start3A = arith.constant 0 : i32
        %dma_start3A_61 = arith.constant 0 : i32
        %dma_start3A_62 = tpu.memref_slice %arg10[%dma_start3A, %dma_start3A_61] : memref<16x64xi32, #tpu.memory_space<vmem>> -> memref<1x64xi32, #tpu.memory_space<vmem>>
        %dma_start3A_63 = tpu.memref_squeeze %dma_start3A_62 : memref<1x64xi32, #tpu.memory_space<vmem>> -> memref<64xi32, #tpu.memory_space<vmem>>
        %dma_start3A_64 = arith.constant 0 : i32
        %dma_start3A_65 = arith.constant 0 : i32
        %dma_start3A_66 = tpu.memref_slice %arg7[%dma_start3A_64, %dma_start3A_65] : memref<10240x128xf32, #tpu.memory_space<hbm>> -> memref<10240x128xf32, #tpu.memory_space<hbm>>
        tpu.enqueue_indirect_dma source(%dma_start3A_66 : memref<10240x128xf32, #tpu.memory_space<hbm>>) target(%arg12 : memref<64x128xf32, #tpu.memory_space<vmem>>) offsets(%dma_start3A_63 : memref<64xi32, #tpu.memory_space<vmem>>) semaphore(%arg24 : memref<!tpu.dma_semaphore, #tpu.memory_space<semaphore_mem>>)
        %dma_start3A_67 = arith.constant 1 : i32
        %dma_start3A_68 = arith.constant 0 : i32
        %dma_start3A_69 = tpu.memref_slice %arg10[%dma_start3A_67, %dma_start3A_68] : memref<16x64xi32, #tpu.memory_space<vmem>> -> memref<1x64xi32, #tpu.memory_space<vmem>>
        %dma_start3A_70 = tpu.memref_squeeze %dma_start3A_69 : memref<1x64xi32, #tpu.memory_space<vmem>> -> memref<64xi32, #tpu.memory_space<vmem>>
        %dma_start3A_71 = arith.constant 0 : i32
        %dma_start3A_72 = arith.constant 0 : i32
        %dma_start3A_73 = tpu.memref_slice %arg7[%dma_start3A_71, %dma_start3A_72] : memref<10240x128xf32, #tpu.memory_space<hbm>> -> memref<10240x128xf32, #tpu.memory_space<hbm>>
        tpu.enqueue_indirect_dma source(%dma_start3A_73 : memref<10240x128xf32, #tpu.memory_space<hbm>>) target(%arg13 : memref<64x128xf32, #tpu.memory_space<vmem>>) offsets(%dma_start3A_70 : memref<64xi32, #tpu.memory_space<vmem>>) semaphore(%arg25 : memref<!tpu.dma_semaphore, #tpu.memory_space<semaphore_mem>>)
        %dma_start3A_74 = arith.constant 2 : i32
        %dma_start3A_75 = arith.constant 0 : i32
        %dma_start3A_76 = tpu.memref_slice %arg10[%dma_start3A_74, %dma_start3A_75] : memref<16x64xi32, #tpu.memory_space<vmem>> -> memref<1x64xi32, #tpu.memory_space<vmem>>
        %dma_start3A_77 = tpu.memref_squeeze %dma_start3A_76 : memref<1x64xi32, #tpu.memory_space<vmem>> -> memref<64xi32, #tpu.memory_space<vmem>>
        %dma_start3A_78 = arith.constant 0 : i32
        %dma_start3A_79 = arith.constant 0 : i32
        %dma_start3A_80 = tpu.memref_slice %arg7[%dma_start3A_78, %dma_start3A_79] : memref<10240x128xf32, #tpu.memory_space<hbm>> -> memref<10240x128xf32, #tpu.memory_space<hbm>>
        tpu.enqueue_indirect_dma source(%dma_start3A_80 : memref<10240x128xf32, #tpu.memory_space<hbm>>) target(%arg14 : memref<64x128xf32, #tpu.memory_space<vmem>>) offsets(%dma_start3A_77 : memref<64xi32, #tpu.memory_space<vmem>>) semaphore(%arg26 : memref<!tpu.dma_semaphore, #tpu.memory_space<semaphore_mem>>)
        %dma_start3A_81 = arith.constant 3 : i32
        %dma_start3A_82 = arith.constant 0 : i32
        %dma_start3A_83 = tpu.memref_slice %arg10[%dma_start3A_81, %dma_start3A_82] : memref<16x64xi32, #tpu.memory_space<vmem>> -> memref<1x64xi32, #tpu.memory_space<vmem>>
        %dma_start3A_84 = tpu.memref_squeeze %dma_start3A_83 : memref<1x64xi32, #tpu.memory_space<vmem>> -> memref<64xi32, #tpu.memory_space<vmem>>
        %dma_start3A_85 = arith.constant 0 : i32
        %dma_start3A_86 = arith.constant 0 : i32
        %dma_start3A_87 = tpu.memref_slice %arg7[%dma_start3A_85, %dma_start3A_86] : memref<10240x128xf32, #tpu.memory_space<hbm>> -> memref<10240x128xf32, #tpu.memory_space<hbm>>
        tpu.enqueue_indirect_dma source(%dma_start3A_87 : memref<10240x128xf32, #tpu.memory_space<hbm>>) target(%arg15 : memref<64x128xf32, #tpu.memory_space<vmem>>) offsets(%dma_start3A_84 : memref<64xi32, #tpu.memory_space<vmem>>) semaphore(%arg27 : memref<!tpu.dma_semaphore, #tpu.memory_space<semaphore_mem>>)
        %dma_wait3A = arith.constant 0 : i32
        %dma_wait3A_88 = arith.constant 0 : i32
        %dma_wait3A_89 = tpu.memref_slice %arg10[%dma_wait3A, %dma_wait3A_88] : memref<16x64xi32, #tpu.memory_space<vmem>> -> memref<1x64xi32, #tpu.memory_space<vmem>>
        %dma_wait3A_90 = tpu.memref_squeeze %dma_wait3A_89 : memref<1x64xi32, #tpu.memory_space<vmem>> -> memref<64xi32, #tpu.memory_space<vmem>>
        %dma_wait3A_91 = arith.constant 0 : i32
        %dma_wait3A_92 = arith.constant 0 : i32
        %dma_wait3A_93 = tpu.memref_slice %arg7[%dma_wait3A_91, %dma_wait3A_92] : memref<10240x128xf32, #tpu.memory_space<hbm>> -> memref<10240x128xf32, #tpu.memory_space<hbm>>
        tpu.wait_indirect_dma semaphore(%arg24 : memref<!tpu.dma_semaphore, #tpu.memory_space<semaphore_mem>>) src(%dma_wait3A_93 : memref<10240x128xf32, #tpu.memory_space<hbm>>) dst(%arg12 : memref<64x128xf32, #tpu.memory_space<vmem>>)
        %dma_start3A_94 = arith.constant 0 : i32
        %dma_start3A_95 = arith.constant 0 : i32
        %dma_start3A_96 = tpu.memref_slice %arg11[%dma_start3A_94, %dma_start3A_95] : memref<16x64xi32, #tpu.memory_space<vmem>> -> memref<1x64xi32, #tpu.memory_space<vmem>>
        %dma_start3A_97 = tpu.memref_squeeze %dma_start3A_96 : memref<1x64xi32, #tpu.memory_space<vmem>> -> memref<64xi32, #tpu.memory_space<vmem>>
        %dma_start3A_98 = arith.constant 0 : i32
        %dma_start3A_99 = arith.constant 0 : i32
        %dma_start3A_100 = tpu.memref_slice %arg8[%dma_start3A_98, %dma_start3A_99] : memref<10240x128xf32, #tpu.memory_space<vmem_shared>> -> memref<10240x128xf32, #tpu.memory_space<vmem_shared>>
        tpu.enqueue_indirect_dma source(%arg12 : memref<64x128xf32, #tpu.memory_space<vmem>>) target(%dma_start3A_100 : memref<10240x128xf32, #tpu.memory_space<vmem_shared>>) offsets(%dma_start3A_97 : memref<64xi32, #tpu.memory_space<vmem>>) semaphore(%arg28 : memref<!tpu.dma_semaphore, #tpu.memory_space<semaphore_mem>>) {add = true}
        %dma_wait3A_101 = arith.constant 1 : i32
        %dma_wait3A_102 = arith.constant 0 : i32
        %dma_wait3A_103 = tpu.memref_slice %arg10[%dma_wait3A_101, %dma_wait3A_102] : memref<16x64xi32, #tpu.memory_space<vmem>> -> memref<1x64xi32, #tpu.memory_space<vmem>>
        %dma_wait3A_104 = tpu.memref_squeeze %dma_wait3A_103 : memref<1x64xi32, #tpu.memory_space<vmem>> -> memref<64xi32, #tpu.memory_space<vmem>>
        %dma_wait3A_105 = arith.constant 0 : i32
        %dma_wait3A_106 = arith.constant 0 : i32
        %dma_wait3A_107 = tpu.memref_slice %arg7[%dma_wait3A_105, %dma_wait3A_106] : memref<10240x128xf32, #tpu.memory_space<hbm>> -> memref<10240x128xf32, #tpu.memory_space<hbm>>
        tpu.wait_indirect_dma semaphore(%arg25 : memref<!tpu.dma_semaphore, #tpu.memory_space<semaphore_mem>>) src(%dma_wait3A_107 : memref<10240x128xf32, #tpu.memory_space<hbm>>) dst(%arg13 : memref<64x128xf32, #tpu.memory_space<vmem>>)
        %dma_start3A_108 = arith.constant 1 : i32
        %dma_start3A_109 = arith.constant 0 : i32
        %dma_start3A_110 = tpu.memref_slice %arg11[%dma_start3A_108, %dma_start3A_109] : memref<16x64xi32, #tpu.memory_space<vmem>> -> memref<1x64xi32, #tpu.memory_space<vmem>>
        %dma_start3A_111 = tpu.memref_squeeze %dma_start3A_110 : memref<1x64xi32, #tpu.memory_space<vmem>> -> memref<64xi32, #tpu.memory_space<vmem>>
        %dma_start3A_112 = arith.constant 0 : i32
        %dma_start3A_113 = arith.constant 0 : i32
        %dma_start3A_114 = tpu.memref_slice %arg8[%dma_start3A_112, %dma_start3A_113] : memref<10240x128xf32, #tpu.memory_space<vmem_shared>> -> memref<10240x128xf32, #tpu.memory_space<vmem_shared>>
        tpu.enqueue_indirect_dma source(%arg13 : memref<64x128xf32, #tpu.memory_space<vmem>>) target(%dma_start3A_114 : memref<10240x128xf32, #tpu.memory_space<vmem_shared>>) offsets(%dma_start3A_111 : memref<64xi32, #tpu.memory_space<vmem>>) semaphore(%arg29 : memref<!tpu.dma_semaphore, #tpu.memory_space<semaphore_mem>>) {add = true}
        %dma_wait3A_115 = arith.constant 2 : i32
        %dma_wait3A_116 = arith.constant 0 : i32
        %dma_wait3A_117 = tpu.memref_slice %arg10[%dma_wait3A_115, %dma_wait3A_116] : memref<16x64xi32, #tpu.memory_space<vmem>> -> memref<1x64xi32, #tpu.memory_space<vmem>>
        %dma_wait3A_118 = tpu.memref_squeeze %dma_wait3A_117 : memref<1x64xi32, #tpu.memory_space<vmem>> -> memref<64xi32, #tpu.memory_space<vmem>>
        %dma_wait3A_119 = arith.constant 0 : i32
        %dma_wait3A_120 = arith.constant 0 : i32
        %dma_wait3A_121 = tpu.memref_slice %arg7[%dma_wait3A_119, %dma_wait3A_120] : memref<10240x128xf32, #tpu.memory_space<hbm>> -> memref<10240x128xf32, #tpu.memory_space<hbm>>
        tpu.wait_indirect_dma semaphore(%arg26 : memref<!tpu.dma_semaphore, #tpu.memory_space<semaphore_mem>>) src(%dma_wait3A_121 : memref<10240x128xf32, #tpu.memory_space<hbm>>) dst(%arg14 : memref<64x128xf32, #tpu.memory_space<vmem>>)
        %dma_start3A_122 = arith.constant 2 : i32
        %dma_start3A_123 = arith.constant 0 : i32
        %dma_start3A_124 = tpu.memref_slice %arg11[%dma_start3A_122, %dma_start3A_123] : memref<16x64xi32, #tpu.memory_space<vmem>> -> memref<1x64xi32, #tpu.memory_space<vmem>>
        %dma_start3A_125 = tpu.memref_squeeze %dma_start3A_124 : memref<1x64xi32, #tpu.memory_space<vmem>> -> memref<64xi32, #tpu.memory_space<vmem>>
        %dma_start3A_126 = arith.constant 0 : i32
        %dma_start3A_127 = arith.constant 0 : i32
        %dma_start3A_128 = tpu.memref_slice %arg8[%dma_start3A_126, %dma_start3A_127] : memref<10240x128xf32, #tpu.memory_space<vmem_shared>> -> memref<10240x128xf32, #tpu.memory_space<vmem_shared>>
        tpu.enqueue_indirect_dma source(%arg14 : memref<64x128xf32, #tpu.memory_space<vmem>>) target(%dma_start3A_128 : memref<10240x128xf32, #tpu.memory_space<vmem_shared>>) offsets(%dma_start3A_125 : memref<64xi32, #tpu.memory_space<vmem>>) semaphore(%arg30 : memref<!tpu.dma_semaphore, #tpu.memory_space<semaphore_mem>>) {add = true}
        %dma_wait3A_129 = arith.constant 0 : i32
        %dma_wait3A_130 = arith.constant 0 : i32
        %dma_wait3A_131 = tpu.memref_slice %arg11[%dma_wait3A_129, %dma_wait3A_130] : memref<16x64xi32, #tpu.memory_space<vmem>> -> memref<1x64xi32, #tpu.memory_space<vmem>>
        %dma_wait3A_132 = tpu.memref_squeeze %dma_wait3A_131 : memref<1x64xi32, #tpu.memory_space<vmem>> -> memref<64xi32, #tpu.memory_space<vmem>>
        %dma_wait3A_133 = arith.constant 0 : i32
        %dma_wait3A_134 = arith.constant 0 : i32
        %dma_wait3A_135 = tpu.memref_slice %arg8[%dma_wait3A_133, %dma_wait3A_134] : memref<10240x128xf32, #tpu.memory_space<vmem_shared>> -> memref<10240x128xf32, #tpu.memory_space<vmem_shared>>
        tpu.wait_indirect_dma semaphore(%arg28 : memref<!tpu.dma_semaphore, #tpu.memory_space<semaphore_mem>>) src(%arg12 : memref<64x128xf32, #tpu.memory_space<vmem>>) dst(%dma_wait3A_135 : memref<10240x128xf32, #tpu.memory_space<vmem_shared>>)
        %dma_start3A_136 = arith.constant 4 : i32
        %dma_start3A_137 = arith.constant 0 : i32
        %dma_start3A_138 = tpu.memref_slice %arg10[%dma_start3A_136, %dma_start3A_137] : memref<16x64xi32, #tpu.memory_space<vmem>> -> memref<1x64xi32, #tpu.memory_space<vmem>>
        %dma_start3A_139 = tpu.memref_squeeze %dma_start3A_138 : memref<1x64xi32, #tpu.memory_space<vmem>> -> memref<64xi32, #tpu.memory_space<vmem>>
        %dma_start3A_140 = arith.constant 0 : i32
        %dma_start3A_141 = arith.constant 0 : i32
        %dma_start3A_142 = tpu.memref_slice %arg7[%dma_start3A_140, %dma_start3A_141] : memref<10240x128xf32, #tpu.memory_space<hbm>> -> memref<10240x128xf32, #tpu.memory_space<hbm>>
        tpu.enqueue_indirect_dma source(%dma_start3A_142 : memref<10240x128xf32, #tpu.memory_space<hbm>>) target(%arg12 : memref<64x128xf32, #tpu.memory_space<vmem>>) offsets(%dma_start3A_139 : memref<64xi32, #tpu.memory_space<vmem>>) semaphore(%arg24 : memref<!tpu.dma_semaphore, #tpu.memory_space<semaphore_mem>>)
        %dma_wait3A_143 = arith.constant 3 : i32
        %dma_wait3A_144 = arith.constant 0 : i32
        %dma_wait3A_145 = tpu.memref_slice %arg10[%dma_wait3A_143, %dma_wait3A_144] : memref<16x64xi32, #tpu.memory_space<vmem>> -> memref<1x64xi32, #tpu.memory_space<vmem>>
        %dma_wait3A_146 = tpu.memref_squeeze %dma_wait3A_145 : memref<1x64xi32, #tpu.memory_space<vmem>> -> memref<64xi32, #tpu.memory_space<vmem>>
        %dma_wait3A_147 = arith.constant 0 : i32
        %dma_wait3A_148 = arith.constant 0 : i32
        %dma_wait3A_149 = tpu.memref_slice %arg7[%dma_wait3A_147, %dma_wait3A_148] : memref<10240x128xf32, #tpu.memory_space<hbm>> -> memref<10240x128xf32, #tpu.memory_space<hbm>>
        tpu.wait_indirect_dma semaphore(%arg27 : memref<!tpu.dma_semaphore, #tpu.memory_space<semaphore_mem>>) src(%dma_wait3A_149 : memref<10240x128xf32, #tpu.memory_space<hbm>>) dst(%arg15 : memref<64x128xf32, #tpu.memory_space<vmem>>)
        %dma_start3A_150 = arith.constant 3 : i32
        %dma_start3A_151 = arith.constant 0 : i32
        %dma_start3A_152 = tpu.memref_slice %arg11[%dma_start3A_150, %dma_start3A_151] : memref<16x64xi32, #tpu.memory_space<vmem>> -> memref<1x64xi32, #tpu.memory_space<vmem>>
        %dma_start3A_153 = tpu.memref_squeeze %dma_start3A_152 : memref<1x64xi32, #tpu.memory_space<vmem>> -> memref<64xi32, #tpu.memory_space<vmem>>
        %dma_start3A_154 = arith.constant 0 : i32
        %dma_start3A_155 = arith.constant 0 : i32
        %dma_start3A_156 = tpu.memref_slice %arg8[%dma_start3A_154, %dma_start3A_155] : memref<10240x128xf32, #tpu.memory_space<vmem_shared>> -> memref<10240x128xf32, #tpu.memory_space<vmem_shared>>
        tpu.enqueue_indirect_dma source(%arg15 : memref<64x128xf32, #tpu.memory_space<vmem>>) target(%dma_start3A_156 : memref<10240x128xf32, #tpu.memory_space<vmem_shared>>) offsets(%dma_start3A_153 : memref<64xi32, #tpu.memory_space<vmem>>) semaphore(%arg31 : memref<!tpu.dma_semaphore, #tpu.memory_space<semaphore_mem>>) {add = true}
        %dma_wait3A_157 = arith.constant 1 : i32
        %dma_wait3A_158 = arith.constant 0 : i32
        %dma_wait3A_159 = tpu.memref_slice %arg11[%dma_wait3A_157, %dma_wait3A_158] : memref<16x64xi32, #tpu.memory_space<vmem>> -> memref<1x64xi32, #tpu.memory_space<vmem>>
        %dma_wait3A_160 = tpu.memref_squeeze %dma_wait3A_159 : memref<1x64xi32, #tpu.memory_space<vmem>> -> memref<64xi32, #tpu.memory_space<vmem>>
        %dma_wait3A_161 = arith.constant 0 : i32
        %dma_wait3A_162 = arith.constant 0 : i32
        %dma_wait3A_163 = tpu.memref_slice %arg8[%dma_wait3A_161, %dma_wait3A_162] : memref<10240x128xf32, #tpu.memory_space<vmem_shared>> -> memref<10240x128xf32, #tpu.memory_space<vmem_shared>>
        tpu.wait_indirect_dma semaphore(%arg29 : memref<!tpu.dma_semaphore, #tpu.memory_space<semaphore_mem>>) src(%arg13 : memref<64x128xf32, #tpu.memory_space<vmem>>) dst(%dma_wait3A_163 : memref<10240x128xf32, #tpu.memory_space<vmem_shared>>)
        %dma_start3A_164 = arith.constant 5 : i32
        %dma_start3A_165 = arith.constant 0 : i32
        %dma_start3A_166 = tpu.memref_slice %arg10[%dma_start3A_164, %dma_start3A_165] : memref<16x64xi32, #tpu.memory_space<vmem>> -> memref<1x64xi32, #tpu.memory_space<vmem>>
        %dma_start3A_167 = tpu.memref_squeeze %dma_start3A_166 : memref<1x64xi32, #tpu.memory_space<vmem>> -> memref<64xi32, #tpu.memory_space<vmem>>
        %dma_start3A_168 = arith.constant 0 : i32
        %dma_start3A_169 = arith.constant 0 : i32
        %dma_start3A_170 = tpu.memref_slice %arg7[%dma_start3A_168, %dma_start3A_169] : memref<10240x128xf32, #tpu.memory_space<hbm>> -> memref<10240x128xf32, #tpu.memory_space<hbm>>
        tpu.enqueue_indirect_dma source(%dma_start3A_170 : memref<10240x128xf32, #tpu.memory_space<hbm>>) target(%arg13 : memref<64x128xf32, #tpu.memory_space<vmem>>) offsets(%dma_start3A_167 : memref<64xi32, #tpu.memory_space<vmem>>) semaphore(%arg25 : memref<!tpu.dma_semaphore, #tpu.memory_space<semaphore_mem>>)
        %dma_wait3A_171 = arith.constant 4 : i32
        %dma_wait3A_172 = arith.constant 0 : i32
        %dma_wait3A_173 = tpu.memref_slice %arg10[%dma_wait3A_171, %dma_wait3A_172] : memref<16x64xi32, #tpu.memory_space<vmem>> -> memref<1x64xi32, #tpu.memory_space<vmem>>
        %dma_wait3A_174 = tpu.memref_squeeze %dma_wait3A_173 : memref<1x64xi32, #tpu.memory_space<vmem>> -> memref<64xi32, #tpu.memory_space<vmem>>
        %dma_wait3A_175 = arith.constant 0 : i32
        %dma_wait3A_176 = arith.constant 0 : i32
        %dma_wait3A_177 = tpu.memref_slice %arg7[%dma_wait3A_175, %dma_wait3A_176] : memref<10240x128xf32, #tpu.memory_space<hbm>> -> memref<10240x128xf32, #tpu.memory_space<hbm>>
        tpu.wait_indirect_dma semaphore(%arg24 : memref<!tpu.dma_semaphore, #tpu.memory_space<semaphore_mem>>) src(%dma_wait3A_177 : memref<10240x128xf32, #tpu.memory_space<hbm>>) dst(%arg12 : memref<64x128xf32, #tpu.memory_space<vmem>>)
        %dma_start3A_178 = arith.constant 4 : i32
        %dma_start3A_179 = arith.constant 0 : i32
        %dma_start3A_180 = tpu.memref_slice %arg11[%dma_start3A_178, %dma_start3A_179] : memref<16x64xi32, #tpu.memory_space<vmem>> -> memref<1x64xi32, #tpu.memory_space<vmem>>
        %dma_start3A_181 = tpu.memref_squeeze %dma_start3A_180 : memref<1x64xi32, #tpu.memory_space<vmem>> -> memref<64xi32, #tpu.memory_space<vmem>>
        %dma_start3A_182 = arith.constant 0 : i32
        %dma_start3A_183 = arith.constant 0 : i32
        %dma_start3A_184 = tpu.memref_slice %arg8[%dma_start3A_182, %dma_start3A_183] : memref<10240x128xf32, #tpu.memory_space<vmem_shared>> -> memref<10240x128xf32, #tpu.memory_space<vmem_shared>>
        tpu.enqueue_indirect_dma source(%arg12 : memref<64x128xf32, #tpu.memory_space<vmem>>) target(%dma_start3A_184 : memref<10240x128xf32, #tpu.memory_space<vmem_shared>>) offsets(%dma_start3A_181 : memref<64xi32, #tpu.memory_space<vmem>>) semaphore(%arg28 : memref<!tpu.dma_semaphore, #tpu.memory_space<semaphore_mem>>) {add = true}
        %dma_wait3A_185 = arith.constant 2 : i32
        %dma_wait3A_186 = arith.constant 0 : i32
        %dma_wait3A_187 = tpu.memref_slice %arg11[%dma_wait3A_185, %dma_wait3A_186] : memref<16x64xi32, #tpu.memory_space<vmem>> -> memref<1x64xi32, #tpu.memory_space<vmem>>
        %dma_wait3A_188 = tpu.memref_squeeze %dma_wait3A_187 : memref<1x64xi32, #tpu.memory_space<vmem>> -> memref<64xi32, #tpu.memory_space<vmem>>
        %dma_wait3A_189 = arith.constant 0 : i32
        %dma_wait3A_190 = arith.constant 0 : i32
        %dma_wait3A_191 = tpu.memref_slice %arg8[%dma_wait3A_189, %dma_wait3A_190] : memref<10240x128xf32, #tpu.memory_space<vmem_shared>> -> memref<10240x128xf32, #tpu.memory_space<vmem_shared>>
        tpu.wait_indirect_dma semaphore(%arg30 : memref<!tpu.dma_semaphore, #tpu.memory_space<semaphore_mem>>) src(%arg14 : memref<64x128xf32, #tpu.memory_space<vmem>>) dst(%dma_wait3A_191 : memref<10240x128xf32, #tpu.memory_space<vmem_shared>>)
        %dma_start3A_192 = arith.constant 6 : i32
        %dma_start3A_193 = arith.constant 0 : i32
        %dma_start3A_194 = tpu.memref_slice %arg10[%dma_start3A_192, %dma_start3A_193] : memref<16x64xi32, #tpu.memory_space<vmem>> -> memref<1x64xi32, #tpu.memory_space<vmem>>
        %dma_start3A_195 = tpu.memref_squeeze %dma_start3A_194 : memref<1x64xi32, #tpu.memory_space<vmem>> -> memref<64xi32, #tpu.memory_space<vmem>>
        %dma_start3A_196 = arith.constant 0 : i32
        %dma_start3A_197 = arith.constant 0 : i32
        %dma_start3A_198 = tpu.memref_slice %arg7[%dma_start3A_196, %dma_start3A_197] : memref<10240x128xf32, #tpu.memory_space<hbm>> -> memref<10240x128xf32, #tpu.memory_space<hbm>>
        tpu.enqueue_indirect_dma source(%dma_start3A_198 : memref<10240x128xf32, #tpu.memory_space<hbm>>) target(%arg14 : memref<64x128xf32, #tpu.memory_space<vmem>>) offsets(%dma_start3A_195 : memref<64xi32, #tpu.memory_space<vmem>>) semaphore(%arg26 : memref<!tpu.dma_semaphore, #tpu.memory_space<semaphore_mem>>)
        %dma_wait3A_199 = arith.constant 5 : i32
        %dma_wait3A_200 = arith.constant 0 : i32
        %dma_wait3A_201 = tpu.memref_slice %arg10[%dma_wait3A_199, %dma_wait3A_200] : memref<16x64xi32, #tpu.memory_space<vmem>> -> memref<1x64xi32, #tpu.memory_space<vmem>>
        %dma_wait3A_202 = tpu.memref_squeeze %dma_wait3A_201 : memref<1x64xi32, #tpu.memory_space<vmem>> -> memref<64xi32, #tpu.memory_space<vmem>>
        %dma_wait3A_203 = arith.constant 0 : i32
        %dma_wait3A_204 = arith.constant 0 : i32
        %dma_wait3A_205 = tpu.memref_slice %arg7[%dma_wait3A_203, %dma_wait3A_204] : memref<10240x128xf32, #tpu.memory_space<hbm>> -> memref<10240x128xf32, #tpu.memory_space<hbm>>
        tpu.wait_indirect_dma semaphore(%arg25 : memref<!tpu.dma_semaphore, #tpu.memory_space<semaphore_mem>>) src(%dma_wait3A_205 : memref<10240x128xf32, #tpu.memory_space<hbm>>) dst(%arg13 : memref<64x128xf32, #tpu.memory_space<vmem>>)
        %dma_start3A_206 = arith.constant 5 : i32
        %dma_start3A_207 = arith.constant 0 : i32
        %dma_start3A_208 = tpu.memref_slice %arg11[%dma_start3A_206, %dma_start3A_207] : memref<16x64xi32, #tpu.memory_space<vmem>> -> memref<1x64xi32, #tpu.memory_space<vmem>>
        %dma_start3A_209 = tpu.memref_squeeze %dma_start3A_208 : memref<1x64xi32, #tpu.memory_space<vmem>> -> memref<64xi32, #tpu.memory_space<vmem>>
        %dma_start3A_210 = arith.constant 0 : i32
        %dma_start3A_211 = arith.constant 0 : i32
        %dma_start3A_212 = tpu.memref_slice %arg8[%dma_start3A_210, %dma_start3A_211] : memref<10240x128xf32, #tpu.memory_space<vmem_shared>> -> memref<10240x128xf32, #tpu.memory_space<vmem_shared>>
        tpu.enqueue_indirect_dma source(%arg13 : memref<64x128xf32, #tpu.memory_space<vmem>>) target(%dma_start3A_212 : memref<10240x128xf32, #tpu.memory_space<vmem_shared>>) offsets(%dma_start3A_209 : memref<64xi32, #tpu.memory_space<vmem>>) semaphore(%arg29 : memref<!tpu.dma_semaphore, #tpu.memory_space<semaphore_mem>>) {add = true}
        %dma_wait3A_213 = arith.constant 3 : i32
        %dma_wait3A_214 = arith.constant 0 : i32
        %dma_wait3A_215 = tpu.memref_slice %arg11[%dma_wait3A_213, %dma_wait3A_214] : memref<16x64xi32, #tpu.memory_space<vmem>> -> memref<1x64xi32, #tpu.memory_space<vmem>>
        %dma_wait3A_216 = tpu.memref_squeeze %dma_wait3A_215 : memref<1x64xi32, #tpu.memory_space<vmem>> -> memref<64xi32, #tpu.memory_space<vmem>>
        %dma_wait3A_217 = arith.constant 0 : i32
        %dma_wait3A_218 = arith.constant 0 : i32
        %dma_wait3A_219 = tpu.memref_slice %arg8[%dma_wait3A_217, %dma_wait3A_218] : memref<10240x128xf32, #tpu.memory_space<vmem_shared>> -> memref<10240x128xf32, #tpu.memory_space<vmem_shared>>
        tpu.wait_indirect_dma semaphore(%arg31 : memref<!tpu.dma_semaphore, #tpu.memory_space<semaphore_mem>>) src(%arg15 : memref<64x128xf32, #tpu.memory_space<vmem>>) dst(%dma_wait3A_219 : memref<10240x128xf32, #tpu.memory_space<vmem_shared>>)
        %dma_start3A_220 = arith.constant 7 : i32
        %dma_start3A_221 = arith.constant 0 : i32
        %dma_start3A_222 = tpu.memref_slice %arg10[%dma_start3A_220, %dma_start3A_221] : memref<16x64xi32, #tpu.memory_space<vmem>> -> memref<1x64xi32, #tpu.memory_space<vmem>>
        %dma_start3A_223 = tpu.memref_squeeze %dma_start3A_222 : memref<1x64xi32, #tpu.memory_space<vmem>> -> memref<64xi32, #tpu.memory_space<vmem>>
        %dma_start3A_224 = arith.constant 0 : i32
        %dma_start3A_225 = arith.constant 0 : i32
        %dma_start3A_226 = tpu.memref_slice %arg7[%dma_start3A_224, %dma_start3A_225] : memref<10240x128xf32, #tpu.memory_space<hbm>> -> memref<10240x128xf32, #tpu.memory_space<hbm>>
        tpu.enqueue_indirect_dma source(%dma_start3A_226 : memref<10240x128xf32, #tpu.memory_space<hbm>>) target(%arg15 : memref<64x128xf32, #tpu.memory_space<vmem>>) offsets(%dma_start3A_223 : memref<64xi32, #tpu.memory_space<vmem>>) semaphore(%arg27 : memref<!tpu.dma_semaphore, #tpu.memory_space<semaphore_mem>>)
        %dma_wait3A_227 = arith.constant 6 : i32
        %dma_wait3A_228 = arith.constant 0 : i32
        %dma_wait3A_229 = tpu.memref_slice %arg10[%dma_wait3A_227, %dma_wait3A_228] : memref<16x64xi32, #tpu.memory_space<vmem>> -> memref<1x64xi32, #tpu.memory_space<vmem>>
        %dma_wait3A_230 = tpu.memref_squeeze %dma_wait3A_229 : memref<1x64xi32, #tpu.memory_space<vmem>> -> memref<64xi32, #tpu.memory_space<vmem>>
        %dma_wait3A_231 = arith.constant 0 : i32
        %dma_wait3A_232 = arith.constant 0 : i32
        %dma_wait3A_233 = tpu.memref_slice %arg7[%dma_wait3A_231, %dma_wait3A_232] : memref<10240x128xf32, #tpu.memory_space<hbm>> -> memref<10240x128xf32, #tpu.memory_space<hbm>>
        tpu.wait_indirect_dma semaphore(%arg26 : memref<!tpu.dma_semaphore, #tpu.memory_space<semaphore_mem>>) src(%dma_wait3A_233 : memref<10240x128xf32, #tpu.memory_space<hbm>>) dst(%arg14 : memref<64x128xf32, #tpu.memory_space<vmem>>)
        %dma_start3A_234 = arith.constant 6 : i32
        %dma_start3A_235 = arith.constant 0 : i32
        %dma_start3A_236 = tpu.memref_slice %arg11[%dma_start3A_234, %dma_start3A_235] : memref<16x64xi32, #tpu.memory_space<vmem>> -> memref<1x64xi32, #tpu.memory_space<vmem>>
        %dma_start3A_237 = tpu.memref_squeeze %dma_start3A_236 : memref<1x64xi32, #tpu.memory_space<vmem>> -> memref<64xi32, #tpu.memory_space<vmem>>
        %dma_start3A_238 = arith.constant 0 : i32
        %dma_start3A_239 = arith.constant 0 : i32
        %dma_start3A_240 = tpu.memref_slice %arg8[%dma_start3A_238, %dma_start3A_239] : memref<10240x128xf32, #tpu.memory_space<vmem_shared>> -> memref<10240x128xf32, #tpu.memory_space<vmem_shared>>
        tpu.enqueue_indirect_dma source(%arg14 : memref<64x128xf32, #tpu.memory_space<vmem>>) target(%dma_start3A_240 : memref<10240x128xf32, #tpu.memory_space<vmem_shared>>) offsets(%dma_start3A_237 : memref<64xi32, #tpu.memory_space<vmem>>) semaphore(%arg30 : memref<!tpu.dma_semaphore, #tpu.memory_space<semaphore_mem>>) {add = true}
        %dma_wait3A_241 = arith.constant 4 : i32
        %dma_wait3A_242 = arith.constant 0 : i32
        %dma_wait3A_243 = tpu.memref_slice %arg11[%dma_wait3A_241, %dma_wait3A_242] : memref<16x64xi32, #tpu.memory_space<vmem>> -> memref<1x64xi32, #tpu.memory_space<vmem>>
        %dma_wait3A_244 = tpu.memref_squeeze %dma_wait3A_243 : memref<1x64xi32, #tpu.memory_space<vmem>> -> memref<64xi32, #tpu.memory_space<vmem>>
        %dma_wait3A_245 = arith.constant 0 : i32
        %dma_wait3A_246 = arith.constant 0 : i32
        %dma_wait3A_247 = tpu.memref_slice %arg8[%dma_wait3A_245, %dma_wait3A_246] : memref<10240x128xf32, #tpu.memory_space<vmem_shared>> -> memref<10240x128xf32, #tpu.memory_space<vmem_shared>>
        tpu.wait_indirect_dma semaphore(%arg28 : memref<!tpu.dma_semaphore, #tpu.memory_space<semaphore_mem>>) src(%arg12 : memref<64x128xf32, #tpu.memory_space<vmem>>) dst(%dma_wait3A_247 : memref<10240x128xf32, #tpu.memory_space<vmem_shared>>)
        %dma_start3A_248 = arith.constant 8 : i32
        %dma_start3A_249 = arith.constant 0 : i32
        %dma_start3A_250 = tpu.memref_slice %arg10[%dma_start3A_248, %dma_start3A_249] : memref<16x64xi32, #tpu.memory_space<vmem>> -> memref<1x64xi32, #tpu.memory_space<vmem>>
        %dma_start3A_251 = tpu.memref_squeeze %dma_start3A_250 : memref<1x64xi32, #tpu.memory_space<vmem>> -> memref<64xi32, #tpu.memory_space<vmem>>
        %dma_start3A_252 = arith.constant 0 : i32
        %dma_start3A_253 = arith.constant 0 : i32
        %dma_start3A_254 = tpu.memref_slice %arg7[%dma_start3A_252, %dma_start3A_253] : memref<10240x128xf32, #tpu.memory_space<hbm>> -> memref<10240x128xf32, #tpu.memory_space<hbm>>
        tpu.enqueue_indirect_dma source(%dma_start3A_254 : memref<10240x128xf32, #tpu.memory_space<hbm>>) target(%arg12 : memref<64x128xf32, #tpu.memory_space<vmem>>) offsets(%dma_start3A_251 : memref<64xi32, #tpu.memory_space<vmem>>) semaphore(%arg24 : memref<!tpu.dma_semaphore, #tpu.memory_space<semaphore_mem>>)
        %dma_wait3A_255 = arith.constant 7 : i32
        %dma_wait3A_256 = arith.constant 0 : i32
        %dma_wait3A_257 = tpu.memref_slice %arg10[%dma_wait3A_255, %dma_wait3A_256] : memref<16x64xi32, #tpu.memory_space<vmem>> -> memref<1x64xi32, #tpu.memory_space<vmem>>
        %dma_wait3A_258 = tpu.memref_squeeze %dma_wait3A_257 : memref<1x64xi32, #tpu.memory_space<vmem>> -> memref<64xi32, #tpu.memory_space<vmem>>
        %dma_wait3A_259 = arith.constant 0 : i32
        %dma_wait3A_260 = arith.constant 0 : i32
        %dma_wait3A_261 = tpu.memref_slice %arg7[%dma_wait3A_259, %dma_wait3A_260] : memref<10240x128xf32, #tpu.memory_space<hbm>> -> memref<10240x128xf32, #tpu.memory_space<hbm>>
        tpu.wait_indirect_dma semaphore(%arg27 : memref<!tpu.dma_semaphore, #tpu.memory_space<semaphore_mem>>) src(%dma_wait3A_261 : memref<10240x128xf32, #tpu.memory_space<hbm>>) dst(%arg15 : memref<64x128xf32, #tpu.memory_space<vmem>>)
        %dma_start3A_262 = arith.constant 7 : i32
        %dma_start3A_263 = arith.constant 0 : i32
        %dma_start3A_264 = tpu.memref_slice %arg11[%dma_start3A_262, %dma_start3A_263] : memref<16x64xi32, #tpu.memory_space<vmem>> -> memref<1x64xi32, #tpu.memory_space<vmem>>
        %dma_start3A_265 = tpu.memref_squeeze %dma_start3A_264 : memref<1x64xi32, #tpu.memory_space<vmem>> -> memref<64xi32, #tpu.memory_space<vmem>>
        %dma_start3A_266 = arith.constant 0 : i32
        %dma_start3A_267 = arith.constant 0 : i32
        %dma_start3A_268 = tpu.memref_slice %arg8[%dma_start3A_266, %dma_start3A_267] : memref<10240x128xf32, #tpu.memory_space<vmem_shared>> -> memref<10240x128xf32, #tpu.memory_space<vmem_shared>>
        tpu.enqueue_indirect_dma source(%arg15 : memref<64x128xf32, #tpu.memory_space<vmem>>) target(%dma_start3A_268 : memref<10240x128xf32, #tpu.memory_space<vmem_shared>>) offsets(%dma_start3A_265 : memref<64xi32, #tpu.memory_space<vmem>>) semaphore(%arg31 : memref<!tpu.dma_semaphore, #tpu.memory_space<semaphore_mem>>) {add = true}
        %dma_wait3A_269 = arith.constant 5 : i32
        %dma_wait3A_270 = arith.constant 0 : i32
        %dma_wait3A_271 = tpu.memref_slice %arg11[%dma_wait3A_269, %dma_wait3A_270] : memref<16x64xi32, #tpu.memory_space<vmem>> -> memref<1x64xi32, #tpu.memory_space<vmem>>
        %dma_wait3A_272 = tpu.memref_squeeze %dma_wait3A_271 : memref<1x64xi32, #tpu.memory_space<vmem>> -> memref<64xi32, #tpu.memory_space<vmem>>
        %dma_wait3A_273 = arith.constant 0 : i32
        %dma_wait3A_274 = arith.constant 0 : i32
        %dma_wait3A_275 = tpu.memref_slice %arg8[%dma_wait3A_273, %dma_wait3A_274] : memref<10240x128xf32, #tpu.memory_space<vmem_shared>> -> memref<10240x128xf32, #tpu.memory_space<vmem_shared>>
        tpu.wait_indirect_dma semaphore(%arg29 : memref<!tpu.dma_semaphore, #tpu.memory_space<semaphore_mem>>) src(%arg13 : memref<64x128xf32, #tpu.memory_space<vmem>>) dst(%dma_wait3A_275 : memref<10240x128xf32, #tpu.memory_space<vmem_shared>>)
        %dma_start3A_276 = arith.constant 9 : i32
        %dma_start3A_277 = arith.constant 0 : i32
        %dma_start3A_278 = tpu.memref_slice %arg10[%dma_start3A_276, %dma_start3A_277] : memref<16x64xi32, #tpu.memory_space<vmem>> -> memref<1x64xi32, #tpu.memory_space<vmem>>
        %dma_start3A_279 = tpu.memref_squeeze %dma_start3A_278 : memref<1x64xi32, #tpu.memory_space<vmem>> -> memref<64xi32, #tpu.memory_space<vmem>>
        %dma_start3A_280 = arith.constant 0 : i32
        %dma_start3A_281 = arith.constant 0 : i32
        %dma_start3A_282 = tpu.memref_slice %arg7[%dma_start3A_280, %dma_start3A_281] : memref<10240x128xf32, #tpu.memory_space<hbm>> -> memref<10240x128xf32, #tpu.memory_space<hbm>>
        tpu.enqueue_indirect_dma source(%dma_start3A_282 : memref<10240x128xf32, #tpu.memory_space<hbm>>) target(%arg13 : memref<64x128xf32, #tpu.memory_space<vmem>>) offsets(%dma_start3A_279 : memref<64xi32, #tpu.memory_space<vmem>>) semaphore(%arg25 : memref<!tpu.dma_semaphore, #tpu.memory_space<semaphore_mem>>)
        %dma_wait3A_283 = arith.constant 8 : i32
        %dma_wait3A_284 = arith.constant 0 : i32
        %dma_wait3A_285 = tpu.memref_slice %arg10[%dma_wait3A_283, %dma_wait3A_284] : memref<16x64xi32, #tpu.memory_space<vmem>> -> memref<1x64xi32, #tpu.memory_space<vmem>>
        %dma_wait3A_286 = tpu.memref_squeeze %dma_wait3A_285 : memref<1x64xi32, #tpu.memory_space<vmem>> -> memref<64xi32, #tpu.memory_space<vmem>>
        %dma_wait3A_287 = arith.constant 0 : i32
        %dma_wait3A_288 = arith.constant 0 : i32
        %dma_wait3A_289 = tpu.memref_slice %arg7[%dma_wait3A_287, %dma_wait3A_288] : memref<10240x128xf32, #tpu.memory_space<hbm>> -> memref<10240x128xf32, #tpu.memory_space<hbm>>
        tpu.wait_indirect_dma semaphore(%arg24 : memref<!tpu.dma_semaphore, #tpu.memory_space<semaphore_mem>>) src(%dma_wait3A_289 : memref<10240x128xf32, #tpu.memory_space<hbm>>) dst(%arg12 : memref<64x128xf32, #tpu.memory_space<vmem>>)
        %dma_start3A_290 = arith.constant 8 : i32
        %dma_start3A_291 = arith.constant 0 : i32
        %dma_start3A_292 = tpu.memref_slice %arg11[%dma_start3A_290, %dma_start3A_291] : memref<16x64xi32, #tpu.memory_space<vmem>> -> memref<1x64xi32, #tpu.memory_space<vmem>>
        %dma_start3A_293 = tpu.memref_squeeze %dma_start3A_292 : memref<1x64xi32, #tpu.memory_space<vmem>> -> memref<64xi32, #tpu.memory_space<vmem>>
        %dma_start3A_294 = arith.constant 0 : i32
        %dma_start3A_295 = arith.constant 0 : i32
        %dma_start3A_296 = tpu.memref_slice %arg8[%dma_start3A_294, %dma_start3A_295] : memref<10240x128xf32, #tpu.memory_space<vmem_shared>> -> memref<10240x128xf32, #tpu.memory_space<vmem_shared>>
        tpu.enqueue_indirect_dma source(%arg12 : memref<64x128xf32, #tpu.memory_space<vmem>>) target(%dma_start3A_296 : memref<10240x128xf32, #tpu.memory_space<vmem_shared>>) offsets(%dma_start3A_293 : memref<64xi32, #tpu.memory_space<vmem>>) semaphore(%arg28 : memref<!tpu.dma_semaphore, #tpu.memory_space<semaphore_mem>>) {add = true}
        %dma_wait3A_297 = arith.constant 6 : i32
        %dma_wait3A_298 = arith.constant 0 : i32
        %dma_wait3A_299 = tpu.memref_slice %arg11[%dma_wait3A_297, %dma_wait3A_298] : memref<16x64xi32, #tpu.memory_space<vmem>> -> memref<1x64xi32, #tpu.memory_space<vmem>>
        %dma_wait3A_300 = tpu.memref_squeeze %dma_wait3A_299 : memref<1x64xi32, #tpu.memory_space<vmem>> -> memref<64xi32, #tpu.memory_space<vmem>>
        %dma_wait3A_301 = arith.constant 0 : i32
        %dma_wait3A_302 = arith.constant 0 : i32
        %dma_wait3A_303 = tpu.memref_slice %arg8[%dma_wait3A_301, %dma_wait3A_302] : memref<10240x128xf32, #tpu.memory_space<vmem_shared>> -> memref<10240x128xf32, #tpu.memory_space<vmem_shared>>
        tpu.wait_indirect_dma semaphore(%arg30 : memref<!tpu.dma_semaphore, #tpu.memory_space<semaphore_mem>>) src(%arg14 : memref<64x128xf32, #tpu.memory_space<vmem>>) dst(%dma_wait3A_303 : memref<10240x128xf32, #tpu.memory_space<vmem_shared>>)
        %dma_start3A_304 = arith.constant 10 : i32
        %dma_start3A_305 = arith.constant 0 : i32
        %dma_start3A_306 = tpu.memref_slice %arg10[%dma_start3A_304, %dma_start3A_305] : memref<16x64xi32, #tpu.memory_space<vmem>> -> memref<1x64xi32, #tpu.memory_space<vmem>>
        %dma_start3A_307 = tpu.memref_squeeze %dma_start3A_306 : memref<1x64xi32, #tpu.memory_space<vmem>> -> memref<64xi32, #tpu.memory_space<vmem>>
        %dma_start3A_308 = arith.constant 0 : i32
        %dma_start3A_309 = arith.constant 0 : i32
        %dma_start3A_310 = tpu.memref_slice %arg7[%dma_start3A_308, %dma_start3A_309] : memref<10240x128xf32, #tpu.memory_space<hbm>> -> memref<10240x128xf32, #tpu.memory_space<hbm>>
        tpu.enqueue_indirect_dma source(%dma_start3A_310 : memref<10240x128xf32, #tpu.memory_space<hbm>>) target(%arg14 : memref<64x128xf32, #tpu.memory_space<vmem>>) offsets(%dma_start3A_307 : memref<64xi32, #tpu.memory_space<vmem>>) semaphore(%arg26 : memref<!tpu.dma_semaphore, #tpu.memory_space<semaphore_mem>>)
        %dma_wait3A_311 = arith.constant 9 : i32
        %dma_wait3A_312 = arith.constant 0 : i32
        %dma_wait3A_313 = tpu.memref_slice %arg10[%dma_wait3A_311, %dma_wait3A_312] : memref<16x64xi32, #tpu.memory_space<vmem>> -> memref<1x64xi32, #tpu.memory_space<vmem>>
        %dma_wait3A_314 = tpu.memref_squeeze %dma_wait3A_313 : memref<1x64xi32, #tpu.memory_space<vmem>> -> memref<64xi32, #tpu.memory_space<vmem>>
        %dma_wait3A_315 = arith.constant 0 : i32
        %dma_wait3A_316 = arith.constant 0 : i32
        %dma_wait3A_317 = tpu.memref_slice %arg7[%dma_wait3A_315, %dma_wait3A_316] : memref<10240x128xf32, #tpu.memory_space<hbm>> -> memref<10240x128xf32, #tpu.memory_space<hbm>>
        tpu.wait_indirect_dma semaphore(%arg25 : memref<!tpu.dma_semaphore, #tpu.memory_space<semaphore_mem>>) src(%dma_wait3A_317 : memref<10240x128xf32, #tpu.memory_space<hbm>>) dst(%arg13 : memref<64x128xf32, #tpu.memory_space<vmem>>)
        %dma_start3A_318 = arith.constant 9 : i32
        %dma_start3A_319 = arith.constant 0 : i32
        %dma_start3A_320 = tpu.memref_slice %arg11[%dma_start3A_318, %dma_start3A_319] : memref<16x64xi32, #tpu.memory_space<vmem>> -> memref<1x64xi32, #tpu.memory_space<vmem>>
        %dma_start3A_321 = tpu.memref_squeeze %dma_start3A_320 : memref<1x64xi32, #tpu.memory_space<vmem>> -> memref<64xi32, #tpu.memory_space<vmem>>
        %dma_start3A_322 = arith.constant 0 : i32
        %dma_start3A_323 = arith.constant 0 : i32
        %dma_start3A_324 = tpu.memref_slice %arg8[%dma_start3A_322, %dma_start3A_323] : memref<10240x128xf32, #tpu.memory_space<vmem_shared>> -> memref<10240x128xf32, #tpu.memory_space<vmem_shared>>
        tpu.enqueue_indirect_dma source(%arg13 : memref<64x128xf32, #tpu.memory_space<vmem>>) target(%dma_start3A_324 : memref<10240x128xf32, #tpu.memory_space<vmem_shared>>) offsets(%dma_start3A_321 : memref<64xi32, #tpu.memory_space<vmem>>) semaphore(%arg29 : memref<!tpu.dma_semaphore, #tpu.memory_space<semaphore_mem>>) {add = true}
        %dma_wait3A_325 = arith.constant 7 : i32
        %dma_wait3A_326 = arith.constant 0 : i32
        %dma_wait3A_327 = tpu.memref_slice %arg11[%dma_wait3A_325, %dma_wait3A_326] : memref<16x64xi32, #tpu.memory_space<vmem>> -> memref<1x64xi32, #tpu.memory_space<vmem>>
        %dma_wait3A_328 = tpu.memref_squeeze %dma_wait3A_327 : memref<1x64xi32, #tpu.memory_space<vmem>> -> memref<64xi32, #tpu.memory_space<vmem>>
        %dma_wait3A_329 = arith.constant 0 : i32
        %dma_wait3A_330 = arith.constant 0 : i32
        %dma_wait3A_331 = tpu.memref_slice %arg8[%dma_wait3A_329, %dma_wait3A_330] : memref<10240x128xf32, #tpu.memory_space<vmem_shared>> -> memref<10240x128xf32, #tpu.memory_space<vmem_shared>>
        tpu.wait_indirect_dma semaphore(%arg31 : memref<!tpu.dma_semaphore, #tpu.memory_space<semaphore_mem>>) src(%arg15 : memref<64x128xf32, #tpu.memory_space<vmem>>) dst(%dma_wait3A_331 : memref<10240x128xf32, #tpu.memory_space<vmem_shared>>)
        %dma_start3A_332 = arith.constant 11 : i32
        %dma_start3A_333 = arith.constant 0 : i32
        %dma_start3A_334 = tpu.memref_slice %arg10[%dma_start3A_332, %dma_start3A_333] : memref<16x64xi32, #tpu.memory_space<vmem>> -> memref<1x64xi32, #tpu.memory_space<vmem>>
        %dma_start3A_335 = tpu.memref_squeeze %dma_start3A_334 : memref<1x64xi32, #tpu.memory_space<vmem>> -> memref<64xi32, #tpu.memory_space<vmem>>
        %dma_start3A_336 = arith.constant 0 : i32
        %dma_start3A_337 = arith.constant 0 : i32
        %dma_start3A_338 = tpu.memref_slice %arg7[%dma_start3A_336, %dma_start3A_337] : memref<10240x128xf32, #tpu.memory_space<hbm>> -> memref<10240x128xf32, #tpu.memory_space<hbm>>
        tpu.enqueue_indirect_dma source(%dma_start3A_338 : memref<10240x128xf32, #tpu.memory_space<hbm>>) target(%arg15 : memref<64x128xf32, #tpu.memory_space<vmem>>) offsets(%dma_start3A_335 : memref<64xi32, #tpu.memory_space<vmem>>) semaphore(%arg27 : memref<!tpu.dma_semaphore, #tpu.memory_space<semaphore_mem>>)
        %dma_wait3A_339 = arith.constant 10 : i32
        %dma_wait3A_340 = arith.constant 0 : i32
        %dma_wait3A_341 = tpu.memref_slice %arg10[%dma_wait3A_339, %dma_wait3A_340] : memref<16x64xi32, #tpu.memory_space<vmem>> -> memref<1x64xi32, #tpu.memory_space<vmem>>
        %dma_wait3A_342 = tpu.memref_squeeze %dma_wait3A_341 : memref<1x64xi32, #tpu.memory_space<vmem>> -> memref<64xi32, #tpu.memory_space<vmem>>
        %dma_wait3A_343 = arith.constant 0 : i32
        %dma_wait3A_344 = arith.constant 0 : i32
        %dma_wait3A_345 = tpu.memref_slice %arg7[%dma_wait3A_343, %dma_wait3A_344] : memref<10240x128xf32, #tpu.memory_space<hbm>> -> memref<10240x128xf32, #tpu.memory_space<hbm>>
        tpu.wait_indirect_dma semaphore(%arg26 : memref<!tpu.dma_semaphore, #tpu.memory_space<semaphore_mem>>) src(%dma_wait3A_345 : memref<10240x128xf32, #tpu.memory_space<hbm>>) dst(%arg14 : memref<64x128xf32, #tpu.memory_space<vmem>>)
        %dma_start3A_346 = arith.constant 10 : i32
        %dma_start3A_347 = arith.constant 0 : i32
        %dma_start3A_348 = tpu.memref_slice %arg11[%dma_start3A_346, %dma_start3A_347] : memref<16x64xi32, #tpu.memory_space<vmem>> -> memref<1x64xi32, #tpu.memory_space<vmem>>
        %dma_start3A_349 = tpu.memref_squeeze %dma_start3A_348 : memref<1x64xi32, #tpu.memory_space<vmem>> -> memref<64xi32, #tpu.memory_space<vmem>>
        %dma_start3A_350 = arith.constant 0 : i32
        %dma_start3A_351 = arith.constant 0 : i32
        %dma_start3A_352 = tpu.memref_slice %arg8[%dma_start3A_350, %dma_start3A_351] : memref<10240x128xf32, #tpu.memory_space<vmem_shared>> -> memref<10240x128xf32, #tpu.memory_space<vmem_shared>>
        tpu.enqueue_indirect_dma source(%arg14 : memref<64x128xf32, #tpu.memory_space<vmem>>) target(%dma_start3A_352 : memref<10240x128xf32, #tpu.memory_space<vmem_shared>>) offsets(%dma_start3A_349 : memref<64xi32, #tpu.memory_space<vmem>>) semaphore(%arg30 : memref<!tpu.dma_semaphore, #tpu.memory_space<semaphore_mem>>) {add = true}
        %dma_wait3A_353 = arith.constant 8 : i32
        %dma_wait3A_354 = arith.constant 0 : i32
        %dma_wait3A_355 = tpu.memref_slice %arg11[%dma_wait3A_353, %dma_wait3A_354] : memref<16x64xi32, #tpu.memory_space<vmem>> -> memref<1x64xi32, #tpu.memory_space<vmem>>
        %dma_wait3A_356 = tpu.memref_squeeze %dma_wait3A_355 : memref<1x64xi32, #tpu.memory_space<vmem>> -> memref<64xi32, #tpu.memory_space<vmem>>
        %dma_wait3A_357 = arith.constant 0 : i32
        %dma_wait3A_358 = arith.constant 0 : i32
        %dma_wait3A_359 = tpu.memref_slice %arg8[%dma_wait3A_357, %dma_wait3A_358] : memref<10240x128xf32, #tpu.memory_space<vmem_shared>> -> memref<10240x128xf32, #tpu.memory_space<vmem_shared>>
        tpu.wait_indirect_dma semaphore(%arg28 : memref<!tpu.dma_semaphore, #tpu.memory_space<semaphore_mem>>) src(%arg12 : memref<64x128xf32, #tpu.memory_space<vmem>>) dst(%dma_wait3A_359 : memref<10240x128xf32, #tpu.memory_space<vmem_shared>>)
        %dma_start3A_360 = arith.constant 12 : i32
        %dma_start3A_361 = arith.constant 0 : i32
        %dma_start3A_362 = tpu.memref_slice %arg10[%dma_start3A_360, %dma_start3A_361] : memref<16x64xi32, #tpu.memory_space<vmem>> -> memref<1x64xi32, #tpu.memory_space<vmem>>
        %dma_start3A_363 = tpu.memref_squeeze %dma_start3A_362 : memref<1x64xi32, #tpu.memory_space<vmem>> -> memref<64xi32, #tpu.memory_space<vmem>>
        %dma_start3A_364 = arith.constant 0 : i32
        %dma_start3A_365 = arith.constant 0 : i32
        %dma_start3A_366 = tpu.memref_slice %arg7[%dma_start3A_364, %dma_start3A_365] : memref<10240x128xf32, #tpu.memory_space<hbm>> -> memref<10240x128xf32, #tpu.memory_space<hbm>>
        tpu.enqueue_indirect_dma source(%dma_start3A_366 : memref<10240x128xf32, #tpu.memory_space<hbm>>) target(%arg12 : memref<64x128xf32, #tpu.memory_space<vmem>>) offsets(%dma_start3A_363 : memref<64xi32, #tpu.memory_space<vmem>>) semaphore(%arg24 : memref<!tpu.dma_semaphore, #tpu.memory_space<semaphore_mem>>)
        %dma_wait3A_367 = arith.constant 11 : i32
        %dma_wait3A_368 = arith.constant 0 : i32
        %dma_wait3A_369 = tpu.memref_slice %arg10[%dma_wait3A_367, %dma_wait3A_368] : memref<16x64xi32, #tpu.memory_space<vmem>> -> memref<1x64xi32, #tpu.memory_space<vmem>>
        %dma_wait3A_370 = tpu.memref_squeeze %dma_wait3A_369 : memref<1x64xi32, #tpu.memory_space<vmem>> -> memref<64xi32, #tpu.memory_space<vmem>>
        %dma_wait3A_371 = arith.constant 0 : i32
        %dma_wait3A_372 = arith.constant 0 : i32
        %dma_wait3A_373 = tpu.memref_slice %arg7[%dma_wait3A_371, %dma_wait3A_372] : memref<10240x128xf32, #tpu.memory_space<hbm>> -> memref<10240x128xf32, #tpu.memory_space<hbm>>
        tpu.wait_indirect_dma semaphore(%arg27 : memref<!tpu.dma_semaphore, #tpu.memory_space<semaphore_mem>>) src(%dma_wait3A_373 : memref<10240x128xf32, #tpu.memory_space<hbm>>) dst(%arg15 : memref<64x128xf32, #tpu.memory_space<vmem>>)
        %dma_start3A_374 = arith.constant 11 : i32
        %dma_start3A_375 = arith.constant 0 : i32
        %dma_start3A_376 = tpu.memref_slice %arg11[%dma_start3A_374, %dma_start3A_375] : memref<16x64xi32, #tpu.memory_space<vmem>> -> memref<1x64xi32, #tpu.memory_space<vmem>>
        %dma_start3A_377 = tpu.memref_squeeze %dma_start3A_376 : memref<1x64xi32, #tpu.memory_space<vmem>> -> memref<64xi32, #tpu.memory_space<vmem>>
        %dma_start3A_378 = arith.constant 0 : i32
        %dma_start3A_379 = arith.constant 0 : i32
        %dma_start3A_380 = tpu.memref_slice %arg8[%dma_start3A_378, %dma_start3A_379] : memref<10240x128xf32, #tpu.memory_space<vmem_shared>> -> memref<10240x128xf32, #tpu.memory_space<vmem_shared>>
        tpu.enqueue_indirect_dma source(%arg15 : memref<64x128xf32, #tpu.memory_space<vmem>>) target(%dma_start3A_380 : memref<10240x128xf32, #tpu.memory_space<vmem_shared>>) offsets(%dma_start3A_377 : memref<64xi32, #tpu.memory_space<vmem>>) semaphore(%arg31 : memref<!tpu.dma_semaphore, #tpu.memory_space<semaphore_mem>>) {add = true}
        %dma_wait3A_381 = arith.constant 9 : i32
        %dma_wait3A_382 = arith.constant 0 : i32
        %dma_wait3A_383 = tpu.memref_slice %arg11[%dma_wait3A_381, %dma_wait3A_382] : memref<16x64xi32, #tpu.memory_space<vmem>> -> memref<1x64xi32, #tpu.memory_space<vmem>>
        %dma_wait3A_384 = tpu.memref_squeeze %dma_wait3A_383 : memref<1x64xi32, #tpu.memory_space<vmem>> -> memref<64xi32, #tpu.memory_space<vmem>>
        %dma_wait3A_385 = arith.constant 0 : i32
        %dma_wait3A_386 = arith.constant 0 : i32
        %dma_wait3A_387 = tpu.memref_slice %arg8[%dma_wait3A_385, %dma_wait3A_386] : memref<10240x128xf32, #tpu.memory_space<vmem_shared>> -> memref<10240x128xf32, #tpu.memory_space<vmem_shared>>
        tpu.wait_indirect_dma semaphore(%arg29 : memref<!tpu.dma_semaphore, #tpu.memory_space<semaphore_mem>>) src(%arg13 : memref<64x128xf32, #tpu.memory_space<vmem>>) dst(%dma_wait3A_387 : memref<10240x128xf32, #tpu.memory_space<vmem_shared>>)
        %dma_start3A_388 = arith.constant 13 : i32
        %dma_start3A_389 = arith.constant 0 : i32
        %dma_start3A_390 = tpu.memref_slice %arg10[%dma_start3A_388, %dma_start3A_389] : memref<16x64xi32, #tpu.memory_space<vmem>> -> memref<1x64xi32, #tpu.memory_space<vmem>>
        %dma_start3A_391 = tpu.memref_squeeze %dma_start3A_390 : memref<1x64xi32, #tpu.memory_space<vmem>> -> memref<64xi32, #tpu.memory_space<vmem>>
        %dma_start3A_392 = arith.constant 0 : i32
        %dma_start3A_393 = arith.constant 0 : i32
        %dma_start3A_394 = tpu.memref_slice %arg7[%dma_start3A_392, %dma_start3A_393] : memref<10240x128xf32, #tpu.memory_space<hbm>> -> memref<10240x128xf32, #tpu.memory_space<hbm>>
        tpu.enqueue_indirect_dma source(%dma_start3A_394 : memref<10240x128xf32, #tpu.memory_space<hbm>>) target(%arg13 : memref<64x128xf32, #tpu.memory_space<vmem>>) offsets(%dma_start3A_391 : memref<64xi32, #tpu.memory_space<vmem>>) semaphore(%arg25 : memref<!tpu.dma_semaphore, #tpu.memory_space<semaphore_mem>>)
        %dma_wait3A_395 = arith.constant 12 : i32
        %dma_wait3A_396 = arith.constant 0 : i32
        %dma_wait3A_397 = tpu.memref_slice %arg10[%dma_wait3A_395, %dma_wait3A_396] : memref<16x64xi32, #tpu.memory_space<vmem>> -> memref<1x64xi32, #tpu.memory_space<vmem>>
        %dma_wait3A_398 = tpu.memref_squeeze %dma_wait3A_397 : memref<1x64xi32, #tpu.memory_space<vmem>> -> memref<64xi32, #tpu.memory_space<vmem>>
        %dma_wait3A_399 = arith.constant 0 : i32
        %dma_wait3A_400 = arith.constant 0 : i32
        %dma_wait3A_401 = tpu.memref_slice %arg7[%dma_wait3A_399, %dma_wait3A_400] : memref<10240x128xf32, #tpu.memory_space<hbm>> -> memref<10240x128xf32, #tpu.memory_space<hbm>>
        tpu.wait_indirect_dma semaphore(%arg24 : memref<!tpu.dma_semaphore, #tpu.memory_space<semaphore_mem>>) src(%dma_wait3A_401 : memref<10240x128xf32, #tpu.memory_space<hbm>>) dst(%arg12 : memref<64x128xf32, #tpu.memory_space<vmem>>)
        %dma_start3A_402 = arith.constant 12 : i32
        %dma_start3A_403 = arith.constant 0 : i32
        %dma_start3A_404 = tpu.memref_slice %arg11[%dma_start3A_402, %dma_start3A_403] : memref<16x64xi32, #tpu.memory_space<vmem>> -> memref<1x64xi32, #tpu.memory_space<vmem>>
        %dma_start3A_405 = tpu.memref_squeeze %dma_start3A_404 : memref<1x64xi32, #tpu.memory_space<vmem>> -> memref<64xi32, #tpu.memory_space<vmem>>
        %dma_start3A_406 = arith.constant 0 : i32
        %dma_start3A_407 = arith.constant 0 : i32
        %dma_start3A_408 = tpu.memref_slice %arg8[%dma_start3A_406, %dma_start3A_407] : memref<10240x128xf32, #tpu.memory_space<vmem_shared>> -> memref<10240x128xf32, #tpu.memory_space<vmem_shared>>
        tpu.enqueue_indirect_dma source(%arg12 : memref<64x128xf32, #tpu.memory_space<vmem>>) target(%dma_start3A_408 : memref<10240x128xf32, #tpu.memory_space<vmem_shared>>) offsets(%dma_start3A_405 : memref<64xi32, #tpu.memory_space<vmem>>) semaphore(%arg28 : memref<!tpu.dma_semaphore, #tpu.memory_space<semaphore_mem>>) {add = true}
        %dma_wait3A_409 = arith.constant 10 : i32
        %dma_wait3A_410 = arith.constant 0 : i32
        %dma_wait3A_411 = tpu.memref_slice %arg11[%dma_wait3A_409, %dma_wait3A_410] : memref<16x64xi32, #tpu.memory_space<vmem>> -> memref<1x64xi32, #tpu.memory_space<vmem>>
        %dma_wait3A_412 = tpu.memref_squeeze %dma_wait3A_411 : memref<1x64xi32, #tpu.memory_space<vmem>> -> memref<64xi32, #tpu.memory_space<vmem>>
        %dma_wait3A_413 = arith.constant 0 : i32
        %dma_wait3A_414 = arith.constant 0 : i32
        %dma_wait3A_415 = tpu.memref_slice %arg8[%dma_wait3A_413, %dma_wait3A_414] : memref<10240x128xf32, #tpu.memory_space<vmem_shared>> -> memref<10240x128xf32, #tpu.memory_space<vmem_shared>>
        tpu.wait_indirect_dma semaphore(%arg30 : memref<!tpu.dma_semaphore, #tpu.memory_space<semaphore_mem>>) src(%arg14 : memref<64x128xf32, #tpu.memory_space<vmem>>) dst(%dma_wait3A_415 : memref<10240x128xf32, #tpu.memory_space<vmem_shared>>)
        %dma_start3A_416 = arith.constant 14 : i32
        %dma_start3A_417 = arith.constant 0 : i32
        %dma_start3A_418 = tpu.memref_slice %arg10[%dma_start3A_416, %dma_start3A_417] : memref<16x64xi32, #tpu.memory_space<vmem>> -> memref<1x64xi32, #tpu.memory_space<vmem>>
        %dma_start3A_419 = tpu.memref_squeeze %dma_start3A_418 : memref<1x64xi32, #tpu.memory_space<vmem>> -> memref<64xi32, #tpu.memory_space<vmem>>
        %dma_start3A_420 = arith.constant 0 : i32
        %dma_start3A_421 = arith.constant 0 : i32
        %dma_start3A_422 = tpu.memref_slice %arg7[%dma_start3A_420, %dma_start3A_421] : memref<10240x128xf32, #tpu.memory_space<hbm>> -> memref<10240x128xf32, #tpu.memory_space<hbm>>
        tpu.enqueue_indirect_dma source(%dma_start3A_422 : memref<10240x128xf32, #tpu.memory_space<hbm>>) target(%arg14 : memref<64x128xf32, #tpu.memory_space<vmem>>) offsets(%dma_start3A_419 : memref<64xi32, #tpu.memory_space<vmem>>) semaphore(%arg26 : memref<!tpu.dma_semaphore, #tpu.memory_space<semaphore_mem>>)
        %dma_wait3A_423 = arith.constant 13 : i32
        %dma_wait3A_424 = arith.constant 0 : i32
        %dma_wait3A_425 = tpu.memref_slice %arg10[%dma_wait3A_423, %dma_wait3A_424] : memref<16x64xi32, #tpu.memory_space<vmem>> -> memref<1x64xi32, #tpu.memory_space<vmem>>
        %dma_wait3A_426 = tpu.memref_squeeze %dma_wait3A_425 : memref<1x64xi32, #tpu.memory_space<vmem>> -> memref<64xi32, #tpu.memory_space<vmem>>
        %dma_wait3A_427 = arith.constant 0 : i32
        %dma_wait3A_428 = arith.constant 0 : i32
        %dma_wait3A_429 = tpu.memref_slice %arg7[%dma_wait3A_427, %dma_wait3A_428] : memref<10240x128xf32, #tpu.memory_space<hbm>> -> memref<10240x128xf32, #tpu.memory_space<hbm>>
        tpu.wait_indirect_dma semaphore(%arg25 : memref<!tpu.dma_semaphore, #tpu.memory_space<semaphore_mem>>) src(%dma_wait3A_429 : memref<10240x128xf32, #tpu.memory_space<hbm>>) dst(%arg13 : memref<64x128xf32, #tpu.memory_space<vmem>>)
        %dma_start3A_430 = arith.constant 13 : i32
        %dma_start3A_431 = arith.constant 0 : i32
        %dma_start3A_432 = tpu.memref_slice %arg11[%dma_start3A_430, %dma_start3A_431] : memref<16x64xi32, #tpu.memory_space<vmem>> -> memref<1x64xi32, #tpu.memory_space<vmem>>
        %dma_start3A_433 = tpu.memref_squeeze %dma_start3A_432 : memref<1x64xi32, #tpu.memory_space<vmem>> -> memref<64xi32, #tpu.memory_space<vmem>>
        %dma_start3A_434 = arith.constant 0 : i32
        %dma_start3A_435 = arith.constant 0 : i32
        %dma_start3A_436 = tpu.memref_slice %arg8[%dma_start3A_434, %dma_start3A_435] : memref<10240x128xf32, #tpu.memory_space<vmem_shared>> -> memref<10240x128xf32, #tpu.memory_space<vmem_shared>>
        tpu.enqueue_indirect_dma source(%arg13 : memref<64x128xf32, #tpu.memory_space<vmem>>) target(%dma_start3A_436 : memref<10240x128xf32, #tpu.memory_space<vmem_shared>>) offsets(%dma_start3A_433 : memref<64xi32, #tpu.memory_space<vmem>>) semaphore(%arg29 : memref<!tpu.dma_semaphore, #tpu.memory_space<semaphore_mem>>) {add = true}
        %dma_wait3A_437 = arith.constant 11 : i32
        %dma_wait3A_438 = arith.constant 0 : i32
        %dma_wait3A_439 = tpu.memref_slice %arg11[%dma_wait3A_437, %dma_wait3A_438] : memref<16x64xi32, #tpu.memory_space<vmem>> -> memref<1x64xi32, #tpu.memory_space<vmem>>
        %dma_wait3A_440 = tpu.memref_squeeze %dma_wait3A_439 : memref<1x64xi32, #tpu.memory_space<vmem>> -> memref<64xi32, #tpu.memory_space<vmem>>
        %dma_wait3A_441 = arith.constant 0 : i32
        %dma_wait3A_442 = arith.constant 0 : i32
        %dma_wait3A_443 = tpu.memref_slice %arg8[%dma_wait3A_441, %dma_wait3A_442] : memref<10240x128xf32, #tpu.memory_space<vmem_shared>> -> memref<10240x128xf32, #tpu.memory_space<vmem_shared>>
        tpu.wait_indirect_dma semaphore(%arg31 : memref<!tpu.dma_semaphore, #tpu.memory_space<semaphore_mem>>) src(%arg15 : memref<64x128xf32, #tpu.memory_space<vmem>>) dst(%dma_wait3A_443 : memref<10240x128xf32, #tpu.memory_space<vmem_shared>>)
        %dma_start3A_444 = arith.constant 15 : i32
        %dma_start3A_445 = arith.constant 0 : i32
        %dma_start3A_446 = tpu.memref_slice %arg10[%dma_start3A_444, %dma_start3A_445] : memref<16x64xi32, #tpu.memory_space<vmem>> -> memref<1x64xi32, #tpu.memory_space<vmem>>
        %dma_start3A_447 = tpu.memref_squeeze %dma_start3A_446 : memref<1x64xi32, #tpu.memory_space<vmem>> -> memref<64xi32, #tpu.memory_space<vmem>>
        %dma_start3A_448 = arith.constant 0 : i32
        %dma_start3A_449 = arith.constant 0 : i32
        %dma_start3A_450 = tpu.memref_slice %arg7[%dma_start3A_448, %dma_start3A_449] : memref<10240x128xf32, #tpu.memory_space<hbm>> -> memref<10240x128xf32, #tpu.memory_space<hbm>>
        tpu.enqueue_indirect_dma source(%dma_start3A_450 : memref<10240x128xf32, #tpu.memory_space<hbm>>) target(%arg15 : memref<64x128xf32, #tpu.memory_space<vmem>>) offsets(%dma_start3A_447 : memref<64xi32, #tpu.memory_space<vmem>>) semaphore(%arg27 : memref<!tpu.dma_semaphore, #tpu.memory_space<semaphore_mem>>)
        %dma_wait3A_451 = arith.constant 14 : i32
        %dma_wait3A_452 = arith.constant 0 : i32
        %dma_wait3A_453 = tpu.memref_slice %arg10[%dma_wait3A_451, %dma_wait3A_452] : memref<16x64xi32, #tpu.memory_space<vmem>> -> memref<1x64xi32, #tpu.memory_space<vmem>>
        %dma_wait3A_454 = tpu.memref_squeeze %dma_wait3A_453 : memref<1x64xi32, #tpu.memory_space<vmem>> -> memref<64xi32, #tpu.memory_space<vmem>>
        %dma_wait3A_455 = arith.constant 0 : i32
        %dma_wait3A_456 = arith.constant 0 : i32
        %dma_wait3A_457 = tpu.memref_slice %arg7[%dma_wait3A_455, %dma_wait3A_456] : memref<10240x128xf32, #tpu.memory_space<hbm>> -> memref<10240x128xf32, #tpu.memory_space<hbm>>
        tpu.wait_indirect_dma semaphore(%arg26 : memref<!tpu.dma_semaphore, #tpu.memory_space<semaphore_mem>>) src(%dma_wait3A_457 : memref<10240x128xf32, #tpu.memory_space<hbm>>) dst(%arg14 : memref<64x128xf32, #tpu.memory_space<vmem>>)
        %dma_start3A_458 = arith.constant 14 : i32
        %dma_start3A_459 = arith.constant 0 : i32
        %dma_start3A_460 = tpu.memref_slice %arg11[%dma_start3A_458, %dma_start3A_459] : memref<16x64xi32, #tpu.memory_space<vmem>> -> memref<1x64xi32, #tpu.memory_space<vmem>>
        %dma_start3A_461 = tpu.memref_squeeze %dma_start3A_460 : memref<1x64xi32, #tpu.memory_space<vmem>> -> memref<64xi32, #tpu.memory_space<vmem>>
        %dma_start3A_462 = arith.constant 0 : i32
        %dma_start3A_463 = arith.constant 0 : i32
        %dma_start3A_464 = tpu.memref_slice %arg8[%dma_start3A_462, %dma_start3A_463] : memref<10240x128xf32, #tpu.memory_space<vmem_shared>> -> memref<10240x128xf32, #tpu.memory_space<vmem_shared>>
        tpu.enqueue_indirect_dma source(%arg14 : memref<64x128xf32, #tpu.memory_space<vmem>>) target(%dma_start3A_464 : memref<10240x128xf32, #tpu.memory_space<vmem_shared>>) offsets(%dma_start3A_461 : memref<64xi32, #tpu.memory_space<vmem>>) semaphore(%arg30 : memref<!tpu.dma_semaphore, #tpu.memory_space<semaphore_mem>>) {add = true}
        %dma_wait3A_465 = arith.constant 15 : i32
        %dma_wait3A_466 = arith.constant 0 : i32
        %dma_wait3A_467 = tpu.memref_slice %arg10[%dma_wait3A_465, %dma_wait3A_466] : memref<16x64xi32, #tpu.memory_space<vmem>> -> memref<1x64xi32, #tpu.memory_space<vmem>>
        %dma_wait3A_468 = tpu.memref_squeeze %dma_wait3A_467 : memref<1x64xi32, #tpu.memory_space<vmem>> -> memref<64xi32, #tpu.memory_space<vmem>>
        %dma_wait3A_469 = arith.constant 0 : i32
        %dma_wait3A_470 = arith.constant 0 : i32
        %dma_wait3A_471 = tpu.memref_slice %arg7[%dma_wait3A_469, %dma_wait3A_470] : memref<10240x128xf32, #tpu.memory_space<hbm>> -> memref<10240x128xf32, #tpu.memory_space<hbm>>
        tpu.wait_indirect_dma semaphore(%arg27 : memref<!tpu.dma_semaphore, #tpu.memory_space<semaphore_mem>>) src(%dma_wait3A_471 : memref<10240x128xf32, #tpu.memory_space<hbm>>) dst(%arg15 : memref<64x128xf32, #tpu.memory_space<vmem>>)
        %dma_start3A_472 = arith.constant 15 : i32
        %dma_start3A_473 = arith.constant 0 : i32
        %dma_start3A_474 = tpu.memref_slice %arg11[%dma_start3A_472, %dma_start3A_473] : memref<16x64xi32, #tpu.memory_space<vmem>> -> memref<1x64xi32, #tpu.memory_space<vmem>>
        %dma_start3A_475 = tpu.memref_squeeze %dma_start3A_474 : memref<1x64xi32, #tpu.memory_space<vmem>> -> memref<64xi32, #tpu.memory_space<vmem>>
        %dma_start3A_476 = arith.constant 0 : i32
        %dma_start3A_477 = arith.constant 0 : i32
        %dma_start3A_478 = tpu.memref_slice %arg8[%dma_start3A_476, %dma_start3A_477] : memref<10240x128xf32, #tpu.memory_space<vmem_shared>> -> memref<10240x128xf32, #tpu.memory_space<vmem_shared>>
        tpu.enqueue_indirect_dma source(%arg15 : memref<64x128xf32, #tpu.memory_space<vmem>>) target(%dma_start3A_478 : memref<10240x128xf32, #tpu.memory_space<vmem_shared>>) offsets(%dma_start3A_475 : memref<64xi32, #tpu.memory_space<vmem>>) semaphore(%arg31 : memref<!tpu.dma_semaphore, #tpu.memory_space<semaphore_mem>>) {add = true}
        %dma_wait3A_479 = arith.constant 12 : i32
        %dma_wait3A_480 = arith.constant 0 : i32
        %dma_wait3A_481 = tpu.memref_slice %arg11[%dma_wait3A_479, %dma_wait3A_480] : memref<16x64xi32, #tpu.memory_space<vmem>> -> memref<1x64xi32, #tpu.memory_space<vmem>>
        %dma_wait3A_482 = tpu.memref_squeeze %dma_wait3A_481 : memref<1x64xi32, #tpu.memory_space<vmem>> -> memref<64xi32, #tpu.memory_space<vmem>>
        %dma_wait3A_483 = arith.constant 0 : i32
        %dma_wait3A_484 = arith.constant 0 : i32
        %dma_wait3A_485 = tpu.memref_slice %arg8[%dma_wait3A_483, %dma_wait3A_484] : memref<10240x128xf32, #tpu.memory_space<vmem_shared>> -> memref<10240x128xf32, #tpu.memory_space<vmem_shared>>
        tpu.wait_indirect_dma semaphore(%arg28 : memref<!tpu.dma_semaphore, #tpu.memory_space<semaphore_mem>>) src(%arg12 : memref<64x128xf32, #tpu.memory_space<vmem>>) dst(%dma_wait3A_485 : memref<10240x128xf32, #tpu.memory_space<vmem_shared>>)
        %dma_wait3A_486 = arith.constant 13 : i32
        %dma_wait3A_487 = arith.constant 0 : i32
        %dma_wait3A_488 = tpu.memref_slice %arg11[%dma_wait3A_486, %dma_wait3A_487] : memref<16x64xi32, #tpu.memory_space<vmem>> -> memref<1x64xi32, #tpu.memory_space<vmem>>
        %dma_wait3A_489 = tpu.memref_squeeze %dma_wait3A_488 : memref<1x64xi32, #tpu.memory_space<vmem>> -> memref<64xi32, #tpu.memory_space<vmem>>
        %dma_wait3A_490 = arith.constant 0 : i32
        %dma_wait3A_491 = arith.constant 0 : i32
        %dma_wait3A_492 = tpu.memref_slice %arg8[%dma_wait3A_490, %dma_wait3A_491] : memref<10240x128xf32, #tpu.memory_space<vmem_shared>> -> memref<10240x128xf32, #tpu.memory_space<vmem_shared>>
        tpu.wait_indirect_dma semaphore(%arg29 : memref<!tpu.dma_semaphore, #tpu.memory_space<semaphore_mem>>) src(%arg13 : memref<64x128xf32, #tpu.memory_space<vmem>>) dst(%dma_wait3A_492 : memref<10240x128xf32, #tpu.memory_space<vmem_shared>>)
        %dma_wait3A_493 = arith.constant 14 : i32
        %dma_wait3A_494 = arith.constant 0 : i32
        %dma_wait3A_495 = tpu.memref_slice %arg11[%dma_wait3A_493, %dma_wait3A_494] : memref<16x64xi32, #tpu.memory_space<vmem>> -> memref<1x64xi32, #tpu.memory_space<vmem>>
        %dma_wait3A_496 = tpu.memref_squeeze %dma_wait3A_495 : memref<1x64xi32, #tpu.memory_space<vmem>> -> memref<64xi32, #tpu.memory_space<vmem>>
        %dma_wait3A_497 = arith.constant 0 : i32
        %dma_wait3A_498 = arith.constant 0 : i32
        %dma_wait3A_499 = tpu.memref_slice %arg8[%dma_wait3A_497, %dma_wait3A_498] : memref<10240x128xf32, #tpu.memory_space<vmem_shared>> -> memref<10240x128xf32, #tpu.memory_space<vmem_shared>>
        tpu.wait_indirect_dma semaphore(%arg30 : memref<!tpu.dma_semaphore, #tpu.memory_space<semaphore_mem>>) src(%arg14 : memref<64x128xf32, #tpu.memory_space<vmem>>) dst(%dma_wait3A_499 : memref<10240x128xf32, #tpu.memory_space<vmem_shared>>)
        %dma_wait3A_500 = arith.constant 15 : i32
        %dma_wait3A_501 = arith.constant 0 : i32
        %dma_wait3A_502 = tpu.memref_slice %arg11[%dma_wait3A_500, %dma_wait3A_501] : memref<16x64xi32, #tpu.memory_space<vmem>> -> memref<1x64xi32, #tpu.memory_space<vmem>>
        %dma_wait3A_503 = tpu.memref_squeeze %dma_wait3A_502 : memref<1x64xi32, #tpu.memory_space<vmem>> -> memref<64xi32, #tpu.memory_space<vmem>>
        %dma_wait3A_504 = arith.constant 0 : i32
        %dma_wait3A_505 = arith.constant 0 : i32
        %dma_wait3A_506 = tpu.memref_slice %arg8[%dma_wait3A_504, %dma_wait3A_505] : memref<10240x128xf32, #tpu.memory_space<vmem_shared>> -> memref<10240x128xf32, #tpu.memory_space<vmem_shared>>
        tpu.wait_indirect_dma semaphore(%arg31 : memref<!tpu.dma_semaphore, #tpu.memory_space<semaphore_mem>>) src(%arg15 : memref<64x128xf32, #tpu.memory_space<vmem>>) dst(%dma_wait3A_506 : memref<10240x128xf32, #tpu.memory_space<vmem_shared>>)
      }
      %scan3A_50 = arith.constant 20 : i32
      %barrier3A_51 = arith.constant 0 : index
      tpu.barrier barrier_id(%barrier3A_51)
      %scan3A_52 = arith.constant 0 : i32
      %scan3A_53 = arith.constant 40 : i32
      %scan3A_54 = arith.addi %scan3A_52, %scan3A_53 : i32
      %scan3A_55 = arith.constant 1 : i32
      scf.for %scan3A_58 = %scan3A_52 to %scan3A_54 step %scan3A_55  : i32 {
        %mul3A_59 = arith.constant 16 : i32
        %mul3A_60 = arith.muli %scan3A_58, %mul3A_59 : i32
        %add3A = arith.addi %mul3A_2, %mul3A_60 : i32
        "tpu.region"() ({
          %run_scoped3A = tpu.sem_alloc : memref<!tpu.dma_semaphore, #tpu.memory_space<semaphore_mem>>
          %dma_start3A = arith.constant 0 : i32
          %dma_start3A_70 = tpu.memref_slice %arg8[%add3A, %dma_start3A] : memref<10240x128xf32, #tpu.memory_space<vmem_shared>> -> memref<16x128xf32, #tpu.memory_space<vmem_shared>>
          %dma_start3A_71 = arith.constant 0 : i32
          %dma_start3A_72 = tpu.memref_slice %arg8[%add3A, %dma_start3A_71] : memref<10240x128xf32, #tpu.memory_space<vmem_shared>> -> memref<16x128xf32, #tpu.memory_space<vmem_shared>>
          tpu.enqueue_dma source(%dma_start3A_72 : memref<16x128xf32, #tpu.memory_space<vmem_shared>>) target(%arg16 : memref<16x128xf32, #tpu.memory_space<vmem>>) target_semaphore(%run_scoped3A : memref<!tpu.dma_semaphore, #tpu.memory_space<semaphore_mem>>)
          %dma_wait3A = arith.constant 0 : i32
          %dma_wait3A_73 = tpu.memref_slice %arg8[%add3A, %dma_wait3A] : memref<10240x128xf32, #tpu.memory_space<vmem_shared>> -> memref<16x128xf32, #tpu.memory_space<vmem_shared>>
          %dma_wait3A_74 = arith.constant 0 : i32
          %dma_wait3A_75 = tpu.memref_slice %arg8[%add3A, %dma_wait3A_74] : memref<10240x128xf32, #tpu.memory_space<vmem_shared>> -> memref<16x128xf32, #tpu.memory_space<vmem_shared>>
          tpu.wait_dma2 semaphore(%run_scoped3A : memref<!tpu.dma_semaphore, #tpu.memory_space<semaphore_mem>>) src(%dma_wait3A_75 : memref<16x128xf32, #tpu.memory_space<vmem_shared>>) dst(%arg16 : memref<16x128xf32, #tpu.memory_space<vmem>>)
          tpu.yield
        }) : () -> ()
        %add3A_61 = arith.addi %mul3A_2, %mul3A_60 : i32
        "tpu.region"() ({
          %run_scoped3A = tpu.sem_alloc : memref<!tpu.dma_semaphore, #tpu.memory_space<semaphore_mem>>
          %dma_start3A = arith.constant 0 : i32
          %dma_start3A_70 = tpu.memref_slice %arg8[%add3A_61, %dma_start3A] : memref<10240x128xf32, #tpu.memory_space<vmem_shared>> -> memref<16x128xf32, #tpu.memory_space<vmem_shared>>
          %dma_start3A_71 = arith.constant 0 : i32
          %dma_start3A_72 = tpu.memref_slice %arg8[%add3A_61, %dma_start3A_71] : memref<10240x128xf32, #tpu.memory_space<vmem_shared>> -> memref<16x128xf32, #tpu.memory_space<vmem_shared>>
          tpu.enqueue_dma source(%arg20 : memref<16x128xf32, #tpu.memory_space<vmem>>) target(%dma_start3A_72 : memref<16x128xf32, #tpu.memory_space<vmem_shared>>) target_semaphore(%run_scoped3A : memref<!tpu.dma_semaphore, #tpu.memory_space<semaphore_mem>>)
          %dma_wait3A = arith.constant 0 : i32
          %dma_wait3A_73 = tpu.memref_slice %arg8[%add3A_61, %dma_wait3A] : memref<10240x128xf32, #tpu.memory_space<vmem_shared>> -> memref<16x128xf32, #tpu.memory_space<vmem_shared>>
          %dma_wait3A_74 = arith.constant 0 : i32
          %dma_wait3A_75 = tpu.memref_slice %arg8[%add3A_61, %dma_wait3A_74] : memref<10240x128xf32, #tpu.memory_space<vmem_shared>> -> memref<16x128xf32, #tpu.memory_space<vmem_shared>>
          tpu.wait_dma2 semaphore(%run_scoped3A : memref<!tpu.dma_semaphore, #tpu.memory_space<semaphore_mem>>) src(%arg20 : memref<16x128xf32, #tpu.memory_space<vmem>>) dst(%dma_wait3A_75 : memref<16x128xf32, #tpu.memory_space<vmem_shared>>)
          tpu.yield
        }) : () -> ()
        %add3A_62 = arith.addi %mul3A_2, %mul3A_60 : i32
        "tpu.region"() ({
          %run_scoped3A = tpu.sem_alloc : memref<!tpu.dma_semaphore, #tpu.memory_space<semaphore_mem>>
          %dma_start3A = arith.constant 0 : i32
          %dma_start3A_70 = tpu.memref_slice %arg2[%add3A_62, %dma_start3A] : memref<10240x128xf32, #tpu.memory_space<hbm>> -> memref<16x128xf32, #tpu.memory_space<hbm>>
          %dma_start3A_71 = arith.constant 0 : i32
          %dma_start3A_72 = tpu.memref_slice %arg2[%add3A_62, %dma_start3A_71] : memref<10240x128xf32, #tpu.memory_space<hbm>> -> memref<16x128xf32, #tpu.memory_space<hbm>>
          tpu.enqueue_dma source(%dma_start3A_72 : memref<16x128xf32, #tpu.memory_space<hbm>>) target(%arg17 : memref<16x128xf32, #tpu.memory_space<vmem>>) target_semaphore(%run_scoped3A : memref<!tpu.dma_semaphore, #tpu.memory_space<semaphore_mem>>)
          %dma_wait3A = arith.constant 0 : i32
          %dma_wait3A_73 = tpu.memref_slice %arg2[%add3A_62, %dma_wait3A] : memref<10240x128xf32, #tpu.memory_space<hbm>> -> memref<16x128xf32, #tpu.memory_space<hbm>>
          %dma_wait3A_74 = arith.constant 0 : i32
          %dma_wait3A_75 = tpu.memref_slice %arg2[%add3A_62, %dma_wait3A_74] : memref<10240x128xf32, #tpu.memory_space<hbm>> -> memref<16x128xf32, #tpu.memory_space<hbm>>
          tpu.wait_dma2 semaphore(%run_scoped3A : memref<!tpu.dma_semaphore, #tpu.memory_space<semaphore_mem>>) src(%dma_wait3A_75 : memref<16x128xf32, #tpu.memory_space<hbm>>) dst(%arg17 : memref<16x128xf32, #tpu.memory_space<vmem>>)
          tpu.yield
        }) : () -> ()
        %scan3A_63 = arith.constant 0 : i32
        %scan3A_64 = arith.constant 16 : i32
        %scan3A_65 = arith.addi %scan3A_63, %scan3A_64 : i32
        %scan3A_66 = arith.constant 1 : i32
        scf.for %scan3A_70 = %scan3A_63 to %scan3A_65 step %scan3A_66  : i32 {
          %add3A_71 = arith.addi %mul3A_60, %scan3A_70 : i32
          %broadcast_in_dim3A = vector.broadcast %add3A_71 : i32 to vector<16xi32>
          %gather3A = tpu.vector_load_idx %arg22[%broadcast_in_dim3A] : memref<640xf32, #tpu.memory_space<vmem>>[vector<16xi32>], vector<16xf32>,
          %mul3A_72 = arith.constant 0.899999976 : f32
          %mul3A_73 = vector.broadcast %mul3A_72 : f32 to vector<16xf32>
          %mul3A_74 = arith.mulf %mul3A_73, %gather3A : vector<16xf32>
          %get3A = arith.index_cast %scan3A_70 : i32 to index
          %get3A_75 = arith.constant 0 : index
          %get3A_76 = tpu.vector_load %arg16[%get3A, %get3A_75] {strides = array<i32>} : memref<16x128xf32, #tpu.memory_space<vmem>>, vector<16xf32>,
          %mul3A_77 = arith.mulf %mul3A_74, %get3A_76 : vector<16xf32>
          %get3A_78 = arith.index_cast %scan3A_70 : i32 to index
          %get3A_79 = arith.constant 0 : index
          %get3A_80 = tpu.vector_load %arg17[%get3A_78, %get3A_79] {strides = array<i32>} : memref<16x128xf32, #tpu.memory_space<vmem>>, vector<16xf32>,
          %mul3A_81 = arith.constant 1.000000e-01 : f32
          %mul3A_82 = vector.broadcast %mul3A_81 : f32 to vector<16xf32>
          %mul3A_83 = arith.mulf %mul3A_82, %get3A_80 : vector<16xf32>
          %add3A_84 = arith.addf %mul3A_77, %mul3A_83 : vector<16xf32>
          %swap3A = arith.index_cast %scan3A_70 : i32 to index
          %swap3A_85 = arith.constant 0 : index
          %swap3A_86 = tpu.vector_load %arg18[%swap3A, %swap3A_85] {strides = array<i32>} : memref<16x128xf32, #tpu.memory_space<vmem>>, vector<16xf32>,
          tpu.vector_store %arg18[%swap3A, %swap3A_85], %add3A_84 {strides = array<i32>} : memref<16x128xf32, #tpu.memory_space<vmem>>, vector<16xf32>,
          %mul3A_87 = arith.mulf %gather3A, %add3A_84 : vector<16xf32>
          %swap3A_88 = arith.index_cast %scan3A_70 : i32 to index
          %swap3A_89 = arith.constant 0 : index
          %swap3A_90 = tpu.vector_load %arg19[%swap3A_88, %swap3A_89] {strides = array<i32>} : memref<16x128xf32, #tpu.memory_space<vmem>>, vector<16xf32>,
          tpu.vector_store %arg19[%swap3A_88, %swap3A_89], %mul3A_87 {strides = array<i32>} : memref<16x128xf32, #tpu.memory_space<vmem>>, vector<16xf32>,
          %mul3A_91 = arith.constant 0.899999976 : f32
          %mul3A_92 = vector.broadcast %mul3A_91 : f32 to vector<16xf32>
          %mul3A_93 = arith.mulf %mul3A_92, %gather3A : vector<16xf32>
          %get3A_94 = arith.index_cast %scan3A_70 : i32 to index
          %get3A_95 = arith.constant 16 : index
          %get3A_96 = tpu.vector_load %arg16[%get3A_94, %get3A_95] {strides = array<i32>} : memref<16x128xf32, #tpu.memory_space<vmem>>, vector<16xf32>,
          %mul3A_97 = arith.mulf %mul3A_93, %get3A_96 : vector<16xf32>
          %get3A_98 = arith.index_cast %scan3A_70 : i32 to index
          %get3A_99 = arith.constant 16 : index
          %get3A_100 = tpu.vector_load %arg17[%get3A_98, %get3A_99] {strides = array<i32>} : memref<16x128xf32, #tpu.memory_space<vmem>>, vector<16xf32>,
          %mul3A_101 = arith.constant 1.000000e-01 : f32
          %mul3A_102 = vector.broadcast %mul3A_101 : f32 to vector<16xf32>
          %mul3A_103 = arith.mulf %mul3A_102, %get3A_100 : vector<16xf32>
          %add3A_104 = arith.addf %mul3A_97, %mul3A_103 : vector<16xf32>
          %swap3A_105 = arith.index_cast %scan3A_70 : i32 to index
          %swap3A_106 = arith.constant 16 : index
          %swap3A_107 = tpu.vector_load %arg18[%swap3A_105, %swap3A_106] {strides = array<i32>} : memref<16x128xf32, #tpu.memory_space<vmem>>, vector<16xf32>,
          tpu.vector_store %arg18[%swap3A_105, %swap3A_106], %add3A_104 {strides = array<i32>} : memref<16x128xf32, #tpu.memory_space<vmem>>, vector<16xf32>,
          %mul3A_108 = arith.mulf %gather3A, %add3A_104 : vector<16xf32>
          %swap3A_109 = arith.index_cast %scan3A_70 : i32 to index
          %swap3A_110 = arith.constant 16 : index
          %swap3A_111 = tpu.vector_load %arg19[%swap3A_109, %swap3A_110] {strides = array<i32>} : memref<16x128xf32, #tpu.memory_space<vmem>>, vector<16xf32>,
          tpu.vector_store %arg19[%swap3A_109, %swap3A_110], %mul3A_108 {strides = array<i32>} : memref<16x128xf32, #tpu.memory_space<vmem>>, vector<16xf32>,
          %mul3A_112 = arith.constant 0.899999976 : f32
          %mul3A_113 = vector.broadcast %mul3A_112 : f32 to vector<16xf32>
          %mul3A_114 = arith.mulf %mul3A_113, %gather3A : vector<16xf32>
          %get3A_115 = arith.index_cast %scan3A_70 : i32 to index
          %get3A_116 = arith.constant 32 : index
          %get3A_117 = tpu.vector_load %arg16[%get3A_115, %get3A_116] {strides = array<i32>} : memref<16x128xf32, #tpu.memory_space<vmem>>, vector<16xf32>,
          %mul3A_118 = arith.mulf %mul3A_114, %get3A_117 : vector<16xf32>
          %get3A_119 = arith.index_cast %scan3A_70 : i32 to index
          %get3A_120 = arith.constant 32 : index
          %get3A_121 = tpu.vector_load %arg17[%get3A_119, %get3A_120] {strides = array<i32>} : memref<16x128xf32, #tpu.memory_space<vmem>>, vector<16xf32>,
          %mul3A_122 = arith.constant 1.000000e-01 : f32
          %mul3A_123 = vector.broadcast %mul3A_122 : f32 to vector<16xf32>
          %mul3A_124 = arith.mulf %mul3A_123, %get3A_121 : vector<16xf32>
          %add3A_125 = arith.addf %mul3A_118, %mul3A_124 : vector<16xf32>
          %swap3A_126 = arith.index_cast %scan3A_70 : i32 to index
          %swap3A_127 = arith.constant 32 : index
          %swap3A_128 = tpu.vector_load %arg18[%swap3A_126, %swap3A_127] {strides = array<i32>} : memref<16x128xf32, #tpu.memory_space<vmem>>, vector<16xf32>,
          tpu.vector_store %arg18[%swap3A_126, %swap3A_127], %add3A_125 {strides = array<i32>} : memref<16x128xf32, #tpu.memory_space<vmem>>, vector<16xf32>,
          %mul3A_129 = arith.mulf %gather3A, %add3A_125 : vector<16xf32>
          %swap3A_130 = arith.index_cast %scan3A_70 : i32 to index
          %swap3A_131 = arith.constant 32 : index
          %swap3A_132 = tpu.vector_load %arg19[%swap3A_130, %swap3A_131] {strides = array<i32>} : memref<16x128xf32, #tpu.memory_space<vmem>>, vector<16xf32>,
          tpu.vector_store %arg19[%swap3A_130, %swap3A_131], %mul3A_129 {strides = array<i32>} : memref<16x128xf32, #tpu.memory_space<vmem>>, vector<16xf32>,
          %mul3A_133 = arith.constant 0.899999976 : f32
          %mul3A_134 = vector.broadcast %mul3A_133 : f32 to vector<16xf32>
          %mul3A_135 = arith.mulf %mul3A_134, %gather3A : vector<16xf32>
          %get3A_136 = arith.index_cast %scan3A_70 : i32 to index
          %get3A_137 = arith.constant 48 : index
          %get3A_138 = tpu.vector_load %arg16[%get3A_136, %get3A_137] {strides = array<i32>} : memref<16x128xf32, #tpu.memory_space<vmem>>, vector<16xf32>,
          %mul3A_139 = arith.mulf %mul3A_135, %get3A_138 : vector<16xf32>
          %get3A_140 = arith.index_cast %scan3A_70 : i32 to index
          %get3A_141 = arith.constant 48 : index
          %get3A_142 = tpu.vector_load %arg17[%get3A_140, %get3A_141] {strides = array<i32>} : memref<16x128xf32, #tpu.memory_space<vmem>>, vector<16xf32>,
          %mul3A_143 = arith.constant 1.000000e-01 : f32
          %mul3A_144 = vector.broadcast %mul3A_143 : f32 to vector<16xf32>
          %mul3A_145 = arith.mulf %mul3A_144, %get3A_142 : vector<16xf32>
          %add3A_146 = arith.addf %mul3A_139, %mul3A_145 : vector<16xf32>
          %swap3A_147 = arith.index_cast %scan3A_70 : i32 to index
          %swap3A_148 = arith.constant 48 : index
          %swap3A_149 = tpu.vector_load %arg18[%swap3A_147, %swap3A_148] {strides = array<i32>} : memref<16x128xf32, #tpu.memory_space<vmem>>, vector<16xf32>,
          tpu.vector_store %arg18[%swap3A_147, %swap3A_148], %add3A_146 {strides = array<i32>} : memref<16x128xf32, #tpu.memory_space<vmem>>, vector<16xf32>,
          %mul3A_150 = arith.mulf %gather3A, %add3A_146 : vector<16xf32>
          %swap3A_151 = arith.index_cast %scan3A_70 : i32 to index
          %swap3A_152 = arith.constant 48 : index
          %swap3A_153 = tpu.vector_load %arg19[%swap3A_151, %swap3A_152] {strides = array<i32>} : memref<16x128xf32, #tpu.memory_space<vmem>>, vector<16xf32>,
          tpu.vector_store %arg19[%swap3A_151, %swap3A_152], %mul3A_150 {strides = array<i32>} : memref<16x128xf32, #tpu.memory_space<vmem>>, vector<16xf32>,
          %mul3A_154 = arith.constant 0.899999976 : f32
          %mul3A_155 = vector.broadcast %mul3A_154 : f32 to vector<16xf32>
          %mul3A_156 = arith.mulf %mul3A_155, %gather3A : vector<16xf32>
          %get3A_157 = arith.index_cast %scan3A_70 : i32 to index
          %get3A_158 = arith.constant 64 : index
          %get3A_159 = tpu.vector_load %arg16[%get3A_157, %get3A_158] {strides = array<i32>} : memref<16x128xf32, #tpu.memory_space<vmem>>, vector<16xf32>,
          %mul3A_160 = arith.mulf %mul3A_156, %get3A_159 : vector<16xf32>
          %get3A_161 = arith.index_cast %scan3A_70 : i32 to index
          %get3A_162 = arith.constant 64 : index
          %get3A_163 = tpu.vector_load %arg17[%get3A_161, %get3A_162] {strides = array<i32>} : memref<16x128xf32, #tpu.memory_space<vmem>>, vector<16xf32>,
          %mul3A_164 = arith.constant 1.000000e-01 : f32
          %mul3A_165 = vector.broadcast %mul3A_164 : f32 to vector<16xf32>
          %mul3A_166 = arith.mulf %mul3A_165, %get3A_163 : vector<16xf32>
          %add3A_167 = arith.addf %mul3A_160, %mul3A_166 : vector<16xf32>
          %swap3A_168 = arith.index_cast %scan3A_70 : i32 to index
          %swap3A_169 = arith.constant 64 : index
          %swap3A_170 = tpu.vector_load %arg18[%swap3A_168, %swap3A_169] {strides = array<i32>} : memref<16x128xf32, #tpu.memory_space<vmem>>, vector<16xf32>,
          tpu.vector_store %arg18[%swap3A_168, %swap3A_169], %add3A_167 {strides = array<i32>} : memref<16x128xf32, #tpu.memory_space<vmem>>, vector<16xf32>,
          %mul3A_171 = arith.mulf %gather3A, %add3A_167 : vector<16xf32>
          %swap3A_172 = arith.index_cast %scan3A_70 : i32 to index
          %swap3A_173 = arith.constant 64 : index
          %swap3A_174 = tpu.vector_load %arg19[%swap3A_172, %swap3A_173] {strides = array<i32>} : memref<16x128xf32, #tpu.memory_space<vmem>>, vector<16xf32>,
          tpu.vector_store %arg19[%swap3A_172, %swap3A_173], %mul3A_171 {strides = array<i32>} : memref<16x128xf32, #tpu.memory_space<vmem>>, vector<16xf32>,
          %mul3A_175 = arith.constant 0.899999976 : f32
          %mul3A_176 = vector.broadcast %mul3A_175 : f32 to vector<16xf32>
          %mul3A_177 = arith.mulf %mul3A_176, %gather3A : vector<16xf32>
          %get3A_178 = arith.index_cast %scan3A_70 : i32 to index
          %get3A_179 = arith.constant 80 : index
          %get3A_180 = tpu.vector_load %arg16[%get3A_178, %get3A_179] {strides = array<i32>} : memref<16x128xf32, #tpu.memory_space<vmem>>, vector<16xf32>,
          %mul3A_181 = arith.mulf %mul3A_177, %get3A_180 : vector<16xf32>
          %get3A_182 = arith.index_cast %scan3A_70 : i32 to index
          %get3A_183 = arith.constant 80 : index
          %get3A_184 = tpu.vector_load %arg17[%get3A_182, %get3A_183] {strides = array<i32>} : memref<16x128xf32, #tpu.memory_space<vmem>>, vector<16xf32>,
          %mul3A_185 = arith.constant 1.000000e-01 : f32
          %mul3A_186 = vector.broadcast %mul3A_185 : f32 to vector<16xf32>
          %mul3A_187 = arith.mulf %mul3A_186, %get3A_184 : vector<16xf32>
          %add3A_188 = arith.addf %mul3A_181, %mul3A_187 : vector<16xf32>
          %swap3A_189 = arith.index_cast %scan3A_70 : i32 to index
          %swap3A_190 = arith.constant 80 : index
          %swap3A_191 = tpu.vector_load %arg18[%swap3A_189, %swap3A_190] {strides = array<i32>} : memref<16x128xf32, #tpu.memory_space<vmem>>, vector<16xf32>,
          tpu.vector_store %arg18[%swap3A_189, %swap3A_190], %add3A_188 {strides = array<i32>} : memref<16x128xf32, #tpu.memory_space<vmem>>, vector<16xf32>,
          %mul3A_192 = arith.mulf %gather3A, %add3A_188 : vector<16xf32>
          %swap3A_193 = arith.index_cast %scan3A_70 : i32 to index
          %swap3A_194 = arith.constant 80 : index
          %swap3A_195 = tpu.vector_load %arg19[%swap3A_193, %swap3A_194] {strides = array<i32>} : memref<16x128xf32, #tpu.memory_space<vmem>>, vector<16xf32>,
          tpu.vector_store %arg19[%swap3A_193, %swap3A_194], %mul3A_192 {strides = array<i32>} : memref<16x128xf32, #tpu.memory_space<vmem>>, vector<16xf32>,
          %mul3A_196 = arith.constant 0.899999976 : f32
          %mul3A_197 = vector.broadcast %mul3A_196 : f32 to vector<16xf32>
          %mul3A_198 = arith.mulf %mul3A_197, %gather3A : vector<16xf32>
          %get3A_199 = arith.index_cast %scan3A_70 : i32 to index
          %get3A_200 = arith.constant 96 : index
          %get3A_201 = tpu.vector_load %arg16[%get3A_199, %get3A_200] {strides = array<i32>} : memref<16x128xf32, #tpu.memory_space<vmem>>, vector<16xf32>,
          %mul3A_202 = arith.mulf %mul3A_198, %get3A_201 : vector<16xf32>
          %get3A_203 = arith.index_cast %scan3A_70 : i32 to index
          %get3A_204 = arith.constant 96 : index
          %get3A_205 = tpu.vector_load %arg17[%get3A_203, %get3A_204] {strides = array<i32>} : memref<16x128xf32, #tpu.memory_space<vmem>>, vector<16xf32>,
          %mul3A_206 = arith.constant 1.000000e-01 : f32
          %mul3A_207 = vector.broadcast %mul3A_206 : f32 to vector<16xf32>
          %mul3A_208 = arith.mulf %mul3A_207, %get3A_205 : vector<16xf32>
          %add3A_209 = arith.addf %mul3A_202, %mul3A_208 : vector<16xf32>
          %swap3A_210 = arith.index_cast %scan3A_70 : i32 to index
          %swap3A_211 = arith.constant 96 : index
          %swap3A_212 = tpu.vector_load %arg18[%swap3A_210, %swap3A_211] {strides = array<i32>} : memref<16x128xf32, #tpu.memory_space<vmem>>, vector<16xf32>,
          tpu.vector_store %arg18[%swap3A_210, %swap3A_211], %add3A_209 {strides = array<i32>} : memref<16x128xf32, #tpu.memory_space<vmem>>, vector<16xf32>,
          %mul3A_213 = arith.mulf %gather3A, %add3A_209 : vector<16xf32>
          %swap3A_214 = arith.index_cast %scan3A_70 : i32 to index
          %swap3A_215 = arith.constant 96 : index
          %swap3A_216 = tpu.vector_load %arg19[%swap3A_214, %swap3A_215] {strides = array<i32>} : memref<16x128xf32, #tpu.memory_space<vmem>>, vector<16xf32>,
          tpu.vector_store %arg19[%swap3A_214, %swap3A_215], %mul3A_213 {strides = array<i32>} : memref<16x128xf32, #tpu.memory_space<vmem>>, vector<16xf32>,
          %mul3A_217 = arith.constant 0.899999976 : f32
          %mul3A_218 = vector.broadcast %mul3A_217 : f32 to vector<16xf32>
          %mul3A_219 = arith.mulf %mul3A_218, %gather3A : vector<16xf32>
          %get3A_220 = arith.index_cast %scan3A_70 : i32 to index
          %get3A_221 = arith.constant 112 : index
          %get3A_222 = tpu.vector_load %arg16[%get3A_220, %get3A_221] {strides = array<i32>} : memref<16x128xf32, #tpu.memory_space<vmem>>, vector<16xf32>,
          %mul3A_223 = arith.mulf %mul3A_219, %get3A_222 : vector<16xf32>
          %get3A_224 = arith.index_cast %scan3A_70 : i32 to index
          %get3A_225 = arith.constant 112 : index
          %get3A_226 = tpu.vector_load %arg17[%get3A_224, %get3A_225] {strides = array<i32>} : memref<16x128xf32, #tpu.memory_space<vmem>>, vector<16xf32>,
          %mul3A_227 = arith.constant 1.000000e-01 : f32
          %mul3A_228 = vector.broadcast %mul3A_227 : f32 to vector<16xf32>
          %mul3A_229 = arith.mulf %mul3A_228, %get3A_226 : vector<16xf32>
          %add3A_230 = arith.addf %mul3A_223, %mul3A_229 : vector<16xf32>
          %swap3A_231 = arith.index_cast %scan3A_70 : i32 to index
          %swap3A_232 = arith.constant 112 : index
          %swap3A_233 = tpu.vector_load %arg18[%swap3A_231, %swap3A_232] {strides = array<i32>} : memref<16x128xf32, #tpu.memory_space<vmem>>, vector<16xf32>,
          tpu.vector_store %arg18[%swap3A_231, %swap3A_232], %add3A_230 {strides = array<i32>} : memref<16x128xf32, #tpu.memory_space<vmem>>, vector<16xf32>,
          %mul3A_234 = arith.mulf %gather3A, %add3A_230 : vector<16xf32>
          %swap3A_235 = arith.index_cast %scan3A_70 : i32 to index
          %swap3A_236 = arith.constant 112 : index
          %swap3A_237 = tpu.vector_load %arg19[%swap3A_235, %swap3A_236] {strides = array<i32>} : memref<16x128xf32, #tpu.memory_space<vmem>>, vector<16xf32>,
          tpu.vector_store %arg19[%swap3A_235, %swap3A_236], %mul3A_234 {strides = array<i32>} : memref<16x128xf32, #tpu.memory_space<vmem>>, vector<16xf32>,
        }
        %scan3A_67 = arith.constant 16 : i32
        %convert_element_type3A = arith.extui %eq3A_45 : i1 to i32
        %cond3A = arith.constant 0 : i32
        %cond3A_68 = arith.cmpi ne, %convert_element_type3A, %cond3A : i32
        scf.if %cond3A_68 {
          %add3A_70 = arith.addi %mul3A_2, %mul3A_60 : i32
          "tpu.region"() ({
            %run_scoped3A = tpu.sem_alloc : memref<!tpu.dma_semaphore, #tpu.memory_space<semaphore_mem>>
            %dma_start3A = arith.constant 0 : i32
            %dma_start3A_71 = tpu.memref_slice %arg5[%add3A_70, %dma_start3A] : memref<10240x128xf32, #tpu.memory_space<hbm>> -> memref<16x128xf32, #tpu.memory_space<hbm>>
            %dma_start3A_72 = arith.constant 0 : i32
            %dma_start3A_73 = tpu.memref_slice %arg5[%add3A_70, %dma_start3A_72] : memref<10240x128xf32, #tpu.memory_space<hbm>> -> memref<16x128xf32, #tpu.memory_space<hbm>>
            tpu.enqueue_dma source(%arg18 : memref<16x128xf32, #tpu.memory_space<vmem>>) target(%dma_start3A_73 : memref<16x128xf32, #tpu.memory_space<hbm>>) target_semaphore(%run_scoped3A : memref<!tpu.dma_semaphore, #tpu.memory_space<semaphore_mem>>)
            %dma_wait3A = arith.constant 0 : i32
            %dma_wait3A_74 = tpu.memref_slice %arg5[%add3A_70, %dma_wait3A] : memref<10240x128xf32, #tpu.memory_space<hbm>> -> memref<16x128xf32, #tpu.memory_space<hbm>>
            %dma_wait3A_75 = arith.constant 0 : i32
            %dma_wait3A_76 = tpu.memref_slice %arg5[%add3A_70, %dma_wait3A_75] : memref<10240x128xf32, #tpu.memory_space<hbm>> -> memref<16x128xf32, #tpu.memory_space<hbm>>
            tpu.wait_dma2 semaphore(%run_scoped3A : memref<!tpu.dma_semaphore, #tpu.memory_space<semaphore_mem>>) src(%arg18 : memref<16x128xf32, #tpu.memory_space<vmem>>) dst(%dma_wait3A_76 : memref<16x128xf32, #tpu.memory_space<hbm>>)
            tpu.yield
          }) : () -> ()
        } else {
        }
        %add3A_69 = arith.addi %mul3A_2, %mul3A_60 : i32
        "tpu.region"() ({
          %run_scoped3A = tpu.sem_alloc : memref<!tpu.dma_semaphore, #tpu.memory_space<semaphore_mem>>
          %dma_start3A = arith.constant 0 : i32
          %dma_start3A_70 = tpu.memref_slice %arg7[%add3A_69, %dma_start3A] : memref<10240x128xf32, #tpu.memory_space<hbm>> -> memref<16x128xf32, #tpu.memory_space<hbm>>
          %dma_start3A_71 = arith.constant 0 : i32
          %dma_start3A_72 = tpu.memref_slice %arg7[%add3A_69, %dma_start3A_71] : memref<10240x128xf32, #tpu.memory_space<hbm>> -> memref<16x128xf32, #tpu.memory_space<hbm>>
          tpu.enqueue_dma source(%arg19 : memref<16x128xf32, #tpu.memory_space<vmem>>) target(%dma_start3A_72 : memref<16x128xf32, #tpu.memory_space<hbm>>) target_semaphore(%run_scoped3A : memref<!tpu.dma_semaphore, #tpu.memory_space<semaphore_mem>>)
          %dma_wait3A = arith.constant 0 : i32
          %dma_wait3A_73 = tpu.memref_slice %arg7[%add3A_69, %dma_wait3A] : memref<10240x128xf32, #tpu.memory_space<hbm>> -> memref<16x128xf32, #tpu.memory_space<hbm>>
          %dma_wait3A_74 = arith.constant 0 : i32
          %dma_wait3A_75 = tpu.memref_slice %arg7[%add3A_69, %dma_wait3A_74] : memref<10240x128xf32, #tpu.memory_space<hbm>> -> memref<16x128xf32, #tpu.memory_space<hbm>>
          tpu.wait_dma2 semaphore(%run_scoped3A : memref<!tpu.dma_semaphore, #tpu.memory_space<semaphore_mem>>) src(%arg19 : memref<16x128xf32, #tpu.memory_space<vmem>>) dst(%dma_wait3A_75 : memref<16x128xf32, #tpu.memory_space<hbm>>)
          tpu.yield
        }) : () -> ()
      }
      %scan3A_56 = arith.constant 40 : i32
      %barrier3A_57 = arith.constant 0 : index
      tpu.barrier barrier_id(%barrier3A_57)
    }
    %scan3A_38 = arith.constant 10 : i32
    %scan3A_39 = arith.constant 0 : i32
    %scan3A_40 = arith.constant 10 : i32
    %scan3A_41 = arith.addi %scan3A_39, %scan3A_40 : i32
    %scan3A_42 = arith.constant 1 : i32
    scf.for %scan3A_44 = %scan3A_39 to %scan3A_41 step %scan3A_42  : i32 {
      %eq3A = arith.constant 9 : i32
      %eq3A_45 = arith.cmpi eq, %scan3A_44, %eq3A : i32
      %lt3A = arith.constant 9 : i32
      %lt3A_46 = arith.cmpi slt, %scan3A_44, %lt3A : i32
      %scan3A_47 = arith.constant 0 : i32
      %scan3A_48 = arith.constant 20 : i32
      %scan3A_49 = arith.addi %scan3A_47, %scan3A_48 : i32
      %scan3A_50 = arith.constant 1 : i32
      scf.for %scan3A_59 = %scan3A_47 to %scan3A_49 step %scan3A_50  : i32 {
        %mul3A_60 = arith.constant 16 : i32
        %mul3A_61 = arith.muli %scan3A_59, %mul3A_60 : i32
        %add3A = arith.addi %mul3A_0, %mul3A_61 : i32
        "tpu.region"() ({
          %run_scoped3A = tpu.sem_alloc : memref<!tpu.dma_semaphore, #tpu.memory_space<semaphore_mem>>
          %dma_start3A_508 = arith.constant 0 : i32
          %dma_start3A_509 = tpu.memref_slice %arg3[%add3A, %dma_start3A_508] : memref<5120x64xi32, #tpu.memory_space<hbm>> -> memref<16x64xi32, #tpu.memory_space<hbm>>
          %dma_start3A_510 = arith.constant 0 : i32
          %dma_start3A_511 = tpu.memref_slice %arg3[%add3A, %dma_start3A_510] : memref<5120x64xi32, #tpu.memory_space<hbm>> -> memref<16x64xi32, #tpu.memory_space<hbm>>
          tpu.enqueue_dma source(%dma_start3A_511 : memref<16x64xi32, #tpu.memory_space<hbm>>) target(%arg10 : memref<16x64xi32, #tpu.memory_space<vmem>>) target_semaphore(%run_scoped3A : memref<!tpu.dma_semaphore, #tpu.memory_space<semaphore_mem>>)
          %dma_wait3A_512 = arith.constant 0 : i32
          %dma_wait3A_513 = tpu.memref_slice %arg3[%add3A, %dma_wait3A_512] : memref<5120x64xi32, #tpu.memory_space<hbm>> -> memref<16x64xi32, #tpu.memory_space<hbm>>
          %dma_wait3A_514 = arith.constant 0 : i32
          %dma_wait3A_515 = tpu.memref_slice %arg3[%add3A, %dma_wait3A_514] : memref<5120x64xi32, #tpu.memory_space<hbm>> -> memref<16x64xi32, #tpu.memory_space<hbm>>
          tpu.wait_dma2 semaphore(%run_scoped3A : memref<!tpu.dma_semaphore, #tpu.memory_space<semaphore_mem>>) src(%dma_wait3A_515 : memref<16x64xi32, #tpu.memory_space<hbm>>) dst(%arg10 : memref<16x64xi32, #tpu.memory_space<vmem>>)
          tpu.yield
        }) : () -> ()
        "tpu.region"() ({
          %run_scoped3A = tpu.sem_alloc : memref<!tpu.dma_semaphore, #tpu.memory_space<semaphore_mem>>
          %dma_start3A_508 = arith.constant 0 : i32
          %dma_start3A_509 = tpu.memref_slice %arg4[%add3A, %dma_start3A_508] : memref<5120x64xi32, #tpu.memory_space<hbm>> -> memref<16x64xi32, #tpu.memory_space<hbm>>
          %dma_start3A_510 = arith.constant 0 : i32
          %dma_start3A_511 = tpu.memref_slice %arg4[%add3A, %dma_start3A_510] : memref<5120x64xi32, #tpu.memory_space<hbm>> -> memref<16x64xi32, #tpu.memory_space<hbm>>
          tpu.enqueue_dma source(%dma_start3A_511 : memref<16x64xi32, #tpu.memory_space<hbm>>) target(%arg11 : memref<16x64xi32, #tpu.memory_space<vmem>>) target_semaphore(%run_scoped3A : memref<!tpu.dma_semaphore, #tpu.memory_space<semaphore_mem>>)
          %dma_wait3A_512 = arith.constant 0 : i32
          %dma_wait3A_513 = tpu.memref_slice %arg4[%add3A, %dma_wait3A_512] : memref<5120x64xi32, #tpu.memory_space<hbm>> -> memref<16x64xi32, #tpu.memory_space<hbm>>
          %dma_wait3A_514 = arith.constant 0 : i32
          %dma_wait3A_515 = tpu.memref_slice %arg4[%add3A, %dma_wait3A_514] : memref<5120x64xi32, #tpu.memory_space<hbm>> -> memref<16x64xi32, #tpu.memory_space<hbm>>
          tpu.wait_dma2 semaphore(%run_scoped3A : memref<!tpu.dma_semaphore, #tpu.memory_space<semaphore_mem>>) src(%dma_wait3A_515 : memref<16x64xi32, #tpu.memory_space<hbm>>) dst(%arg11 : memref<16x64xi32, #tpu.memory_space<vmem>>)
          tpu.yield
        }) : () -> ()
        %dma_start3A = arith.constant 0 : i32
        %dma_start3A_62 = arith.constant 0 : i32
        %dma_start3A_63 = tpu.memref_slice %arg10[%dma_start3A, %dma_start3A_62] : memref<16x64xi32, #tpu.memory_space<vmem>> -> memref<1x64xi32, #tpu.memory_space<vmem>>
        %dma_start3A_64 = tpu.memref_squeeze %dma_start3A_63 : memref<1x64xi32, #tpu.memory_space<vmem>> -> memref<64xi32, #tpu.memory_space<vmem>>
        %dma_start3A_65 = arith.constant 0 : i32
        %dma_start3A_66 = arith.constant 0 : i32
        %dma_start3A_67 = tpu.memref_slice %arg7[%dma_start3A_65, %dma_start3A_66] : memref<10240x128xf32, #tpu.memory_space<hbm>> -> memref<10240x128xf32, #tpu.memory_space<hbm>>
        tpu.enqueue_indirect_dma source(%dma_start3A_67 : memref<10240x128xf32, #tpu.memory_space<hbm>>) target(%arg12 : memref<64x128xf32, #tpu.memory_space<vmem>>) offsets(%dma_start3A_64 : memref<64xi32, #tpu.memory_space<vmem>>) semaphore(%arg24 : memref<!tpu.dma_semaphore, #tpu.memory_space<semaphore_mem>>)
        %dma_start3A_68 = arith.constant 1 : i32
        %dma_start3A_69 = arith.constant 0 : i32
        %dma_start3A_70 = tpu.memref_slice %arg10[%dma_start3A_68, %dma_start3A_69] : memref<16x64xi32, #tpu.memory_space<vmem>> -> memref<1x64xi32, #tpu.memory_space<vmem>>
        %dma_start3A_71 = tpu.memref_squeeze %dma_start3A_70 : memref<1x64xi32, #tpu.memory_space<vmem>> -> memref<64xi32, #tpu.memory_space<vmem>>
        %dma_start3A_72 = arith.constant 0 : i32
        %dma_start3A_73 = arith.constant 0 : i32
        %dma_start3A_74 = tpu.memref_slice %arg7[%dma_start3A_72, %dma_start3A_73] : memref<10240x128xf32, #tpu.memory_space<hbm>> -> memref<10240x128xf32, #tpu.memory_space<hbm>>
        tpu.enqueue_indirect_dma source(%dma_start3A_74 : memref<10240x128xf32, #tpu.memory_space<hbm>>) target(%arg13 : memref<64x128xf32, #tpu.memory_space<vmem>>) offsets(%dma_start3A_71 : memref<64xi32, #tpu.memory_space<vmem>>) semaphore(%arg25 : memref<!tpu.dma_semaphore, #tpu.memory_space<semaphore_mem>>)
        %dma_start3A_75 = arith.constant 2 : i32
        %dma_start3A_76 = arith.constant 0 : i32
        %dma_start3A_77 = tpu.memref_slice %arg10[%dma_start3A_75, %dma_start3A_76] : memref<16x64xi32, #tpu.memory_space<vmem>> -> memref<1x64xi32, #tpu.memory_space<vmem>>
        %dma_start3A_78 = tpu.memref_squeeze %dma_start3A_77 : memref<1x64xi32, #tpu.memory_space<vmem>> -> memref<64xi32, #tpu.memory_space<vmem>>
        %dma_start3A_79 = arith.constant 0 : i32
        %dma_start3A_80 = arith.constant 0 : i32
        %dma_start3A_81 = tpu.memref_slice %arg7[%dma_start3A_79, %dma_start3A_80] : memref<10240x128xf32, #tpu.memory_space<hbm>> -> memref<10240x128xf32, #tpu.memory_space<hbm>>
        tpu.enqueue_indirect_dma source(%dma_start3A_81 : memref<10240x128xf32, #tpu.memory_space<hbm>>) target(%arg14 : memref<64x128xf32, #tpu.memory_space<vmem>>) offsets(%dma_start3A_78 : memref<64xi32, #tpu.memory_space<vmem>>) semaphore(%arg26 : memref<!tpu.dma_semaphore, #tpu.memory_space<semaphore_mem>>)
        %dma_start3A_82 = arith.constant 3 : i32
        %dma_start3A_83 = arith.constant 0 : i32
        %dma_start3A_84 = tpu.memref_slice %arg10[%dma_start3A_82, %dma_start3A_83] : memref<16x64xi32, #tpu.memory_space<vmem>> -> memref<1x64xi32, #tpu.memory_space<vmem>>
        %dma_start3A_85 = tpu.memref_squeeze %dma_start3A_84 : memref<1x64xi32, #tpu.memory_space<vmem>> -> memref<64xi32, #tpu.memory_space<vmem>>
        %dma_start3A_86 = arith.constant 0 : i32
        %dma_start3A_87 = arith.constant 0 : i32
        %dma_start3A_88 = tpu.memref_slice %arg7[%dma_start3A_86, %dma_start3A_87] : memref<10240x128xf32, #tpu.memory_space<hbm>> -> memref<10240x128xf32, #tpu.memory_space<hbm>>
        tpu.enqueue_indirect_dma source(%dma_start3A_88 : memref<10240x128xf32, #tpu.memory_space<hbm>>) target(%arg15 : memref<64x128xf32, #tpu.memory_space<vmem>>) offsets(%dma_start3A_85 : memref<64xi32, #tpu.memory_space<vmem>>) semaphore(%arg27 : memref<!tpu.dma_semaphore, #tpu.memory_space<semaphore_mem>>)
        %dma_wait3A = arith.constant 0 : i32
        %dma_wait3A_89 = arith.constant 0 : i32
        %dma_wait3A_90 = tpu.memref_slice %arg10[%dma_wait3A, %dma_wait3A_89] : memref<16x64xi32, #tpu.memory_space<vmem>> -> memref<1x64xi32, #tpu.memory_space<vmem>>
        %dma_wait3A_91 = tpu.memref_squeeze %dma_wait3A_90 : memref<1x64xi32, #tpu.memory_space<vmem>> -> memref<64xi32, #tpu.memory_space<vmem>>
        %dma_wait3A_92 = arith.constant 0 : i32
        %dma_wait3A_93 = arith.constant 0 : i32
        %dma_wait3A_94 = tpu.memref_slice %arg7[%dma_wait3A_92, %dma_wait3A_93] : memref<10240x128xf32, #tpu.memory_space<hbm>> -> memref<10240x128xf32, #tpu.memory_space<hbm>>
        tpu.wait_indirect_dma semaphore(%arg24 : memref<!tpu.dma_semaphore, #tpu.memory_space<semaphore_mem>>) src(%dma_wait3A_94 : memref<10240x128xf32, #tpu.memory_space<hbm>>) dst(%arg12 : memref<64x128xf32, #tpu.memory_space<vmem>>)
        %dma_start3A_95 = arith.constant 0 : i32
        %dma_start3A_96 = arith.constant 0 : i32
        %dma_start3A_97 = tpu.memref_slice %arg11[%dma_start3A_95, %dma_start3A_96] : memref<16x64xi32, #tpu.memory_space<vmem>> -> memref<1x64xi32, #tpu.memory_space<vmem>>
        %dma_start3A_98 = tpu.memref_squeeze %dma_start3A_97 : memref<1x64xi32, #tpu.memory_space<vmem>> -> memref<64xi32, #tpu.memory_space<vmem>>
        %dma_start3A_99 = arith.constant 0 : i32
        %dma_start3A_100 = arith.constant 0 : i32
        %dma_start3A_101 = tpu.memref_slice %arg8[%dma_start3A_99, %dma_start3A_100] : memref<10240x128xf32, #tpu.memory_space<vmem_shared>> -> memref<10240x128xf32, #tpu.memory_space<vmem_shared>>
        tpu.enqueue_indirect_dma source(%arg12 : memref<64x128xf32, #tpu.memory_space<vmem>>) target(%dma_start3A_101 : memref<10240x128xf32, #tpu.memory_space<vmem_shared>>) offsets(%dma_start3A_98 : memref<64xi32, #tpu.memory_space<vmem>>) semaphore(%arg28 : memref<!tpu.dma_semaphore, #tpu.memory_space<semaphore_mem>>) {add = true}
        %dma_wait3A_102 = arith.constant 1 : i32
        %dma_wait3A_103 = arith.constant 0 : i32
        %dma_wait3A_104 = tpu.memref_slice %arg10[%dma_wait3A_102, %dma_wait3A_103] : memref<16x64xi32, #tpu.memory_space<vmem>> -> memref<1x64xi32, #tpu.memory_space<vmem>>
        %dma_wait3A_105 = tpu.memref_squeeze %dma_wait3A_104 : memref<1x64xi32, #tpu.memory_space<vmem>> -> memref<64xi32, #tpu.memory_space<vmem>>
        %dma_wait3A_106 = arith.constant 0 : i32
        %dma_wait3A_107 = arith.constant 0 : i32
        %dma_wait3A_108 = tpu.memref_slice %arg7[%dma_wait3A_106, %dma_wait3A_107] : memref<10240x128xf32, #tpu.memory_space<hbm>> -> memref<10240x128xf32, #tpu.memory_space<hbm>>
        tpu.wait_indirect_dma semaphore(%arg25 : memref<!tpu.dma_semaphore, #tpu.memory_space<semaphore_mem>>) src(%dma_wait3A_108 : memref<10240x128xf32, #tpu.memory_space<hbm>>) dst(%arg13 : memref<64x128xf32, #tpu.memory_space<vmem>>)
        %dma_start3A_109 = arith.constant 1 : i32
        %dma_start3A_110 = arith.constant 0 : i32
        %dma_start3A_111 = tpu.memref_slice %arg11[%dma_start3A_109, %dma_start3A_110] : memref<16x64xi32, #tpu.memory_space<vmem>> -> memref<1x64xi32, #tpu.memory_space<vmem>>
        %dma_start3A_112 = tpu.memref_squeeze %dma_start3A_111 : memref<1x64xi32, #tpu.memory_space<vmem>> -> memref<64xi32, #tpu.memory_space<vmem>>
        %dma_start3A_113 = arith.constant 0 : i32
        %dma_start3A_114 = arith.constant 0 : i32
        %dma_start3A_115 = tpu.memref_slice %arg8[%dma_start3A_113, %dma_start3A_114] : memref<10240x128xf32, #tpu.memory_space<vmem_shared>> -> memref<10240x128xf32, #tpu.memory_space<vmem_shared>>
        tpu.enqueue_indirect_dma source(%arg13 : memref<64x128xf32, #tpu.memory_space<vmem>>) target(%dma_start3A_115 : memref<10240x128xf32, #tpu.memory_space<vmem_shared>>) offsets(%dma_start3A_112 : memref<64xi32, #tpu.memory_space<vmem>>) semaphore(%arg29 : memref<!tpu.dma_semaphore, #tpu.memory_space<semaphore_mem>>) {add = true}
        %dma_wait3A_116 = arith.constant 2 : i32
        %dma_wait3A_117 = arith.constant 0 : i32
        %dma_wait3A_118 = tpu.memref_slice %arg10[%dma_wait3A_116, %dma_wait3A_117] : memref<16x64xi32, #tpu.memory_space<vmem>> -> memref<1x64xi32, #tpu.memory_space<vmem>>
        %dma_wait3A_119 = tpu.memref_squeeze %dma_wait3A_118 : memref<1x64xi32, #tpu.memory_space<vmem>> -> memref<64xi32, #tpu.memory_space<vmem>>
        %dma_wait3A_120 = arith.constant 0 : i32
        %dma_wait3A_121 = arith.constant 0 : i32
        %dma_wait3A_122 = tpu.memref_slice %arg7[%dma_wait3A_120, %dma_wait3A_121] : memref<10240x128xf32, #tpu.memory_space<hbm>> -> memref<10240x128xf32, #tpu.memory_space<hbm>>
        tpu.wait_indirect_dma semaphore(%arg26 : memref<!tpu.dma_semaphore, #tpu.memory_space<semaphore_mem>>) src(%dma_wait3A_122 : memref<10240x128xf32, #tpu.memory_space<hbm>>) dst(%arg14 : memref<64x128xf32, #tpu.memory_space<vmem>>)
        %dma_start3A_123 = arith.constant 2 : i32
        %dma_start3A_124 = arith.constant 0 : i32
        %dma_start3A_125 = tpu.memref_slice %arg11[%dma_start3A_123, %dma_start3A_124] : memref<16x64xi32, #tpu.memory_space<vmem>> -> memref<1x64xi32, #tpu.memory_space<vmem>>
        %dma_start3A_126 = tpu.memref_squeeze %dma_start3A_125 : memref<1x64xi32, #tpu.memory_space<vmem>> -> memref<64xi32, #tpu.memory_space<vmem>>
        %dma_start3A_127 = arith.constant 0 : i32
        %dma_start3A_128 = arith.constant 0 : i32
        %dma_start3A_129 = tpu.memref_slice %arg8[%dma_start3A_127, %dma_start3A_128] : memref<10240x128xf32, #tpu.memory_space<vmem_shared>> -> memref<10240x128xf32, #tpu.memory_space<vmem_shared>>
        tpu.enqueue_indirect_dma source(%arg14 : memref<64x128xf32, #tpu.memory_space<vmem>>) target(%dma_start3A_129 : memref<10240x128xf32, #tpu.memory_space<vmem_shared>>) offsets(%dma_start3A_126 : memref<64xi32, #tpu.memory_space<vmem>>) semaphore(%arg30 : memref<!tpu.dma_semaphore, #tpu.memory_space<semaphore_mem>>) {add = true}
        %dma_wait3A_130 = arith.constant 0 : i32
        %dma_wait3A_131 = arith.constant 0 : i32
        %dma_wait3A_132 = tpu.memref_slice %arg11[%dma_wait3A_130, %dma_wait3A_131] : memref<16x64xi32, #tpu.memory_space<vmem>> -> memref<1x64xi32, #tpu.memory_space<vmem>>
        %dma_wait3A_133 = tpu.memref_squeeze %dma_wait3A_132 : memref<1x64xi32, #tpu.memory_space<vmem>> -> memref<64xi32, #tpu.memory_space<vmem>>
        %dma_wait3A_134 = arith.constant 0 : i32
        %dma_wait3A_135 = arith.constant 0 : i32
        %dma_wait3A_136 = tpu.memref_slice %arg8[%dma_wait3A_134, %dma_wait3A_135] : memref<10240x128xf32, #tpu.memory_space<vmem_shared>> -> memref<10240x128xf32, #tpu.memory_space<vmem_shared>>
        tpu.wait_indirect_dma semaphore(%arg28 : memref<!tpu.dma_semaphore, #tpu.memory_space<semaphore_mem>>) src(%arg12 : memref<64x128xf32, #tpu.memory_space<vmem>>) dst(%dma_wait3A_136 : memref<10240x128xf32, #tpu.memory_space<vmem_shared>>)
        %dma_start3A_137 = arith.constant 4 : i32
        %dma_start3A_138 = arith.constant 0 : i32
        %dma_start3A_139 = tpu.memref_slice %arg10[%dma_start3A_137, %dma_start3A_138] : memref<16x64xi32, #tpu.memory_space<vmem>> -> memref<1x64xi32, #tpu.memory_space<vmem>>
        %dma_start3A_140 = tpu.memref_squeeze %dma_start3A_139 : memref<1x64xi32, #tpu.memory_space<vmem>> -> memref<64xi32, #tpu.memory_space<vmem>>
        %dma_start3A_141 = arith.constant 0 : i32
        %dma_start3A_142 = arith.constant 0 : i32
        %dma_start3A_143 = tpu.memref_slice %arg7[%dma_start3A_141, %dma_start3A_142] : memref<10240x128xf32, #tpu.memory_space<hbm>> -> memref<10240x128xf32, #tpu.memory_space<hbm>>
        tpu.enqueue_indirect_dma source(%dma_start3A_143 : memref<10240x128xf32, #tpu.memory_space<hbm>>) target(%arg12 : memref<64x128xf32, #tpu.memory_space<vmem>>) offsets(%dma_start3A_140 : memref<64xi32, #tpu.memory_space<vmem>>) semaphore(%arg24 : memref<!tpu.dma_semaphore, #tpu.memory_space<semaphore_mem>>)
        %dma_wait3A_144 = arith.constant 3 : i32
        %dma_wait3A_145 = arith.constant 0 : i32
        %dma_wait3A_146 = tpu.memref_slice %arg10[%dma_wait3A_144, %dma_wait3A_145] : memref<16x64xi32, #tpu.memory_space<vmem>> -> memref<1x64xi32, #tpu.memory_space<vmem>>
        %dma_wait3A_147 = tpu.memref_squeeze %dma_wait3A_146 : memref<1x64xi32, #tpu.memory_space<vmem>> -> memref<64xi32, #tpu.memory_space<vmem>>
        %dma_wait3A_148 = arith.constant 0 : i32
        %dma_wait3A_149 = arith.constant 0 : i32
        %dma_wait3A_150 = tpu.memref_slice %arg7[%dma_wait3A_148, %dma_wait3A_149] : memref<10240x128xf32, #tpu.memory_space<hbm>> -> memref<10240x128xf32, #tpu.memory_space<hbm>>
        tpu.wait_indirect_dma semaphore(%arg27 : memref<!tpu.dma_semaphore, #tpu.memory_space<semaphore_mem>>) src(%dma_wait3A_150 : memref<10240x128xf32, #tpu.memory_space<hbm>>) dst(%arg15 : memref<64x128xf32, #tpu.memory_space<vmem>>)
        %dma_start3A_151 = arith.constant 3 : i32
        %dma_start3A_152 = arith.constant 0 : i32
        %dma_start3A_153 = tpu.memref_slice %arg11[%dma_start3A_151, %dma_start3A_152] : memref<16x64xi32, #tpu.memory_space<vmem>> -> memref<1x64xi32, #tpu.memory_space<vmem>>
        %dma_start3A_154 = tpu.memref_squeeze %dma_start3A_153 : memref<1x64xi32, #tpu.memory_space<vmem>> -> memref<64xi32, #tpu.memory_space<vmem>>
        %dma_start3A_155 = arith.constant 0 : i32
        %dma_start3A_156 = arith.constant 0 : i32
        %dma_start3A_157 = tpu.memref_slice %arg8[%dma_start3A_155, %dma_start3A_156] : memref<10240x128xf32, #tpu.memory_space<vmem_shared>> -> memref<10240x128xf32, #tpu.memory_space<vmem_shared>>
        tpu.enqueue_indirect_dma source(%arg15 : memref<64x128xf32, #tpu.memory_space<vmem>>) target(%dma_start3A_157 : memref<10240x128xf32, #tpu.memory_space<vmem_shared>>) offsets(%dma_start3A_154 : memref<64xi32, #tpu.memory_space<vmem>>) semaphore(%arg31 : memref<!tpu.dma_semaphore, #tpu.memory_space<semaphore_mem>>) {add = true}
        %dma_wait3A_158 = arith.constant 1 : i32
        %dma_wait3A_159 = arith.constant 0 : i32
        %dma_wait3A_160 = tpu.memref_slice %arg11[%dma_wait3A_158, %dma_wait3A_159] : memref<16x64xi32, #tpu.memory_space<vmem>> -> memref<1x64xi32, #tpu.memory_space<vmem>>
        %dma_wait3A_161 = tpu.memref_squeeze %dma_wait3A_160 : memref<1x64xi32, #tpu.memory_space<vmem>> -> memref<64xi32, #tpu.memory_space<vmem>>
        %dma_wait3A_162 = arith.constant 0 : i32
        %dma_wait3A_163 = arith.constant 0 : i32
        %dma_wait3A_164 = tpu.memref_slice %arg8[%dma_wait3A_162, %dma_wait3A_163] : memref<10240x128xf32, #tpu.memory_space<vmem_shared>> -> memref<10240x128xf32, #tpu.memory_space<vmem_shared>>
        tpu.wait_indirect_dma semaphore(%arg29 : memref<!tpu.dma_semaphore, #tpu.memory_space<semaphore_mem>>) src(%arg13 : memref<64x128xf32, #tpu.memory_space<vmem>>) dst(%dma_wait3A_164 : memref<10240x128xf32, #tpu.memory_space<vmem_shared>>)
        %dma_start3A_165 = arith.constant 5 : i32
        %dma_start3A_166 = arith.constant 0 : i32
        %dma_start3A_167 = tpu.memref_slice %arg10[%dma_start3A_165, %dma_start3A_166] : memref<16x64xi32, #tpu.memory_space<vmem>> -> memref<1x64xi32, #tpu.memory_space<vmem>>
        %dma_start3A_168 = tpu.memref_squeeze %dma_start3A_167 : memref<1x64xi32, #tpu.memory_space<vmem>> -> memref<64xi32, #tpu.memory_space<vmem>>
        %dma_start3A_169 = arith.constant 0 : i32
        %dma_start3A_170 = arith.constant 0 : i32
        %dma_start3A_171 = tpu.memref_slice %arg7[%dma_start3A_169, %dma_start3A_170] : memref<10240x128xf32, #tpu.memory_space<hbm>> -> memref<10240x128xf32, #tpu.memory_space<hbm>>
        tpu.enqueue_indirect_dma source(%dma_start3A_171 : memref<10240x128xf32, #tpu.memory_space<hbm>>) target(%arg13 : memref<64x128xf32, #tpu.memory_space<vmem>>) offsets(%dma_start3A_168 : memref<64xi32, #tpu.memory_space<vmem>>) semaphore(%arg25 : memref<!tpu.dma_semaphore, #tpu.memory_space<semaphore_mem>>)
        %dma_wait3A_172 = arith.constant 4 : i32
        %dma_wait3A_173 = arith.constant 0 : i32
        %dma_wait3A_174 = tpu.memref_slice %arg10[%dma_wait3A_172, %dma_wait3A_173] : memref<16x64xi32, #tpu.memory_space<vmem>> -> memref<1x64xi32, #tpu.memory_space<vmem>>
        %dma_wait3A_175 = tpu.memref_squeeze %dma_wait3A_174 : memref<1x64xi32, #tpu.memory_space<vmem>> -> memref<64xi32, #tpu.memory_space<vmem>>
        %dma_wait3A_176 = arith.constant 0 : i32
        %dma_wait3A_177 = arith.constant 0 : i32
        %dma_wait3A_178 = tpu.memref_slice %arg7[%dma_wait3A_176, %dma_wait3A_177] : memref<10240x128xf32, #tpu.memory_space<hbm>> -> memref<10240x128xf32, #tpu.memory_space<hbm>>
        tpu.wait_indirect_dma semaphore(%arg24 : memref<!tpu.dma_semaphore, #tpu.memory_space<semaphore_mem>>) src(%dma_wait3A_178 : memref<10240x128xf32, #tpu.memory_space<hbm>>) dst(%arg12 : memref<64x128xf32, #tpu.memory_space<vmem>>)
        %dma_start3A_179 = arith.constant 4 : i32
        %dma_start3A_180 = arith.constant 0 : i32
        %dma_start3A_181 = tpu.memref_slice %arg11[%dma_start3A_179, %dma_start3A_180] : memref<16x64xi32, #tpu.memory_space<vmem>> -> memref<1x64xi32, #tpu.memory_space<vmem>>
        %dma_start3A_182 = tpu.memref_squeeze %dma_start3A_181 : memref<1x64xi32, #tpu.memory_space<vmem>> -> memref<64xi32, #tpu.memory_space<vmem>>
        %dma_start3A_183 = arith.constant 0 : i32
        %dma_start3A_184 = arith.constant 0 : i32
        %dma_start3A_185 = tpu.memref_slice %arg8[%dma_start3A_183, %dma_start3A_184] : memref<10240x128xf32, #tpu.memory_space<vmem_shared>> -> memref<10240x128xf32, #tpu.memory_space<vmem_shared>>
        tpu.enqueue_indirect_dma source(%arg12 : memref<64x128xf32, #tpu.memory_space<vmem>>) target(%dma_start3A_185 : memref<10240x128xf32, #tpu.memory_space<vmem_shared>>) offsets(%dma_start3A_182 : memref<64xi32, #tpu.memory_space<vmem>>) semaphore(%arg28 : memref<!tpu.dma_semaphore, #tpu.memory_space<semaphore_mem>>) {add = true}
        %dma_wait3A_186 = arith.constant 2 : i32
        %dma_wait3A_187 = arith.constant 0 : i32
        %dma_wait3A_188 = tpu.memref_slice %arg11[%dma_wait3A_186, %dma_wait3A_187] : memref<16x64xi32, #tpu.memory_space<vmem>> -> memref<1x64xi32, #tpu.memory_space<vmem>>
        %dma_wait3A_189 = tpu.memref_squeeze %dma_wait3A_188 : memref<1x64xi32, #tpu.memory_space<vmem>> -> memref<64xi32, #tpu.memory_space<vmem>>
        %dma_wait3A_190 = arith.constant 0 : i32
        %dma_wait3A_191 = arith.constant 0 : i32
        %dma_wait3A_192 = tpu.memref_slice %arg8[%dma_wait3A_190, %dma_wait3A_191] : memref<10240x128xf32, #tpu.memory_space<vmem_shared>> -> memref<10240x128xf32, #tpu.memory_space<vmem_shared>>
        tpu.wait_indirect_dma semaphore(%arg30 : memref<!tpu.dma_semaphore, #tpu.memory_space<semaphore_mem>>) src(%arg14 : memref<64x128xf32, #tpu.memory_space<vmem>>) dst(%dma_wait3A_192 : memref<10240x128xf32, #tpu.memory_space<vmem_shared>>)
        %dma_start3A_193 = arith.constant 6 : i32
        %dma_start3A_194 = arith.constant 0 : i32
        %dma_start3A_195 = tpu.memref_slice %arg10[%dma_start3A_193, %dma_start3A_194] : memref<16x64xi32, #tpu.memory_space<vmem>> -> memref<1x64xi32, #tpu.memory_space<vmem>>
        %dma_start3A_196 = tpu.memref_squeeze %dma_start3A_195 : memref<1x64xi32, #tpu.memory_space<vmem>> -> memref<64xi32, #tpu.memory_space<vmem>>
        %dma_start3A_197 = arith.constant 0 : i32
        %dma_start3A_198 = arith.constant 0 : i32
        %dma_start3A_199 = tpu.memref_slice %arg7[%dma_start3A_197, %dma_start3A_198] : memref<10240x128xf32, #tpu.memory_space<hbm>> -> memref<10240x128xf32, #tpu.memory_space<hbm>>
        tpu.enqueue_indirect_dma source(%dma_start3A_199 : memref<10240x128xf32, #tpu.memory_space<hbm>>) target(%arg14 : memref<64x128xf32, #tpu.memory_space<vmem>>) offsets(%dma_start3A_196 : memref<64xi32, #tpu.memory_space<vmem>>) semaphore(%arg26 : memref<!tpu.dma_semaphore, #tpu.memory_space<semaphore_mem>>)
        %dma_wait3A_200 = arith.constant 5 : i32
        %dma_wait3A_201 = arith.constant 0 : i32
        %dma_wait3A_202 = tpu.memref_slice %arg10[%dma_wait3A_200, %dma_wait3A_201] : memref<16x64xi32, #tpu.memory_space<vmem>> -> memref<1x64xi32, #tpu.memory_space<vmem>>
        %dma_wait3A_203 = tpu.memref_squeeze %dma_wait3A_202 : memref<1x64xi32, #tpu.memory_space<vmem>> -> memref<64xi32, #tpu.memory_space<vmem>>
        %dma_wait3A_204 = arith.constant 0 : i32
        %dma_wait3A_205 = arith.constant 0 : i32
        %dma_wait3A_206 = tpu.memref_slice %arg7[%dma_wait3A_204, %dma_wait3A_205] : memref<10240x128xf32, #tpu.memory_space<hbm>> -> memref<10240x128xf32, #tpu.memory_space<hbm>>
        tpu.wait_indirect_dma semaphore(%arg25 : memref<!tpu.dma_semaphore, #tpu.memory_space<semaphore_mem>>) src(%dma_wait3A_206 : memref<10240x128xf32, #tpu.memory_space<hbm>>) dst(%arg13 : memref<64x128xf32, #tpu.memory_space<vmem>>)
        %dma_start3A_207 = arith.constant 5 : i32
        %dma_start3A_208 = arith.constant 0 : i32
        %dma_start3A_209 = tpu.memref_slice %arg11[%dma_start3A_207, %dma_start3A_208] : memref<16x64xi32, #tpu.memory_space<vmem>> -> memref<1x64xi32, #tpu.memory_space<vmem>>
        %dma_start3A_210 = tpu.memref_squeeze %dma_start3A_209 : memref<1x64xi32, #tpu.memory_space<vmem>> -> memref<64xi32, #tpu.memory_space<vmem>>
        %dma_start3A_211 = arith.constant 0 : i32
        %dma_start3A_212 = arith.constant 0 : i32
        %dma_start3A_213 = tpu.memref_slice %arg8[%dma_start3A_211, %dma_start3A_212] : memref<10240x128xf32, #tpu.memory_space<vmem_shared>> -> memref<10240x128xf32, #tpu.memory_space<vmem_shared>>
        tpu.enqueue_indirect_dma source(%arg13 : memref<64x128xf32, #tpu.memory_space<vmem>>) target(%dma_start3A_213 : memref<10240x128xf32, #tpu.memory_space<vmem_shared>>) offsets(%dma_start3A_210 : memref<64xi32, #tpu.memory_space<vmem>>) semaphore(%arg29 : memref<!tpu.dma_semaphore, #tpu.memory_space<semaphore_mem>>) {add = true}
        %dma_wait3A_214 = arith.constant 3 : i32
        %dma_wait3A_215 = arith.constant 0 : i32
        %dma_wait3A_216 = tpu.memref_slice %arg11[%dma_wait3A_214, %dma_wait3A_215] : memref<16x64xi32, #tpu.memory_space<vmem>> -> memref<1x64xi32, #tpu.memory_space<vmem>>
        %dma_wait3A_217 = tpu.memref_squeeze %dma_wait3A_216 : memref<1x64xi32, #tpu.memory_space<vmem>> -> memref<64xi32, #tpu.memory_space<vmem>>
        %dma_wait3A_218 = arith.constant 0 : i32
        %dma_wait3A_219 = arith.constant 0 : i32
        %dma_wait3A_220 = tpu.memref_slice %arg8[%dma_wait3A_218, %dma_wait3A_219] : memref<10240x128xf32, #tpu.memory_space<vmem_shared>> -> memref<10240x128xf32, #tpu.memory_space<vmem_shared>>
        tpu.wait_indirect_dma semaphore(%arg31 : memref<!tpu.dma_semaphore, #tpu.memory_space<semaphore_mem>>) src(%arg15 : memref<64x128xf32, #tpu.memory_space<vmem>>) dst(%dma_wait3A_220 : memref<10240x128xf32, #tpu.memory_space<vmem_shared>>)
        %dma_start3A_221 = arith.constant 7 : i32
        %dma_start3A_222 = arith.constant 0 : i32
        %dma_start3A_223 = tpu.memref_slice %arg10[%dma_start3A_221, %dma_start3A_222] : memref<16x64xi32, #tpu.memory_space<vmem>> -> memref<1x64xi32, #tpu.memory_space<vmem>>
        %dma_start3A_224 = tpu.memref_squeeze %dma_start3A_223 : memref<1x64xi32, #tpu.memory_space<vmem>> -> memref<64xi32, #tpu.memory_space<vmem>>
        %dma_start3A_225 = arith.constant 0 : i32
        %dma_start3A_226 = arith.constant 0 : i32
        %dma_start3A_227 = tpu.memref_slice %arg7[%dma_start3A_225, %dma_start3A_226] : memref<10240x128xf32, #tpu.memory_space<hbm>> -> memref<10240x128xf32, #tpu.memory_space<hbm>>
        tpu.enqueue_indirect_dma source(%dma_start3A_227 : memref<10240x128xf32, #tpu.memory_space<hbm>>) target(%arg15 : memref<64x128xf32, #tpu.memory_space<vmem>>) offsets(%dma_start3A_224 : memref<64xi32, #tpu.memory_space<vmem>>) semaphore(%arg27 : memref<!tpu.dma_semaphore, #tpu.memory_space<semaphore_mem>>)
        %dma_wait3A_228 = arith.constant 6 : i32
        %dma_wait3A_229 = arith.constant 0 : i32
        %dma_wait3A_230 = tpu.memref_slice %arg10[%dma_wait3A_228, %dma_wait3A_229] : memref<16x64xi32, #tpu.memory_space<vmem>> -> memref<1x64xi32, #tpu.memory_space<vmem>>
        %dma_wait3A_231 = tpu.memref_squeeze %dma_wait3A_230 : memref<1x64xi32, #tpu.memory_space<vmem>> -> memref<64xi32, #tpu.memory_space<vmem>>
        %dma_wait3A_232 = arith.constant 0 : i32
        %dma_wait3A_233 = arith.constant 0 : i32
        %dma_wait3A_234 = tpu.memref_slice %arg7[%dma_wait3A_232, %dma_wait3A_233] : memref<10240x128xf32, #tpu.memory_space<hbm>> -> memref<10240x128xf32, #tpu.memory_space<hbm>>
        tpu.wait_indirect_dma semaphore(%arg26 : memref<!tpu.dma_semaphore, #tpu.memory_space<semaphore_mem>>) src(%dma_wait3A_234 : memref<10240x128xf32, #tpu.memory_space<hbm>>) dst(%arg14 : memref<64x128xf32, #tpu.memory_space<vmem>>)
        %dma_start3A_235 = arith.constant 6 : i32
        %dma_start3A_236 = arith.constant 0 : i32
        %dma_start3A_237 = tpu.memref_slice %arg11[%dma_start3A_235, %dma_start3A_236] : memref<16x64xi32, #tpu.memory_space<vmem>> -> memref<1x64xi32, #tpu.memory_space<vmem>>
        %dma_start3A_238 = tpu.memref_squeeze %dma_start3A_237 : memref<1x64xi32, #tpu.memory_space<vmem>> -> memref<64xi32, #tpu.memory_space<vmem>>
        %dma_start3A_239 = arith.constant 0 : i32
        %dma_start3A_240 = arith.constant 0 : i32
        %dma_start3A_241 = tpu.memref_slice %arg8[%dma_start3A_239, %dma_start3A_240] : memref<10240x128xf32, #tpu.memory_space<vmem_shared>> -> memref<10240x128xf32, #tpu.memory_space<vmem_shared>>
        tpu.enqueue_indirect_dma source(%arg14 : memref<64x128xf32, #tpu.memory_space<vmem>>) target(%dma_start3A_241 : memref<10240x128xf32, #tpu.memory_space<vmem_shared>>) offsets(%dma_start3A_238 : memref<64xi32, #tpu.memory_space<vmem>>) semaphore(%arg30 : memref<!tpu.dma_semaphore, #tpu.memory_space<semaphore_mem>>) {add = true}
        %dma_wait3A_242 = arith.constant 4 : i32
        %dma_wait3A_243 = arith.constant 0 : i32
        %dma_wait3A_244 = tpu.memref_slice %arg11[%dma_wait3A_242, %dma_wait3A_243] : memref<16x64xi32, #tpu.memory_space<vmem>> -> memref<1x64xi32, #tpu.memory_space<vmem>>
        %dma_wait3A_245 = tpu.memref_squeeze %dma_wait3A_244 : memref<1x64xi32, #tpu.memory_space<vmem>> -> memref<64xi32, #tpu.memory_space<vmem>>
        %dma_wait3A_246 = arith.constant 0 : i32
        %dma_wait3A_247 = arith.constant 0 : i32
        %dma_wait3A_248 = tpu.memref_slice %arg8[%dma_wait3A_246, %dma_wait3A_247] : memref<10240x128xf32, #tpu.memory_space<vmem_shared>> -> memref<10240x128xf32, #tpu.memory_space<vmem_shared>>
        tpu.wait_indirect_dma semaphore(%arg28 : memref<!tpu.dma_semaphore, #tpu.memory_space<semaphore_mem>>) src(%arg12 : memref<64x128xf32, #tpu.memory_space<vmem>>) dst(%dma_wait3A_248 : memref<10240x128xf32, #tpu.memory_space<vmem_shared>>)
        %dma_start3A_249 = arith.constant 8 : i32
        %dma_start3A_250 = arith.constant 0 : i32
        %dma_start3A_251 = tpu.memref_slice %arg10[%dma_start3A_249, %dma_start3A_250] : memref<16x64xi32, #tpu.memory_space<vmem>> -> memref<1x64xi32, #tpu.memory_space<vmem>>
        %dma_start3A_252 = tpu.memref_squeeze %dma_start3A_251 : memref<1x64xi32, #tpu.memory_space<vmem>> -> memref<64xi32, #tpu.memory_space<vmem>>
        %dma_start3A_253 = arith.constant 0 : i32
        %dma_start3A_254 = arith.constant 0 : i32
        %dma_start3A_255 = tpu.memref_slice %arg7[%dma_start3A_253, %dma_start3A_254] : memref<10240x128xf32, #tpu.memory_space<hbm>> -> memref<10240x128xf32, #tpu.memory_space<hbm>>
        tpu.enqueue_indirect_dma source(%dma_start3A_255 : memref<10240x128xf32, #tpu.memory_space<hbm>>) target(%arg12 : memref<64x128xf32, #tpu.memory_space<vmem>>) offsets(%dma_start3A_252 : memref<64xi32, #tpu.memory_space<vmem>>) semaphore(%arg24 : memref<!tpu.dma_semaphore, #tpu.memory_space<semaphore_mem>>)
        %dma_wait3A_256 = arith.constant 7 : i32
        %dma_wait3A_257 = arith.constant 0 : i32
        %dma_wait3A_258 = tpu.memref_slice %arg10[%dma_wait3A_256, %dma_wait3A_257] : memref<16x64xi32, #tpu.memory_space<vmem>> -> memref<1x64xi32, #tpu.memory_space<vmem>>
        %dma_wait3A_259 = tpu.memref_squeeze %dma_wait3A_258 : memref<1x64xi32, #tpu.memory_space<vmem>> -> memref<64xi32, #tpu.memory_space<vmem>>
        %dma_wait3A_260 = arith.constant 0 : i32
        %dma_wait3A_261 = arith.constant 0 : i32
        %dma_wait3A_262 = tpu.memref_slice %arg7[%dma_wait3A_260, %dma_wait3A_261] : memref<10240x128xf32, #tpu.memory_space<hbm>> -> memref<10240x128xf32, #tpu.memory_space<hbm>>
        tpu.wait_indirect_dma semaphore(%arg27 : memref<!tpu.dma_semaphore, #tpu.memory_space<semaphore_mem>>) src(%dma_wait3A_262 : memref<10240x128xf32, #tpu.memory_space<hbm>>) dst(%arg15 : memref<64x128xf32, #tpu.memory_space<vmem>>)
        %dma_start3A_263 = arith.constant 7 : i32
        %dma_start3A_264 = arith.constant 0 : i32
        %dma_start3A_265 = tpu.memref_slice %arg11[%dma_start3A_263, %dma_start3A_264] : memref<16x64xi32, #tpu.memory_space<vmem>> -> memref<1x64xi32, #tpu.memory_space<vmem>>
        %dma_start3A_266 = tpu.memref_squeeze %dma_start3A_265 : memref<1x64xi32, #tpu.memory_space<vmem>> -> memref<64xi32, #tpu.memory_space<vmem>>
        %dma_start3A_267 = arith.constant 0 : i32
        %dma_start3A_268 = arith.constant 0 : i32
        %dma_start3A_269 = tpu.memref_slice %arg8[%dma_start3A_267, %dma_start3A_268] : memref<10240x128xf32, #tpu.memory_space<vmem_shared>> -> memref<10240x128xf32, #tpu.memory_space<vmem_shared>>
        tpu.enqueue_indirect_dma source(%arg15 : memref<64x128xf32, #tpu.memory_space<vmem>>) target(%dma_start3A_269 : memref<10240x128xf32, #tpu.memory_space<vmem_shared>>) offsets(%dma_start3A_266 : memref<64xi32, #tpu.memory_space<vmem>>) semaphore(%arg31 : memref<!tpu.dma_semaphore, #tpu.memory_space<semaphore_mem>>) {add = true}
        %dma_wait3A_270 = arith.constant 5 : i32
        %dma_wait3A_271 = arith.constant 0 : i32
        %dma_wait3A_272 = tpu.memref_slice %arg11[%dma_wait3A_270, %dma_wait3A_271] : memref<16x64xi32, #tpu.memory_space<vmem>> -> memref<1x64xi32, #tpu.memory_space<vmem>>
        %dma_wait3A_273 = tpu.memref_squeeze %dma_wait3A_272 : memref<1x64xi32, #tpu.memory_space<vmem>> -> memref<64xi32, #tpu.memory_space<vmem>>
        %dma_wait3A_274 = arith.constant 0 : i32
        %dma_wait3A_275 = arith.constant 0 : i32
        %dma_wait3A_276 = tpu.memref_slice %arg8[%dma_wait3A_274, %dma_wait3A_275] : memref<10240x128xf32, #tpu.memory_space<vmem_shared>> -> memref<10240x128xf32, #tpu.memory_space<vmem_shared>>
        tpu.wait_indirect_dma semaphore(%arg29 : memref<!tpu.dma_semaphore, #tpu.memory_space<semaphore_mem>>) src(%arg13 : memref<64x128xf32, #tpu.memory_space<vmem>>) dst(%dma_wait3A_276 : memref<10240x128xf32, #tpu.memory_space<vmem_shared>>)
        %dma_start3A_277 = arith.constant 9 : i32
        %dma_start3A_278 = arith.constant 0 : i32
        %dma_start3A_279 = tpu.memref_slice %arg10[%dma_start3A_277, %dma_start3A_278] : memref<16x64xi32, #tpu.memory_space<vmem>> -> memref<1x64xi32, #tpu.memory_space<vmem>>
        %dma_start3A_280 = tpu.memref_squeeze %dma_start3A_279 : memref<1x64xi32, #tpu.memory_space<vmem>> -> memref<64xi32, #tpu.memory_space<vmem>>
        %dma_start3A_281 = arith.constant 0 : i32
        %dma_start3A_282 = arith.constant 0 : i32
        %dma_start3A_283 = tpu.memref_slice %arg7[%dma_start3A_281, %dma_start3A_282] : memref<10240x128xf32, #tpu.memory_space<hbm>> -> memref<10240x128xf32, #tpu.memory_space<hbm>>
        tpu.enqueue_indirect_dma source(%dma_start3A_283 : memref<10240x128xf32, #tpu.memory_space<hbm>>) target(%arg13 : memref<64x128xf32, #tpu.memory_space<vmem>>) offsets(%dma_start3A_280 : memref<64xi32, #tpu.memory_space<vmem>>) semaphore(%arg25 : memref<!tpu.dma_semaphore, #tpu.memory_space<semaphore_mem>>)
        %dma_wait3A_284 = arith.constant 8 : i32
        %dma_wait3A_285 = arith.constant 0 : i32
        %dma_wait3A_286 = tpu.memref_slice %arg10[%dma_wait3A_284, %dma_wait3A_285] : memref<16x64xi32, #tpu.memory_space<vmem>> -> memref<1x64xi32, #tpu.memory_space<vmem>>
        %dma_wait3A_287 = tpu.memref_squeeze %dma_wait3A_286 : memref<1x64xi32, #tpu.memory_space<vmem>> -> memref<64xi32, #tpu.memory_space<vmem>>
        %dma_wait3A_288 = arith.constant 0 : i32
        %dma_wait3A_289 = arith.constant 0 : i32
        %dma_wait3A_290 = tpu.memref_slice %arg7[%dma_wait3A_288, %dma_wait3A_289] : memref<10240x128xf32, #tpu.memory_space<hbm>> -> memref<10240x128xf32, #tpu.memory_space<hbm>>
        tpu.wait_indirect_dma semaphore(%arg24 : memref<!tpu.dma_semaphore, #tpu.memory_space<semaphore_mem>>) src(%dma_wait3A_290 : memref<10240x128xf32, #tpu.memory_space<hbm>>) dst(%arg12 : memref<64x128xf32, #tpu.memory_space<vmem>>)
        %dma_start3A_291 = arith.constant 8 : i32
        %dma_start3A_292 = arith.constant 0 : i32
        %dma_start3A_293 = tpu.memref_slice %arg11[%dma_start3A_291, %dma_start3A_292] : memref<16x64xi32, #tpu.memory_space<vmem>> -> memref<1x64xi32, #tpu.memory_space<vmem>>
        %dma_start3A_294 = tpu.memref_squeeze %dma_start3A_293 : memref<1x64xi32, #tpu.memory_space<vmem>> -> memref<64xi32, #tpu.memory_space<vmem>>
        %dma_start3A_295 = arith.constant 0 : i32
        %dma_start3A_296 = arith.constant 0 : i32
        %dma_start3A_297 = tpu.memref_slice %arg8[%dma_start3A_295, %dma_start3A_296] : memref<10240x128xf32, #tpu.memory_space<vmem_shared>> -> memref<10240x128xf32, #tpu.memory_space<vmem_shared>>
        tpu.enqueue_indirect_dma source(%arg12 : memref<64x128xf32, #tpu.memory_space<vmem>>) target(%dma_start3A_297 : memref<10240x128xf32, #tpu.memory_space<vmem_shared>>) offsets(%dma_start3A_294 : memref<64xi32, #tpu.memory_space<vmem>>) semaphore(%arg28 : memref<!tpu.dma_semaphore, #tpu.memory_space<semaphore_mem>>) {add = true}
        %dma_wait3A_298 = arith.constant 6 : i32
        %dma_wait3A_299 = arith.constant 0 : i32
        %dma_wait3A_300 = tpu.memref_slice %arg11[%dma_wait3A_298, %dma_wait3A_299] : memref<16x64xi32, #tpu.memory_space<vmem>> -> memref<1x64xi32, #tpu.memory_space<vmem>>
        %dma_wait3A_301 = tpu.memref_squeeze %dma_wait3A_300 : memref<1x64xi32, #tpu.memory_space<vmem>> -> memref<64xi32, #tpu.memory_space<vmem>>
        %dma_wait3A_302 = arith.constant 0 : i32
        %dma_wait3A_303 = arith.constant 0 : i32
        %dma_wait3A_304 = tpu.memref_slice %arg8[%dma_wait3A_302, %dma_wait3A_303] : memref<10240x128xf32, #tpu.memory_space<vmem_shared>> -> memref<10240x128xf32, #tpu.memory_space<vmem_shared>>
        tpu.wait_indirect_dma semaphore(%arg30 : memref<!tpu.dma_semaphore, #tpu.memory_space<semaphore_mem>>) src(%arg14 : memref<64x128xf32, #tpu.memory_space<vmem>>) dst(%dma_wait3A_304 : memref<10240x128xf32, #tpu.memory_space<vmem_shared>>)
        %dma_start3A_305 = arith.constant 10 : i32
        %dma_start3A_306 = arith.constant 0 : i32
        %dma_start3A_307 = tpu.memref_slice %arg10[%dma_start3A_305, %dma_start3A_306] : memref<16x64xi32, #tpu.memory_space<vmem>> -> memref<1x64xi32, #tpu.memory_space<vmem>>
        %dma_start3A_308 = tpu.memref_squeeze %dma_start3A_307 : memref<1x64xi32, #tpu.memory_space<vmem>> -> memref<64xi32, #tpu.memory_space<vmem>>
        %dma_start3A_309 = arith.constant 0 : i32
        %dma_start3A_310 = arith.constant 0 : i32
        %dma_start3A_311 = tpu.memref_slice %arg7[%dma_start3A_309, %dma_start3A_310] : memref<10240x128xf32, #tpu.memory_space<hbm>> -> memref<10240x128xf32, #tpu.memory_space<hbm>>
        tpu.enqueue_indirect_dma source(%dma_start3A_311 : memref<10240x128xf32, #tpu.memory_space<hbm>>) target(%arg14 : memref<64x128xf32, #tpu.memory_space<vmem>>) offsets(%dma_start3A_308 : memref<64xi32, #tpu.memory_space<vmem>>) semaphore(%arg26 : memref<!tpu.dma_semaphore, #tpu.memory_space<semaphore_mem>>)
        %dma_wait3A_312 = arith.constant 9 : i32
        %dma_wait3A_313 = arith.constant 0 : i32
        %dma_wait3A_314 = tpu.memref_slice %arg10[%dma_wait3A_312, %dma_wait3A_313] : memref<16x64xi32, #tpu.memory_space<vmem>> -> memref<1x64xi32, #tpu.memory_space<vmem>>
        %dma_wait3A_315 = tpu.memref_squeeze %dma_wait3A_314 : memref<1x64xi32, #tpu.memory_space<vmem>> -> memref<64xi32, #tpu.memory_space<vmem>>
        %dma_wait3A_316 = arith.constant 0 : i32
        %dma_wait3A_317 = arith.constant 0 : i32
        %dma_wait3A_318 = tpu.memref_slice %arg7[%dma_wait3A_316, %dma_wait3A_317] : memref<10240x128xf32, #tpu.memory_space<hbm>> -> memref<10240x128xf32, #tpu.memory_space<hbm>>
        tpu.wait_indirect_dma semaphore(%arg25 : memref<!tpu.dma_semaphore, #tpu.memory_space<semaphore_mem>>) src(%dma_wait3A_318 : memref<10240x128xf32, #tpu.memory_space<hbm>>) dst(%arg13 : memref<64x128xf32, #tpu.memory_space<vmem>>)
        %dma_start3A_319 = arith.constant 9 : i32
        %dma_start3A_320 = arith.constant 0 : i32
        %dma_start3A_321 = tpu.memref_slice %arg11[%dma_start3A_319, %dma_start3A_320] : memref<16x64xi32, #tpu.memory_space<vmem>> -> memref<1x64xi32, #tpu.memory_space<vmem>>
        %dma_start3A_322 = tpu.memref_squeeze %dma_start3A_321 : memref<1x64xi32, #tpu.memory_space<vmem>> -> memref<64xi32, #tpu.memory_space<vmem>>
        %dma_start3A_323 = arith.constant 0 : i32
        %dma_start3A_324 = arith.constant 0 : i32
        %dma_start3A_325 = tpu.memref_slice %arg8[%dma_start3A_323, %dma_start3A_324] : memref<10240x128xf32, #tpu.memory_space<vmem_shared>> -> memref<10240x128xf32, #tpu.memory_space<vmem_shared>>
        tpu.enqueue_indirect_dma source(%arg13 : memref<64x128xf32, #tpu.memory_space<vmem>>) target(%dma_start3A_325 : memref<10240x128xf32, #tpu.memory_space<vmem_shared>>) offsets(%dma_start3A_322 : memref<64xi32, #tpu.memory_space<vmem>>) semaphore(%arg29 : memref<!tpu.dma_semaphore, #tpu.memory_space<semaphore_mem>>) {add = true}
        %dma_wait3A_326 = arith.constant 7 : i32
        %dma_wait3A_327 = arith.constant 0 : i32
        %dma_wait3A_328 = tpu.memref_slice %arg11[%dma_wait3A_326, %dma_wait3A_327] : memref<16x64xi32, #tpu.memory_space<vmem>> -> memref<1x64xi32, #tpu.memory_space<vmem>>
        %dma_wait3A_329 = tpu.memref_squeeze %dma_wait3A_328 : memref<1x64xi32, #tpu.memory_space<vmem>> -> memref<64xi32, #tpu.memory_space<vmem>>
        %dma_wait3A_330 = arith.constant 0 : i32
        %dma_wait3A_331 = arith.constant 0 : i32
        %dma_wait3A_332 = tpu.memref_slice %arg8[%dma_wait3A_330, %dma_wait3A_331] : memref<10240x128xf32, #tpu.memory_space<vmem_shared>> -> memref<10240x128xf32, #tpu.memory_space<vmem_shared>>
        tpu.wait_indirect_dma semaphore(%arg31 : memref<!tpu.dma_semaphore, #tpu.memory_space<semaphore_mem>>) src(%arg15 : memref<64x128xf32, #tpu.memory_space<vmem>>) dst(%dma_wait3A_332 : memref<10240x128xf32, #tpu.memory_space<vmem_shared>>)
        %dma_start3A_333 = arith.constant 11 : i32
        %dma_start3A_334 = arith.constant 0 : i32
        %dma_start3A_335 = tpu.memref_slice %arg10[%dma_start3A_333, %dma_start3A_334] : memref<16x64xi32, #tpu.memory_space<vmem>> -> memref<1x64xi32, #tpu.memory_space<vmem>>
        %dma_start3A_336 = tpu.memref_squeeze %dma_start3A_335 : memref<1x64xi32, #tpu.memory_space<vmem>> -> memref<64xi32, #tpu.memory_space<vmem>>
        %dma_start3A_337 = arith.constant 0 : i32
        %dma_start3A_338 = arith.constant 0 : i32
        %dma_start3A_339 = tpu.memref_slice %arg7[%dma_start3A_337, %dma_start3A_338] : memref<10240x128xf32, #tpu.memory_space<hbm>> -> memref<10240x128xf32, #tpu.memory_space<hbm>>
        tpu.enqueue_indirect_dma source(%dma_start3A_339 : memref<10240x128xf32, #tpu.memory_space<hbm>>) target(%arg15 : memref<64x128xf32, #tpu.memory_space<vmem>>) offsets(%dma_start3A_336 : memref<64xi32, #tpu.memory_space<vmem>>) semaphore(%arg27 : memref<!tpu.dma_semaphore, #tpu.memory_space<semaphore_mem>>)
        %dma_wait3A_340 = arith.constant 10 : i32
        %dma_wait3A_341 = arith.constant 0 : i32
        %dma_wait3A_342 = tpu.memref_slice %arg10[%dma_wait3A_340, %dma_wait3A_341] : memref<16x64xi32, #tpu.memory_space<vmem>> -> memref<1x64xi32, #tpu.memory_space<vmem>>
        %dma_wait3A_343 = tpu.memref_squeeze %dma_wait3A_342 : memref<1x64xi32, #tpu.memory_space<vmem>> -> memref<64xi32, #tpu.memory_space<vmem>>
        %dma_wait3A_344 = arith.constant 0 : i32
        %dma_wait3A_345 = arith.constant 0 : i32
        %dma_wait3A_346 = tpu.memref_slice %arg7[%dma_wait3A_344, %dma_wait3A_345] : memref<10240x128xf32, #tpu.memory_space<hbm>> -> memref<10240x128xf32, #tpu.memory_space<hbm>>
        tpu.wait_indirect_dma semaphore(%arg26 : memref<!tpu.dma_semaphore, #tpu.memory_space<semaphore_mem>>) src(%dma_wait3A_346 : memref<10240x128xf32, #tpu.memory_space<hbm>>) dst(%arg14 : memref<64x128xf32, #tpu.memory_space<vmem>>)
        %dma_start3A_347 = arith.constant 10 : i32
        %dma_start3A_348 = arith.constant 0 : i32
        %dma_start3A_349 = tpu.memref_slice %arg11[%dma_start3A_347, %dma_start3A_348] : memref<16x64xi32, #tpu.memory_space<vmem>> -> memref<1x64xi32, #tpu.memory_space<vmem>>
        %dma_start3A_350 = tpu.memref_squeeze %dma_start3A_349 : memref<1x64xi32, #tpu.memory_space<vmem>> -> memref<64xi32, #tpu.memory_space<vmem>>
        %dma_start3A_351 = arith.constant 0 : i32
        %dma_start3A_352 = arith.constant 0 : i32
        %dma_start3A_353 = tpu.memref_slice %arg8[%dma_start3A_351, %dma_start3A_352] : memref<10240x128xf32, #tpu.memory_space<vmem_shared>> -> memref<10240x128xf32, #tpu.memory_space<vmem_shared>>
        tpu.enqueue_indirect_dma source(%arg14 : memref<64x128xf32, #tpu.memory_space<vmem>>) target(%dma_start3A_353 : memref<10240x128xf32, #tpu.memory_space<vmem_shared>>) offsets(%dma_start3A_350 : memref<64xi32, #tpu.memory_space<vmem>>) semaphore(%arg30 : memref<!tpu.dma_semaphore, #tpu.memory_space<semaphore_mem>>) {add = true}
        %dma_wait3A_354 = arith.constant 8 : i32
        %dma_wait3A_355 = arith.constant 0 : i32
        %dma_wait3A_356 = tpu.memref_slice %arg11[%dma_wait3A_354, %dma_wait3A_355] : memref<16x64xi32, #tpu.memory_space<vmem>> -> memref<1x64xi32, #tpu.memory_space<vmem>>
        %dma_wait3A_357 = tpu.memref_squeeze %dma_wait3A_356 : memref<1x64xi32, #tpu.memory_space<vmem>> -> memref<64xi32, #tpu.memory_space<vmem>>
        %dma_wait3A_358 = arith.constant 0 : i32
        %dma_wait3A_359 = arith.constant 0 : i32
        %dma_wait3A_360 = tpu.memref_slice %arg8[%dma_wait3A_358, %dma_wait3A_359] : memref<10240x128xf32, #tpu.memory_space<vmem_shared>> -> memref<10240x128xf32, #tpu.memory_space<vmem_shared>>
        tpu.wait_indirect_dma semaphore(%arg28 : memref<!tpu.dma_semaphore, #tpu.memory_space<semaphore_mem>>) src(%arg12 : memref<64x128xf32, #tpu.memory_space<vmem>>) dst(%dma_wait3A_360 : memref<10240x128xf32, #tpu.memory_space<vmem_shared>>)
        %dma_start3A_361 = arith.constant 12 : i32
        %dma_start3A_362 = arith.constant 0 : i32
        %dma_start3A_363 = tpu.memref_slice %arg10[%dma_start3A_361, %dma_start3A_362] : memref<16x64xi32, #tpu.memory_space<vmem>> -> memref<1x64xi32, #tpu.memory_space<vmem>>
        %dma_start3A_364 = tpu.memref_squeeze %dma_start3A_363 : memref<1x64xi32, #tpu.memory_space<vmem>> -> memref<64xi32, #tpu.memory_space<vmem>>
        %dma_start3A_365 = arith.constant 0 : i32
        %dma_start3A_366 = arith.constant 0 : i32
        %dma_start3A_367 = tpu.memref_slice %arg7[%dma_start3A_365, %dma_start3A_366] : memref<10240x128xf32, #tpu.memory_space<hbm>> -> memref<10240x128xf32, #tpu.memory_space<hbm>>
        tpu.enqueue_indirect_dma source(%dma_start3A_367 : memref<10240x128xf32, #tpu.memory_space<hbm>>) target(%arg12 : memref<64x128xf32, #tpu.memory_space<vmem>>) offsets(%dma_start3A_364 : memref<64xi32, #tpu.memory_space<vmem>>) semaphore(%arg24 : memref<!tpu.dma_semaphore, #tpu.memory_space<semaphore_mem>>)
        %dma_wait3A_368 = arith.constant 11 : i32
        %dma_wait3A_369 = arith.constant 0 : i32
        %dma_wait3A_370 = tpu.memref_slice %arg10[%dma_wait3A_368, %dma_wait3A_369] : memref<16x64xi32, #tpu.memory_space<vmem>> -> memref<1x64xi32, #tpu.memory_space<vmem>>
        %dma_wait3A_371 = tpu.memref_squeeze %dma_wait3A_370 : memref<1x64xi32, #tpu.memory_space<vmem>> -> memref<64xi32, #tpu.memory_space<vmem>>
        %dma_wait3A_372 = arith.constant 0 : i32
        %dma_wait3A_373 = arith.constant 0 : i32
        %dma_wait3A_374 = tpu.memref_slice %arg7[%dma_wait3A_372, %dma_wait3A_373] : memref<10240x128xf32, #tpu.memory_space<hbm>> -> memref<10240x128xf32, #tpu.memory_space<hbm>>
        tpu.wait_indirect_dma semaphore(%arg27 : memref<!tpu.dma_semaphore, #tpu.memory_space<semaphore_mem>>) src(%dma_wait3A_374 : memref<10240x128xf32, #tpu.memory_space<hbm>>) dst(%arg15 : memref<64x128xf32, #tpu.memory_space<vmem>>)
        %dma_start3A_375 = arith.constant 11 : i32
        %dma_start3A_376 = arith.constant 0 : i32
        %dma_start3A_377 = tpu.memref_slice %arg11[%dma_start3A_375, %dma_start3A_376] : memref<16x64xi32, #tpu.memory_space<vmem>> -> memref<1x64xi32, #tpu.memory_space<vmem>>
        %dma_start3A_378 = tpu.memref_squeeze %dma_start3A_377 : memref<1x64xi32, #tpu.memory_space<vmem>> -> memref<64xi32, #tpu.memory_space<vmem>>
        %dma_start3A_379 = arith.constant 0 : i32
        %dma_start3A_380 = arith.constant 0 : i32
        %dma_start3A_381 = tpu.memref_slice %arg8[%dma_start3A_379, %dma_start3A_380] : memref<10240x128xf32, #tpu.memory_space<vmem_shared>> -> memref<10240x128xf32, #tpu.memory_space<vmem_shared>>
        tpu.enqueue_indirect_dma source(%arg15 : memref<64x128xf32, #tpu.memory_space<vmem>>) target(%dma_start3A_381 : memref<10240x128xf32, #tpu.memory_space<vmem_shared>>) offsets(%dma_start3A_378 : memref<64xi32, #tpu.memory_space<vmem>>) semaphore(%arg31 : memref<!tpu.dma_semaphore, #tpu.memory_space<semaphore_mem>>) {add = true}
        %dma_wait3A_382 = arith.constant 9 : i32
        %dma_wait3A_383 = arith.constant 0 : i32
        %dma_wait3A_384 = tpu.memref_slice %arg11[%dma_wait3A_382, %dma_wait3A_383] : memref<16x64xi32, #tpu.memory_space<vmem>> -> memref<1x64xi32, #tpu.memory_space<vmem>>
        %dma_wait3A_385 = tpu.memref_squeeze %dma_wait3A_384 : memref<1x64xi32, #tpu.memory_space<vmem>> -> memref<64xi32, #tpu.memory_space<vmem>>
        %dma_wait3A_386 = arith.constant 0 : i32
        %dma_wait3A_387 = arith.constant 0 : i32
        %dma_wait3A_388 = tpu.memref_slice %arg8[%dma_wait3A_386, %dma_wait3A_387] : memref<10240x128xf32, #tpu.memory_space<vmem_shared>> -> memref<10240x128xf32, #tpu.memory_space<vmem_shared>>
        tpu.wait_indirect_dma semaphore(%arg29 : memref<!tpu.dma_semaphore, #tpu.memory_space<semaphore_mem>>) src(%arg13 : memref<64x128xf32, #tpu.memory_space<vmem>>) dst(%dma_wait3A_388 : memref<10240x128xf32, #tpu.memory_space<vmem_shared>>)
        %dma_start3A_389 = arith.constant 13 : i32
        %dma_start3A_390 = arith.constant 0 : i32
        %dma_start3A_391 = tpu.memref_slice %arg10[%dma_start3A_389, %dma_start3A_390] : memref<16x64xi32, #tpu.memory_space<vmem>> -> memref<1x64xi32, #tpu.memory_space<vmem>>
        %dma_start3A_392 = tpu.memref_squeeze %dma_start3A_391 : memref<1x64xi32, #tpu.memory_space<vmem>> -> memref<64xi32, #tpu.memory_space<vmem>>
        %dma_start3A_393 = arith.constant 0 : i32
        %dma_start3A_394 = arith.constant 0 : i32
        %dma_start3A_395 = tpu.memref_slice %arg7[%dma_start3A_393, %dma_start3A_394] : memref<10240x128xf32, #tpu.memory_space<hbm>> -> memref<10240x128xf32, #tpu.memory_space<hbm>>
        tpu.enqueue_indirect_dma source(%dma_start3A_395 : memref<10240x128xf32, #tpu.memory_space<hbm>>) target(%arg13 : memref<64x128xf32, #tpu.memory_space<vmem>>) offsets(%dma_start3A_392 : memref<64xi32, #tpu.memory_space<vmem>>) semaphore(%arg25 : memref<!tpu.dma_semaphore, #tpu.memory_space<semaphore_mem>>)
        %dma_wait3A_396 = arith.constant 12 : i32
        %dma_wait3A_397 = arith.constant 0 : i32
        %dma_wait3A_398 = tpu.memref_slice %arg10[%dma_wait3A_396, %dma_wait3A_397] : memref<16x64xi32, #tpu.memory_space<vmem>> -> memref<1x64xi32, #tpu.memory_space<vmem>>
        %dma_wait3A_399 = tpu.memref_squeeze %dma_wait3A_398 : memref<1x64xi32, #tpu.memory_space<vmem>> -> memref<64xi32, #tpu.memory_space<vmem>>
        %dma_wait3A_400 = arith.constant 0 : i32
        %dma_wait3A_401 = arith.constant 0 : i32
        %dma_wait3A_402 = tpu.memref_slice %arg7[%dma_wait3A_400, %dma_wait3A_401] : memref<10240x128xf32, #tpu.memory_space<hbm>> -> memref<10240x128xf32, #tpu.memory_space<hbm>>
        tpu.wait_indirect_dma semaphore(%arg24 : memref<!tpu.dma_semaphore, #tpu.memory_space<semaphore_mem>>) src(%dma_wait3A_402 : memref<10240x128xf32, #tpu.memory_space<hbm>>) dst(%arg12 : memref<64x128xf32, #tpu.memory_space<vmem>>)
        %dma_start3A_403 = arith.constant 12 : i32
        %dma_start3A_404 = arith.constant 0 : i32
        %dma_start3A_405 = tpu.memref_slice %arg11[%dma_start3A_403, %dma_start3A_404] : memref<16x64xi32, #tpu.memory_space<vmem>> -> memref<1x64xi32, #tpu.memory_space<vmem>>
        %dma_start3A_406 = tpu.memref_squeeze %dma_start3A_405 : memref<1x64xi32, #tpu.memory_space<vmem>> -> memref<64xi32, #tpu.memory_space<vmem>>
        %dma_start3A_407 = arith.constant 0 : i32
        %dma_start3A_408 = arith.constant 0 : i32
        %dma_start3A_409 = tpu.memref_slice %arg8[%dma_start3A_407, %dma_start3A_408] : memref<10240x128xf32, #tpu.memory_space<vmem_shared>> -> memref<10240x128xf32, #tpu.memory_space<vmem_shared>>
        tpu.enqueue_indirect_dma source(%arg12 : memref<64x128xf32, #tpu.memory_space<vmem>>) target(%dma_start3A_409 : memref<10240x128xf32, #tpu.memory_space<vmem_shared>>) offsets(%dma_start3A_406 : memref<64xi32, #tpu.memory_space<vmem>>) semaphore(%arg28 : memref<!tpu.dma_semaphore, #tpu.memory_space<semaphore_mem>>) {add = true}
        %dma_wait3A_410 = arith.constant 10 : i32
        %dma_wait3A_411 = arith.constant 0 : i32
        %dma_wait3A_412 = tpu.memref_slice %arg11[%dma_wait3A_410, %dma_wait3A_411] : memref<16x64xi32, #tpu.memory_space<vmem>> -> memref<1x64xi32, #tpu.memory_space<vmem>>
        %dma_wait3A_413 = tpu.memref_squeeze %dma_wait3A_412 : memref<1x64xi32, #tpu.memory_space<vmem>> -> memref<64xi32, #tpu.memory_space<vmem>>
        %dma_wait3A_414 = arith.constant 0 : i32
        %dma_wait3A_415 = arith.constant 0 : i32
        %dma_wait3A_416 = tpu.memref_slice %arg8[%dma_wait3A_414, %dma_wait3A_415] : memref<10240x128xf32, #tpu.memory_space<vmem_shared>> -> memref<10240x128xf32, #tpu.memory_space<vmem_shared>>
        tpu.wait_indirect_dma semaphore(%arg30 : memref<!tpu.dma_semaphore, #tpu.memory_space<semaphore_mem>>) src(%arg14 : memref<64x128xf32, #tpu.memory_space<vmem>>) dst(%dma_wait3A_416 : memref<10240x128xf32, #tpu.memory_space<vmem_shared>>)
        %dma_start3A_417 = arith.constant 14 : i32
        %dma_start3A_418 = arith.constant 0 : i32
        %dma_start3A_419 = tpu.memref_slice %arg10[%dma_start3A_417, %dma_start3A_418] : memref<16x64xi32, #tpu.memory_space<vmem>> -> memref<1x64xi32, #tpu.memory_space<vmem>>
        %dma_start3A_420 = tpu.memref_squeeze %dma_start3A_419 : memref<1x64xi32, #tpu.memory_space<vmem>> -> memref<64xi32, #tpu.memory_space<vmem>>
        %dma_start3A_421 = arith.constant 0 : i32
        %dma_start3A_422 = arith.constant 0 : i32
        %dma_start3A_423 = tpu.memref_slice %arg7[%dma_start3A_421, %dma_start3A_422] : memref<10240x128xf32, #tpu.memory_space<hbm>> -> memref<10240x128xf32, #tpu.memory_space<hbm>>
        tpu.enqueue_indirect_dma source(%dma_start3A_423 : memref<10240x128xf32, #tpu.memory_space<hbm>>) target(%arg14 : memref<64x128xf32, #tpu.memory_space<vmem>>) offsets(%dma_start3A_420 : memref<64xi32, #tpu.memory_space<vmem>>) semaphore(%arg26 : memref<!tpu.dma_semaphore, #tpu.memory_space<semaphore_mem>>)
        %dma_wait3A_424 = arith.constant 13 : i32
        %dma_wait3A_425 = arith.constant 0 : i32
        %dma_wait3A_426 = tpu.memref_slice %arg10[%dma_wait3A_424, %dma_wait3A_425] : memref<16x64xi32, #tpu.memory_space<vmem>> -> memref<1x64xi32, #tpu.memory_space<vmem>>
        %dma_wait3A_427 = tpu.memref_squeeze %dma_wait3A_426 : memref<1x64xi32, #tpu.memory_space<vmem>> -> memref<64xi32, #tpu.memory_space<vmem>>
        %dma_wait3A_428 = arith.constant 0 : i32
        %dma_wait3A_429 = arith.constant 0 : i32
        %dma_wait3A_430 = tpu.memref_slice %arg7[%dma_wait3A_428, %dma_wait3A_429] : memref<10240x128xf32, #tpu.memory_space<hbm>> -> memref<10240x128xf32, #tpu.memory_space<hbm>>
        tpu.wait_indirect_dma semaphore(%arg25 : memref<!tpu.dma_semaphore, #tpu.memory_space<semaphore_mem>>) src(%dma_wait3A_430 : memref<10240x128xf32, #tpu.memory_space<hbm>>) dst(%arg13 : memref<64x128xf32, #tpu.memory_space<vmem>>)
        %dma_start3A_431 = arith.constant 13 : i32
        %dma_start3A_432 = arith.constant 0 : i32
        %dma_start3A_433 = tpu.memref_slice %arg11[%dma_start3A_431, %dma_start3A_432] : memref<16x64xi32, #tpu.memory_space<vmem>> -> memref<1x64xi32, #tpu.memory_space<vmem>>
        %dma_start3A_434 = tpu.memref_squeeze %dma_start3A_433 : memref<1x64xi32, #tpu.memory_space<vmem>> -> memref<64xi32, #tpu.memory_space<vmem>>
        %dma_start3A_435 = arith.constant 0 : i32
        %dma_start3A_436 = arith.constant 0 : i32
        %dma_start3A_437 = tpu.memref_slice %arg8[%dma_start3A_435, %dma_start3A_436] : memref<10240x128xf32, #tpu.memory_space<vmem_shared>> -> memref<10240x128xf32, #tpu.memory_space<vmem_shared>>
        tpu.enqueue_indirect_dma source(%arg13 : memref<64x128xf32, #tpu.memory_space<vmem>>) target(%dma_start3A_437 : memref<10240x128xf32, #tpu.memory_space<vmem_shared>>) offsets(%dma_start3A_434 : memref<64xi32, #tpu.memory_space<vmem>>) semaphore(%arg29 : memref<!tpu.dma_semaphore, #tpu.memory_space<semaphore_mem>>) {add = true}
        %dma_wait3A_438 = arith.constant 11 : i32
        %dma_wait3A_439 = arith.constant 0 : i32
        %dma_wait3A_440 = tpu.memref_slice %arg11[%dma_wait3A_438, %dma_wait3A_439] : memref<16x64xi32, #tpu.memory_space<vmem>> -> memref<1x64xi32, #tpu.memory_space<vmem>>
        %dma_wait3A_441 = tpu.memref_squeeze %dma_wait3A_440 : memref<1x64xi32, #tpu.memory_space<vmem>> -> memref<64xi32, #tpu.memory_space<vmem>>
        %dma_wait3A_442 = arith.constant 0 : i32
        %dma_wait3A_443 = arith.constant 0 : i32
        %dma_wait3A_444 = tpu.memref_slice %arg8[%dma_wait3A_442, %dma_wait3A_443] : memref<10240x128xf32, #tpu.memory_space<vmem_shared>> -> memref<10240x128xf32, #tpu.memory_space<vmem_shared>>
        tpu.wait_indirect_dma semaphore(%arg31 : memref<!tpu.dma_semaphore, #tpu.memory_space<semaphore_mem>>) src(%arg15 : memref<64x128xf32, #tpu.memory_space<vmem>>) dst(%dma_wait3A_444 : memref<10240x128xf32, #tpu.memory_space<vmem_shared>>)
        %dma_start3A_445 = arith.constant 15 : i32
        %dma_start3A_446 = arith.constant 0 : i32
        %dma_start3A_447 = tpu.memref_slice %arg10[%dma_start3A_445, %dma_start3A_446] : memref<16x64xi32, #tpu.memory_space<vmem>> -> memref<1x64xi32, #tpu.memory_space<vmem>>
        %dma_start3A_448 = tpu.memref_squeeze %dma_start3A_447 : memref<1x64xi32, #tpu.memory_space<vmem>> -> memref<64xi32, #tpu.memory_space<vmem>>
        %dma_start3A_449 = arith.constant 0 : i32
        %dma_start3A_450 = arith.constant 0 : i32
        %dma_start3A_451 = tpu.memref_slice %arg7[%dma_start3A_449, %dma_start3A_450] : memref<10240x128xf32, #tpu.memory_space<hbm>> -> memref<10240x128xf32, #tpu.memory_space<hbm>>
        tpu.enqueue_indirect_dma source(%dma_start3A_451 : memref<10240x128xf32, #tpu.memory_space<hbm>>) target(%arg15 : memref<64x128xf32, #tpu.memory_space<vmem>>) offsets(%dma_start3A_448 : memref<64xi32, #tpu.memory_space<vmem>>) semaphore(%arg27 : memref<!tpu.dma_semaphore, #tpu.memory_space<semaphore_mem>>)
        %dma_wait3A_452 = arith.constant 14 : i32
        %dma_wait3A_453 = arith.constant 0 : i32
        %dma_wait3A_454 = tpu.memref_slice %arg10[%dma_wait3A_452, %dma_wait3A_453] : memref<16x64xi32, #tpu.memory_space<vmem>> -> memref<1x64xi32, #tpu.memory_space<vmem>>
        %dma_wait3A_455 = tpu.memref_squeeze %dma_wait3A_454 : memref<1x64xi32, #tpu.memory_space<vmem>> -> memref<64xi32, #tpu.memory_space<vmem>>
        %dma_wait3A_456 = arith.constant 0 : i32
        %dma_wait3A_457 = arith.constant 0 : i32
        %dma_wait3A_458 = tpu.memref_slice %arg7[%dma_wait3A_456, %dma_wait3A_457] : memref<10240x128xf32, #tpu.memory_space<hbm>> -> memref<10240x128xf32, #tpu.memory_space<hbm>>
        tpu.wait_indirect_dma semaphore(%arg26 : memref<!tpu.dma_semaphore, #tpu.memory_space<semaphore_mem>>) src(%dma_wait3A_458 : memref<10240x128xf32, #tpu.memory_space<hbm>>) dst(%arg14 : memref<64x128xf32, #tpu.memory_space<vmem>>)
        %dma_start3A_459 = arith.constant 14 : i32
        %dma_start3A_460 = arith.constant 0 : i32
        %dma_start3A_461 = tpu.memref_slice %arg11[%dma_start3A_459, %dma_start3A_460] : memref<16x64xi32, #tpu.memory_space<vmem>> -> memref<1x64xi32, #tpu.memory_space<vmem>>
        %dma_start3A_462 = tpu.memref_squeeze %dma_start3A_461 : memref<1x64xi32, #tpu.memory_space<vmem>> -> memref<64xi32, #tpu.memory_space<vmem>>
        %dma_start3A_463 = arith.constant 0 : i32
        %dma_start3A_464 = arith.constant 0 : i32
        %dma_start3A_465 = tpu.memref_slice %arg8[%dma_start3A_463, %dma_start3A_464] : memref<10240x128xf32, #tpu.memory_space<vmem_shared>> -> memref<10240x128xf32, #tpu.memory_space<vmem_shared>>
        tpu.enqueue_indirect_dma source(%arg14 : memref<64x128xf32, #tpu.memory_space<vmem>>) target(%dma_start3A_465 : memref<10240x128xf32, #tpu.memory_space<vmem_shared>>) offsets(%dma_start3A_462 : memref<64xi32, #tpu.memory_space<vmem>>) semaphore(%arg30 : memref<!tpu.dma_semaphore, #tpu.memory_space<semaphore_mem>>) {add = true}
        %dma_wait3A_466 = arith.constant 15 : i32
        %dma_wait3A_467 = arith.constant 0 : i32
        %dma_wait3A_468 = tpu.memref_slice %arg10[%dma_wait3A_466, %dma_wait3A_467] : memref<16x64xi32, #tpu.memory_space<vmem>> -> memref<1x64xi32, #tpu.memory_space<vmem>>
        %dma_wait3A_469 = tpu.memref_squeeze %dma_wait3A_468 : memref<1x64xi32, #tpu.memory_space<vmem>> -> memref<64xi32, #tpu.memory_space<vmem>>
        %dma_wait3A_470 = arith.constant 0 : i32
        %dma_wait3A_471 = arith.constant 0 : i32
        %dma_wait3A_472 = tpu.memref_slice %arg7[%dma_wait3A_470, %dma_wait3A_471] : memref<10240x128xf32, #tpu.memory_space<hbm>> -> memref<10240x128xf32, #tpu.memory_space<hbm>>
        tpu.wait_indirect_dma semaphore(%arg27 : memref<!tpu.dma_semaphore, #tpu.memory_space<semaphore_mem>>) src(%dma_wait3A_472 : memref<10240x128xf32, #tpu.memory_space<hbm>>) dst(%arg15 : memref<64x128xf32, #tpu.memory_space<vmem>>)
        %dma_start3A_473 = arith.constant 15 : i32
        %dma_start3A_474 = arith.constant 0 : i32
        %dma_start3A_475 = tpu.memref_slice %arg11[%dma_start3A_473, %dma_start3A_474] : memref<16x64xi32, #tpu.memory_space<vmem>> -> memref<1x64xi32, #tpu.memory_space<vmem>>
        %dma_start3A_476 = tpu.memref_squeeze %dma_start3A_475 : memref<1x64xi32, #tpu.memory_space<vmem>> -> memref<64xi32, #tpu.memory_space<vmem>>
        %dma_start3A_477 = arith.constant 0 : i32
        %dma_start3A_478 = arith.constant 0 : i32
        %dma_start3A_479 = tpu.memref_slice %arg8[%dma_start3A_477, %dma_start3A_478] : memref<10240x128xf32, #tpu.memory_space<vmem_shared>> -> memref<10240x128xf32, #tpu.memory_space<vmem_shared>>
        tpu.enqueue_indirect_dma source(%arg15 : memref<64x128xf32, #tpu.memory_space<vmem>>) target(%dma_start3A_479 : memref<10240x128xf32, #tpu.memory_space<vmem_shared>>) offsets(%dma_start3A_476 : memref<64xi32, #tpu.memory_space<vmem>>) semaphore(%arg31 : memref<!tpu.dma_semaphore, #tpu.memory_space<semaphore_mem>>) {add = true}
        %dma_wait3A_480 = arith.constant 12 : i32
        %dma_wait3A_481 = arith.constant 0 : i32
        %dma_wait3A_482 = tpu.memref_slice %arg11[%dma_wait3A_480, %dma_wait3A_481] : memref<16x64xi32, #tpu.memory_space<vmem>> -> memref<1x64xi32, #tpu.memory_space<vmem>>
        %dma_wait3A_483 = tpu.memref_squeeze %dma_wait3A_482 : memref<1x64xi32, #tpu.memory_space<vmem>> -> memref<64xi32, #tpu.memory_space<vmem>>
        %dma_wait3A_484 = arith.constant 0 : i32
        %dma_wait3A_485 = arith.constant 0 : i32
        %dma_wait3A_486 = tpu.memref_slice %arg8[%dma_wait3A_484, %dma_wait3A_485] : memref<10240x128xf32, #tpu.memory_space<vmem_shared>> -> memref<10240x128xf32, #tpu.memory_space<vmem_shared>>
        tpu.wait_indirect_dma semaphore(%arg28 : memref<!tpu.dma_semaphore, #tpu.memory_space<semaphore_mem>>) src(%arg12 : memref<64x128xf32, #tpu.memory_space<vmem>>) dst(%dma_wait3A_486 : memref<10240x128xf32, #tpu.memory_space<vmem_shared>>)
        %dma_wait3A_487 = arith.constant 13 : i32
        %dma_wait3A_488 = arith.constant 0 : i32
        %dma_wait3A_489 = tpu.memref_slice %arg11[%dma_wait3A_487, %dma_wait3A_488] : memref<16x64xi32, #tpu.memory_space<vmem>> -> memref<1x64xi32, #tpu.memory_space<vmem>>
        %dma_wait3A_490 = tpu.memref_squeeze %dma_wait3A_489 : memref<1x64xi32, #tpu.memory_space<vmem>> -> memref<64xi32, #tpu.memory_space<vmem>>
        %dma_wait3A_491 = arith.constant 0 : i32
        %dma_wait3A_492 = arith.constant 0 : i32
        %dma_wait3A_493 = tpu.memref_slice %arg8[%dma_wait3A_491, %dma_wait3A_492] : memref<10240x128xf32, #tpu.memory_space<vmem_shared>> -> memref<10240x128xf32, #tpu.memory_space<vmem_shared>>
        tpu.wait_indirect_dma semaphore(%arg29 : memref<!tpu.dma_semaphore, #tpu.memory_space<semaphore_mem>>) src(%arg13 : memref<64x128xf32, #tpu.memory_space<vmem>>) dst(%dma_wait3A_493 : memref<10240x128xf32, #tpu.memory_space<vmem_shared>>)
        %dma_wait3A_494 = arith.constant 14 : i32
        %dma_wait3A_495 = arith.constant 0 : i32
        %dma_wait3A_496 = tpu.memref_slice %arg11[%dma_wait3A_494, %dma_wait3A_495] : memref<16x64xi32, #tpu.memory_space<vmem>> -> memref<1x64xi32, #tpu.memory_space<vmem>>
        %dma_wait3A_497 = tpu.memref_squeeze %dma_wait3A_496 : memref<1x64xi32, #tpu.memory_space<vmem>> -> memref<64xi32, #tpu.memory_space<vmem>>
        %dma_wait3A_498 = arith.constant 0 : i32
        %dma_wait3A_499 = arith.constant 0 : i32
        %dma_wait3A_500 = tpu.memref_slice %arg8[%dma_wait3A_498, %dma_wait3A_499] : memref<10240x128xf32, #tpu.memory_space<vmem_shared>> -> memref<10240x128xf32, #tpu.memory_space<vmem_shared>>
        tpu.wait_indirect_dma semaphore(%arg30 : memref<!tpu.dma_semaphore, #tpu.memory_space<semaphore_mem>>) src(%arg14 : memref<64x128xf32, #tpu.memory_space<vmem>>) dst(%dma_wait3A_500 : memref<10240x128xf32, #tpu.memory_space<vmem_shared>>)
        %dma_wait3A_501 = arith.constant 15 : i32
        %dma_wait3A_502 = arith.constant 0 : i32
        %dma_wait3A_503 = tpu.memref_slice %arg11[%dma_wait3A_501, %dma_wait3A_502] : memref<16x64xi32, #tpu.memory_space<vmem>> -> memref<1x64xi32, #tpu.memory_space<vmem>>
        %dma_wait3A_504 = tpu.memref_squeeze %dma_wait3A_503 : memref<1x64xi32, #tpu.memory_space<vmem>> -> memref<64xi32, #tpu.memory_space<vmem>>
        %dma_wait3A_505 = arith.constant 0 : i32
        %dma_wait3A_506 = arith.constant 0 : i32
        %dma_wait3A_507 = tpu.memref_slice %arg8[%dma_wait3A_505, %dma_wait3A_506] : memref<10240x128xf32, #tpu.memory_space<vmem_shared>> -> memref<10240x128xf32, #tpu.memory_space<vmem_shared>>
        tpu.wait_indirect_dma semaphore(%arg31 : memref<!tpu.dma_semaphore, #tpu.memory_space<semaphore_mem>>) src(%arg15 : memref<64x128xf32, #tpu.memory_space<vmem>>) dst(%dma_wait3A_507 : memref<10240x128xf32, #tpu.memory_space<vmem_shared>>)
      }
      %scan3A_51 = arith.constant 20 : i32
      %barrier3A_52 = arith.constant 0 : index
      tpu.barrier barrier_id(%barrier3A_52)
      %scan3A_53 = arith.constant 0 : i32
      %scan3A_54 = arith.constant 40 : i32
      %scan3A_55 = arith.addi %scan3A_53, %scan3A_54 : i32
      %scan3A_56 = arith.constant 1 : i32
      scf.for %scan3A_59 = %scan3A_53 to %scan3A_55 step %scan3A_56  : i32 {
        %mul3A_60 = arith.constant 16 : i32
        %mul3A_61 = arith.muli %scan3A_59, %mul3A_60 : i32
        %add3A = arith.addi %mul3A_2, %mul3A_61 : i32
        "tpu.region"() ({
          %run_scoped3A = tpu.sem_alloc : memref<!tpu.dma_semaphore, #tpu.memory_space<semaphore_mem>>
          %dma_start3A = arith.constant 0 : i32
          %dma_start3A_73 = tpu.memref_slice %arg8[%add3A, %dma_start3A] : memref<10240x128xf32, #tpu.memory_space<vmem_shared>> -> memref<16x128xf32, #tpu.memory_space<vmem_shared>>
          %dma_start3A_74 = arith.constant 0 : i32
          %dma_start3A_75 = tpu.memref_slice %arg8[%add3A, %dma_start3A_74] : memref<10240x128xf32, #tpu.memory_space<vmem_shared>> -> memref<16x128xf32, #tpu.memory_space<vmem_shared>>
          tpu.enqueue_dma source(%dma_start3A_75 : memref<16x128xf32, #tpu.memory_space<vmem_shared>>) target(%arg16 : memref<16x128xf32, #tpu.memory_space<vmem>>) target_semaphore(%run_scoped3A : memref<!tpu.dma_semaphore, #tpu.memory_space<semaphore_mem>>)
          %dma_wait3A = arith.constant 0 : i32
          %dma_wait3A_76 = tpu.memref_slice %arg8[%add3A, %dma_wait3A] : memref<10240x128xf32, #tpu.memory_space<vmem_shared>> -> memref<16x128xf32, #tpu.memory_space<vmem_shared>>
          %dma_wait3A_77 = arith.constant 0 : i32
          %dma_wait3A_78 = tpu.memref_slice %arg8[%add3A, %dma_wait3A_77] : memref<10240x128xf32, #tpu.memory_space<vmem_shared>> -> memref<16x128xf32, #tpu.memory_space<vmem_shared>>
          tpu.wait_dma2 semaphore(%run_scoped3A : memref<!tpu.dma_semaphore, #tpu.memory_space<semaphore_mem>>) src(%dma_wait3A_78 : memref<16x128xf32, #tpu.memory_space<vmem_shared>>) dst(%arg16 : memref<16x128xf32, #tpu.memory_space<vmem>>)
          tpu.yield
        }) : () -> ()
        %add3A_62 = arith.addi %mul3A_2, %mul3A_61 : i32
        "tpu.region"() ({
          %run_scoped3A = tpu.sem_alloc : memref<!tpu.dma_semaphore, #tpu.memory_space<semaphore_mem>>
          %dma_start3A = arith.constant 0 : i32
          %dma_start3A_73 = tpu.memref_slice %arg8[%add3A_62, %dma_start3A] : memref<10240x128xf32, #tpu.memory_space<vmem_shared>> -> memref<16x128xf32, #tpu.memory_space<vmem_shared>>
          %dma_start3A_74 = arith.constant 0 : i32
          %dma_start3A_75 = tpu.memref_slice %arg8[%add3A_62, %dma_start3A_74] : memref<10240x128xf32, #tpu.memory_space<vmem_shared>> -> memref<16x128xf32, #tpu.memory_space<vmem_shared>>
          tpu.enqueue_dma source(%arg20 : memref<16x128xf32, #tpu.memory_space<vmem>>) target(%dma_start3A_75 : memref<16x128xf32, #tpu.memory_space<vmem_shared>>) target_semaphore(%run_scoped3A : memref<!tpu.dma_semaphore, #tpu.memory_space<semaphore_mem>>)
          %dma_wait3A = arith.constant 0 : i32
          %dma_wait3A_76 = tpu.memref_slice %arg8[%add3A_62, %dma_wait3A] : memref<10240x128xf32, #tpu.memory_space<vmem_shared>> -> memref<16x128xf32, #tpu.memory_space<vmem_shared>>
          %dma_wait3A_77 = arith.constant 0 : i32
          %dma_wait3A_78 = tpu.memref_slice %arg8[%add3A_62, %dma_wait3A_77] : memref<10240x128xf32, #tpu.memory_space<vmem_shared>> -> memref<16x128xf32, #tpu.memory_space<vmem_shared>>
          tpu.wait_dma2 semaphore(%run_scoped3A : memref<!tpu.dma_semaphore, #tpu.memory_space<semaphore_mem>>) src(%arg20 : memref<16x128xf32, #tpu.memory_space<vmem>>) dst(%dma_wait3A_78 : memref<16x128xf32, #tpu.memory_space<vmem_shared>>)
          tpu.yield
        }) : () -> ()
        %add3A_63 = arith.addi %mul3A_2, %mul3A_61 : i32
        "tpu.region"() ({
          %run_scoped3A = tpu.sem_alloc : memref<!tpu.dma_semaphore, #tpu.memory_space<semaphore_mem>>
          %dma_start3A = arith.constant 0 : i32
          %dma_start3A_73 = tpu.memref_slice %arg5[%add3A_63, %dma_start3A] : memref<10240x128xf32, #tpu.memory_space<hbm>> -> memref<16x128xf32, #tpu.memory_space<hbm>>
          %dma_start3A_74 = arith.constant 0 : i32
          %dma_start3A_75 = tpu.memref_slice %arg5[%add3A_63, %dma_start3A_74] : memref<10240x128xf32, #tpu.memory_space<hbm>> -> memref<16x128xf32, #tpu.memory_space<hbm>>
          tpu.enqueue_dma source(%dma_start3A_75 : memref<16x128xf32, #tpu.memory_space<hbm>>) target(%arg17 : memref<16x128xf32, #tpu.memory_space<vmem>>) target_semaphore(%run_scoped3A : memref<!tpu.dma_semaphore, #tpu.memory_space<semaphore_mem>>)
          %dma_wait3A = arith.constant 0 : i32
          %dma_wait3A_76 = tpu.memref_slice %arg5[%add3A_63, %dma_wait3A] : memref<10240x128xf32, #tpu.memory_space<hbm>> -> memref<16x128xf32, #tpu.memory_space<hbm>>
          %dma_wait3A_77 = arith.constant 0 : i32
          %dma_wait3A_78 = tpu.memref_slice %arg5[%add3A_63, %dma_wait3A_77] : memref<10240x128xf32, #tpu.memory_space<hbm>> -> memref<16x128xf32, #tpu.memory_space<hbm>>
          tpu.wait_dma2 semaphore(%run_scoped3A : memref<!tpu.dma_semaphore, #tpu.memory_space<semaphore_mem>>) src(%dma_wait3A_78 : memref<16x128xf32, #tpu.memory_space<hbm>>) dst(%arg17 : memref<16x128xf32, #tpu.memory_space<vmem>>)
          tpu.yield
        }) : () -> ()
        %scan3A_64 = arith.constant 0 : i32
        %scan3A_65 = arith.constant 16 : i32
        %scan3A_66 = arith.addi %scan3A_64, %scan3A_65 : i32
        %scan3A_67 = arith.constant 1 : i32
        scf.for %scan3A_73 = %scan3A_64 to %scan3A_66 step %scan3A_67  : i32 {
          %add3A_74 = arith.addi %mul3A_61, %scan3A_73 : i32
          %broadcast_in_dim3A = vector.broadcast %add3A_74 : i32 to vector<16xi32>
          %gather3A = tpu.vector_load_idx %arg22[%broadcast_in_dim3A] : memref<640xf32, #tpu.memory_space<vmem>>[vector<16xi32>], vector<16xf32>,
          %mul3A_75 = arith.constant 0.899999976 : f32
          %mul3A_76 = vector.broadcast %mul3A_75 : f32 to vector<16xf32>
          %mul3A_77 = arith.mulf %mul3A_76, %gather3A : vector<16xf32>
          %get3A = arith.index_cast %scan3A_73 : i32 to index
          %get3A_78 = arith.constant 0 : index
          %get3A_79 = tpu.vector_load %arg16[%get3A, %get3A_78] {strides = array<i32>} : memref<16x128xf32, #tpu.memory_space<vmem>>, vector<16xf32>,
          %mul3A_80 = arith.mulf %mul3A_77, %get3A_79 : vector<16xf32>
          %get3A_81 = arith.index_cast %scan3A_73 : i32 to index
          %get3A_82 = arith.constant 0 : index
          %get3A_83 = tpu.vector_load %arg17[%get3A_81, %get3A_82] {strides = array<i32>} : memref<16x128xf32, #tpu.memory_space<vmem>>, vector<16xf32>,
          %mul3A_84 = arith.constant 1.000000e-01 : f32
          %mul3A_85 = vector.broadcast %mul3A_84 : f32 to vector<16xf32>
          %mul3A_86 = arith.mulf %mul3A_85, %get3A_83 : vector<16xf32>
          %add3A_87 = arith.addf %mul3A_80, %mul3A_86 : vector<16xf32>
          %swap3A = arith.index_cast %scan3A_73 : i32 to index
          %swap3A_88 = arith.constant 0 : index
          %swap3A_89 = tpu.vector_load %arg18[%swap3A, %swap3A_88] {strides = array<i32>} : memref<16x128xf32, #tpu.memory_space<vmem>>, vector<16xf32>,
          tpu.vector_store %arg18[%swap3A, %swap3A_88], %add3A_87 {strides = array<i32>} : memref<16x128xf32, #tpu.memory_space<vmem>>, vector<16xf32>,
          %mul3A_90 = arith.mulf %gather3A, %add3A_87 : vector<16xf32>
          %swap3A_91 = arith.index_cast %scan3A_73 : i32 to index
          %swap3A_92 = arith.constant 0 : index
          %swap3A_93 = tpu.vector_load %arg19[%swap3A_91, %swap3A_92] {strides = array<i32>} : memref<16x128xf32, #tpu.memory_space<vmem>>, vector<16xf32>,
          tpu.vector_store %arg19[%swap3A_91, %swap3A_92], %mul3A_90 {strides = array<i32>} : memref<16x128xf32, #tpu.memory_space<vmem>>, vector<16xf32>,
          %mul3A_94 = arith.constant 0.899999976 : f32
          %mul3A_95 = vector.broadcast %mul3A_94 : f32 to vector<16xf32>
          %mul3A_96 = arith.mulf %mul3A_95, %gather3A : vector<16xf32>
          %get3A_97 = arith.index_cast %scan3A_73 : i32 to index
          %get3A_98 = arith.constant 16 : index
          %get3A_99 = tpu.vector_load %arg16[%get3A_97, %get3A_98] {strides = array<i32>} : memref<16x128xf32, #tpu.memory_space<vmem>>, vector<16xf32>,
          %mul3A_100 = arith.mulf %mul3A_96, %get3A_99 : vector<16xf32>
          %get3A_101 = arith.index_cast %scan3A_73 : i32 to index
          %get3A_102 = arith.constant 16 : index
          %get3A_103 = tpu.vector_load %arg17[%get3A_101, %get3A_102] {strides = array<i32>} : memref<16x128xf32, #tpu.memory_space<vmem>>, vector<16xf32>,
          %mul3A_104 = arith.constant 1.000000e-01 : f32
          %mul3A_105 = vector.broadcast %mul3A_104 : f32 to vector<16xf32>
          %mul3A_106 = arith.mulf %mul3A_105, %get3A_103 : vector<16xf32>
          %add3A_107 = arith.addf %mul3A_100, %mul3A_106 : vector<16xf32>
          %swap3A_108 = arith.index_cast %scan3A_73 : i32 to index
          %swap3A_109 = arith.constant 16 : index
          %swap3A_110 = tpu.vector_load %arg18[%swap3A_108, %swap3A_109] {strides = array<i32>} : memref<16x128xf32, #tpu.memory_space<vmem>>, vector<16xf32>,
          tpu.vector_store %arg18[%swap3A_108, %swap3A_109], %add3A_107 {strides = array<i32>} : memref<16x128xf32, #tpu.memory_space<vmem>>, vector<16xf32>,
          %mul3A_111 = arith.mulf %gather3A, %add3A_107 : vector<16xf32>
          %swap3A_112 = arith.index_cast %scan3A_73 : i32 to index
          %swap3A_113 = arith.constant 16 : index
          %swap3A_114 = tpu.vector_load %arg19[%swap3A_112, %swap3A_113] {strides = array<i32>} : memref<16x128xf32, #tpu.memory_space<vmem>>, vector<16xf32>,
          tpu.vector_store %arg19[%swap3A_112, %swap3A_113], %mul3A_111 {strides = array<i32>} : memref<16x128xf32, #tpu.memory_space<vmem>>, vector<16xf32>,
          %mul3A_115 = arith.constant 0.899999976 : f32
          %mul3A_116 = vector.broadcast %mul3A_115 : f32 to vector<16xf32>
          %mul3A_117 = arith.mulf %mul3A_116, %gather3A : vector<16xf32>
          %get3A_118 = arith.index_cast %scan3A_73 : i32 to index
          %get3A_119 = arith.constant 32 : index
          %get3A_120 = tpu.vector_load %arg16[%get3A_118, %get3A_119] {strides = array<i32>} : memref<16x128xf32, #tpu.memory_space<vmem>>, vector<16xf32>,
          %mul3A_121 = arith.mulf %mul3A_117, %get3A_120 : vector<16xf32>
          %get3A_122 = arith.index_cast %scan3A_73 : i32 to index
          %get3A_123 = arith.constant 32 : index
          %get3A_124 = tpu.vector_load %arg17[%get3A_122, %get3A_123] {strides = array<i32>} : memref<16x128xf32, #tpu.memory_space<vmem>>, vector<16xf32>,
          %mul3A_125 = arith.constant 1.000000e-01 : f32
          %mul3A_126 = vector.broadcast %mul3A_125 : f32 to vector<16xf32>
          %mul3A_127 = arith.mulf %mul3A_126, %get3A_124 : vector<16xf32>
          %add3A_128 = arith.addf %mul3A_121, %mul3A_127 : vector<16xf32>
          %swap3A_129 = arith.index_cast %scan3A_73 : i32 to index
          %swap3A_130 = arith.constant 32 : index
          %swap3A_131 = tpu.vector_load %arg18[%swap3A_129, %swap3A_130] {strides = array<i32>} : memref<16x128xf32, #tpu.memory_space<vmem>>, vector<16xf32>,
          tpu.vector_store %arg18[%swap3A_129, %swap3A_130], %add3A_128 {strides = array<i32>} : memref<16x128xf32, #tpu.memory_space<vmem>>, vector<16xf32>,
          %mul3A_132 = arith.mulf %gather3A, %add3A_128 : vector<16xf32>
          %swap3A_133 = arith.index_cast %scan3A_73 : i32 to index
          %swap3A_134 = arith.constant 32 : index
          %swap3A_135 = tpu.vector_load %arg19[%swap3A_133, %swap3A_134] {strides = array<i32>} : memref<16x128xf32, #tpu.memory_space<vmem>>, vector<16xf32>,
          tpu.vector_store %arg19[%swap3A_133, %swap3A_134], %mul3A_132 {strides = array<i32>} : memref<16x128xf32, #tpu.memory_space<vmem>>, vector<16xf32>,
          %mul3A_136 = arith.constant 0.899999976 : f32
          %mul3A_137 = vector.broadcast %mul3A_136 : f32 to vector<16xf32>
          %mul3A_138 = arith.mulf %mul3A_137, %gather3A : vector<16xf32>
          %get3A_139 = arith.index_cast %scan3A_73 : i32 to index
          %get3A_140 = arith.constant 48 : index
          %get3A_141 = tpu.vector_load %arg16[%get3A_139, %get3A_140] {strides = array<i32>} : memref<16x128xf32, #tpu.memory_space<vmem>>, vector<16xf32>,
          %mul3A_142 = arith.mulf %mul3A_138, %get3A_141 : vector<16xf32>
          %get3A_143 = arith.index_cast %scan3A_73 : i32 to index
          %get3A_144 = arith.constant 48 : index
          %get3A_145 = tpu.vector_load %arg17[%get3A_143, %get3A_144] {strides = array<i32>} : memref<16x128xf32, #tpu.memory_space<vmem>>, vector<16xf32>,
          %mul3A_146 = arith.constant 1.000000e-01 : f32
          %mul3A_147 = vector.broadcast %mul3A_146 : f32 to vector<16xf32>
          %mul3A_148 = arith.mulf %mul3A_147, %get3A_145 : vector<16xf32>
          %add3A_149 = arith.addf %mul3A_142, %mul3A_148 : vector<16xf32>
          %swap3A_150 = arith.index_cast %scan3A_73 : i32 to index
          %swap3A_151 = arith.constant 48 : index
          %swap3A_152 = tpu.vector_load %arg18[%swap3A_150, %swap3A_151] {strides = array<i32>} : memref<16x128xf32, #tpu.memory_space<vmem>>, vector<16xf32>,
          tpu.vector_store %arg18[%swap3A_150, %swap3A_151], %add3A_149 {strides = array<i32>} : memref<16x128xf32, #tpu.memory_space<vmem>>, vector<16xf32>,
          %mul3A_153 = arith.mulf %gather3A, %add3A_149 : vector<16xf32>
          %swap3A_154 = arith.index_cast %scan3A_73 : i32 to index
          %swap3A_155 = arith.constant 48 : index
          %swap3A_156 = tpu.vector_load %arg19[%swap3A_154, %swap3A_155] {strides = array<i32>} : memref<16x128xf32, #tpu.memory_space<vmem>>, vector<16xf32>,
          tpu.vector_store %arg19[%swap3A_154, %swap3A_155], %mul3A_153 {strides = array<i32>} : memref<16x128xf32, #tpu.memory_space<vmem>>, vector<16xf32>,
          %mul3A_157 = arith.constant 0.899999976 : f32
          %mul3A_158 = vector.broadcast %mul3A_157 : f32 to vector<16xf32>
          %mul3A_159 = arith.mulf %mul3A_158, %gather3A : vector<16xf32>
          %get3A_160 = arith.index_cast %scan3A_73 : i32 to index
          %get3A_161 = arith.constant 64 : index
          %get3A_162 = tpu.vector_load %arg16[%get3A_160, %get3A_161] {strides = array<i32>} : memref<16x128xf32, #tpu.memory_space<vmem>>, vector<16xf32>,
          %mul3A_163 = arith.mulf %mul3A_159, %get3A_162 : vector<16xf32>
          %get3A_164 = arith.index_cast %scan3A_73 : i32 to index
          %get3A_165 = arith.constant 64 : index
          %get3A_166 = tpu.vector_load %arg17[%get3A_164, %get3A_165] {strides = array<i32>} : memref<16x128xf32, #tpu.memory_space<vmem>>, vector<16xf32>,
          %mul3A_167 = arith.constant 1.000000e-01 : f32
          %mul3A_168 = vector.broadcast %mul3A_167 : f32 to vector<16xf32>
          %mul3A_169 = arith.mulf %mul3A_168, %get3A_166 : vector<16xf32>
          %add3A_170 = arith.addf %mul3A_163, %mul3A_169 : vector<16xf32>
          %swap3A_171 = arith.index_cast %scan3A_73 : i32 to index
          %swap3A_172 = arith.constant 64 : index
          %swap3A_173 = tpu.vector_load %arg18[%swap3A_171, %swap3A_172] {strides = array<i32>} : memref<16x128xf32, #tpu.memory_space<vmem>>, vector<16xf32>,
          tpu.vector_store %arg18[%swap3A_171, %swap3A_172], %add3A_170 {strides = array<i32>} : memref<16x128xf32, #tpu.memory_space<vmem>>, vector<16xf32>,
          %mul3A_174 = arith.mulf %gather3A, %add3A_170 : vector<16xf32>
          %swap3A_175 = arith.index_cast %scan3A_73 : i32 to index
          %swap3A_176 = arith.constant 64 : index
          %swap3A_177 = tpu.vector_load %arg19[%swap3A_175, %swap3A_176] {strides = array<i32>} : memref<16x128xf32, #tpu.memory_space<vmem>>, vector<16xf32>,
          tpu.vector_store %arg19[%swap3A_175, %swap3A_176], %mul3A_174 {strides = array<i32>} : memref<16x128xf32, #tpu.memory_space<vmem>>, vector<16xf32>,
          %mul3A_178 = arith.constant 0.899999976 : f32
          %mul3A_179 = vector.broadcast %mul3A_178 : f32 to vector<16xf32>
          %mul3A_180 = arith.mulf %mul3A_179, %gather3A : vector<16xf32>
          %get3A_181 = arith.index_cast %scan3A_73 : i32 to index
          %get3A_182 = arith.constant 80 : index
          %get3A_183 = tpu.vector_load %arg16[%get3A_181, %get3A_182] {strides = array<i32>} : memref<16x128xf32, #tpu.memory_space<vmem>>, vector<16xf32>,
          %mul3A_184 = arith.mulf %mul3A_180, %get3A_183 : vector<16xf32>
          %get3A_185 = arith.index_cast %scan3A_73 : i32 to index
          %get3A_186 = arith.constant 80 : index
          %get3A_187 = tpu.vector_load %arg17[%get3A_185, %get3A_186] {strides = array<i32>} : memref<16x128xf32, #tpu.memory_space<vmem>>, vector<16xf32>,
          %mul3A_188 = arith.constant 1.000000e-01 : f32
          %mul3A_189 = vector.broadcast %mul3A_188 : f32 to vector<16xf32>
          %mul3A_190 = arith.mulf %mul3A_189, %get3A_187 : vector<16xf32>
          %add3A_191 = arith.addf %mul3A_184, %mul3A_190 : vector<16xf32>
          %swap3A_192 = arith.index_cast %scan3A_73 : i32 to index
          %swap3A_193 = arith.constant 80 : index
          %swap3A_194 = tpu.vector_load %arg18[%swap3A_192, %swap3A_193] {strides = array<i32>} : memref<16x128xf32, #tpu.memory_space<vmem>>, vector<16xf32>,
          tpu.vector_store %arg18[%swap3A_192, %swap3A_193], %add3A_191 {strides = array<i32>} : memref<16x128xf32, #tpu.memory_space<vmem>>, vector<16xf32>,
          %mul3A_195 = arith.mulf %gather3A, %add3A_191 : vector<16xf32>
          %swap3A_196 = arith.index_cast %scan3A_73 : i32 to index
          %swap3A_197 = arith.constant 80 : index
          %swap3A_198 = tpu.vector_load %arg19[%swap3A_196, %swap3A_197] {strides = array<i32>} : memref<16x128xf32, #tpu.memory_space<vmem>>, vector<16xf32>,
          tpu.vector_store %arg19[%swap3A_196, %swap3A_197], %mul3A_195 {strides = array<i32>} : memref<16x128xf32, #tpu.memory_space<vmem>>, vector<16xf32>,
          %mul3A_199 = arith.constant 0.899999976 : f32
          %mul3A_200 = vector.broadcast %mul3A_199 : f32 to vector<16xf32>
          %mul3A_201 = arith.mulf %mul3A_200, %gather3A : vector<16xf32>
          %get3A_202 = arith.index_cast %scan3A_73 : i32 to index
          %get3A_203 = arith.constant 96 : index
          %get3A_204 = tpu.vector_load %arg16[%get3A_202, %get3A_203] {strides = array<i32>} : memref<16x128xf32, #tpu.memory_space<vmem>>, vector<16xf32>,
          %mul3A_205 = arith.mulf %mul3A_201, %get3A_204 : vector<16xf32>
          %get3A_206 = arith.index_cast %scan3A_73 : i32 to index
          %get3A_207 = arith.constant 96 : index
          %get3A_208 = tpu.vector_load %arg17[%get3A_206, %get3A_207] {strides = array<i32>} : memref<16x128xf32, #tpu.memory_space<vmem>>, vector<16xf32>,
          %mul3A_209 = arith.constant 1.000000e-01 : f32
          %mul3A_210 = vector.broadcast %mul3A_209 : f32 to vector<16xf32>
          %mul3A_211 = arith.mulf %mul3A_210, %get3A_208 : vector<16xf32>
          %add3A_212 = arith.addf %mul3A_205, %mul3A_211 : vector<16xf32>
          %swap3A_213 = arith.index_cast %scan3A_73 : i32 to index
          %swap3A_214 = arith.constant 96 : index
          %swap3A_215 = tpu.vector_load %arg18[%swap3A_213, %swap3A_214] {strides = array<i32>} : memref<16x128xf32, #tpu.memory_space<vmem>>, vector<16xf32>,
          tpu.vector_store %arg18[%swap3A_213, %swap3A_214], %add3A_212 {strides = array<i32>} : memref<16x128xf32, #tpu.memory_space<vmem>>, vector<16xf32>,
          %mul3A_216 = arith.mulf %gather3A, %add3A_212 : vector<16xf32>
          %swap3A_217 = arith.index_cast %scan3A_73 : i32 to index
          %swap3A_218 = arith.constant 96 : index
          %swap3A_219 = tpu.vector_load %arg19[%swap3A_217, %swap3A_218] {strides = array<i32>} : memref<16x128xf32, #tpu.memory_space<vmem>>, vector<16xf32>,
          tpu.vector_store %arg19[%swap3A_217, %swap3A_218], %mul3A_216 {strides = array<i32>} : memref<16x128xf32, #tpu.memory_space<vmem>>, vector<16xf32>,
          %mul3A_220 = arith.constant 0.899999976 : f32
          %mul3A_221 = vector.broadcast %mul3A_220 : f32 to vector<16xf32>
          %mul3A_222 = arith.mulf %mul3A_221, %gather3A : vector<16xf32>
          %get3A_223 = arith.index_cast %scan3A_73 : i32 to index
          %get3A_224 = arith.constant 112 : index
          %get3A_225 = tpu.vector_load %arg16[%get3A_223, %get3A_224] {strides = array<i32>} : memref<16x128xf32, #tpu.memory_space<vmem>>, vector<16xf32>,
          %mul3A_226 = arith.mulf %mul3A_222, %get3A_225 : vector<16xf32>
          %get3A_227 = arith.index_cast %scan3A_73 : i32 to index
          %get3A_228 = arith.constant 112 : index
          %get3A_229 = tpu.vector_load %arg17[%get3A_227, %get3A_228] {strides = array<i32>} : memref<16x128xf32, #tpu.memory_space<vmem>>, vector<16xf32>,
          %mul3A_230 = arith.constant 1.000000e-01 : f32
          %mul3A_231 = vector.broadcast %mul3A_230 : f32 to vector<16xf32>
          %mul3A_232 = arith.mulf %mul3A_231, %get3A_229 : vector<16xf32>
          %add3A_233 = arith.addf %mul3A_226, %mul3A_232 : vector<16xf32>
          %swap3A_234 = arith.index_cast %scan3A_73 : i32 to index
          %swap3A_235 = arith.constant 112 : index
          %swap3A_236 = tpu.vector_load %arg18[%swap3A_234, %swap3A_235] {strides = array<i32>} : memref<16x128xf32, #tpu.memory_space<vmem>>, vector<16xf32>,
          tpu.vector_store %arg18[%swap3A_234, %swap3A_235], %add3A_233 {strides = array<i32>} : memref<16x128xf32, #tpu.memory_space<vmem>>, vector<16xf32>,
          %mul3A_237 = arith.mulf %gather3A, %add3A_233 : vector<16xf32>
          %swap3A_238 = arith.index_cast %scan3A_73 : i32 to index
          %swap3A_239 = arith.constant 112 : index
          %swap3A_240 = tpu.vector_load %arg19[%swap3A_238, %swap3A_239] {strides = array<i32>} : memref<16x128xf32, #tpu.memory_space<vmem>>, vector<16xf32>,
          tpu.vector_store %arg19[%swap3A_238, %swap3A_239], %mul3A_237 {strides = array<i32>} : memref<16x128xf32, #tpu.memory_space<vmem>>, vector<16xf32>,
        }
        %scan3A_68 = arith.constant 16 : i32
        %convert_element_type3A = arith.extui %eq3A_45 : i1 to i32
        %cond3A = arith.constant 0 : i32
        %cond3A_69 = arith.cmpi ne, %convert_element_type3A, %cond3A : i32
        scf.if %cond3A_69 {
          %add3A_73 = arith.addi %mul3A_2, %mul3A_61 : i32
          "tpu.region"() ({
            %run_scoped3A = tpu.sem_alloc : memref<!tpu.dma_semaphore, #tpu.memory_space<semaphore_mem>>
            %dma_start3A = arith.constant 0 : i32
            %dma_start3A_74 = tpu.memref_slice %arg6[%add3A_73, %dma_start3A] : memref<10240x128xf32, #tpu.memory_space<hbm>> -> memref<16x128xf32, #tpu.memory_space<hbm>>
            %dma_start3A_75 = arith.constant 0 : i32
            %dma_start3A_76 = tpu.memref_slice %arg6[%add3A_73, %dma_start3A_75] : memref<10240x128xf32, #tpu.memory_space<hbm>> -> memref<16x128xf32, #tpu.memory_space<hbm>>
            tpu.enqueue_dma source(%arg18 : memref<16x128xf32, #tpu.memory_space<vmem>>) target(%dma_start3A_76 : memref<16x128xf32, #tpu.memory_space<hbm>>) target_semaphore(%run_scoped3A : memref<!tpu.dma_semaphore, #tpu.memory_space<semaphore_mem>>)
            %dma_wait3A = arith.constant 0 : i32
            %dma_wait3A_77 = tpu.memref_slice %arg6[%add3A_73, %dma_wait3A] : memref<10240x128xf32, #tpu.memory_space<hbm>> -> memref<16x128xf32, #tpu.memory_space<hbm>>
            %dma_wait3A_78 = arith.constant 0 : i32
            %dma_wait3A_79 = tpu.memref_slice %arg6[%add3A_73, %dma_wait3A_78] : memref<10240x128xf32, #tpu.memory_space<hbm>> -> memref<16x128xf32, #tpu.memory_space<hbm>>
            tpu.wait_dma2 semaphore(%run_scoped3A : memref<!tpu.dma_semaphore, #tpu.memory_space<semaphore_mem>>) src(%arg18 : memref<16x128xf32, #tpu.memory_space<vmem>>) dst(%dma_wait3A_79 : memref<16x128xf32, #tpu.memory_space<hbm>>)
            tpu.yield
          }) : () -> ()
        } else {
        }
        %convert_element_type3A_70 = arith.extui %lt3A_46 : i1 to i32
        %cond3A_71 = arith.constant 0 : i32
        %cond3A_72 = arith.cmpi ne, %convert_element_type3A_70, %cond3A_71 : i32
        scf.if %cond3A_72 {
          %add3A_73 = arith.addi %mul3A_2, %mul3A_61 : i32
          "tpu.region"() ({
            %run_scoped3A = tpu.sem_alloc : memref<!tpu.dma_semaphore, #tpu.memory_space<semaphore_mem>>
            %dma_start3A = arith.constant 0 : i32
            %dma_start3A_74 = tpu.memref_slice %arg7[%add3A_73, %dma_start3A] : memref<10240x128xf32, #tpu.memory_space<hbm>> -> memref<16x128xf32, #tpu.memory_space<hbm>>
            %dma_start3A_75 = arith.constant 0 : i32
            %dma_start3A_76 = tpu.memref_slice %arg7[%add3A_73, %dma_start3A_75] : memref<10240x128xf32, #tpu.memory_space<hbm>> -> memref<16x128xf32, #tpu.memory_space<hbm>>
            tpu.enqueue_dma source(%arg19 : memref<16x128xf32, #tpu.memory_space<vmem>>) target(%dma_start3A_76 : memref<16x128xf32, #tpu.memory_space<hbm>>) target_semaphore(%run_scoped3A : memref<!tpu.dma_semaphore, #tpu.memory_space<semaphore_mem>>)
            %dma_wait3A = arith.constant 0 : i32
            %dma_wait3A_77 = tpu.memref_slice %arg7[%add3A_73, %dma_wait3A] : memref<10240x128xf32, #tpu.memory_space<hbm>> -> memref<16x128xf32, #tpu.memory_space<hbm>>
            %dma_wait3A_78 = arith.constant 0 : i32
            %dma_wait3A_79 = tpu.memref_slice %arg7[%add3A_73, %dma_wait3A_78] : memref<10240x128xf32, #tpu.memory_space<hbm>> -> memref<16x128xf32, #tpu.memory_space<hbm>>
            tpu.wait_dma2 semaphore(%run_scoped3A : memref<!tpu.dma_semaphore, #tpu.memory_space<semaphore_mem>>) src(%arg19 : memref<16x128xf32, #tpu.memory_space<vmem>>) dst(%dma_wait3A_79 : memref<16x128xf32, #tpu.memory_space<hbm>>)
            tpu.yield
          }) : () -> ()
        } else {
        }
      }
      %scan3A_57 = arith.constant 40 : i32
      %barrier3A_58 = arith.constant 0 : index
      tpu.barrier barrier_id(%barrier3A_58)
    }
    %scan3A_43 = arith.constant 10 : i32
    return
  }
}

module attributes {stable_mosaic.version = 14 : i64} {
  func.func @_mlp_body(%arg0: i32, %arg1: memref<1000x128xf32, #tpu.memory_space<vmem>>, %arg2: memref<128x128xf32, #tpu.memory_space<vmem>>, %arg3: memref<1x128xf32, #tpu.memory_space<vmem>>, %arg4: memref<128x128xf32, #tpu.memory_space<vmem>>, %arg5: memref<1x128xf32, #tpu.memory_space<vmem>>, %arg6: memref<128x64xf32, #tpu.memory_space<vmem>>, %arg7: memref<1x64xf32, #tpu.memory_space<vmem>>, %arg8: memref<64x40xf32, #tpu.memory_space<vmem>>, %arg9: memref<1x40xf32, #tpu.memory_space<vmem>>, %arg10: memref<1000x128xf32, #tpu.memory_space<vmem>>, %arg11: memref<1000x40xf32, #tpu.memory_space<vmem>>) attributes {dimension_semantics = [#tpu.dimension_semantics<arbitrary>], iteration_bounds = array<i64: 10>, scalar_prefetch = 0 : i64, scratch_operands = 0 : i64, tpu.core_type = #tpu.core_type<tc>, window_params = [{transform_indices = @transform_0, window_bounds = array<i64: 1000, 128>}, {pipeline_mode = #tpu.pipeline_mode<synchronous>, transform_indices = @transform_1, window_bounds = array<i64: 128, 128>}, {pipeline_mode = #tpu.pipeline_mode<synchronous>, transform_indices = @transform_2, window_bounds = array<i64: 1, 128>}, {pipeline_mode = #tpu.pipeline_mode<synchronous>, transform_indices = @transform_3, window_bounds = array<i64: 128, 128>}, {pipeline_mode = #tpu.pipeline_mode<synchronous>, transform_indices = @transform_4, window_bounds = array<i64: 1, 128>}, {pipeline_mode = #tpu.pipeline_mode<synchronous>, transform_indices = @transform_5, window_bounds = array<i64: 128, 64>}, {pipeline_mode = #tpu.pipeline_mode<synchronous>, transform_indices = @transform_6, window_bounds = array<i64: 1, 64>}, {pipeline_mode = #tpu.pipeline_mode<synchronous>, transform_indices = @transform_7, window_bounds = array<i64: 64, 40>}, {pipeline_mode = #tpu.pipeline_mode<synchronous>, transform_indices = @transform_8, window_bounds = array<i64: 1, 40>}, {transform_indices = @transform_9, window_bounds = array<i64: 1000, 128>}, {transform_indices = @transform_10, window_bounds = array<i64: 1000, 40>}]} {
    %get3A = arith.constant 0 : index
    %get3A_0 = arith.constant 0 : index
    %get3A_1 = vector.load %arg1[%get3A, %get3A_0] : memref<1000x128xf32, #tpu.memory_space<vmem>>, vector<1000x128xf32>
    %get3A_2 = arith.constant 0 : index
    %get3A_3 = arith.constant 0 : index
    %get3A_4 = vector.load %arg2[%get3A_2, %get3A_3] : memref<128x128xf32, #tpu.memory_space<vmem>>, vector<128x128xf32>
    %dot_general3A = arith.constant dense<0.000000e+00> : vector<1000x128xf32>
    %dot_general3A_5 = tpu.matmul %get3A_1, %get3A_4, %dot_general3A {dimension_numbers = #tpu.dot_dimension_numbers<[1], [0], [0], [1], [0, 0, 1, 1], [], []>, transpose_lhs_hint = false} : vector<1000x128xf32>, vector<128x128xf32>, vector<1000x128xf32> -> vector<1000x128xf32>
    %get3A_6 = arith.constant 0 : index
    %get3A_7 = arith.constant 0 : index
    %get3A_8 = vector.load %arg3[%get3A_6, %get3A_7] : memref<1x128xf32, #tpu.memory_space<vmem>>, vector<1x128xf32>
    %add3A = vector.broadcast %get3A_8 : vector<1x128xf32> to vector<1000x128xf32>
    %add3A_9 = arith.addf %dot_general3A_5, %add3A : vector<1000x128xf32>
    %max3A = arith.constant 0.000000e+00 : f32
    %max3A_10 = vector.broadcast %max3A : f32 to vector<1000x128xf32>
    %max3A_11 = arith.maximumf %add3A_9, %max3A_10 : vector<1000x128xf32>
    %get3A_12 = arith.constant 0 : index
    %get3A_13 = arith.constant 0 : index
    %get3A_14 = vector.load %arg4[%get3A_12, %get3A_13] : memref<128x128xf32, #tpu.memory_space<vmem>>, vector<128x128xf32>
    %dot_general3A_15 = arith.constant dense<0.000000e+00> : vector<1000x128xf32>
    %dot_general3A_16 = tpu.matmul %max3A_11, %get3A_14, %dot_general3A_15 {dimension_numbers = #tpu.dot_dimension_numbers<[1], [0], [0], [1], [0, 0, 1, 1], [], []>, transpose_lhs_hint = false} : vector<1000x128xf32>, vector<128x128xf32>, vector<1000x128xf32> -> vector<1000x128xf32>
    %get3A_17 = arith.constant 0 : index
    %get3A_18 = arith.constant 0 : index
    %get3A_19 = vector.load %arg5[%get3A_17, %get3A_18] : memref<1x128xf32, #tpu.memory_space<vmem>>, vector<1x128xf32>
    %add3A_20 = vector.broadcast %get3A_19 : vector<1x128xf32> to vector<1000x128xf32>
    %add3A_21 = arith.addf %dot_general3A_16, %add3A_20 : vector<1000x128xf32>
    %swap3A = arith.constant 0 : index
    %swap3A_22 = arith.constant 0 : index
    %swap3A_23 = vector.load %arg10[%swap3A, %swap3A_22] : memref<1000x128xf32, #tpu.memory_space<vmem>>, vector<1000x128xf32>
    tpu.vector_store %arg10[%swap3A, %swap3A_22], %add3A_21 {strides = array<i32>} : memref<1000x128xf32, #tpu.memory_space<vmem>>, vector<1000x128xf32>,
    %get3A_24 = arith.constant 0 : index
    %get3A_25 = arith.constant 0 : index
    %get3A_26 = vector.load %arg6[%get3A_24, %get3A_25] : memref<128x64xf32, #tpu.memory_space<vmem>>, vector<128x64xf32>
    %dot_general3A_27 = arith.constant dense<0.000000e+00> : vector<1000x64xf32>
    %dot_general3A_28 = tpu.matmul %add3A_21, %get3A_26, %dot_general3A_27 {dimension_numbers = #tpu.dot_dimension_numbers<[1], [0], [0], [1], [0, 0, 1, 1], [], []>, transpose_lhs_hint = false} : vector<1000x128xf32>, vector<128x64xf32>, vector<1000x64xf32> -> vector<1000x64xf32>
    %get3A_29 = arith.constant 0 : index
    %get3A_30 = arith.constant 0 : index
    %get3A_31 = vector.load %arg7[%get3A_29, %get3A_30] : memref<1x64xf32, #tpu.memory_space<vmem>>, vector<1x64xf32>
    %add3A_32 = vector.broadcast %get3A_31 : vector<1x64xf32> to vector<1000x64xf32>
    %add3A_33 = arith.addf %dot_general3A_28, %add3A_32 : vector<1000x64xf32>
    %max3A_34 = arith.constant 0.000000e+00 : f32
    %max3A_35 = vector.broadcast %max3A_34 : f32 to vector<1000x64xf32>
    %max3A_36 = arith.maximumf %add3A_33, %max3A_35 : vector<1000x64xf32>
    %get3A_37 = arith.constant 0 : index
    %get3A_38 = arith.constant 0 : index
    %get3A_39 = vector.load %arg8[%get3A_37, %get3A_38] : memref<64x40xf32, #tpu.memory_space<vmem>>, vector<64x40xf32>
    %dot_general3A_40 = arith.constant dense<0.000000e+00> : vector<1000x40xf32>
    %dot_general3A_41 = tpu.matmul %max3A_36, %get3A_39, %dot_general3A_40 {dimension_numbers = #tpu.dot_dimension_numbers<[1], [0], [0], [1], [0, 0, 1, 1], [], []>, transpose_lhs_hint = false} : vector<1000x64xf32>, vector<64x40xf32>, vector<1000x40xf32> -> vector<1000x40xf32>
    %get3A_42 = arith.constant 0 : index
    %get3A_43 = arith.constant 0 : index
    %get3A_44 = vector.load %arg9[%get3A_42, %get3A_43] : memref<1x40xf32, #tpu.memory_space<vmem>>, vector<1x40xf32>
    %add3A_45 = vector.broadcast %get3A_44 : vector<1x40xf32> to vector<1000x40xf32>
    %add3A_46 = arith.addf %dot_general3A_41, %add3A_45 : vector<1000x40xf32>
    %swap3A_47 = arith.constant 0 : index
    %swap3A_48 = arith.constant 0 : index
    %swap3A_49 = vector.load %arg11[%swap3A_47, %swap3A_48] : memref<1000x40xf32, #tpu.memory_space<vmem>>, vector<1000x40xf32>
    tpu.vector_store %arg11[%swap3A_47, %swap3A_48], %add3A_46 {strides = array<i32>} : memref<1000x40xf32, #tpu.memory_space<vmem>>, vector<1000x40xf32>,
    return
  }
  func.func @transform_0(%arg0: i32) -> (i32, i32) {
    %c0_i32 = arith.constant 0 : i32
    %c0_i32_0 = arith.constant 0 : i32
    return %arg0, %c0_i32 : i32, i32
  }
  func.func @transform_1(%arg0: i32) -> (i32, i32) {
    %c0_i32 = arith.constant 0 : i32
    %c0_i32_0 = arith.constant 0 : i32
    %c0_i32_1 = arith.constant 0 : i32
    return %c0_i32, %c0_i32_0 : i32, i32
  }
  func.func @transform_2(%arg0: i32) -> (i32, i32) {
    %c0_i32 = arith.constant 0 : i32
    %c0_i32_0 = arith.constant 0 : i32
    %c0_i32_1 = arith.constant 0 : i32
    return %c0_i32, %c0_i32_0 : i32, i32
  }
  func.func @transform_3(%arg0: i32) -> (i32, i32) {
    %c0_i32 = arith.constant 0 : i32
    %c0_i32_0 = arith.constant 0 : i32
    %c0_i32_1 = arith.constant 0 : i32
    return %c0_i32, %c0_i32_0 : i32, i32
  }
  func.func @transform_4(%arg0: i32) -> (i32, i32) {
    %c0_i32 = arith.constant 0 : i32
    %c0_i32_0 = arith.constant 0 : i32
    %c0_i32_1 = arith.constant 0 : i32
    return %c0_i32, %c0_i32_0 : i32, i32
  }
  func.func @transform_5(%arg0: i32) -> (i32, i32) {
    %c0_i32 = arith.constant 0 : i32
    %c0_i32_0 = arith.constant 0 : i32
    %c0_i32_1 = arith.constant 0 : i32
    return %c0_i32, %c0_i32_0 : i32, i32
  }
  func.func @transform_6(%arg0: i32) -> (i32, i32) {
    %c0_i32 = arith.constant 0 : i32
    %c0_i32_0 = arith.constant 0 : i32
    %c0_i32_1 = arith.constant 0 : i32
    return %c0_i32, %c0_i32_0 : i32, i32
  }
  func.func @transform_7(%arg0: i32) -> (i32, i32) {
    %c0_i32 = arith.constant 0 : i32
    %c0_i32_0 = arith.constant 0 : i32
    %c0_i32_1 = arith.constant 0 : i32
    return %c0_i32, %c0_i32_0 : i32, i32
  }
  func.func @transform_8(%arg0: i32) -> (i32, i32) {
    %c0_i32 = arith.constant 0 : i32
    %c0_i32_0 = arith.constant 0 : i32
    %c0_i32_1 = arith.constant 0 : i32
    return %c0_i32, %c0_i32_0 : i32, i32
  }
  func.func @transform_9(%arg0: i32) -> (i32, i32) {
    %c0_i32 = arith.constant 0 : i32
    %c0_i32_0 = arith.constant 0 : i32
    return %arg0, %c0_i32 : i32, i32
  }
  func.func @transform_10(%arg0: i32) -> (i32, i32) {
    %c0_i32 = arith.constant 0 : i32
    %c0_i32_0 = arith.constant 0 : i32
    return %arg0, %c0_i32 : i32, i32
  }
}

</mosaic_0001>

<sc_bundles>
// kernel: kernel.4.cloned.1.call-start
scs
__scs_entry_jumppad:
0x0: {  	(pc) =	sbr.rel $0x88, $3  }
0x1: {  	(tag) =	ssettag $0x0;
	lr =	simm.s32 $0x1  }
0x2: {  	[smem:$0x3F97] =	sst lr;
	_ =	strace $0xD0000000  }
0x3: {  	_ = 	snop  }
0x4: {  	_ = 	snop  }
0x5: {  	_ = 	snop  }
0x6: {  	_ = 	snop  }
0x7: {  	_ = 	snop  }
__scs_overlays_trampoline_lowered:
0x8: {  	[smem:$0x3FA6] =	sst s0  }
0x9: {  	[smem:$0x3FA7] =	sst s1  }
0xa: {  	[smem:$0x3FA8] =	sst s2  }
0xb: {  	[smem:$0x3FA9] =	sst s3  }
0xc: {  	[smem:$0x3FAA] =	sst s4  }
0xd: {  	[smem:$0x3FAB] =	sst s5  }
0xe: {  	[smem:$0x3FAC] =	sst s6  }
0xf: {  	[smem:$0x3FAD] =	sst s7  }
0x10: {  	[smem:$0x3FAE] =	sst s8  }
0x11: {  	[smem:$0x3FAF] =	sst s9;
	s0 =	simm.s32 @!p0 $0x0  }
0x12: {  	s1 =	sld [smem:$0x3F95];
	s0 =	simm.s32 @p0 $0x1  }
0x13: {  	[smem:$0x3FB0] =	sst s0;
	s0 =	simm.s32 @!p1 $0x0  }
0x14: {  	s2 =	sld [smem:$0x3F94];
	s0 =	simm.s32 @p1 $0x1  }
0x15: {  	[smem:$0x3FB1] =	sst s0;
	s0 =	simm.s32 @!p2 $0x0  }
0x16: {  	s3 =	sld [smem:$0x3FDB];
	s0 =	simm.s32 @p2 $0x1  }
0x17: {  	s4 =	simm.s32 $0x1BF5;
	[smem:$0x3FB3] =	sst s0  }
0x18: {  	s0 =	sld [smem:$0x3F96];
	_ =	swait.ge [sflag:s4], $0x0  }
0x19: {  	s7 =	sld [smem:$0x3F97]  }
0x1a: {  	s8 =	sadd.s32 $0xFFFFE003, lr  }
0x1b: {  	s9 =	sadd.s32 $0xFFFFFEF7, lr;
	s5 =	simm.s32 $0xFFFFFFFF;
	p2 =	slt.u32 s8, $0xFFFFF086  }
0x1c: {  	p1 =	slt.u32 s9, $0xF7A;
	s5 =	simm.s32 @!p2 $0x0  }
0x1d: {  	s5 =	simm.s32 @p1 $0x1;
	p0 =	seq.s32 s7, s2  }
0x1e: {  	s7 =	smul.u32 @!p0 $0xF7A, s2;
	p2 =	seq.s32 @!p0 s5, $0x0  }
0x1f: {  	s9 =	smul.u32 $0xF7A, s1;
	s8 =	simm.s32 @!p0 $0x1BF5;
	p2 =	por !p2, p0  }
0x20: {  	[sflag:s8] =	ssyncset.s32 @!p0 $0xFFFFF086;
	s6 =	sadd.s32 @!p0 s3, s7;
	s7 =	simm.s32 @!p0 $0x108  }
0x21: {  	s3 =	sadd.s32 s3, s9;
	s6 =	sadd.s32 @!p0 $0x88, s6;
	s7 =	simm.s32 @p2 $0x1082  }
0x22: {  	[simem:s7], [sflag:s8] =	dma.local @!p0 [hbm:s6], $0xF7A  }
0x23: {  	s9 =	sor.u32 $0xD0000000, s2;
	s6 =	simm.s32 $0x108;
	_ =	swait.ge @!p0 [sflag:s8], $0x0  }
0x24: {  	s3 =	sadd.s32 $0x88, s3;
	s6 =	simm.s32 @!p1 $0x1082;
	[sflag:s4] =	ssyncset.s32 $0xFFFFF086  }
0x25: {  	[simem:s6], [sflag:s4] =	dma.local [hbm:s3], $0xF7A  }
0x26: {  	[smem:$0x3F97] =	sst s1;
	(tag) =	ssettag s2;
	_ =	strace s9  }
0x27: {  	s1 =	sld [smem:$0x3FA7]  }
0x28: {  	s2 =	sld [smem:$0x3FA8]  }
0x29: {  	s4 =	sld [smem:$0x3FAA]  }
0x2a: {  	p0 =	seq.s32 s5, $0x0;
	s5 =	sld [smem:$0x3FAB]  }
0x2b: {  	s6 =	sld [smem:$0x3FAC]  }
0x2c: {  	s7 =	sld [smem:$0x3FAD]  }
0x2d: {  	s3 =	simm.s32 $0x108;
	s8 =	sld [smem:$0x3FAE]  }
0x2e: {  	s3 =	simm.s32 @!p0 $0x1082;
	s9 =	sld [smem:$0x3FAF]  }
0x2f: {  	lr =	sadd.s32 s0, s3;
	s0 =	sld [smem:$0x3FA6]  }
0x30: {  	s3 =	sld [smem:$0x3FA9]  }
0x31: {  	[smem:$0x3FB2] =	sst s10  }
0x32: {  	s10 =	sld [smem:$0x3FB0];
	_ =	sdelay $0x3  }
0x33: {  	p0 =	seq.s32 s10, $0x1;
	s10 =	sld [smem:$0x3FB2];
	_ =	sdelay $0x3  }
0x34: {  	[smem:$0x3FB2] =	sst s10  }
0x35: {  	s10 =	sld [smem:$0x3FB1];
	_ =	sdelay $0x3  }
0x36: {  	p1 =	seq.s32 s10, $0x1;
	s10 =	sld [smem:$0x3FB2];
	_ =	sdelay $0x3  }
0x37: {  	[smem:$0x3FB2] =	sst s10  }
0x38: {  	s10 =	sld [smem:$0x3FB3]  }
0x39: {  	_ = 	snop;
	(pc) =	sbr.ind lr, $3  }
0x3a: {  	_ = 	snop  }
0x3b: {  	_ = 	snop  }
0x3c: {  	p2 =	seq.s32 s10, $0x1;
	s10 =	sld [smem:$0x3FB2]  }
0x3d: {  	_ =	shalt  }
0x3e: {  	_ =	shalt  }
0x3f: {  	_ =	shalt  }
0x40: {  	_ =	shalt  }
0x41: {  	_ =	shalt  }
0x42: {  	_ =	shalt  }
0x43: {  	_ =	shalt  }
0x44: {  	_ =	shalt  }
0x45: {  	_ =	shalt  }
0x46: {  	_ =	shalt  }
0x47: {  	_ =	shalt  }
0x48: {  	_ =	shalt  }
0x49: {  	_ =	shalt  }
0x4a: {  	_ =	shalt  }
0x4b: {  	_ =	shalt  }
0x4c: {  	_ =	shalt  }
0x4d: {  	_ =	shalt  }
0x4e: {  	_ =	shalt  }
0x4f: {  	_ =	shalt  }
0x50: {  	_ =	shalt  }
0x51: {  	_ =	shalt  }
0x52: {  	_ =	shalt  }
0x53: {  	_ =	shalt  }
0x54: {  	_ =	shalt  }
0x55: {  	_ =	shalt  }
0x56: {  	_ =	shalt  }
0x57: {  	_ =	shalt  }
0x58: {  	_ =	shalt  }
0x59: {  	_ =	shalt  }
0x5a: {  	_ =	shalt  }
0x5b: {  	_ =	shalt  }
0x5c: {  	_ =	shalt  }
0x5d: {  	_ =	shalt  }
0x5e: {  	_ =	shalt  }
0x5f: {  	_ =	shalt  }
0x60: {  	_ =	shalt  }
0x61: {  	_ =	shalt  }
0x62: {  	_ =	shalt  }
0x63: {  	_ =	shalt  }
0x64: {  	_ =	shalt  }
0x65: {  	_ =	shalt  }
0x66: {  	_ =	shalt  }
0x67: {  	_ =	shalt  }
0x68: {  	_ =	shalt  }
0x69: {  	_ =	shalt  }
0x6a: {  	_ =	shalt  }
0x6b: {  	_ =	shalt  }
0x6c: {  	_ =	shalt  }
0x6d: {  	_ =	shalt  }
0x6e: {  	_ =	shalt  }
0x6f: {  	_ =	shalt  }
0x70: {  	_ =	shalt  }
0x71: {  	_ =	shalt  }
0x72: {  	_ =	shalt  }
0x73: {  	_ =	shalt  }
0x74: {  	_ =	shalt  }
0x75: {  	_ =	shalt  }
0x76: {  	_ =	shalt  }
0x77: {  	_ =	shalt  }
0x78: {  	_ =	shalt  }
0x79: {  	_ =	shalt  }
0x7a: {  	_ =	shalt  }
0x7b: {  	_ =	shalt  }
0x7c: {  	_ =	shalt  }
0x7d: {  	_ =	shalt  }
0x7e: {  	_ =	shalt  }
0x7f: {  	_ =	shalt  }
0x80: {  	_ =	shalt  }
0x81: {  	_ =	shalt  }
0x82: {  	_ =	shalt  }
0x83: {  	_ =	shalt  }
0x84: {  	_ =	shalt  }
0x85: {  	_ =	shalt  }
0x86: {  	_ =	shalt  }
0x87: {  	_ =	shalt  }
.Lfunc_end0:
.L_simem_size_0:
called_computation_lowered:
.L_overlay_start_0:
0x88: {  	s0 =	sld [smem:$0x3FD9]  }
0x89: {  	s1 =	sld [smem:$0x3FFE];
	_ =	sdelay $0x3  }
0x8a: {  	s0 =	sadd.s32 s1, s0  }
0x8b: {  	[smem:$0x3FBE] =	sst s0  }
0x8c: {  	_ = 	snop  }
0x8d: {  	s0 =	sld [smem:$0x3FD0];
	_ =	sdelay $0x2  }
0x8e: {  	s13 =	simm.s32 $0xA;
	s2 =	simm.s32 $0x10  }
0x8f: {  	[smem:s2], [sflag:s13] =	dma.local [hbm:s0], $0x1  }
0x90: {  	_ =	swait.eq [sflag:s13], $0x1  }
0x91: {  	[sflag:s13] =	ssyncset.done $0x0  }
0x92: {  	[sflag:s13] =	ssyncadd.s32 $0xFFFFFFFF  }
0x93: {  	s14 =	sld [smem:$0x11];
	(tm) =	ssettm $0x1  }
0x94: {  	s15 =	sld [smem:$0x3FFB];
	_ =	sdelay $0x3  }
0x95: {  	_ =	strace s15  }
0x96: {  	s1 =	sld [smem:$0x3FFC];
	_ =	sdelay $0x3  }
0x97: {  	_ =	strace s1  }
0x98: {  	s1 =	sld [smem:$0x3FFD];
	_ =	sdelay $0x3  }
0x99: {  	_ =	strace s1  }
0x9a: {  	_ =	strace $0x8FFFFFFF  }
0x9b: {  	s16 =	sld [smem:$0x3FDB];
	_ =	sdelay $0x1  }
0x9c: {  	s17 =	simm.s32 $_scs_section_size  }
0x9d: {  	s3 =	simm.s32 $_size__tile_overlayer_lowered;
	s4 =	simm.s32 $_tile_overlayer_lowered  }
0x9e: {  	s20 =	simm.s32 $0x1BFF;
	s19 =	sshll.u32 s4, $0x1;
	s1 =	sadd.s32 s17, s16  }
0x9f: {  	s5 =	simm.s32 $0x0;
	s18 =	sshll.u32 s3, $0x1;
	s3 =	sadd.s32 s19, s1  }
0xa0: {  	[timem:s5], [sflag:s20] =	dma.local [hbm:s3], s18  }
0xa1: {  	_ =	swait.ge [sflag:s20], s18  }
0xa2: {  	s2 =	ssub.s32 $0x0, s18;
	[sflag:s20] =	ssyncset.done $0x0  }
0xa3: {  	[sflag:s20] =	ssyncadd.s32 s2;
	_ =	sdelay $0x1  }
0xa4: {  	s21 =	simm.s32 $0x1B8B  }
0xa5: {  	_ =	swait.ge [sflag:s21], $0x1  }
0xa6: {  	[sflag:s21] =	ssyncset.done $0x0  }
0xa7: {  	s23 =	simm.s32 $0x1B8E;
	s22 =	sld [smem:$0x3FFE];
	[sflag:s21] =	ssyncadd.s32 $0xFFFFFFFF  }
0xa8: {  	s24 =	simm.s32 $execute0_lowered;
	[smem:$0x3FD2] =	sst s23  }
0xa9: {  	s3 =	sshll.u32 s24, $0x1;
	_ =	strace $0x80000046;
	[dreg:$0x1] =	wrdreg $0xFFFFFFFF  }
0xaa: {  	s25 =	simm.s32 $_size_execute0_lowered;
	s1 =	sadd.s32 s1, s3;
	[dreg:$0x0] =	wrdreg $0x0  }
0xab: {  	s3 =	sshll.u32 s25, $0x1;
	[dreg:$0x2] =	wrdreg s1  }
0xac: {  	[dreg:$0x3] =	wrdreg s3  }
0xad: {  	[dreg:$0x4] =	wrdreg $0xC0  }
0xae: {  	_ =	task [dreg:s5], $0x5FFFF  }
0xaf: {  	[dreg:$0x1] =	wrdreg $0xFFFFFFFF  }
0xb0: {  	[dreg:$0x0] =	wrdreg $0x60  }
0xb1: {  	[dreg:$0x2] =	wrdreg s22  }
0xb2: {  	[dreg:$0x3] =	wrdreg s14  }
0xb3: {  	[dreg:$0x4] =	wrdreg $0x0  }
0xb4: {  	[dreg:$0x5] =	wrdreg $0x140000  }
0xb5: {  	[dreg:$0x6] =	wrdreg $0x9  }
0xb6: {  	_ =	task.clear_ibuf [dreg:s5], $0x7FFFF;
	_ =	strace $0x90000046  }
0xb7: {  	s26 =	simm.s32 $0x9;
	_ =	strace $0x80000048  }
0xb8: {  	_ =	swait.ge [sflag:s26], $0x1  }
0xb9: {  	[sflag:s26] =	ssyncadd.s32 $0xFFFFFFFF  }
0xba: {  	_ =	strace $0x90000048  }
0xbb: {  	_ =	sfence  }
0xbc: {  	s28 =	sld [smem:$0x0];
	_ =	sdelay $0x1  }
0xbd: {  	s29 =	srdreg.scid  }
0xbe: {  	s30 =	sshll.u32 s29, $0xD;
	s31 =	sshrl.u32 s29, $0x2  }
0xbf: {  	s2 =	sand.u32 $0x4000, s30;
	s1 =	sand.u32 $0x1, s29;
	s0 =	sadd.s32 s31, s28  }
0xc0: {  	s1 =	sor.u32 s2, s1;
	s0 =	sshll.u32 s0, $0x11  }
0xc1: {  	s0 =	sor.u32 s0, s1  }
0xc2: {  	s0 =	sadd.s32 $0x8F2B, s0  }
0xc3: {  	[sflag:s0] =	ssyncadd.remote.s32 $0x1  }
0xc4: {  	_ =	sfence.sel $0xFFFF  }
0xc5: {  	[dreg:$0x0] =	wrdreg $0xFFFFFFFF;
	(pc) =	sbr.abs _section_cstart, $3  }
0xc6: {  	[dreg:$0x1] =	wrdreg $0xFFFFFFFF  }
0xc7: {  	_ =	task.clear_ibuf [dreg:s5], $0x2FFFF;
	_ =	strace $0x9FFFFFFF  }
0xc8: {  	(tm) =	ssettm $0x7FFFFFFF  }
0xc9: {  	_ =	shalt  }
tec
execute0_lowered:
.L_overlay_start_1:
0x0: {  	(tag) =	ssettag $0x1  }
0x1: {  	s3 =	rddreg [dreg:$0x0]  }
0x2: {  	s0 =	rddreg [dreg:$0x1]  }
0x3: {  	s1 =	rddreg [dreg:$0x2]  }
0x4: {  	s4 =	rddreg [dreg:$0x3];
	s2 =	simm.s32 $0x0;
	s9 =	stileid.u32  }
0x5: {  	[smem:$0x7FF] =	sst s2;
	s5 =	sadd.s32 $0x15A00, s3;
	s7 =	sadd.s32 $0x1A00, s3  }
0x6: {  	s30 =	sadd.s32 $0x3DA00, s3;
	_ =	strace $0x80000047;
	[smem:$0x7FB] =	sst s5  }
0x7: {  	s31 =	sadd.s32 $0x8DA00, s3;
	s6 =	sand.u32 $0x1E00, s2;
	[smem:$0x7FC] =	sst s30  }
0x8: {  	s8 =	sand.u32 $0x70, s2;
	[smem:$0x7FD] =	sst s31;
	s6 =	sshrl.u32 s6, $0x2  }
0x9: {  	v0 =	vimm.f32 $0.0e+00;
	s5 =	sadd.s32 $0x65A00, s3;
	s3 =	simm.s32 $0x40;
	s6 =	sor.u32 s8, s6  }
.LBB2_1:
0xa: {  	p0 =	sne.s32 s3, $0x1FC0  }
0xb: {  	[tilespmem:s6+$0x1F280] =	vst v0;
	s2 =	sadd.s32 $0x10, s2;
	s6 =	smov.u32 s3;
	s3 =	sadd.s32 $0x40, s3  }
.Ltmp0:
0xc: {  	(pc) =	sbr.rel @p0 .LBB2_1-.Ltmp0, $4  }
0xd: {  	_ = 	snop  }
0xe: {  	s6 =	sand.u32 $0x1E00, s6  }
0xf: {  	s8 =	sand.u32 $0x70, s2;
	s6 =	sshrl.u32 s6, $0x2  }
0x10: {  	s6 =	sor.u32 s8, s6  }
0x11: {  	[tilespmem:s6+$0x1F280] =	vst v0;
	v61 =	vimm.f32 $0.0e+00  }
0x12: {  	[tilespmem:$0x1FA80] =	vst v61  }
0x13: {  	[tilespmem:$0x1FA90] =	vst v61  }
0x14: {  	[tilespmem:$0x1FAA0] =	vst v61  }
0x15: {  	[tilespmem:$0x1FAB0] =	vst v61  }
0x16: {  	[tilespmem:$0x1FAC0] =	vst v61  }
0x17: {  	[tilespmem:$0x1FAD0] =	vst v61  }
0x18: {  	[tilespmem:$0x1FAE0] =	vst v61  }
0x19: {  	[tilespmem:$0x1FAF0] =	vst v61  }
0x1a: {  	[tilespmem:$0x1FB00] =	vst v61  }
0x1b: {  	[tilespmem:$0x1FB10] =	vst v61  }
0x1c: {  	[tilespmem:$0x1FB20] =	vst v61  }
0x1d: {  	[tilespmem:$0x1FB30] =	vst v61  }
0x1e: {  	[tilespmem:$0x1FB40] =	vst v61  }
0x1f: {  	[tilespmem:$0x1FB50] =	vst v61  }
0x20: {  	[tilespmem:$0x1FB60] =	vst v61  }
0x21: {  	[tilespmem:$0x1FB70] =	vst v61  }
0x22: {  	[tilespmem:$0x1FB80] =	vst v61  }
0x23: {  	[tilespmem:$0x1FB90] =	vst v61  }
0x24: {  	[tilespmem:$0x1FBA0] =	vst v61  }
0x25: {  	[tilespmem:$0x1FBB0] =	vst v61  }
0x26: {  	[tilespmem:$0x1FBC0] =	vst v61  }
0x27: {  	[tilespmem:$0x1FBD0] =	vst v61  }
0x28: {  	[tilespmem:$0x1FBE0] =	vst v61  }
0x29: {  	[tilespmem:$0x1FBF0] =	vst v61  }
0x2a: {  	[tilespmem:$0x1FC00] =	vst v61  }
0x2b: {  	[tilespmem:$0x1FC10] =	vst v61  }
0x2c: {  	[tilespmem:$0x1FC20] =	vst v61  }
0x2d: {  	[tilespmem:$0x1FC30] =	vst v61  }
0x2e: {  	[tilespmem:$0x1FC40] =	vst v61  }
0x2f: {  	[tilespmem:$0x1FC50] =	vst v61  }
0x30: {  	[tilespmem:$0x1FC60] =	vst v61  }
0x31: {  	[tilespmem:$0x1FC70] =	vst v61  }
0x32: {  	[tilespmem:$0x1FC80] =	vst v61  }
0x33: {  	[tilespmem:$0x1FC90] =	vst v61  }
0x34: {  	[tilespmem:$0x1FCA0] =	vst v61  }
0x35: {  	[tilespmem:$0x1FCB0] =	vst v61  }
0x36: {  	[tilespmem:$0x1FCC0] =	vst v61  }
0x37: {  	[tilespmem:$0x1FCD0] =	vst v61  }
0x38: {  	[tilespmem:$0x1FCE0] =	vst v61  }
0x39: {  	v62 =	vimm.f32 $1.000000000e+00;
	[tilespmem:$0x1FCF0] =	vst v61  }
0x3a: {  	[tilespmem:$0x1FF80] =	vst v62  }
0x3b: {  	s2 =	smul.u32 $0x280, s9;
	[tilespmem:$0x1FF90] =	vst v62  }
0x3c: {  	s3 =	simm.s32 $0x1FA80;
	[tilespmem:$0x1FFA0] =	vst v62  }
0x3d: {  	s6 =	simm.s32 $0x9;
	[tilespmem:$0x1FFB0] =	vst v62;
	[smem:$0x7FA] =	sst s2;
	s2 =	sadd.s32 s2, s4  }
0x3e: {  	[spmem:s2] =	stream.linear.scatter [tilespmem:s3], [sflag:$0x9], $0x280, $0x38;
	v63 =	vld [tilespmem:$0x0]  }
0x3f: {  	s3 =	smul.u32 $0x1400, s9;
	_ =	swait.ge [sflag:s6], $0x280  }
0x40: {  	[sflag:s6] =	ssyncset.done $0x0  }
0x41: {  	s11 =	simm.s32 $0x0;
	s7 =	sadd.s32 s3, s7;
	[sflag:s6] =	ssyncadd.s32 $0xFFFFFD80  }
0x42: {  	s10 =	simm.s32 $0x14A80;
	s8 =	sadd.s32 $0x0, s7;
	[bflag:$0x0] =	sbarrier.arrive $0xFFFF  }
0x43: {  	[tilespmem:s10], [sflag:$0x9] =	stream.linear.gather [hbm4b:s8+s11], $0x800, $0x38;
	v63 =	vld [tilespmem:$0x0]  }
0x44: {  	_ =	swait.ge [sflag:s6], $0x800  }
0x45: {  	[sflag:s6] =	ssyncset.done $0x0  }
0x46: {  	s9 =	simm.s32 $0x1FF80;
	s8 =	simm.s32 $0x40;
	[sflag:s6] =	ssyncadd.s32 $0xFFFFF800  }
0x47: {  	[spmem:s4] =	stream.indirect.scatter.add.f32 [tilespmem:s9], [sflag:$0x9], $0x1, s10, s8, $0xb8;
	v63 =	vld [tilespmem:$0x0]  }
0x48: {  	_ =	swait.ge [sflag:s6], $0x40  }
0x49: {  	[sflag:s6] =	ssyncset.done $0x0  }
0x4a: {  	s12 =	simm.s32 $0x14B00;
	[sflag:s6] =	ssyncadd.s32 $0xFFFFFFC0  }
0x4b: {  	[spmem:s4] =	stream.indirect.scatter.add.f32 [tilespmem:s9], [sflag:$0x9], $0x1, s12, s8, $0xb8;
	v63 =	vld [tilespmem:$0x0]  }
0x4c: {  	_ =	swait.ge [sflag:s6], $0x40  }
0x4d: {  	[sflag:s6] =	ssyncset.done $0x0  }
0x4e: {  	s13 =	simm.s32 $0x14B80;
	[sflag:s6] =	ssyncadd.s32 $0xFFFFFFC0  }
0x4f: {  	[spmem:s4] =	stream.indirect.scatter.add.f32 [tilespmem:s9], [sflag:$0x9], $0x1, s13, s8, $0xb8;
	v63 =	vld [tilespmem:$0x0]  }
0x50: {  	_ =	swait.ge [sflag:s6], $0x40  }
0x51: {  	[sflag:s6] =	ssyncset.done $0x0  }
0x52: {  	s14 =	simm.s32 $0x14C00;
	[sflag:s6] =	ssyncadd.s32 $0xFFFFFFC0  }
0x53: {  	[spmem:s4] =	stream.indirect.scatter.add.f32 [tilespmem:s9], [sflag:$0x9], $0x1, s14, s8, $0xb8;
	v63 =	vld [tilespmem:$0x0]  }
0x54: {  	_ =	swait.ge [sflag:s6], $0x40  }
0x55: {  	[sflag:s6] =	ssyncset.done $0x0  }
0x56: {  	s15 =	simm.s32 $0x14C80;
	[sflag:s6] =	ssyncadd.s32 $0xFFFFFFC0  }
0x57: {  	[spmem:s4] =	stream.indirect.scatter.add.f32 [tilespmem:s9], [sflag:$0x9], $0x1, s15, s8, $0xb8;
	v63 =	vld [tilespmem:$0x0]  }
0x58: {  	_ =	swait.ge [sflag:s6], $0x40  }
0x59: {  	[sflag:s6] =	ssyncset.done $0x0  }
0x5a: {  	s16 =	simm.s32 $0x14D00;
	[sflag:s6] =	ssyncadd.s32 $0xFFFFFFC0  }
0x5b: {  	[spmem:s4] =	stream.indirect.scatter.add.f32 [tilespmem:s9], [sflag:$0x9], $0x1, s16, s8, $0xb8;
	v63 =	vld [tilespmem:$0x0]  }
0x5c: {  	_ =	swait.ge [sflag:s6], $0x40  }
0x5d: {  	[sflag:s6] =	ssyncset.done $0x0  }
0x5e: {  	s17 =	simm.s32 $0x14D80;
	[sflag:s6] =	ssyncadd.s32 $0xFFFFFFC0  }
0x5f: {  	[spmem:s4] =	stream.indirect.scatter.add.f32 [tilespmem:s9], [sflag:$0x9], $0x1, s17, s8, $0xb8;
	v63 =	vld [tilespmem:$0x0]  }
0x60: {  	_ =	swait.ge [sflag:s6], $0x40  }
0x61: {  	[sflag:s6] =	ssyncset.done $0x0  }
0x62: {  	s18 =	simm.s32 $0x14E00;
	[sflag:s6] =	ssyncadd.s32 $0xFFFFFFC0  }
0x63: {  	[spmem:s4] =	stream.indirect.scatter.add.f32 [tilespmem:s9], [sflag:$0x9], $0x1, s18, s8, $0xb8;
	v63 =	vld [tilespmem:$0x0]  }
0x64: {  	_ =	swait.ge [sflag:s6], $0x40  }
0x65: {  	[sflag:s6] =	ssyncset.done $0x0  }
0x66: {  	s19 =	simm.s32 $0x14E80;
	[sflag:s6] =	ssyncadd.s32 $0xFFFFFFC0  }
0x67: {  	[spmem:s4] =	stream.indirect.scatter.add.f32 [tilespmem:s9], [sflag:$0x9], $0x1, s19, s8, $0xb8;
	v63 =	vld [tilespmem:$0x0]  }
0x68: {  	_ =	swait.ge [sflag:s6], $0x40  }
0x69: {  	[sflag:s6] =	ssyncset.done $0x0  }
0x6a: {  	s20 =	simm.s32 $0x14F00;
	[sflag:s6] =	ssyncadd.s32 $0xFFFFFFC0  }
0x6b: {  	[spmem:s4] =	stream.indirect.scatter.add.f32 [tilespmem:s9], [sflag:$0x9], $0x1, s20, s8, $0xb8;
	v63 =	vld [tilespmem:$0x0]  }
0x6c: {  	_ =	swait.ge [sflag:s6], $0x40  }
0x6d: {  	[sflag:s6] =	ssyncset.done $0x0  }
0x6e: {  	s21 =	simm.s32 $0x14F80;
	[sflag:s6] =	ssyncadd.s32 $0xFFFFFFC0  }
0x6f: {  	[spmem:s4] =	stream.indirect.scatter.add.f32 [tilespmem:s9], [sflag:$0x9], $0x1, s21, s8, $0xb8;
	v63 =	vld [tilespmem:$0x0]  }
0x70: {  	_ =	swait.ge [sflag:s6], $0x40  }
0x71: {  	[sflag:s6] =	ssyncset.done $0x0  }
0x72: {  	s22 =	simm.s32 $0x15000;
	[sflag:s6] =	ssyncadd.s32 $0xFFFFFFC0  }
0x73: {  	[spmem:s4] =	stream.indirect.scatter.add.f32 [tilespmem:s9], [sflag:$0x9], $0x1, s22, s8, $0xb8;
	v63 =	vld [tilespmem:$0x0]  }
0x74: {  	_ =	swait.ge [sflag:s6], $0x40  }
0x75: {  	[sflag:s6] =	ssyncset.done $0x0  }
0x76: {  	s23 =	simm.s32 $0x15080;
	[sflag:s6] =	ssyncadd.s32 $0xFFFFFFC0  }
0x77: {  	[spmem:s4] =	stream.indirect.scatter.add.f32 [tilespmem:s9], [sflag:$0x9], $0x1, s23, s8, $0xb8;
	v63 =	vld [tilespmem:$0x0]  }
0x78: {  	_ =	swait.ge [sflag:s6], $0x40  }
0x79: {  	[sflag:s6] =	ssyncset.done $0x0  }
0x7a: {  	s24 =	simm.s32 $0x15100;
	[sflag:s6] =	ssyncadd.s32 $0xFFFFFFC0  }
0x7b: {  	[spmem:s4] =	stream.indirect.scatter.add.f32 [tilespmem:s9], [sflag:$0x9], $0x1, s24, s8, $0xb8;
	v63 =	vld [tilespmem:$0x0]  }
0x7c: {  	_ =	swait.ge [sflag:s6], $0x40  }
0x7d: {  	[sflag:s6] =	ssyncset.done $0x0  }
0x7e: {  	s25 =	simm.s32 $0x15180;
	[sflag:s6] =	ssyncadd.s32 $0xFFFFFFC0  }
0x7f: {  	[spmem:s4] =	stream.indirect.scatter.add.f32 [tilespmem:s9], [sflag:$0x9], $0x1, s25, s8, $0xb8;
	v63 =	vld [tilespmem:$0x0]  }
0x80: {  	_ =	swait.ge [sflag:s6], $0x40  }
0x81: {  	[sflag:s6] =	ssyncset.done $0x0  }
0x82: {  	s26 =	simm.s32 $0x15200;
	[sflag:s6] =	ssyncadd.s32 $0xFFFFFFC0  }
0x83: {  	[spmem:s4] =	stream.indirect.scatter.add.f32 [tilespmem:s9], [sflag:$0x9], $0x1, s26, s8, $0xb8;
	v63 =	vld [tilespmem:$0x0]  }
0x84: {  	_ =	swait.ge [sflag:s6], $0x40  }
0x85: {  	s28 =	simm.s32 $0x100;
	s30 =	simm.s32 $0x200;
	[sflag:s6] =	ssyncset.done $0x0  }
.LBB2_3:
0x86: {  	s31 =	sadd.s32 s28, s7  }
0x87: {  	[sflag:s6] =	ssyncadd.s32 $0xFFFFFFC0;
	s28 =	smov.u32 s30;
	s29 =	sadd.s32 $0x100, s30  }
0x88: {  	[tilespmem:s10], [sflag:$0x9] =	stream.linear.gather [hbm4b:s31+s11], $0x800, $0x38;
	v63 =	vld [tilespmem:$0x0]  }
0x89: {  	p0 =	sne.s32 s30, $0x1300;
	_ =	swait.ge [sflag:s6], $0x800  }
0x8a: {  	[sflag:s6] =	ssyncset.done $0x0  }
0x8b: {  	[sflag:s6] =	ssyncadd.s32 $0xFFFFF800  }
0x8c: {  	[spmem:s4] =	stream.indirect.scatter.add.f32 [tilespmem:s9], [sflag:$0x9], $0x1, s10, s8, $0xb8;
	v63 =	vld [tilespmem:$0x0]  }
0x8d: {  	_ =	swait.ge [sflag:s6], $0x40  }
0x8e: {  	[sflag:s6] =	ssyncset.done $0x0  }
0x8f: {  	[sflag:s6] =	ssyncadd.s32 $0xFFFFFFC0  }
0x90: {  	[spmem:s4] =	stream.indirect.scatter.add.f32 [tilespmem:s9], [sflag:$0x9], $0x1, s12, s8, $0xb8;
	v63 =	vld [tilespmem:$0x0]  }
0x91: {  	_ =	swait.ge [sflag:s6], $0x40  }
0x92: {  	[sflag:s6] =	ssyncset.done $0x0  }
0x93: {  	[sflag:s6] =	ssyncadd.s32 $0xFFFFFFC0  }
0x94: {  	[spmem:s4] =	stream.indirect.scatter.add.f32 [tilespmem:s9], [sflag:$0x9], $0x1, s13, s8, $0xb8;
	v63 =	vld [tilespmem:$0x0]  }
0x95: {  	_ =	swait.ge [sflag:s6], $0x40  }
0x96: {  	[sflag:s6] =	ssyncset.done $0x0  }
0x97: {  	[sflag:s6] =	ssyncadd.s32 $0xFFFFFFC0  }
0x98: {  	[spmem:s4] =	stream.indirect.scatter.add.f32 [tilespmem:s9], [sflag:$0x9], $0x1, s14, s8, $0xb8;
	v63 =	vld [tilespmem:$0x0]  }
0x99: {  	_ =	swait.ge [sflag:s6], $0x40  }
0x9a: {  	[sflag:s6] =	ssyncset.done $0x0  }
0x9b: {  	[sflag:s6] =	ssyncadd.s32 $0xFFFFFFC0  }
0x9c: {  	[spmem:s4] =	stream.indirect.scatter.add.f32 [tilespmem:s9], [sflag:$0x9], $0x1, s15, s8, $0xb8;
	v63 =	vld [tilespmem:$0x0]  }
0x9d: {  	_ =	swait.ge [sflag:s6], $0x40  }
0x9e: {  	[sflag:s6] =	ssyncset.done $0x0  }
0x9f: {  	[sflag:s6] =	ssyncadd.s32 $0xFFFFFFC0  }
0xa0: {  	[spmem:s4] =	stream.indirect.scatter.add.f32 [tilespmem:s9], [sflag:$0x9], $0x1, s16, s8, $0xb8;
	v63 =	vld [tilespmem:$0x0]  }
0xa1: {  	_ =	swait.ge [sflag:s6], $0x40  }
0xa2: {  	[sflag:s6] =	ssyncset.done $0x0  }
0xa3: {  	[sflag:s6] =	ssyncadd.s32 $0xFFFFFFC0  }
0xa4: {  	[spmem:s4] =	stream.indirect.scatter.add.f32 [tilespmem:s9], [sflag:$0x9], $0x1, s17, s8, $0xb8;
	v63 =	vld [tilespmem:$0x0]  }
0xa5: {  	_ =	swait.ge [sflag:s6], $0x40  }
0xa6: {  	[sflag:s6] =	ssyncset.done $0x0  }
0xa7: {  	[sflag:s6] =	ssyncadd.s32 $0xFFFFFFC0  }
0xa8: {  	[spmem:s4] =	stream.indirect.scatter.add.f32 [tilespmem:s9], [sflag:$0x9], $0x1, s18, s8, $0xb8;
	v63 =	vld [tilespmem:$0x0]  }
0xa9: {  	_ =	swait.ge [sflag:s6], $0x40  }
0xaa: {  	[sflag:s6] =	ssyncset.done $0x0  }
0xab: {  	[sflag:s6] =	ssyncadd.s32 $0xFFFFFFC0  }
0xac: {  	[spmem:s4] =	stream.indirect.scatter.add.f32 [tilespmem:s9], [sflag:$0x9], $0x1, s19, s8, $0xb8;
	v63 =	vld [tilespmem:$0x0]  }
0xad: {  	_ =	swait.ge [sflag:s6], $0x40  }
0xae: {  	[sflag:s6] =	ssyncset.done $0x0  }
0xaf: {  	[sflag:s6] =	ssyncadd.s32 $0xFFFFFFC0  }
0xb0: {  	[spmem:s4] =	stream.indirect.scatter.add.f32 [tilespmem:s9], [sflag:$0x9], $0x1, s20, s8, $0xb8;
	v63 =	vld [tilespmem:$0x0]  }
0xb1: {  	_ =	swait.ge [sflag:s6], $0x40  }
0xb2: {  	[sflag:s6] =	ssyncset.done $0x0  }
0xb3: {  	[sflag:s6] =	ssyncadd.s32 $0xFFFFFFC0  }
0xb4: {  	[spmem:s4] =	stream.indirect.scatter.add.f32 [tilespmem:s9], [sflag:$0x9], $0x1, s21, s8, $0xb8;
	v63 =	vld [tilespmem:$0x0]  }
0xb5: {  	_ =	swait.ge [sflag:s6], $0x40  }
0xb6: {  	[sflag:s6] =	ssyncset.done $0x0  }
0xb7: {  	[sflag:s6] =	ssyncadd.s32 $0xFFFFFFC0  }
0xb8: {  	[spmem:s4] =	stream.indirect.scatter.add.f32 [tilespmem:s9], [sflag:$0x9], $0x1, s22, s8, $0xb8;
	v63 =	vld [tilespmem:$0x0]  }
0xb9: {  	_ =	swait.ge [sflag:s6], $0x40  }
0xba: {  	[sflag:s6] =	ssyncset.done $0x0  }
0xbb: {  	[sflag:s6] =	ssyncadd.s32 $0xFFFFFFC0  }
0xbc: {  	[spmem:s4] =	stream.indirect.scatter.add.f32 [tilespmem:s9], [sflag:$0x9], $0x1, s23, s8, $0xb8;
	v63 =	vld [tilespmem:$0x0]  }
0xbd: {  	_ =	swait.ge [sflag:s6], $0x40  }
0xbe: {  	[sflag:s6] =	ssyncset.done $0x0  }
0xbf: {  	[sflag:s6] =	ssyncadd.s32 $0xFFFFFFC0  }
0xc0: {  	[spmem:s4] =	stream.indirect.scatter.add.f32 [tilespmem:s9], [sflag:$0x9], $0x1, s24, s8, $0xb8;
	v63 =	vld [tilespmem:$0x0]  }
0xc1: {  	_ =	swait.ge [sflag:s6], $0x40  }
0xc2: {  	[sflag:s6] =	ssyncset.done $0x0  }
0xc3: {  	[sflag:s6] =	ssyncadd.s32 $0xFFFFFFC0  }
0xc4: {  	[spmem:s4] =	stream.indirect.scatter.add.f32 [tilespmem:s9], [sflag:$0x9], $0x1, s25, s8, $0xb8;
	v63 =	vld [tilespmem:$0x0]  }
0xc5: {  	_ =	swait.ge [sflag:s6], $0x40  }
.Ltmp1:
0xc6: {  	[sflag:s6] =	ssyncset.done $0x0;
	(pc) =	sbr.rel @p0 .LBB2_3-.Ltmp1, $4  }
0xc7: {  	[sflag:s6] =	ssyncadd.s32 $0xFFFFFFC0  }
0xc8: {  	[spmem:s4] =	stream.indirect.scatter.add.f32 [tilespmem:s9], [sflag:$0x9], $0x1, s26, s8, $0xb8;
	v63 =	vld [tilespmem:$0x0]  }
0xc9: {  	_ =	swait.ge [sflag:s6], $0x40  }
0xca: {  	s30 =	smov.u32 s29;
	[sflag:s6] =	ssyncset.done $0x0  }
0xcb: {  	s28 =	sadd.s32 s28, s7;
	[sflag:s6] =	ssyncadd.s32 $0xFFFFFFC0  }
0xcc: {  	[tilespmem:s10], [sflag:$0x9] =	stream.linear.gather [hbm4b:s28+s11], $0x800, $0x38;
	v63 =	vld [tilespmem:$0x0]  }
0xcd: {  	_ =	swait.ge [sflag:s6], $0x800  }
0xce: {  	[sflag:s6] =	ssyncset.done $0x0  }
0xcf: {  	[sflag:s6] =	ssyncadd.s32 $0xFFFFF800  }
0xd0: {  	[spmem:s4] =	stream.indirect.scatter.add.f32 [tilespmem:s9], [sflag:$0x9], $0x1, s10, s8, $0xb8;
	v63 =	vld [tilespmem:$0x0]  }
0xd1: {  	_ =	swait.ge [sflag:s6], $0x40  }
0xd2: {  	[sflag:s6] =	ssyncset.done $0x0  }
0xd3: {  	[sflag:s6] =	ssyncadd.s32 $0xFFFFFFC0  }
0xd4: {  	[spmem:s4] =	stream.indirect.scatter.add.f32 [tilespmem:s9], [sflag:$0x9], $0x1, s12, s8, $0xb8;
	v63 =	vld [tilespmem:$0x0]  }
0xd5: {  	_ =	swait.ge [sflag:s6], $0x40  }
0xd6: {  	[sflag:s6] =	ssyncset.done $0x0  }
0xd7: {  	[sflag:s6] =	ssyncadd.s32 $0xFFFFFFC0  }
0xd8: {  	[spmem:s4] =	stream.indirect.scatter.add.f32 [tilespmem:s9], [sflag:$0x9], $0x1, s13, s8, $0xb8;
	v63 =	vld [tilespmem:$0x0]  }
0xd9: {  	_ =	swait.ge [sflag:s6], $0x40  }
0xda: {  	[sflag:s6] =	ssyncset.done $0x0  }
0xdb: {  	[sflag:s6] =	ssyncadd.s32 $0xFFFFFFC0  }
0xdc: {  	[spmem:s4] =	stream.indirect.scatter.add.f32 [tilespmem:s9], [sflag:$0x9], $0x1, s14, s8, $0xb8;
	v63 =	vld [tilespmem:$0x0]  }
0xdd: {  	_ =	swait.ge [sflag:s6], $0x40  }
0xde: {  	[sflag:s6] =	ssyncset.done $0x0  }
0xdf: {  	[sflag:s6] =	ssyncadd.s32 $0xFFFFFFC0  }
0xe0: {  	[spmem:s4] =	stream.indirect.scatter.add.f32 [tilespmem:s9], [sflag:$0x9], $0x1, s15, s8, $0xb8;
	v63 =	vld [tilespmem:$0x0]  }
0xe1: {  	_ =	swait.ge [sflag:s6], $0x40  }
0xe2: {  	[sflag:s6] =	ssyncset.done $0x0  }
0xe3: {  	[sflag:s6] =	ssyncadd.s32 $0xFFFFFFC0  }
0xe4: {  	[spmem:s4] =	stream.indirect.scatter.add.f32 [tilespmem:s9], [sflag:$0x9], $0x1, s16, s8, $0xb8;
	v63 =	vld [tilespmem:$0x0]  }
0xe5: {  	_ =	swait.ge [sflag:s6], $0x40  }
0xe6: {  	[sflag:s6] =	ssyncset.done $0x0  }
0xe7: {  	[sflag:s6] =	ssyncadd.s32 $0xFFFFFFC0  }
0xe8: {  	[spmem:s4] =	stream.indirect.scatter.add.f32 [tilespmem:s9], [sflag:$0x9], $0x1, s17, s8, $0xb8;
	v63 =	vld [tilespmem:$0x0]  }
0xe9: {  	_ =	swait.ge [sflag:s6], $0x40  }
0xea: {  	[sflag:s6] =	ssyncset.done $0x0  }
0xeb: {  	[sflag:s6] =	ssyncadd.s32 $0xFFFFFFC0  }
0xec: {  	[spmem:s4] =	stream.indirect.scatter.add.f32 [tilespmem:s9], [sflag:$0x9], $0x1, s18, s8, $0xb8;
	v63 =	vld [tilespmem:$0x0]  }
0xed: {  	_ =	swait.ge [sflag:s6], $0x40  }
0xee: {  	[sflag:s6] =	ssyncset.done $0x0  }
0xef: {  	[sflag:s6] =	ssyncadd.s32 $0xFFFFFFC0  }
0xf0: {  	[spmem:s4] =	stream.indirect.scatter.add.f32 [tilespmem:s9], [sflag:$0x9], $0x1, s19, s8, $0xb8;
	v63 =	vld [tilespmem:$0x0]  }
0xf1: {  	_ =	swait.ge [sflag:s6], $0x40  }
0xf2: {  	[sflag:s6] =	ssyncset.done $0x0  }
0xf3: {  	[sflag:s6] =	ssyncadd.s32 $0xFFFFFFC0  }
0xf4: {  	[spmem:s4] =	stream.indirect.scatter.add.f32 [tilespmem:s9], [sflag:$0x9], $0x1, s20, s8, $0xb8;
	v63 =	vld [tilespmem:$0x0]  }
0xf5: {  	_ =	swait.ge [sflag:s6], $0x40  }
0xf6: {  	[sflag:s6] =	ssyncset.done $0x0  }
0xf7: {  	[sflag:s6] =	ssyncadd.s32 $0xFFFFFFC0  }
0xf8: {  	[spmem:s4] =	stream.indirect.scatter.add.f32 [tilespmem:s9], [sflag:$0x9], $0x1, s21, s8, $0xb8;
	v63 =	vld [tilespmem:$0x0]  }
0xf9: {  	_ =	swait.ge [sflag:s6], $0x40  }
0xfa: {  	[sflag:s6] =	ssyncset.done $0x0  }
0xfb: {  	[sflag:s6] =	ssyncadd.s32 $0xFFFFFFC0  }
0xfc: {  	[spmem:s4] =	stream.indirect.scatter.add.f32 [tilespmem:s9], [sflag:$0x9], $0x1, s22, s8, $0xb8;
	v63 =	vld [tilespmem:$0x0]  }
0xfd: {  	_ =	swait.ge [sflag:s6], $0x40  }
0xfe: {  	[sflag:s6] =	ssyncset.done $0x0  }
0xff: {  	[sflag:s6] =	ssyncadd.s32 $0xFFFFFFC0  }
0x100: {  	[spmem:s4] =	stream.indirect.scatter.add.f32 [tilespmem:s9], [sflag:$0x9], $0x1, s23, s8, $0xb8;
	v63 =	vld [tilespmem:$0x0]  }
0x101: {  	_ =	swait.ge [sflag:s6], $0x40  }
0x102: {  	[sflag:s6] =	ssyncset.done $0x0  }
0x103: {  	[sflag:s6] =	ssyncadd.s32 $0xFFFFFFC0  }
0x104: {  	[spmem:s4] =	stream.indirect.scatter.add.f32 [tilespmem:s9], [sflag:$0x9], $0x1, s24, s8, $0xb8;
	v63 =	vld [tilespmem:$0x0]  }
0x105: {  	_ =	swait.ge [sflag:s6], $0x40  }
0x106: {  	[sflag:s6] =	ssyncset.done $0x0  }
0x107: {  	[sflag:s6] =	ssyncadd.s32 $0xFFFFFFC0  }
0x108: {  	[spmem:s4] =	stream.indirect.scatter.add.f32 [tilespmem:s9], [sflag:$0x9], $0x1, s25, s8, $0xb8;
	v63 =	vld [tilespmem:$0x0]  }
0x109: {  	_ =	swait.ge [sflag:s6], $0x40  }
0x10a: {  	[sflag:s6] =	ssyncset.done $0x0  }
0x10b: {  	[sflag:s6] =	ssyncadd.s32 $0xFFFFFFC0  }
0x10c: {  	[spmem:s4] =	stream.indirect.scatter.add.f32 [tilespmem:s9], [sflag:$0x9], $0x1, s26, s8, $0xb8;
	v63 =	vld [tilespmem:$0x0]  }
0x10d: {  	_ =	swait.ge [sflag:s6], $0x40  }
0x10e: {  	[sflag:s6] =	ssyncset.done $0x0  }
0x10f: {  	[sflag:s6] =	ssyncadd.s32 $0xFFFFFFC0  }
0x110: {  	s30 =	simm.s32 $0x1FD00;
	s31 =	simm.s32 $0x9;
	[bflag:$0x0] =	sbarrier.arrive $0xFFFF  }
0x111: {  	[tilespmem:s30], [sflag:$0x9] =	stream.linear.gather [spmem:s2], $0x280, $0x38;
	v63 =	vld [tilespmem:$0x0]  }
0x112: {  	_ =	swait.ge [sflag:s31], $0x280  }
0x113: {  	[sflag:s31] =	ssyncset.done $0x0  }
0x114: {  	s10 =	simm.s32 $0x0;
	s2 =	simm.s32 $0x40;
	[sflag:s31] =	ssyncadd.s32 $0xFFFFFD80  }
.LBB2_5:
0x115: {  	p0 =	sne.s32 s2, $0x9C0;
	v0 =	vld [tilespmem:s10+$0x1FD00];
	_ =	sdelay $0x4  }
0x116: {  	v0 =	vmax.f32 v0, $1.000000000e+00  }
0x117: {  	v1 =	vshra.s32 v0, $0x1;
	v0 =	vmul.f32 $5.000000000e-01, v0  }
0x118: {  	v1 =	vsub.s32 $0x5F3759DF, v1  }
0x119: {  	v2 =	vmul.f32 v1, v0;
	_ =	sdelay $0x1  }
0x11a: {  	v2 =	vmul.f32 v1, v2;
	_ =	sdelay $0x1  }
0x11b: {  	v2 =	vsub.f32 $1.500000000e+00, v2;
	_ =	sdelay $0x1  }
0x11c: {  	v1 =	vmul.f32 v1, v2;
	_ =	sdelay $0x1  }
0x11d: {  	v2 =	vmul.f32 v1, v0;
	_ =	sdelay $0x1  }
0x11e: {  	v2 =	vmul.f32 v2, v1;
	_ =	sdelay $0x1  }
0x11f: {  	v2 =	vsub.f32 $1.500000000e+00, v2;
	_ =	sdelay $0x1  }
0x120: {  	v1 =	vmul.f32 v2, v1;
	_ =	sdelay $0x1  }
0x121: {  	v0 =	vmul.f32 v1, v0;
	_ =	sdelay $0x1  }
0x122: {  	v0 =	vmul.f32 v0, v1;
	_ =	sdelay $0x1  }
.Ltmp2:
0x123: {  	v0 =	vsub.f32 $1.500000000e+00, v0;
	(pc) =	sbr.rel @p0 .LBB2_5-.Ltmp2, $3  }
0x124: {  	_ = 	snop  }
0x125: {  	v0 =	vmul.f32 v0, v1;
	_ =	sdelay $0x1  }
0x126: {  	[tilespmem:s10+$0x1FD00] =	vst v0;
	s10 =	sshra.s32 s2, $0x2;
	s2 =	sadd.s32 $0x40, s2  }
0x127: {  	v0 =	vld [tilespmem:s10+$0x1FD00];
	_ =	sdelay $0x4  }
0x128: {  	v0 =	vmax.f32 v0, $1.000000000e+00  }
0x129: {  	v1 =	vshra.s32 v0, $0x1;
	v0 =	vmul.f32 $5.000000000e-01, v0  }
0x12a: {  	v1 =	vsub.s32 $0x5F3759DF, v1  }
0x12b: {  	v2 =	vmul.f32 v1, v0;
	_ =	sdelay $0x1  }
0x12c: {  	v2 =	vmul.f32 v1, v2;
	_ =	sdelay $0x1  }
0x12d: {  	v2 =	vsub.f32 $1.500000000e+00, v2;
	_ =	sdelay $0x1  }
0x12e: {  	v1 =	vmul.f32 v1, v2;
	_ =	sdelay $0x1  }
0x12f: {  	v2 =	vmul.f32 v1, v0;
	_ =	sdelay $0x1  }
0x130: {  	v2 =	vmul.f32 v2, v1;
	_ =	sdelay $0x1  }
0x131: {  	v2 =	vsub.f32 $1.500000000e+00, v2;
	_ =	sdelay $0x1  }
0x132: {  	v1 =	vmul.f32 v2, v1;
	_ =	sdelay $0x1  }
0x133: {  	v0 =	vmul.f32 v1, v0;
	_ =	sdelay $0x1  }
0x134: {  	v0 =	vmul.f32 v0, v1;
	_ =	sdelay $0x1  }
0x135: {  	v0 =	vsub.f32 $1.500000000e+00, v0;
	_ =	sdelay $0x1  }
0x136: {  	s2 =	simm.s32 $0x0;
	s4 =	simm.s32 $0x1DA80;
	v0 =	vmul.f32 v0, v1  }
0x137: {  	s6 =	simm.s32 $0x9;
	s8 =	simm.s32 $0x1F280;
	s9 =	simm.s32 $0x1FD00  }
0x138: {  	s11 =	simm.s32 $0x0;
	s12 =	simm.s32 $0x0;
	[tilespmem:s10+$0x1FD00] =	vst v0;
	s10 =	simm.s32 $0x1EA80  }
.LBB2_7:
0x139: {  	s14 =	sld [smem:$0x7FA];
	_ =	sdelay $0x1  }
0x13a: {  	s13 =	sshll.u32 s12, $0x4;
	s15 =	sld [smem:$0x7FB]  }
0x13b: {  	s14 =	sadd.s32 s14, s13  }
0x13c: {  	s13 =	sshll.u32 s14, $0x4  }
0x13d: {  	s15 =	sadd.s32 s15, s13  }
0x13e: {  	[tilespmem:s4], [sflag:$0x9] =	stream.linear.gather [hbm4b:s15+s2], $0x800, $0x38;
	v63 =	vld [tilespmem:$0x0]  }
0x13f: {  	s14 =	sshll.u32 s14, $0x7;
	_ =	swait.ge [sflag:s6], $0x800  }
0x140: {  	s14 =	sand.u32 $0x3FFFFF80, s14;
	[sflag:s6] =	ssyncset.done $0x0  }
0x141: {  	s14 =	sadd.s32 s14, s1;
	[sflag:s6] =	ssyncadd.s32 $0xFFFFF800  }
0x142: {  	[spmem:s14] =	stream.linear.scatter [tilespmem:s8], [sflag:$0x9], $0x800, $0x38;
	v63 =	vld [tilespmem:$0x0]  }
0x143: {  	_ =	swait.ge [sflag:s6], $0x800  }
0x144: {  	v0 =	vmov s11;
	[sflag:s6] =	ssyncset.done $0x0  }
0x145: {  	s14 =	simm.s32 $0x0;
	[sflag:s6] =	ssyncadd.s32 $0xFFFFF800  }
0x146: {  	v1 =	vld [tilespmem:s14+$0x1DA80]  }
0x147: {  	v2 =	vld [tilespmem:s14+$0x1DA90]  }
0x148: {  	v3 =	vld [tilespmem:s14+$0x1DAA0]  }
0x149: {  	v0 =	vld.idx.msk [tilespmem:v0+s9+$0x0], $0xffff  }
0x14a: {  	v4 =	vld [tilespmem:s14+$0x1DAB0]  }
0x14b: {  	v5 =	vld [tilespmem:s14+$0x1DAC0]  }
0x14c: {  	v6 =	vld [tilespmem:s14+$0x1DAD0]  }
0x14d: {  	v7 =	vld [tilespmem:s14+$0x1DAE0]  }
0x14e: {  	v8 =	vld [tilespmem:s14+$0x1DAF0];
	v1 =	vmul.f32 v1, v0  }
0x14f: {  	v2 =	vmul.f32 v2, v0  }
0x150: {  	v3 =	vmul.f32 v3, v0;
	[tilespmem:s14+$0x1EA80] =	vst v1  }
0x151: {  	v9 =	vmul.f32 v4, v0;
	[tilespmem:s14+$0x1EA90] =	vst v2  }
0x152: {  	s15 =	sadd.s32 $0x1, s11;
	v4 =	vmul.f32 v5, v0;
	v1 =	vmul.f32 v6, v0;
	[tilespmem:s14+$0x1EAA0] =	vst v3  }
0x153: {  	s17 =	simm.s32 $0x80;
	s16 =	simm.s32 $0x400;
	v3 =	vmul.f32 v7, v0;
	v0 =	vmul.f32 v8, v0;
	v2 =	vmov s15;
	[tilespmem:s14+$0x1EAB0] =	vst v9  }
.LBB2_8:
0x154: {  	p0 =	sne.s32 s16, $0x1E00;
	v5 =	vld [tilespmem:s17+$0x1DA80];
	[tilespmem:s14+$0x1EAC0] =	vst v4  }
0x155: {  	v4 =	vld [tilespmem:s17+$0x1DA90];
	[tilespmem:s14+$0x1EAD0] =	vst v1  }
0x156: {  	v1 =	vld [tilespmem:s17+$0x1DAA0];
	[tilespmem:s14+$0x1EAE0] =	vst v3  }
0x157: {  	v3 =	vld [tilespmem:s17+$0x1DAB0];
	[tilespmem:s14+$0x1EAF0] =	vst v0;
	s14 =	smov.u32 s17  }
0x158: {  	v0 =	vld.idx.msk [tilespmem:v2+s9+$0x0], $0xffff  }
0x159: {  	v2 =	vld [tilespmem:s14+$0x1DAC0]  }
0x15a: {  	v6 =	vld [tilespmem:s14+$0x1DAD0]  }
0x15b: {  	v7 =	vld [tilespmem:s14+$0x1DAE0]  }
0x15c: {  	v8 =	vld [tilespmem:s14+$0x1DAF0];
	_ =	sdelay $0x1  }
0x15d: {  	v5 =	vmul.f32 v5, v0;
	v9 =	vmul.f32 v4, v0  }
.Ltmp3:
0x15e: {  	v10 =	vmul.f32 v1, v0;
	v11 =	vmul.f32 v3, v0;
	(pc) =	sbr.rel @p0 .LBB2_8-.Ltmp3, $4  }
0x15f: {  	v4 =	vmul.f32 v2, v0;
	v1 =	vmul.f32 v6, v0;
	[tilespmem:s14+$0x1EA80] =	vst v5  }
0x160: {  	v3 =	vmul.f32 v7, v0;
	[tilespmem:s14+$0x1EA90] =	vst v9;
	v0 =	vmul.f32 v8, v0  }
0x161: {  	s15 =	sadd.s32 $0x1, s15;
	[tilespmem:s14+$0x1EAA0] =	vst v10  }
0x162: {  	s17 =	sshra.s32 s16, $0x2;
	s16 =	sadd.s32 $0x200, s16;
	v2 =	vmov s15;
	[tilespmem:s14+$0x1EAB0] =	vst v11  }
0x163: {  	v5 =	vld [tilespmem:s17+$0x1DA80];
	[tilespmem:s14+$0x1EAC0] =	vst v4  }
0x164: {  	v4 =	vld [tilespmem:s17+$0x1DA90];
	[tilespmem:s14+$0x1EAD0] =	vst v1  }
0x165: {  	v1 =	vld [tilespmem:s17+$0x1DAA0];
	[tilespmem:s14+$0x1EAE0] =	vst v3  }
0x166: {  	v3 =	vld [tilespmem:s17+$0x1DAB0];
	[tilespmem:s14+$0x1EAF0] =	vst v0  }
0x167: {  	v0 =	vld.idx.msk [tilespmem:v2+s9+$0x0], $0xffff;
	_ =	sdelay $0x3  }
0x168: {  	v60 =	vld [tilespmem:s17+$0x1DAC0]  }
0x169: {  	v6 =	vld [tilespmem:s17+$0x1DAD0];
	v5 =	vmul.f32 v5, v0  }
0x16a: {  	v7 =	vld [tilespmem:s17+$0x1DAE0];
	v4 =	vmul.f32 v4, v0  }
0x16b: {  	v8 =	vld [tilespmem:s17+$0x1DAF0];
	v1 =	vmul.f32 v1, v0;
	[tilespmem:s17+$0x1EA80] =	vst v5  }
0x16c: {  	v3 =	vmul.f32 v3, v0;
	[tilespmem:s17+$0x1EA90] =	vst v4  }
0x16d: {  	v2 =	vmul.f32 v60, v0;
	[tilespmem:s17+$0x1EAA0] =	vst v1  }
0x16e: {  	v61 =	vmul.f32 v6, v0;
	[tilespmem:s17+$0x1EAB0] =	vst v3  }
0x16f: {  	v62 =	vmul.f32 v7, v0;
	[tilespmem:s17+$0x1EAC0] =	vst v2  }
0x170: {  	s12 =	sadd.s32 $0x1, s12;
	v0 =	vmul.f32 v8, v0;
	[tilespmem:s17+$0x1EAD0] =	vst v61  }
0x171: {  	p0 =	sne.s32 s12, $0x28;
	[tilespmem:s17+$0x1EAE0] =	vst v62  }
.Ltmp4:
0x172: {  	s13 =	sadd.s32 s5, s13;
	[tilespmem:s17+$0x1EAF0] =	vst v0;
	(pc) =	sbr.rel @p0 .LBB2_7-.Ltmp4, $4  }
0x173: {  	[hbm4b:s13+s2] =	stream.linear.scatter [tilespmem:s10], [sflag:$0x9], $0x800, $0x38;
	v63 =	vld [tilespmem:$0x0]  }
0x174: {  	_ =	swait.ge [sflag:s6], $0x800  }
0x175: {  	[sflag:s6] =	ssyncset.done $0x0  }
0x176: {  	s11 =	sadd.s32 $0x10, s11;
	[sflag:s6] =	ssyncadd.s32 $0xFFFFF800  }
0x177: {  	[bflag:$0x0] =	sbarrier.arrive $0xFFFF;
	s2 =	simm.s32 $0x14300  }
0x178: {  	s10 =	simm.s32 $0x14380;
	[dreg:$0x5] =	wrdreg s2  }
0x179: {  	s11 =	simm.s32 $0x14400;
	s12 =	simm.s32 $0x14B00;
	[dreg:$0x6] =	wrdreg s10  }
0x17a: {  	s13 =	simm.s32 $0x14B80;
	s14 =	simm.s32 $0x14480;
	[dreg:$0x7] =	wrdreg s11  }
0x17b: {  	s15 =	simm.s32 $0x14C00;
	s16 =	simm.s32 $0x14500;
	[dreg:$0x8] =	wrdreg s12  }
0x17c: {  	s8 =	sadd.s32 s3, s0;
	s17 =	simm.s32 $0x14C80;
	[dreg:$0x9] =	wrdreg s13  }
0x17d: {  	s18 =	simm.s32 $0x14580;
	s19 =	simm.s32 $0x14D00;
	[dreg:$0xa] =	wrdreg s14  }
0x17e: {  	s20 =	simm.s32 $0x14600;
	s21 =	simm.s32 $0x14D80;
	[dreg:$0xb] =	wrdreg s15  }
0x17f: {  	s22 =	simm.s32 $0x14680;
	s23 =	simm.s32 $0x14E00;
	[dreg:$0xc] =	wrdreg s16  }
0x180: {  	s24 =	simm.s32 $0x14700;
	s25 =	simm.s32 $0x14E80;
	[dreg:$0xd] =	wrdreg s17  }
0x181: {  	s26 =	simm.s32 $0x14780;
	s29 =	simm.s32 $0x14F00;
	[dreg:$0xe] =	wrdreg s18  }
0x182: {  	s3 =	simm.s32 $0x14F80;
	s4 =	simm.s32 $0x14880;
	[dreg:$0xf] =	wrdreg s19  }
0x183: {  	s6 =	simm.s32 $0x15000;
	s9 =	simm.s32 $0x14900;
	[dreg:$0x10] =	wrdreg s20  }
0x184: {  	s30 =	simm.s32 $0x15080;
	s28 =	simm.s32 $0x15100;
	[dreg:$0x11] =	wrdreg s21  }
0x185: {  	s31 =	simm.s32 $0x14A00;
	s0 =	simm.s32 $0x15180;
	[dreg:$0x12] =	wrdreg s22  }
0x186: {  	s10 =	simm.s32 $0x0;
	s11 =	simm.s32 $0x14280;
	[dreg:$0x13] =	wrdreg s23  }
0x187: {  	s12 =	simm.s32 $0x9;
	s13 =	simm.s32 $0x14A80;
	[dreg:$0x14] =	wrdreg s24  }
0x188: {  	s14 =	simm.s32 $0x40;
	s15 =	simm.s32 $0x15280;
	[dreg:$0x15] =	wrdreg s25  }
0x189: {  	s16 =	simm.s32 $0x17280;
	s17 =	simm.s32 $0x19280;
	[dreg:$0x16] =	wrdreg s26  }
0x18a: {  	s18 =	simm.s32 $0x1B280;
	s19 =	simm.s32 $0x1;
	[dreg:$0x17] =	wrdreg s29  }
0x18b: {  	s20 =	simm.s32 $0x2;
	s2 =	simm.s32 $0x14800;
	[dreg:$0x19] =	wrdreg s3  }
0x18c: {  	s21 =	simm.s32 $0x3;
	s22 =	simm.s32 $0x5;
	[dreg:$0x1a] =	wrdreg s4  }
0x18d: {  	s23 =	simm.s32 $0x4;
	s24 =	simm.s32 $0x6;
	[dreg:$0x1b] =	wrdreg s6  }
0x18e: {  	s25 =	simm.s32 $0x7;
	s26 =	simm.s32 $0x8;
	[dreg:$0x1c] =	wrdreg s9  }
0x18f: {  	s9 =	simm.s32 $0x14980;
	s29 =	simm.s32 $0x0;
	[dreg:$0x18] =	wrdreg s2  }
0x190: {  	s4 =	simm.s32 $0x15200;
	s3 =	simm.s32 $0x1FD00;
	[smem:$0x7F9] =	sst s29  }
.LBB2_11:
0x191: {  	s2 =	sadd.s32 $0x0, s8  }
0x192: {  	[tilespmem:s11], [sflag:$0x9] =	stream.linear.gather [hbm4b:s2+s10], $0x800, $0x38;
	v63 =	vld [tilespmem:$0x0]  }
0x193: {  	_ =	swait.ge [sflag:s12], $0x800  }
0x194: {  	[sflag:s12] =	ssyncset.done $0x0  }
0x195: {  	s6 =	sadd.s32 $0x0, s7;
	[sflag:s12] =	ssyncadd.s32 $0xFFFFF800  }
0x196: {  	[tilespmem:s13], [sflag:$0x9] =	stream.linear.gather [hbm4b:s6+s10], $0x800, $0x38;
	v63 =	vld [tilespmem:$0x0]  }
0x197: {  	_ =	swait.ge [sflag:s12], $0x800  }
0x198: {  	[sflag:s12] =	ssyncset.done $0x0  }
0x199: {  	[sflag:s12] =	ssyncadd.s32 $0xFFFFF800  }
0x19a: {  	[tilespmem:s15], [sflag:$0x1] =	stream.indirect.gather [hbm4b:s5+s14], $0x80, s11, s14, $0xb8;
	v63 =	vld [tilespmem:$0x0]  }
0x19b: {  	s29 =	rddreg [dreg:$0x5]  }
0x19c: {  	[tilespmem:s16], [sflag:$0x2] =	stream.indirect.gather [hbm4b:s5+s14], $0x80, s29, s14, $0xb8;
	v63 =	vld [tilespmem:$0x0]  }
0x19d: {  	s6 =	rddreg [dreg:$0x6]  }
0x19e: {  	[tilespmem:s17], [sflag:$0x3] =	stream.indirect.gather [hbm4b:s5+s14], $0x80, s6, s14, $0xb8;
	v63 =	vld [tilespmem:$0x0]  }
0x19f: {  	s29 =	rddreg [dreg:$0x7]  }
0x1a0: {  	[tilespmem:s18], [sflag:$0x4] =	stream.indirect.gather [hbm4b:s5+s14], $0x80, s29, s14, $0xb8;
	v63 =	vld [tilespmem:$0x0]  }
0x1a1: {  	_ =	swait.ge [sflag:s19], $0x2000  }
0x1a2: {  	[sflag:s19] =	ssyncset.done $0x0  }
0x1a3: {  	[sflag:s19] =	ssyncadd.s32 $0xFFFFE000  }
0x1a4: {  	[spmem:s1] =	stream.indirect.scatter.add.f32 [tilespmem:s15], [sflag:$0x5], $0x80, s13, s14, $0xb8;
	v63 =	vld [tilespmem:$0x0]  }
0x1a5: {  	_ =	swait.ge [sflag:s20], $0x2000  }
0x1a6: {  	[sflag:s20] =	ssyncset.done $0x0  }
0x1a7: {  	s29 =	rddreg [dreg:$0x8];
	[sflag:s20] =	ssyncadd.s32 $0xFFFFE000  }
0x1a8: {  	[spmem:s1] =	stream.indirect.scatter.add.f32 [tilespmem:s16], [sflag:$0x6], $0x80, s29, s14, $0xb8;
	v63 =	vld [tilespmem:$0x0]  }
0x1a9: {  	_ =	swait.ge [sflag:s21], $0x2000  }
0x1aa: {  	[sflag:s21] =	ssyncset.done $0x0  }
0x1ab: {  	s6 =	rddreg [dreg:$0x9];
	[sflag:s21] =	ssyncadd.s32 $0xFFFFE000  }
0x1ac: {  	[spmem:s1] =	stream.indirect.scatter.add.f32 [tilespmem:s17], [sflag:$0x7], $0x80, s6, s14, $0xb8;
	v63 =	vld [tilespmem:$0x0]  }
0x1ad: {  	_ =	swait.ge [sflag:s22], $0x2000  }
0x1ae: {  	[sflag:s22] =	ssyncset.done $0x0  }
0x1af: {  	s29 =	rddreg [dreg:$0xa];
	[sflag:s22] =	ssyncadd.s32 $0xFFFFE000  }
0x1b0: {  	[tilespmem:s15], [sflag:$0x1] =	stream.indirect.gather [hbm4b:s5+s14], $0x80, s29, s14, $0xb8;
	v63 =	vld [tilespmem:$0x0]  }
0x1b1: {  	_ =	swait.ge [sflag:s23], $0x2000  }
0x1b2: {  	[sflag:s23] =	ssyncset.done $0x0  }
0x1b3: {  	s6 =	rddreg [dreg:$0xb];
	[sflag:s23] =	ssyncadd.s32 $0xFFFFE000  }
0x1b4: {  	[spmem:s1] =	stream.indirect.scatter.add.f32 [tilespmem:s18], [sflag:$0x8], $0x80, s6, s14, $0xb8;
	v63 =	vld [tilespmem:$0x0]  }
0x1b5: {  	_ =	swait.ge [sflag:s24], $0x2000  }
0x1b6: {  	[sflag:s24] =	ssyncset.done $0x0  }
0x1b7: {  	s29 =	rddreg [dreg:$0xc];
	[sflag:s24] =	ssyncadd.s32 $0xFFFFE000  }
0x1b8: {  	[tilespmem:s16], [sflag:$0x2] =	stream.indirect.gather [hbm4b:s5+s14], $0x80, s29, s14, $0xb8;
	v63 =	vld [tilespmem:$0x0]  }
0x1b9: {  	_ =	swait.ge [sflag:s19], $0x2000  }
0x1ba: {  	[sflag:s19] =	ssyncset.done $0x0  }
0x1bb: {  	s6 =	rddreg [dreg:$0xd];
	[sflag:s19] =	ssyncadd.s32 $0xFFFFE000  }
0x1bc: {  	[spmem:s1] =	stream.indirect.scatter.add.f32 [tilespmem:s15], [sflag:$0x5], $0x80, s6, s14, $0xb8;
	v63 =	vld [tilespmem:$0x0]  }
0x1bd: {  	_ =	swait.ge [sflag:s25], $0x2000  }
0x1be: {  	[sflag:s25] =	ssyncset.done $0x0  }
0x1bf: {  	s29 =	rddreg [dreg:$0xe];
	[sflag:s25] =	ssyncadd.s32 $0xFFFFE000  }
0x1c0: {  	[tilespmem:s17], [sflag:$0x3] =	stream.indirect.gather [hbm4b:s5+s14], $0x80, s29, s14, $0xb8;
	v63 =	vld [tilespmem:$0x0]  }
0x1c1: {  	_ =	swait.ge [sflag:s20], $0x2000  }
0x1c2: {  	[sflag:s20] =	ssyncset.done $0x0  }
0x1c3: {  	s6 =	rddreg [dreg:$0xf];
	[sflag:s20] =	ssyncadd.s32 $0xFFFFE000  }
0x1c4: {  	[spmem:s1] =	stream.indirect.scatter.add.f32 [tilespmem:s16], [sflag:$0x6], $0x80, s6, s14, $0xb8;
	v63 =	vld [tilespmem:$0x0]  }
0x1c5: {  	_ =	swait.ge [sflag:s26], $0x2000  }
0x1c6: {  	[sflag:s26] =	ssyncset.done $0x0  }
0x1c7: {  	s29 =	rddreg [dreg:$0x10];
	[sflag:s26] =	ssyncadd.s32 $0xFFFFE000  }
0x1c8: {  	[tilespmem:s18], [sflag:$0x4] =	stream.indirect.gather [hbm4b:s5+s14], $0x80, s29, s14, $0xb8;
	v63 =	vld [tilespmem:$0x0]  }
0x1c9: {  	_ =	swait.ge [sflag:s21], $0x2000  }
0x1ca: {  	[sflag:s21] =	ssyncset.done $0x0  }
0x1cb: {  	s6 =	rddreg [dreg:$0x11];
	[sflag:s21] =	ssyncadd.s32 $0xFFFFE000  }
0x1cc: {  	[spmem:s1] =	stream.indirect.scatter.add.f32 [tilespmem:s17], [sflag:$0x7], $0x80, s6, s14, $0xb8;
	v63 =	vld [tilespmem:$0x0]  }
0x1cd: {  	_ =	swait.ge [sflag:s22], $0x2000  }
0x1ce: {  	[sflag:s22] =	ssyncset.done $0x0  }
0x1cf: {  	s29 =	rddreg [dreg:$0x12];
	[sflag:s22] =	ssyncadd.s32 $0xFFFFE000  }
0x1d0: {  	[tilespmem:s15], [sflag:$0x1] =	stream.indirect.gather [hbm4b:s5+s14], $0x80, s29, s14, $0xb8;
	v63 =	vld [tilespmem:$0x0]  }
0x1d1: {  	_ =	swait.ge [sflag:s23], $0x2000  }
0x1d2: {  	[sflag:s23] =	ssyncset.done $0x0  }
0x1d3: {  	s6 =	rddreg [dreg:$0x13];
	[sflag:s23] =	ssyncadd.s32 $0xFFFFE000  }
0x1d4: {  	[spmem:s1] =	stream.indirect.scatter.add.f32 [tilespmem:s18], [sflag:$0x8], $0x80, s6, s14, $0xb8;
	v63 =	vld [tilespmem:$0x0]  }
0x1d5: {  	_ =	swait.ge [sflag:s24], $0x2000  }
0x1d6: {  	[sflag:s24] =	ssyncset.done $0x0  }
0x1d7: {  	s29 =	rddreg [dreg:$0x14];
	[sflag:s24] =	ssyncadd.s32 $0xFFFFE000  }
0x1d8: {  	[tilespmem:s16], [sflag:$0x2] =	stream.indirect.gather [hbm4b:s5+s14], $0x80, s29, s14, $0xb8;
	v63 =	vld [tilespmem:$0x0]  }
0x1d9: {  	_ =	swait.ge [sflag:s19], $0x2000  }
0x1da: {  	[sflag:s19] =	ssyncset.done $0x0  }
0x1db: {  	s6 =	rddreg [dreg:$0x15];
	[sflag:s19] =	ssyncadd.s32 $0xFFFFE000  }
0x1dc: {  	[spmem:s1] =	stream.indirect.scatter.add.f32 [tilespmem:s15], [sflag:$0x5], $0x80, s6, s14, $0xb8;
	v63 =	vld [tilespmem:$0x0]  }
0x1dd: {  	_ =	swait.ge [sflag:s25], $0x2000  }
0x1de: {  	[sflag:s25] =	ssyncset.done $0x0  }
0x1df: {  	s29 =	rddreg [dreg:$0x16];
	[sflag:s25] =	ssyncadd.s32 $0xFFFFE000  }
0x1e0: {  	[tilespmem:s17], [sflag:$0x3] =	stream.indirect.gather [hbm4b:s5+s14], $0x80, s29, s14, $0xb8;
	v63 =	vld [tilespmem:$0x0]  }
0x1e1: {  	_ =	swait.ge [sflag:s20], $0x2000  }
0x1e2: {  	[sflag:s20] =	ssyncset.done $0x0  }
0x1e3: {  	s6 =	rddreg [dreg:$0x17];
	[sflag:s20] =	ssyncadd.s32 $0xFFFFE000  }
0x1e4: {  	[spmem:s1] =	stream.indirect.scatter.add.f32 [tilespmem:s16], [sflag:$0x6], $0x80, s6, s14, $0xb8;
	v63 =	vld [tilespmem:$0x0]  }
0x1e5: {  	_ =	swait.ge [sflag:s26], $0x2000  }
0x1e6: {  	[sflag:s26] =	ssyncset.done $0x0  }
0x1e7: {  	s29 =	rddreg [dreg:$0x18];
	[sflag:s26] =	ssyncadd.s32 $0xFFFFE000  }
0x1e8: {  	[tilespmem:s18], [sflag:$0x4] =	stream.indirect.gather [hbm4b:s5+s14], $0x80, s29, s14, $0xb8;
	v63 =	vld [tilespmem:$0x0]  }
0x1e9: {  	_ =	swait.ge [sflag:s21], $0x2000  }
0x1ea: {  	[sflag:s21] =	ssyncset.done $0x0  }
0x1eb: {  	s6 =	rddreg [dreg:$0x19];
	[sflag:s21] =	ssyncadd.s32 $0xFFFFE000  }
0x1ec: {  	[spmem:s1] =	stream.indirect.scatter.add.f32 [tilespmem:s17], [sflag:$0x7], $0x80, s6, s14, $0xb8;
	v63 =	vld [tilespmem:$0x0]  }
0x1ed: {  	_ =	swait.ge [sflag:s22], $0x2000  }
0x1ee: {  	[sflag:s22] =	ssyncset.done $0x0  }
0x1ef: {  	s29 =	rddreg [dreg:$0x1a];
	[sflag:s22] =	ssyncadd.s32 $0xFFFFE000  }
0x1f0: {  	[tilespmem:s15], [sflag:$0x1] =	stream.indirect.gather [hbm4b:s5+s14], $0x80, s29, s14, $0xb8;
	v63 =	vld [tilespmem:$0x0]  }
0x1f1: {  	_ =	swait.ge [sflag:s23], $0x2000  }
0x1f2: {  	[sflag:s23] =	ssyncset.done $0x0  }
0x1f3: {  	s6 =	rddreg [dreg:$0x1b];
	[sflag:s23] =	ssyncadd.s32 $0xFFFFE000  }
0x1f4: {  	[spmem:s1] =	stream.indirect.scatter.add.f32 [tilespmem:s18], [sflag:$0x8], $0x80, s6, s14, $0xb8;
	v63 =	vld [tilespmem:$0x0]  }
0x1f5: {  	_ =	swait.ge [sflag:s24], $0x2000  }
0x1f6: {  	[sflag:s24] =	ssyncset.done $0x0  }
0x1f7: {  	s29 =	rddreg [dreg:$0x1c];
	[sflag:s24] =	ssyncadd.s32 $0xFFFFE000  }
0x1f8: {  	[tilespmem:s16], [sflag:$0x2] =	stream.indirect.gather [hbm4b:s5+s14], $0x80, s29, s14, $0xb8;
	v63 =	vld [tilespmem:$0x0]  }
0x1f9: {  	_ =	swait.ge [sflag:s19], $0x2000  }
0x1fa: {  	[sflag:s19] =	ssyncset.done $0x0  }
0x1fb: {  	[sflag:s19] =	ssyncadd.s32 $0xFFFFE000  }
0x1fc: {  	[spmem:s1] =	stream.indirect.scatter.add.f32 [tilespmem:s15], [sflag:$0x5], $0x80, s30, s14, $0xb8;
	v63 =	vld [tilespmem:$0x0]  }
0x1fd: {  	_ =	swait.ge [sflag:s25], $0x2000  }
0x1fe: {  	[sflag:s25] =	ssyncset.done $0x0  }
0x1ff: {  	[sflag:s25] =	ssyncadd.s32 $0xFFFFE000  }
0x200: {  	[tilespmem:s17], [sflag:$0x3] =	stream.indirect.gather [hbm4b:s5+s14], $0x80, s9, s14, $0xb8;
	v63 =	vld [tilespmem:$0x0]  }
0x201: {  	_ =	swait.ge [sflag:s20], $0x2000  }
0x202: {  	[sflag:s20] =	ssyncset.done $0x0  }
0x203: {  	[sflag:s20] =	ssyncadd.s32 $0xFFFFE000  }
0x204: {  	[spmem:s1] =	stream.indirect.scatter.add.f32 [tilespmem:s16], [sflag:$0x6], $0x80, s28, s14, $0xb8;
	v63 =	vld [tilespmem:$0x0]  }
0x205: {  	_ =	swait.ge [sflag:s26], $0x2000  }
0x206: {  	[sflag:s26] =	ssyncset.done $0x0  }
0x207: {  	[sflag:s26] =	ssyncadd.s32 $0xFFFFE000  }
0x208: {  	[tilespmem:s18], [sflag:$0x4] =	stream.indirect.gather [hbm4b:s5+s14], $0x80, s31, s14, $0xb8;
	v63 =	vld [tilespmem:$0x0]  }
0x209: {  	_ =	swait.ge [sflag:s21], $0x2000  }
0x20a: {  	[sflag:s21] =	ssyncset.done $0x0  }
0x20b: {  	[sflag:s21] =	ssyncadd.s32 $0xFFFFE000  }
0x20c: {  	[spmem:s1] =	stream.indirect.scatter.add.f32 [tilespmem:s17], [sflag:$0x7], $0x80, s0, s14, $0xb8;
	v63 =	vld [tilespmem:$0x0]  }
0x20d: {  	_ =	swait.ge [sflag:s23], $0x2000  }
0x20e: {  	[sflag:s23] =	ssyncset.done $0x0  }
0x20f: {  	[sflag:s23] =	ssyncadd.s32 $0xFFFFE000  }
0x210: {  	[spmem:s1] =	stream.indirect.scatter.add.f32 [tilespmem:s18], [sflag:$0x8], $0x80, s4, s14, $0xb8;
	v63 =	vld [tilespmem:$0x0]  }
0x211: {  	_ =	swait.ge [sflag:s22], $0x2000  }
0x212: {  	[sflag:s22] =	ssyncset.done $0x0  }
0x213: {  	[sflag:s22] =	ssyncadd.s32 $0xFFFFE000  }
0x214: {  	_ =	swait.ge [sflag:s24], $0x2000  }
0x215: {  	[sflag:s24] =	ssyncset.done $0x0  }
0x216: {  	[sflag:s24] =	ssyncadd.s32 $0xFFFFE000  }
0x217: {  	_ =	swait.ge [sflag:s25], $0x2000  }
0x218: {  	[sflag:s25] =	ssyncset.done $0x0  }
0x219: {  	[sflag:s25] =	ssyncadd.s32 $0xFFFFE000  }
0x21a: {  	_ =	swait.ge [sflag:s26], $0x2000  }
0x21b: {  	s6 =	simm.s32 $0x200;
	s9 =	simm.s32 $0x100;
	[sflag:s26] =	ssyncset.done $0x0  }
.LBB2_12:
0x21c: {  	s28 =	sadd.s32 s9, s8;
	[sflag:s26] =	ssyncadd.s32 $0xFFFFE000  }
0x21d: {  	[tilespmem:s11], [sflag:$0x9] =	stream.linear.gather [hbm4b:s28+s10], $0x800, $0x38;
	v63 =	vld [tilespmem:$0x0]  }
0x21e: {  	_ =	swait.ge [sflag:s12], $0x800  }
0x21f: {  	s29 =	smov.u32 s6;
	s2 =	sadd.s32 $0x100, s6;
	[sflag:s12] =	ssyncset.done $0x0  }
0x220: {  	p0 =	sne.s32 s6, $0x1300;
	s6 =	sadd.s32 s9, s7;
	[sflag:s12] =	ssyncadd.s32 $0xFFFFF800  }
0x221: {  	[tilespmem:s13], [sflag:$0x9] =	stream.linear.gather [hbm4b:s6+s10], $0x800, $0x38;
	v63 =	vld [tilespmem:$0x0]  }
0x222: {  	_ =	swait.ge [sflag:s12], $0x800  }
0x223: {  	[sflag:s12] =	ssyncset.done $0x0  }
0x224: {  	[sflag:s12] =	ssyncadd.s32 $0xFFFFF800  }
0x225: {  	[tilespmem:s15], [sflag:$0x1] =	stream.indirect.gather [hbm4b:s5+s14], $0x80, s11, s14, $0xb8;
	v63 =	vld [tilespmem:$0x0]  }
0x226: {  	s6 =	rddreg [dreg:$0x5]  }
0x227: {  	[tilespmem:s16], [sflag:$0x2] =	stream.indirect.gather [hbm4b:s5+s14], $0x80, s6, s14, $0xb8;
	v63 =	vld [tilespmem:$0x0]  }
0x228: {  	s28 =	rddreg [dreg:$0x6]  }
0x229: {  	[tilespmem:s17], [sflag:$0x3] =	stream.indirect.gather [hbm4b:s5+s14], $0x80, s28, s14, $0xb8;
	v63 =	vld [tilespmem:$0x0]  }
0x22a: {  	s6 =	rddreg [dreg:$0x7]  }
0x22b: {  	[tilespmem:s18], [sflag:$0x4] =	stream.indirect.gather [hbm4b:s5+s14], $0x80, s6, s14, $0xb8;
	v63 =	vld [tilespmem:$0x0]  }
0x22c: {  	_ =	swait.ge [sflag:s19], $0x2000  }
0x22d: {  	[sflag:s19] =	ssyncset.done $0x0  }
0x22e: {  	[sflag:s19] =	ssyncadd.s32 $0xFFFFE000  }
0x22f: {  	[spmem:s1] =	stream.indirect.scatter.add.f32 [tilespmem:s15], [sflag:$0x5], $0x80, s13, s14, $0xb8;
	v63 =	vld [tilespmem:$0x0]  }
0x230: {  	_ =	swait.ge [sflag:s20], $0x2000  }
0x231: {  	[sflag:s20] =	ssyncset.done $0x0  }
0x232: {  	s6 =	rddreg [dreg:$0x8];
	[sflag:s20] =	ssyncadd.s32 $0xFFFFE000  }
0x233: {  	[spmem:s1] =	stream.indirect.scatter.add.f32 [tilespmem:s16], [sflag:$0x6], $0x80, s6, s14, $0xb8;
	v63 =	vld [tilespmem:$0x0]  }
0x234: {  	_ =	swait.ge [sflag:s21], $0x2000  }
0x235: {  	[sflag:s21] =	ssyncset.done $0x0  }
0x236: {  	s6 =	rddreg [dreg:$0x9];
	[sflag:s21] =	ssyncadd.s32 $0xFFFFE000  }
0x237: {  	[spmem:s1] =	stream.indirect.scatter.add.f32 [tilespmem:s17], [sflag:$0x7], $0x80, s6, s14, $0xb8;
	v63 =	vld [tilespmem:$0x0]  }
0x238: {  	_ =	swait.ge [sflag:s22], $0x2000  }
0x239: {  	[sflag:s22] =	ssyncset.done $0x0  }
0x23a: {  	s6 =	rddreg [dreg:$0xa];
	[sflag:s22] =	ssyncadd.s32 $0xFFFFE000  }
0x23b: {  	[tilespmem:s15], [sflag:$0x1] =	stream.indirect.gather [hbm4b:s5+s14], $0x80, s6, s14, $0xb8;
	v63 =	vld [tilespmem:$0x0]  }
0x23c: {  	_ =	swait.ge [sflag:s23], $0x2000  }
0x23d: {  	[sflag:s23] =	ssyncset.done $0x0  }
0x23e: {  	s6 =	rddreg [dreg:$0xb];
	[sflag:s23] =	ssyncadd.s32 $0xFFFFE000  }
0x23f: {  	[spmem:s1] =	stream.indirect.scatter.add.f32 [tilespmem:s18], [sflag:$0x8], $0x80, s6, s14, $0xb8;
	v63 =	vld [tilespmem:$0x0]  }
0x240: {  	_ =	swait.ge [sflag:s24], $0x2000  }
0x241: {  	[sflag:s24] =	ssyncset.done $0x0  }
0x242: {  	s6 =	rddreg [dreg:$0xc];
	[sflag:s24] =	ssyncadd.s32 $0xFFFFE000  }
0x243: {  	[tilespmem:s16], [sflag:$0x2] =	stream.indirect.gather [hbm4b:s5+s14], $0x80, s6, s14, $0xb8;
	v63 =	vld [tilespmem:$0x0]  }
0x244: {  	_ =	swait.ge [sflag:s19], $0x2000  }
0x245: {  	[sflag:s19] =	ssyncset.done $0x0  }
0x246: {  	s6 =	rddreg [dreg:$0xd];
	[sflag:s19] =	ssyncadd.s32 $0xFFFFE000  }
0x247: {  	[spmem:s1] =	stream.indirect.scatter.add.f32 [tilespmem:s15], [sflag:$0x5], $0x80, s6, s14, $0xb8;
	v63 =	vld [tilespmem:$0x0]  }
0x248: {  	_ =	swait.ge [sflag:s25], $0x2000  }
0x249: {  	[sflag:s25] =	ssyncset.done $0x0  }
0x24a: {  	s6 =	rddreg [dreg:$0xe];
	[sflag:s25] =	ssyncadd.s32 $0xFFFFE000  }
0x24b: {  	[tilespmem:s17], [sflag:$0x3] =	stream.indirect.gather [hbm4b:s5+s14], $0x80, s6, s14, $0xb8;
	v63 =	vld [tilespmem:$0x0]  }
0x24c: {  	_ =	swait.ge [sflag:s20], $0x2000  }
0x24d: {  	[sflag:s20] =	ssyncset.done $0x0  }
0x24e: {  	s6 =	rddreg [dreg:$0xf];
	[sflag:s20] =	ssyncadd.s32 $0xFFFFE000  }
0x24f: {  	[spmem:s1] =	stream.indirect.scatter.add.f32 [tilespmem:s16], [sflag:$0x6], $0x80, s6, s14, $0xb8;
	v63 =	vld [tilespmem:$0x0]  }
0x250: {  	_ =	swait.ge [sflag:s26], $0x2000  }
0x251: {  	[sflag:s26] =	ssyncset.done $0x0  }
0x252: {  	s6 =	rddreg [dreg:$0x10];
	[sflag:s26] =	ssyncadd.s32 $0xFFFFE000  }
0x253: {  	[tilespmem:s18], [sflag:$0x4] =	stream.indirect.gather [hbm4b:s5+s14], $0x80, s6, s14, $0xb8;
	v63 =	vld [tilespmem:$0x0]  }
0x254: {  	_ =	swait.ge [sflag:s21], $0x2000  }
0x255: {  	[sflag:s21] =	ssyncset.done $0x0  }
0x256: {  	s6 =	rddreg [dreg:$0x11];
	[sflag:s21] =	ssyncadd.s32 $0xFFFFE000  }
0x257: {  	[spmem:s1] =	stream.indirect.scatter.add.f32 [tilespmem:s17], [sflag:$0x7], $0x80, s6, s14, $0xb8;
	v63 =	vld [tilespmem:$0x0]  }
0x258: {  	_ =	swait.ge [sflag:s22], $0x2000  }
0x259: {  	[sflag:s22] =	ssyncset.done $0x0  }
0x25a: {  	s6 =	rddreg [dreg:$0x12];
	[sflag:s22] =	ssyncadd.s32 $0xFFFFE000  }
0x25b: {  	[tilespmem:s15], [sflag:$0x1] =	stream.indirect.gather [hbm4b:s5+s14], $0x80, s6, s14, $0xb8;
	v63 =	vld [tilespmem:$0x0]  }
0x25c: {  	_ =	swait.ge [sflag:s23], $0x2000  }
0x25d: {  	[sflag:s23] =	ssyncset.done $0x0  }
0x25e: {  	s6 =	rddreg [dreg:$0x13];
	[sflag:s23] =	ssyncadd.s32 $0xFFFFE000  }
0x25f: {  	[spmem:s1] =	stream.indirect.scatter.add.f32 [tilespmem:s18], [sflag:$0x8], $0x80, s6, s14, $0xb8;
	v63 =	vld [tilespmem:$0x0]  }
0x260: {  	_ =	swait.ge [sflag:s24], $0x2000  }
0x261: {  	[sflag:s24] =	ssyncset.done $0x0  }
0x262: {  	s6 =	rddreg [dreg:$0x14];
	[sflag:s24] =	ssyncadd.s32 $0xFFFFE000  }
0x263: {  	[tilespmem:s16], [sflag:$0x2] =	stream.indirect.gather [hbm4b:s5+s14], $0x80, s6, s14, $0xb8;
	v63 =	vld [tilespmem:$0x0]  }
0x264: {  	_ =	swait.ge [sflag:s19], $0x2000  }
0x265: {  	[sflag:s19] =	ssyncset.done $0x0  }
0x266: {  	s6 =	rddreg [dreg:$0x15];
	[sflag:s19] =	ssyncadd.s32 $0xFFFFE000  }
0x267: {  	[spmem:s1] =	stream.indirect.scatter.add.f32 [tilespmem:s15], [sflag:$0x5], $0x80, s6, s14, $0xb8;
	v63 =	vld [tilespmem:$0x0]  }
0x268: {  	_ =	swait.ge [sflag:s25], $0x2000  }
0x269: {  	[sflag:s25] =	ssyncset.done $0x0  }
0x26a: {  	s6 =	rddreg [dreg:$0x16];
	[sflag:s25] =	ssyncadd.s32 $0xFFFFE000  }
0x26b: {  	[tilespmem:s17], [sflag:$0x3] =	stream.indirect.gather [hbm4b:s5+s14], $0x80, s6, s14, $0xb8;
	v63 =	vld [tilespmem:$0x0]  }
0x26c: {  	_ =	swait.ge [sflag:s20], $0x2000  }
0x26d: {  	[sflag:s20] =	ssyncset.done $0x0  }
0x26e: {  	s6 =	rddreg [dreg:$0x17];
	[sflag:s20] =	ssyncadd.s32 $0xFFFFE000  }
0x26f: {  	[spmem:s1] =	stream.indirect.scatter.add.f32 [tilespmem:s16], [sflag:$0x6], $0x80, s6, s14, $0xb8;
	v63 =	vld [tilespmem:$0x0]  }
0x270: {  	_ =	swait.ge [sflag:s26], $0x2000  }
0x271: {  	[sflag:s26] =	ssyncset.done $0x0  }
0x272: {  	s6 =	rddreg [dreg:$0x18];
	[sflag:s26] =	ssyncadd.s32 $0xFFFFE000  }
0x273: {  	[tilespmem:s18], [sflag:$0x4] =	stream.indirect.gather [hbm4b:s5+s14], $0x80, s6, s14, $0xb8;
	v63 =	vld [tilespmem:$0x0]  }
0x274: {  	_ =	swait.ge [sflag:s21], $0x2000  }
0x275: {  	[sflag:s21] =	ssyncset.done $0x0  }
0x276: {  	s6 =	rddreg [dreg:$0x19];
	[sflag:s21] =	ssyncadd.s32 $0xFFFFE000  }
0x277: {  	[spmem:s1] =	stream.indirect.scatter.add.f32 [tilespmem:s17], [sflag:$0x7], $0x80, s6, s14, $0xb8;
	v63 =	vld [tilespmem:$0x0]  }
0x278: {  	_ =	swait.ge [sflag:s22], $0x2000  }
0x279: {  	[sflag:s22] =	ssyncset.done $0x0  }
0x27a: {  	s6 =	rddreg [dreg:$0x1a];
	[sflag:s22] =	ssyncadd.s32 $0xFFFFE000  }
0x27b: {  	[tilespmem:s15], [sflag:$0x1] =	stream.indirect.gather [hbm4b:s5+s14], $0x80, s6, s14, $0xb8;
	v63 =	vld [tilespmem:$0x0]  }
0x27c: {  	_ =	swait.ge [sflag:s23], $0x2000  }
0x27d: {  	[sflag:s23] =	ssyncset.done $0x0  }
0x27e: {  	s6 =	rddreg [dreg:$0x1b];
	[sflag:s23] =	ssyncadd.s32 $0xFFFFE000  }
0x27f: {  	[spmem:s1] =	stream.indirect.scatter.add.f32 [tilespmem:s18], [sflag:$0x8], $0x80, s6, s14, $0xb8;
	v63 =	vld [tilespmem:$0x0]  }
0x280: {  	_ =	swait.ge [sflag:s24], $0x2000  }
0x281: {  	[sflag:s24] =	ssyncset.done $0x0  }
0x282: {  	s6 =	rddreg [dreg:$0x1c];
	[sflag:s24] =	ssyncadd.s32 $0xFFFFE000  }
0x283: {  	[tilespmem:s16], [sflag:$0x2] =	stream.indirect.gather [hbm4b:s5+s14], $0x80, s6, s14, $0xb8;
	v63 =	vld [tilespmem:$0x0]  }
0x284: {  	_ =	swait.ge [sflag:s19], $0x2000  }
0x285: {  	[sflag:s19] =	ssyncset.done $0x0  }
0x286: {  	[sflag:s19] =	ssyncadd.s32 $0xFFFFE000  }
0x287: {  	[spmem:s1] =	stream.indirect.scatter.add.f32 [tilespmem:s15], [sflag:$0x5], $0x80, s30, s14, $0xb8;
	v63 =	vld [tilespmem:$0x0]  }
0x288: {  	_ =	swait.ge [sflag:s25], $0x2000  }
0x289: {  	[sflag:s25] =	ssyncset.done $0x0  }
0x28a: {  	s28 =	simm.s32 $0x14980;
	[sflag:s25] =	ssyncadd.s32 $0xFFFFE000  }
0x28b: {  	[tilespmem:s17], [sflag:$0x3] =	stream.indirect.gather [hbm4b:s5+s14], $0x80, s28, s14, $0xb8;
	v63 =	vld [tilespmem:$0x0]  }
0x28c: {  	_ =	swait.ge [sflag:s20], $0x2000  }
0x28d: {  	[sflag:s20] =	ssyncset.done $0x0  }
0x28e: {  	s9 =	smov.u32 s29;
	s29 =	simm.s32 $0x15100;
	[sflag:s20] =	ssyncadd.s32 $0xFFFFE000  }
0x28f: {  	[spmem:s1] =	stream.indirect.scatter.add.f32 [tilespmem:s16], [sflag:$0x6], $0x80, s29, s14, $0xb8;
	v63 =	vld [tilespmem:$0x0]  }
0x290: {  	_ =	swait.ge [sflag:s26], $0x2000  }
0x291: {  	[sflag:s26] =	ssyncset.done $0x0  }
0x292: {  	[sflag:s26] =	ssyncadd.s32 $0xFFFFE000  }
0x293: {  	[tilespmem:s18], [sflag:$0x4] =	stream.indirect.gather [hbm4b:s5+s14], $0x80, s31, s14, $0xb8;
	v63 =	vld [tilespmem:$0x0]  }
0x294: {  	_ =	swait.ge [sflag:s21], $0x2000  }
0x295: {  	[sflag:s21] =	ssyncset.done $0x0  }
0x296: {  	[sflag:s21] =	ssyncadd.s32 $0xFFFFE000  }
0x297: {  	[spmem:s1] =	stream.indirect.scatter.add.f32 [tilespmem:s17], [sflag:$0x7], $0x80, s0, s14, $0xb8;
	v63 =	vld [tilespmem:$0x0]  }
0x298: {  	_ =	swait.ge [sflag:s23], $0x2000  }
0x299: {  	[sflag:s23] =	ssyncset.done $0x0  }
0x29a: {  	[sflag:s23] =	ssyncadd.s32 $0xFFFFE000  }
0x29b: {  	[spmem:s1] =	stream.indirect.scatter.add.f32 [tilespmem:s18], [sflag:$0x8], $0x80, s4, s14, $0xb8;
	v63 =	vld [tilespmem:$0x0]  }
0x29c: {  	_ =	swait.ge [sflag:s22], $0x2000  }
0x29d: {  	[sflag:s22] =	ssyncset.done $0x0  }
0x29e: {  	[sflag:s22] =	ssyncadd.s32 $0xFFFFE000  }
0x29f: {  	_ =	swait.ge [sflag:s24], $0x2000  }
0x2a0: {  	[sflag:s24] =	ssyncset.done $0x0  }
0x2a1: {  	[sflag:s24] =	ssyncadd.s32 $0xFFFFE000  }
.Ltmp5:
0x2a2: {  	_ =	swait.ge [sflag:s25], $0x2000;
	(pc) =	sbr.rel @p0 .LBB2_12-.Ltmp5, $4  }
0x2a3: {  	[sflag:s25] =	ssyncset.done $0x0  }
0x2a4: {  	[sflag:s25] =	ssyncadd.s32 $0xFFFFE000  }
0x2a5: {  	_ =	swait.ge [sflag:s26], $0x2000  }
0x2a6: {  	s6 =	smov.u32 s2;
	[sflag:s26] =	ssyncset.done $0x0  }
0x2a7: {  	s2 =	sadd.s32 s9, s8;
	[sflag:s26] =	ssyncadd.s32 $0xFFFFE000  }
0x2a8: {  	[tilespmem:s11], [sflag:$0x9] =	stream.linear.gather [hbm4b:s2+s10], $0x800, $0x38;
	v63 =	vld [tilespmem:$0x0]  }
0x2a9: {  	_ =	swait.ge [sflag:s12], $0x800  }
0x2aa: {  	[sflag:s12] =	ssyncset.done $0x0  }
0x2ab: {  	s6 =	sadd.s32 s9, s7;
	[sflag:s12] =	ssyncadd.s32 $0xFFFFF800  }
0x2ac: {  	[tilespmem:s13], [sflag:$0x9] =	stream.linear.gather [hbm4b:s6+s10], $0x800, $0x38;
	v63 =	vld [tilespmem:$0x0]  }
0x2ad: {  	_ =	swait.ge [sflag:s12], $0x800  }
0x2ae: {  	[sflag:s12] =	ssyncset.done $0x0  }
0x2af: {  	[sflag:s12] =	ssyncadd.s32 $0xFFFFF800  }
0x2b0: {  	[tilespmem:s15], [sflag:$0x1] =	stream.indirect.gather [hbm4b:s5+s14], $0x80, s11, s14, $0xb8;
	v63 =	vld [tilespmem:$0x0]  }
0x2b1: {  	s9 =	rddreg [dreg:$0x5]  }
0x2b2: {  	[tilespmem:s16], [sflag:$0x2] =	stream.indirect.gather [hbm4b:s5+s14], $0x80, s9, s14, $0xb8;
	v63 =	vld [tilespmem:$0x0]  }
0x2b3: {  	s6 =	rddreg [dreg:$0x6]  }
0x2b4: {  	[tilespmem:s17], [sflag:$0x3] =	stream.indirect.gather [hbm4b:s5+s14], $0x80, s6, s14, $0xb8;
	v63 =	vld [tilespmem:$0x0]  }
0x2b5: {  	s9 =	rddreg [dreg:$0x7]  }
0x2b6: {  	[tilespmem:s18], [sflag:$0x4] =	stream.indirect.gather [hbm4b:s5+s14], $0x80, s9, s14, $0xb8;
	v63 =	vld [tilespmem:$0x0]  }
0x2b7: {  	_ =	swait.ge [sflag:s19], $0x2000  }
0x2b8: {  	[sflag:s19] =	ssyncset.done $0x0  }
0x2b9: {  	[sflag:s19] =	ssyncadd.s32 $0xFFFFE000  }
0x2ba: {  	[spmem:s1] =	stream.indirect.scatter.add.f32 [tilespmem:s15], [sflag:$0x5], $0x80, s13, s14, $0xb8;
	v63 =	vld [tilespmem:$0x0]  }
0x2bb: {  	_ =	swait.ge [sflag:s20], $0x2000  }
0x2bc: {  	[sflag:s20] =	ssyncset.done $0x0  }
0x2bd: {  	s9 =	rddreg [dreg:$0x8];
	[sflag:s20] =	ssyncadd.s32 $0xFFFFE000  }
0x2be: {  	[spmem:s1] =	stream.indirect.scatter.add.f32 [tilespmem:s16], [sflag:$0x6], $0x80, s9, s14, $0xb8;
	v63 =	vld [tilespmem:$0x0]  }
0x2bf: {  	_ =	swait.ge [sflag:s21], $0x2000  }
0x2c0: {  	[sflag:s21] =	ssyncset.done $0x0  }
0x2c1: {  	s6 =	rddreg [dreg:$0x9];
	[sflag:s21] =	ssyncadd.s32 $0xFFFFE000  }
0x2c2: {  	[spmem:s1] =	stream.indirect.scatter.add.f32 [tilespmem:s17], [sflag:$0x7], $0x80, s6, s14, $0xb8;
	v63 =	vld [tilespmem:$0x0]  }
0x2c3: {  	_ =	swait.ge [sflag:s22], $0x2000  }
0x2c4: {  	[sflag:s22] =	ssyncset.done $0x0  }
0x2c5: {  	s9 =	rddreg [dreg:$0xa];
	[sflag:s22] =	ssyncadd.s32 $0xFFFFE000  }
0x2c6: {  	[tilespmem:s15], [sflag:$0x1] =	stream.indirect.gather [hbm4b:s5+s14], $0x80, s9, s14, $0xb8;
	v63 =	vld [tilespmem:$0x0]  }
0x2c7: {  	_ =	swait.ge [sflag:s23], $0x2000  }
0x2c8: {  	[sflag:s23] =	ssyncset.done $0x0  }
0x2c9: {  	s6 =	rddreg [dreg:$0xb];
	[sflag:s23] =	ssyncadd.s32 $0xFFFFE000  }
0x2ca: {  	[spmem:s1] =	stream.indirect.scatter.add.f32 [tilespmem:s18], [sflag:$0x8], $0x80, s6, s14, $0xb8;
	v63 =	vld [tilespmem:$0x0]  }
0x2cb: {  	_ =	swait.ge [sflag:s24], $0x2000  }
0x2cc: {  	[sflag:s24] =	ssyncset.done $0x0  }
0x2cd: {  	s9 =	rddreg [dreg:$0xc];
	[sflag:s24] =	ssyncadd.s32 $0xFFFFE000  }
0x2ce: {  	[tilespmem:s16], [sflag:$0x2] =	stream.indirect.gather [hbm4b:s5+s14], $0x80, s9, s14, $0xb8;
	v63 =	vld [tilespmem:$0x0]  }
0x2cf: {  	_ =	swait.ge [sflag:s19], $0x2000  }
0x2d0: {  	[sflag:s19] =	ssyncset.done $0x0  }
0x2d1: {  	s6 =	rddreg [dreg:$0xd];
	[sflag:s19] =	ssyncadd.s32 $0xFFFFE000  }
0x2d2: {  	[spmem:s1] =	stream.indirect.scatter.add.f32 [tilespmem:s15], [sflag:$0x5], $0x80, s6, s14, $0xb8;
	v63 =	vld [tilespmem:$0x0]  }
0x2d3: {  	_ =	swait.ge [sflag:s25], $0x2000  }
0x2d4: {  	[sflag:s25] =	ssyncset.done $0x0  }
0x2d5: {  	s9 =	rddreg [dreg:$0xe];
	[sflag:s25] =	ssyncadd.s32 $0xFFFFE000  }
0x2d6: {  	[tilespmem:s17], [sflag:$0x3] =	stream.indirect.gather [hbm4b:s5+s14], $0x80, s9, s14, $0xb8;
	v63 =	vld [tilespmem:$0x0]  }
0x2d7: {  	_ =	swait.ge [sflag:s20], $0x2000  }
0x2d8: {  	[sflag:s20] =	ssyncset.done $0x0  }
0x2d9: {  	s6 =	rddreg [dreg:$0xf];
	[sflag:s20] =	ssyncadd.s32 $0xFFFFE000  }
0x2da: {  	[spmem:s1] =	stream.indirect.scatter.add.f32 [tilespmem:s16], [sflag:$0x6], $0x80, s6, s14, $0xb8;
	v63 =	vld [tilespmem:$0x0]  }
0x2db: {  	_ =	swait.ge [sflag:s26], $0x2000  }
0x2dc: {  	[sflag:s26] =	ssyncset.done $0x0  }
0x2dd: {  	s9 =	rddreg [dreg:$0x10];
	[sflag:s26] =	ssyncadd.s32 $0xFFFFE000  }
0x2de: {  	[tilespmem:s18], [sflag:$0x4] =	stream.indirect.gather [hbm4b:s5+s14], $0x80, s9, s14, $0xb8;
	v63 =	vld [tilespmem:$0x0]  }
0x2df: {  	_ =	swait.ge [sflag:s21], $0x2000  }
0x2e0: {  	[sflag:s21] =	ssyncset.done $0x0  }
0x2e1: {  	s6 =	rddreg [dreg:$0x11];
	[sflag:s21] =	ssyncadd.s32 $0xFFFFE000  }
0x2e2: {  	[spmem:s1] =	stream.indirect.scatter.add.f32 [tilespmem:s17], [sflag:$0x7], $0x80, s6, s14, $0xb8;
	v63 =	vld [tilespmem:$0x0]  }
0x2e3: {  	_ =	swait.ge [sflag:s22], $0x2000  }
0x2e4: {  	[sflag:s22] =	ssyncset.done $0x0  }
0x2e5: {  	s9 =	rddreg [dreg:$0x12];
	[sflag:s22] =	ssyncadd.s32 $0xFFFFE000  }
0x2e6: {  	[tilespmem:s15], [sflag:$0x1] =	stream.indirect.gather [hbm4b:s5+s14], $0x80, s9, s14, $0xb8;
	v63 =	vld [tilespmem:$0x0]  }
0x2e7: {  	_ =	swait.ge [sflag:s23], $0x2000  }
0x2e8: {  	[sflag:s23] =	ssyncset.done $0x0  }
0x2e9: {  	s6 =	rddreg [dreg:$0x13];
	[sflag:s23] =	ssyncadd.s32 $0xFFFFE000  }
0x2ea: {  	[spmem:s1] =	stream.indirect.scatter.add.f32 [tilespmem:s18], [sflag:$0x8], $0x80, s6, s14, $0xb8;
	v63 =	vld [tilespmem:$0x0]  }
0x2eb: {  	_ =	swait.ge [sflag:s24], $0x2000  }
0x2ec: {  	[sflag:s24] =	ssyncset.done $0x0  }
0x2ed: {  	s9 =	rddreg [dreg:$0x14];
	[sflag:s24] =	ssyncadd.s32 $0xFFFFE000  }
0x2ee: {  	[tilespmem:s16], [sflag:$0x2] =	stream.indirect.gather [hbm4b:s5+s14], $0x80, s9, s14, $0xb8;
	v63 =	vld [tilespmem:$0x0]  }
0x2ef: {  	_ =	swait.ge [sflag:s19], $0x2000  }
0x2f0: {  	[sflag:s19] =	ssyncset.done $0x0  }
0x2f1: {  	s6 =	rddreg [dreg:$0x15];
	[sflag:s19] =	ssyncadd.s32 $0xFFFFE000  }
0x2f2: {  	[spmem:s1] =	stream.indirect.scatter.add.f32 [tilespmem:s15], [sflag:$0x5], $0x80, s6, s14, $0xb8;
	v63 =	vld [tilespmem:$0x0]  }
0x2f3: {  	_ =	swait.ge [sflag:s25], $0x2000  }
0x2f4: {  	[sflag:s25] =	ssyncset.done $0x0  }
0x2f5: {  	s9 =	rddreg [dreg:$0x16];
	[sflag:s25] =	ssyncadd.s32 $0xFFFFE000  }
0x2f6: {  	[tilespmem:s17], [sflag:$0x3] =	stream.indirect.gather [hbm4b:s5+s14], $0x80, s9, s14, $0xb8;
	v63 =	vld [tilespmem:$0x0]  }
0x2f7: {  	_ =	swait.ge [sflag:s20], $0x2000  }
0x2f8: {  	[sflag:s20] =	ssyncset.done $0x0  }
0x2f9: {  	s6 =	rddreg [dreg:$0x17];
	[sflag:s20] =	ssyncadd.s32 $0xFFFFE000  }
0x2fa: {  	[spmem:s1] =	stream.indirect.scatter.add.f32 [tilespmem:s16], [sflag:$0x6], $0x80, s6, s14, $0xb8;
	v63 =	vld [tilespmem:$0x0]  }
0x2fb: {  	_ =	swait.ge [sflag:s26], $0x2000  }
0x2fc: {  	[sflag:s26] =	ssyncset.done $0x0  }
0x2fd: {  	s9 =	rddreg [dreg:$0x18];
	[sflag:s26] =	ssyncadd.s32 $0xFFFFE000  }
0x2fe: {  	[tilespmem:s18], [sflag:$0x4] =	stream.indirect.gather [hbm4b:s5+s14], $0x80, s9, s14, $0xb8;
	v63 =	vld [tilespmem:$0x0]  }
0x2ff: {  	_ =	swait.ge [sflag:s21], $0x2000  }
0x300: {  	[sflag:s21] =	ssyncset.done $0x0  }
0x301: {  	s6 =	rddreg [dreg:$0x19];
	[sflag:s21] =	ssyncadd.s32 $0xFFFFE000  }
0x302: {  	[spmem:s1] =	stream.indirect.scatter.add.f32 [tilespmem:s17], [sflag:$0x7], $0x80, s6, s14, $0xb8;
	v63 =	vld [tilespmem:$0x0]  }
0x303: {  	_ =	swait.ge [sflag:s22], $0x2000  }
0x304: {  	[sflag:s22] =	ssyncset.done $0x0  }
0x305: {  	s9 =	rddreg [dreg:$0x1a];
	[sflag:s22] =	ssyncadd.s32 $0xFFFFE000  }
0x306: {  	[tilespmem:s15], [sflag:$0x1] =	stream.indirect.gather [hbm4b:s5+s14], $0x80, s9, s14, $0xb8;
	v63 =	vld [tilespmem:$0x0]  }
0x307: {  	_ =	swait.ge [sflag:s23], $0x2000  }
0x308: {  	[sflag:s23] =	ssyncset.done $0x0  }
0x309: {  	s6 =	rddreg [dreg:$0x1b];
	[sflag:s23] =	ssyncadd.s32 $0xFFFFE000  }
0x30a: {  	[spmem:s1] =	stream.indirect.scatter.add.f32 [tilespmem:s18], [sflag:$0x8], $0x80, s6, s14, $0xb8;
	v63 =	vld [tilespmem:$0x0]  }
0x30b: {  	_ =	swait.ge [sflag:s24], $0x2000  }
0x30c: {  	[sflag:s24] =	ssyncset.done $0x0  }
0x30d: {  	s9 =	rddreg [dreg:$0x1c];
	[sflag:s24] =	ssyncadd.s32 $0xFFFFE000  }
0x30e: {  	[tilespmem:s16], [sflag:$0x2] =	stream.indirect.gather [hbm4b:s5+s14], $0x80, s9, s14, $0xb8;
	v63 =	vld [tilespmem:$0x0]  }
0x30f: {  	_ =	swait.ge [sflag:s19], $0x2000  }
0x310: {  	[sflag:s19] =	ssyncset.done $0x0  }
0x311: {  	[sflag:s19] =	ssyncadd.s32 $0xFFFFE000  }
0x312: {  	[spmem:s1] =	stream.indirect.scatter.add.f32 [tilespmem:s15], [sflag:$0x5], $0x80, s30, s14, $0xb8;
	v63 =	vld [tilespmem:$0x0]  }
0x313: {  	_ =	swait.ge [sflag:s25], $0x2000  }
0x314: {  	[sflag:s25] =	ssyncset.done $0x0  }
0x315: {  	[sflag:s25] =	ssyncadd.s32 $0xFFFFE000  }
0x316: {  	[tilespmem:s17], [sflag:$0x3] =	stream.indirect.gather [hbm4b:s5+s14], $0x80, s28, s14, $0xb8;
	v63 =	vld [tilespmem:$0x0]  }
0x317: {  	_ =	swait.ge [sflag:s20], $0x2000  }
0x318: {  	[sflag:s20] =	ssyncset.done $0x0  }
0x319: {  	[sflag:s20] =	ssyncadd.s32 $0xFFFFE000  }
0x31a: {  	[spmem:s1] =	stream.indirect.scatter.add.f32 [tilespmem:s16], [sflag:$0x6], $0x80, s29, s14, $0xb8;
	v63 =	vld [tilespmem:$0x0]  }
0x31b: {  	_ =	swait.ge [sflag:s26], $0x2000  }
0x31c: {  	[sflag:s26] =	ssyncset.done $0x0  }
0x31d: {  	[sflag:s26] =	ssyncadd.s32 $0xFFFFE000  }
0x31e: {  	[tilespmem:s18], [sflag:$0x4] =	stream.indirect.gather [hbm4b:s5+s14], $0x80, s31, s14, $0xb8;
	v63 =	vld [tilespmem:$0x0]  }
0x31f: {  	_ =	swait.ge [sflag:s21], $0x2000  }
0x320: {  	[sflag:s21] =	ssyncset.done $0x0  }
0x321: {  	[sflag:s21] =	ssyncadd.s32 $0xFFFFE000  }
0x322: {  	[spmem:s1] =	stream.indirect.scatter.add.f32 [tilespmem:s17], [sflag:$0x7], $0x80, s0, s14, $0xb8;
	v63 =	vld [tilespmem:$0x0]  }
0x323: {  	_ =	swait.ge [sflag:s23], $0x2000  }
0x324: {  	[sflag:s23] =	ssyncset.done $0x0  }
0x325: {  	[sflag:s23] =	ssyncadd.s32 $0xFFFFE000  }
0x326: {  	[spmem:s1] =	stream.indirect.scatter.add.f32 [tilespmem:s18], [sflag:$0x8], $0x80, s4, s14, $0xb8;
	v63 =	vld [tilespmem:$0x0]  }
0x327: {  	_ =	swait.ge [sflag:s22], $0x2000  }
0x328: {  	[sflag:s22] =	ssyncset.done $0x0  }
0x329: {  	[sflag:s22] =	ssyncadd.s32 $0xFFFFE000  }
0x32a: {  	_ =	swait.ge [sflag:s24], $0x2000  }
0x32b: {  	[sflag:s24] =	ssyncset.done $0x0  }
0x32c: {  	[sflag:s24] =	ssyncadd.s32 $0xFFFFE000  }
0x32d: {  	_ =	swait.ge [sflag:s25], $0x2000  }
0x32e: {  	[sflag:s25] =	ssyncset.done $0x0  }
0x32f: {  	[sflag:s25] =	ssyncadd.s32 $0xFFFFE000  }
0x330: {  	_ =	swait.ge [sflag:s26], $0x2000  }
0x331: {  	[sflag:s26] =	ssyncset.done $0x0  }
0x332: {  	[sflag:s26] =	ssyncadd.s32 $0xFFFFE000  }
0x333: {  	[bflag:$0x0] =	sbarrier.arrive $0xFFFF  }
0x334: {  	s30 =	sld [smem:$0x7F9];
	_ =	sdelay $0x2  }
0x335: {  	s6 =	simm.s32 $0x0;
	s9 =	simm.s32 $0x0;
	p0 =	sne.s32 s30, $0x9  }
.LBB2_14:
0x336: {  	s28 =	sld [smem:$0x7FA];
	_ =	sdelay $0x1  }
0x337: {  	s2 =	sshll.u32 s9, $0x4  }
0x338: {  	s2 =	sadd.s32 s28, s2  }
0x339: {  	s28 =	sshll.u32 s2, $0x7  }
0x33a: {  	s28 =	sand.u32 $0x3FFFFF80, s28  }
0x33b: {  	s29 =	simm.s32 $0x1D280;
	s28 =	sadd.s32 s28, s1  }
0x33c: {  	[tilespmem:s29], [sflag:$0x9] =	stream.linear.gather [spmem:s28], $0x800, $0x38;
	v63 =	vld [tilespmem:$0x0]  }
0x33d: {  	_ =	swait.ge [sflag:s12], $0x800  }
0x33e: {  	[sflag:s12] =	ssyncset.done $0x0  }
0x33f: {  	s29 =	simm.s32 $0x1F280;
	[sflag:s12] =	ssyncadd.s32 $0xFFFFF800  }
0x340: {  	[spmem:s28] =	stream.linear.scatter [tilespmem:s29], [sflag:$0x9], $0x800, $0x38;
	v63 =	vld [tilespmem:$0x0]  }
0x341: {  	_ =	swait.ge [sflag:s12], $0x800  }
0x342: {  	s28 =	sshll.u32 s2, $0x4;
	s2 =	sld [smem:$0x7FB];
	_ =	sdelay $0x1  }
0x343: {  	s29 =	simm.s32 $0x0;
	[sflag:s12] =	ssyncset.done $0x0;
	[smem:$0x7F8] =	sst s28  }
0x344: {  	[sflag:s12] =	ssyncadd.s32 $0xFFFFF800;
	s2 =	sadd.s32 s2, s28;
	s28 =	simm.s32 $0x1DA80  }
0x345: {  	[tilespmem:s28], [sflag:$0x9] =	stream.linear.gather [hbm4b:s2+s29], $0x800, $0x38;
	v63 =	vld [tilespmem:$0x0]  }
0x346: {  	_ =	swait.ge [sflag:s12], $0x800  }
0x347: {  	[sflag:s12] =	ssyncset.done $0x0  }
0x348: {  	s2 =	simm.s32 $0x0;
	[sflag:s12] =	ssyncadd.s32 $0xFFFFF800  }
0x349: {  	v0 =	vld [tilespmem:s2+$0x1D280]  }
0x34a: {  	v2 =	vmov s6;
	v1 =	vld [tilespmem:s2+$0x1DA80]  }
0x34b: {  	v3 =	vld [tilespmem:s2+$0x1D290]  }
0x34c: {  	v4 =	vld [tilespmem:s2+$0x1DA90]  }
0x34d: {  	v5 =	vld [tilespmem:s2+$0x1DAA0]  }
0x34e: {  	v6 =	vld [tilespmem:s2+$0x1DAB0]  }
0x34f: {  	v7 =	vld.idx.msk [tilespmem:v2+s3+$0x0], $0xffff  }
0x350: {  	v2 =	vld [tilespmem:s2+$0x1DAC0]  }
0x351: {  	v8 =	vld [tilespmem:s2+$0x1DAD0]  }
0x352: {  	v10 =	vld [tilespmem:s2+$0x1D2A0]  }
0x353: {  	v11 =	vld [tilespmem:s2+$0x1D2B0]  }
0x354: {  	v13 =	vld [tilespmem:s2+$0x1D2C0];
	v12 =	vmul.f32 $8.999999760e-01, v7  }
0x355: {  	v14 =	vld [tilespmem:s2+$0x1D2D0];
	v1 =	vmul.f32 $1.000000010e-01, v1;
	v4 =	vmul.f32 $1.000000010e-01, v4  }
0x356: {  	v9 =	vld [tilespmem:s2+$0x1DAE0];
	v5 =	vmul.f32 $1.000000010e-01, v5;
	v0 =	vmul.f32 v0, v12  }
0x357: {  	v15 =	vld [tilespmem:s2+$0x1DAF0];
	v6 =	vmul.f32 $1.000000010e-01, v6;
	v3 =	vmul.f32 v3, v12  }
0x358: {  	v16 =	vld [tilespmem:s2+$0x1D2E0];
	v2 =	vmul.f32 $1.000000010e-01, v2;
	v10 =	vmul.f32 v10, v12;
	v0 =	vadd.f32 v1, v0  }
0x359: {  	v1 =	vmul.f32 $1.000000010e-01, v8;
	v8 =	vmul.f32 v11, v12;
	v3 =	vadd.f32 v4, v3;
	v4 =	vld [tilespmem:s2+$0x1D2F0]  }
0x35a: {  	v11 =	vmul.f32 v13, v12;
	v10 =	vadd.f32 v5, v10;
	v5 =	vmul.f32 v14, v12  }
0x35b: {  	[tilespmem:s2+$0x1E280] =	vst v0;
	v0 =	vmul.f32 v0, v7;
	v62 =	vadd.f32 v6, v8;
	v6 =	vmul.f32 v3, v7  }
0x35c: {  	[tilespmem:s2+$0x1E290] =	vst v3;
	v8 =	vmul.f32 $1.000000010e-01, v9;
	v2 =	vadd.f32 v2, v11;
	v9 =	vmul.f32 v10, v7  }
0x35d: {  	v3 =	vadd.f32 v1, v5;
	v1 =	vmul.f32 v16, v12;
	v5 =	vmul.f32 $1.000000010e-01, v15;
	[tilespmem:s2+$0x1EA80] =	vst v0  }
0x35e: {  	v0 =	vmul.f32 v62, v7;
	[tilespmem:s2+$0x1EA90] =	vst v6;
	v11 =	vmul.f32 v4, v12  }
0x35f: {  	v6 =	vmul.f32 v2, v7;
	[tilespmem:s2+$0x1EAA0] =	vst v9;
	v4 =	vadd.f32 v8, v1  }
0x360: {  	v9 =	vmul.f32 v3, v7;
	[tilespmem:s2+$0x1EAB0] =	vst v0;
	v5 =	vadd.f32 v5, v11  }
0x361: {  	[tilespmem:s2+$0x1EAC0] =	vst v6;
	v1 =	vmul.f32 v4, v7  }
0x362: {  	s28 =	simm.s32 $0x80;
	[tilespmem:s2+$0x1EAD0] =	vst v9;
	v7 =	vmul.f32 v5, v7  }
0x363: {  	v0 =	vld [tilespmem:s28+$0x1D280];
	[tilespmem:s2+$0x1EAE0] =	vst v1  }
0x364: {  	v6 =	vld [tilespmem:s28+$0x1DA80];
	[tilespmem:s2+$0x1EAF0] =	vst v7  }
0x365: {  	s29 =	sadd.s32 $0x1, s6;
	v1 =	vld [tilespmem:s28+$0x1D290];
	[tilespmem:s2+$0x1E2A0] =	vst v10  }
0x366: {  	s30 =	simm.s32 $0x400;
	v8 =	vmov s29;
	v7 =	vld [tilespmem:s28+$0x1DA90];
	[tilespmem:s2+$0x1E2B0] =	vst v62  }
.LBB2_15:
0x367: {  	p1 =	sne.s32 s30, $0x1E00;
	v9 =	vld [tilespmem:s28+$0x1DAA0];
	[tilespmem:s2+$0x1E2C0] =	vst v2  }
0x368: {  	v2 =	vld [tilespmem:s28+$0x1DAB0];
	[tilespmem:s2+$0x1E2D0] =	vst v3  }
0x369: {  	v3 =	vld [tilespmem:s28+$0x1DAC0];
	[tilespmem:s2+$0x1E2E0] =	vst v4  }
0x36a: {  	v4 =	vld [tilespmem:s28+$0x1DAD0];
	[tilespmem:s2+$0x1E2F0] =	vst v5;
	s2 =	smov.u32 s28  }
0x36b: {  	v8 =	vld.idx.msk [tilespmem:v8+s3+$0x0], $0xffff  }
0x36c: {  	v5 =	vld [tilespmem:s2+$0x1DAE0]  }
0x36d: {  	v10 =	vld [tilespmem:s2+$0x1DAF0]  }
0x36e: {  	v6 =	vmul.f32 $1.000000010e-01, v6;
	v11 =	vld [tilespmem:s2+$0x1D2A0]  }
0x36f: {  	v7 =	vmul.f32 $1.000000010e-01, v7;
	v9 =	vmul.f32 $1.000000010e-01, v9;
	v12 =	vld [tilespmem:s2+$0x1D2B0]  }
0x370: {  	v2 =	vmul.f32 $1.000000010e-01, v2;
	v3 =	vmul.f32 $1.000000010e-01, v3;
	v13 =	vld [tilespmem:s2+$0x1D2C0]  }
0x371: {  	v4 =	vmul.f32 $1.000000010e-01, v4;
	v14 =	vmul.f32 $8.999999760e-01, v8;
	v15 =	vld [tilespmem:s2+$0x1D2D0]  }
0x372: {  	v5 =	vmul.f32 $1.000000010e-01, v5;
	v10 =	vmul.f32 $1.000000010e-01, v10  }
0x373: {  	v0 =	vmul.f32 v0, v14;
	v1 =	vmul.f32 v1, v14  }
0x374: {  	v11 =	vmul.f32 v11, v14;
	v12 =	vmul.f32 v12, v14;
	v16 =	vld [tilespmem:s2+$0x1D2E0]  }
0x375: {  	v0 =	vadd.f32 v6, v0;
	v1 =	vadd.f32 v7, v1;
	v6 =	vmul.f32 v13, v14;
	v7 =	vld [tilespmem:s2+$0x1D2F0]  }
0x376: {  	v9 =	vadd.f32 v9, v11;
	v11 =	vadd.f32 v2, v12;
	v12 =	vmul.f32 v15, v14  }
0x377: {  	v13 =	vmul.f32 v1, v8;
	[tilespmem:s2+$0x1E280] =	vst v0;
	v0 =	vmul.f32 v0, v8;
	v2 =	vadd.f32 v3, v6  }
0x378: {  	[tilespmem:s2+$0x1E290] =	vst v1;
	v1 =	vmul.f32 v9, v8;
	v6 =	vmul.f32 v11, v8;
	v3 =	vadd.f32 v4, v12  }
0x379: {  	[tilespmem:s2+$0x1EA80] =	vst v0;
	v0 =	vmul.f32 v2, v8;
	v4 =	vmul.f32 v16, v14  }
0x37a: {  	[tilespmem:s2+$0x1EA90] =	vst v13;
	v12 =	vmul.f32 v3, v8;
	v7 =	vmul.f32 v7, v14  }
0x37b: {  	[tilespmem:s2+$0x1EAA0] =	vst v1;
	v4 =	vadd.f32 v5, v4  }
0x37c: {  	[tilespmem:s2+$0x1EAB0] =	vst v6;
	v5 =	vadd.f32 v10, v7  }
0x37d: {  	[tilespmem:s2+$0x1EAC0] =	vst v0;
	v1 =	vmul.f32 v4, v8  }
.Ltmp6:
0x37e: {  	s28 =	sshra.s32 s30, $0x2;
	[tilespmem:s2+$0x1EAD0] =	vst v12;
	v7 =	vmul.f32 v5, v8;
	(pc) =	sbr.rel @p1 .LBB2_15-.Ltmp6, $4  }
0x37f: {  	v0 =	vld [tilespmem:s28+$0x1D280];
	[tilespmem:s2+$0x1EAE0] =	vst v1  }
0x380: {  	v6 =	vld [tilespmem:s28+$0x1DA80];
	[tilespmem:s2+$0x1EAF0] =	vst v7  }
0x381: {  	s29 =	sadd.s32 $0x1, s29;
	v1 =	vld [tilespmem:s28+$0x1D290];
	[tilespmem:s2+$0x1E2A0] =	vst v9  }
0x382: {  	s30 =	sadd.s32 $0x200, s30;
	v8 =	vmov s29;
	v7 =	vld [tilespmem:s28+$0x1DA90];
	[tilespmem:s2+$0x1E2B0] =	vst v11  }
0x383: {  	v9 =	vld [tilespmem:s28+$0x1DAA0];
	[tilespmem:s2+$0x1E2C0] =	vst v2  }
0x384: {  	v2 =	vld [tilespmem:s28+$0x1DAB0];
	[tilespmem:s2+$0x1E2D0] =	vst v3  }
0x385: {  	v3 =	vld [tilespmem:s28+$0x1DAC0];
	[tilespmem:s2+$0x1E2E0] =	vst v4  }
0x386: {  	v4 =	vld [tilespmem:s28+$0x1DAD0];
	[tilespmem:s2+$0x1E2F0] =	vst v5  }
0x387: {  	v5 =	vld.idx.msk [tilespmem:v8+s3+$0x0], $0xffff;
	_ =	sdelay $0x3  }
0x388: {  	v11 =	vld [tilespmem:s28+$0x1D2A0]  }
0x389: {  	v12 =	vld [tilespmem:s28+$0x1D2B0];
	v13 =	vmul.f32 $8.999999760e-01, v5  }
0x38a: {  	v14 =	vld [tilespmem:s28+$0x1D2C0]  }
0x38b: {  	v6 =	vmul.f32 $1.000000010e-01, v6;
	v15 =	vld [tilespmem:s28+$0x1D2D0];
	v0 =	vmul.f32 v0, v13  }
0x38c: {  	v7 =	vmul.f32 $1.000000010e-01, v7;
	v1 =	vmul.f32 v1, v13  }
0x38d: {  	v9 =	vmul.f32 $1.000000010e-01, v9;
	v11 =	vmul.f32 v11, v13;
	v0 =	vadd.f32 v6, v0  }
0x38e: {  	v2 =	vmul.f32 $1.000000010e-01, v2;
	v12 =	vmul.f32 v12, v13;
	v1 =	vadd.f32 v7, v1  }
0x38f: {  	v3 =	vmul.f32 $1.000000010e-01, v3;
	v52 =	vmul.f32 v14, v13;
	v9 =	vadd.f32 v9, v11;
	[tilespmem:s28+$0x1E280] =	vst v0  }
0x390: {  	v10 =	vld [tilespmem:s28+$0x1DAF0];
	v4 =	vmul.f32 $1.000000010e-01, v4;
	v53 =	vmul.f32 v15, v13;
	v2 =	vadd.f32 v2, v12;
	[tilespmem:s28+$0x1E290] =	vst v1  }
0x391: {  	v51 =	vld [tilespmem:s28+$0x1D2F0];
	v55 =	vadd.f32 v3, v52;
	[tilespmem:s28+$0x1E2A0] =	vst v9  }
0x392: {  	v50 =	vld [tilespmem:s28+$0x1DAE0];
	v4 =	vadd.f32 v4, v53;
	[tilespmem:s28+$0x1E2B0] =	vst v2  }
0x393: {  	v16 =	vld [tilespmem:s28+$0x1D2E0];
	v0 =	vmul.f32 v0, v5;
	[tilespmem:s28+$0x1E2C0] =	vst v55  }
0x394: {  	v54 =	vmul.f32 v1, v5;
	[tilespmem:s28+$0x1E2D0] =	vst v4  }
0x395: {  	v10 =	vmul.f32 $1.000000010e-01, v10;
	v56 =	vmul.f32 v9, v5;
	[tilespmem:s28+$0x1EA80] =	vst v0  }
0x396: {  	v6 =	vmul.f32 v51, v13;
	v58 =	vmul.f32 v2, v5;
	[tilespmem:s28+$0x1EA90] =	vst v54  }
0x397: {  	v8 =	vmul.f32 $1.000000010e-01, v50;
	v59 =	vmul.f32 v55, v5;
	[tilespmem:s28+$0x1EAA0] =	vst v56  }
0x398: {  	v57 =	vmul.f32 v16, v13;
	v60 =	vmul.f32 v4, v5;
	v6 =	vadd.f32 v10, v6;
	[tilespmem:s28+$0x1EAB0] =	vst v58  }
0x399: {  	[tilespmem:s28+$0x1EAC0] =	vst v59  }
0x39a: {  	s30 =	sld [smem:$0x7F8];
	v0 =	vadd.f32 v8, v57;
	[tilespmem:s28+$0x1EAD0] =	vst v60;
	v62 =	vmul.f32 v6, v5  }
0x39b: {  	s2 =	sld [smem:$0x7FC];
	[tilespmem:s28+$0x1E2F0] =	vst v6  }
0x39c: {  	v61 =	vmul.f32 v0, v5;
	[tilespmem:s28+$0x1EAF0] =	vst v62  }
0x39d: {  	[tilespmem:s28+$0x1E2E0] =	vst v0  }
0x39e: {  	s29 =	simm.s32 @!p0 $0x1E280;
	s2 =	sadd.s32 @!p0 s2, s30;
	[tilespmem:s28+$0x1EAE0] =	vst v61;
	s28 =	simm.s32 @!p0 $0x0  }
0x39f: {  	[hbm4b:s2+s28] =	stream.linear.scatter @!p0 [tilespmem:s29], [sflag:$0x9], $0x800, $0x38;
	v63 =	vld [tilespmem:$0x0]  }
0x3a0: {  	s2 =	simm.s32 @!p0 $0x9  }
0x3a1: {  	s9 =	sadd.s32 $0x1, s9;
	_ =	swait.ge @!p0 [sflag:s2], $0x800  }
0x3a2: {  	p1 =	sne.s32 s9, $0x28;
	s29 =	sadd.s32 s5, s30;
	[sflag:s2] =	ssyncset.done @!p0 $0x0  }
.Ltmp7:
0x3a3: {  	s30 =	simm.s32 $0x1EA80;
	[sflag:s2] =	ssyncadd.s32 @!p0 $0xFFFFF800;
	(pc) =	sbr.rel @p1 .LBB2_14-.Ltmp7, $4  }
0x3a4: {  	[hbm4b:s29+s10] =	stream.linear.scatter [tilespmem:s30], [sflag:$0x9], $0x800, $0x38;
	v63 =	vld [tilespmem:$0x0]  }
0x3a5: {  	_ =	swait.ge [sflag:s12], $0x800  }
0x3a6: {  	[sflag:s12] =	ssyncset.done $0x0  }
0x3a7: {  	s6 =	sadd.s32 $0x10, s6;
	[sflag:s12] =	ssyncadd.s32 $0xFFFFF800  }
0x3a8: {  	s2 =	sld [smem:$0x7F9];
	_ =	sdelay $0x2  }
0x3a9: {  	s2 =	sadd.s32 $0x1, s2  }
0x3aa: {  	p0 =	sne.s32 s2, $0xA  }
.Ltmp8:
0x3ab: {  	_ = 	snop;
	(pc) =	sbr.rel @p0 .LBB2_11-.Ltmp8, $4  }
0x3ac: {  	_ = 	snop  }
0x3ad: {  	[smem:$0x7F9] =	sst s2  }
0x3ae: {  	[bflag:$0x0] =	sbarrier.arrive $0xFFFF  }
0x3af: {  	s30 =	simm.s32 $0x15080;
	s9 =	simm.s32 $0x14980;
	s28 =	simm.s32 $0x15100  }
0x3b0: {  	s0 =	simm.s32 $0x14300  }
0x3b1: {  	s2 =	simm.s32 $0x14380;
	[dreg:$0x1d] =	wrdreg s0  }
0x3b2: {  	s3 =	simm.s32 $0x14400;
	[dreg:$0x1e] =	wrdreg s2  }
0x3b3: {  	s4 =	simm.s32 $0x14B00;
	[dreg:$0x1f] =	wrdreg s3  }
0x3b4: {  	s6 =	simm.s32 $0x14B80;
	[smem:$0x7E2] =	sst s4  }
0x3b5: {  	s9 =	simm.s32 $0x14480;
	[smem:$0x7E3] =	sst s6  }
0x3b6: {  	s10 =	simm.s32 $0x14C00;
	s11 =	simm.s32 $0x14500;
	[smem:$0x7E4] =	sst s9  }
0x3b7: {  	s12 =	simm.s32 $0x14C80;
	s13 =	simm.s32 $0x14580;
	[smem:$0x7E5] =	sst s10  }
0x3b8: {  	s14 =	simm.s32 $0x14D00;
	s15 =	simm.s32 $0x14600;
	[smem:$0x7E6] =	sst s11  }
0x3b9: {  	s16 =	simm.s32 $0x14D80;
	s17 =	simm.s32 $0x14680;
	[smem:$0x7E7] =	sst s12  }
0x3ba: {  	s18 =	simm.s32 $0x14E00;
	s19 =	simm.s32 $0x14700;
	[smem:$0x7E8] =	sst s13  }
0x3bb: {  	s20 =	simm.s32 $0x14E80;
	s21 =	simm.s32 $0x14780;
	[smem:$0x7E9] =	sst s14  }
0x3bc: {  	s22 =	simm.s32 $0x14F00;
	s23 =	simm.s32 $0x14800;
	[smem:$0x7EA] =	sst s15  }
0x3bd: {  	s24 =	simm.s32 $0x14F80;
	s25 =	simm.s32 $0x14880;
	[smem:$0x7EB] =	sst s16  }
0x3be: {  	s26 =	simm.s32 $0x15000;
	s29 =	simm.s32 $0x14900;
	[smem:$0x7EC] =	sst s17  }
0x3bf: {  	s31 =	simm.s32 $0x15080;
	s28 =	simm.s32 $0x15100;
	[smem:$0x7ED] =	sst s18  }
0x3c0: {  	s30 =	simm.s32 $0x14A00;
	s9 =	simm.s32 $0x0;
	[smem:$0x7EE] =	sst s19  }
0x3c1: {  	s10 =	simm.s32 $0x14280;
	s11 =	simm.s32 $0x9;
	[smem:$0x7EF] =	sst s20  }
0x3c2: {  	s12 =	simm.s32 $0x14A80;
	s13 =	simm.s32 $0x40;
	[smem:$0x7F0] =	sst s21  }
0x3c3: {  	s14 =	simm.s32 $0x15280;
	s15 =	simm.s32 $0x17280;
	[smem:$0x7F1] =	sst s22  }
0x3c4: {  	s16 =	simm.s32 $0x19280;
	s17 =	simm.s32 $0x1B280;
	[smem:$0x7F2] =	sst s23  }
0x3c5: {  	s18 =	simm.s32 $0x1;
	s19 =	simm.s32 $0x2;
	[smem:$0x7F3] =	sst s24  }
0x3c6: {  	s20 =	simm.s32 $0x3;
	s21 =	simm.s32 $0x5;
	[smem:$0x7F4] =	sst s25  }
0x3c7: {  	s22 =	simm.s32 $0x4;
	s23 =	simm.s32 $0x6;
	[smem:$0x7F5] =	sst s26  }
0x3c8: {  	s24 =	simm.s32 $0x7;
	s25 =	simm.s32 $0x8;
	[smem:$0x7F6] =	sst s29  }
0x3c9: {  	s26 =	simm.s32 $0x14980;
	s0 =	simm.s32 $0x15180;
	s2 =	simm.s32 $0x0  }
0x3ca: {  	s4 =	simm.s32 $0x15200;
	s3 =	simm.s32 $0x1FD00;
	[smem:$0x7F7] =	sst s2  }
.LBB2_19:
0x3cb: {  	s2 =	sadd.s32 $0x0, s8  }
0x3cc: {  	[tilespmem:s10], [sflag:$0x9] =	stream.linear.gather [hbm4b:s2+s9], $0x800, $0x38;
	v63 =	vld [tilespmem:$0x0]  }
0x3cd: {  	_ =	swait.ge [sflag:s11], $0x800  }
0x3ce: {  	[sflag:s11] =	ssyncset.done $0x0  }
0x3cf: {  	s6 =	sadd.s32 $0x0, s7;
	[sflag:s11] =	ssyncadd.s32 $0xFFFFF800  }
0x3d0: {  	[tilespmem:s12], [sflag:$0x9] =	stream.linear.gather [hbm4b:s6+s9], $0x800, $0x38;
	v63 =	vld [tilespmem:$0x0]  }
0x3d1: {  	_ =	swait.ge [sflag:s11], $0x800  }
0x3d2: {  	[sflag:s11] =	ssyncset.done $0x0  }
0x3d3: {  	[sflag:s11] =	ssyncadd.s32 $0xFFFFF800  }
0x3d4: {  	[tilespmem:s14], [sflag:$0x1] =	stream.indirect.gather [hbm4b:s5+s13], $0x80, s10, s13, $0xb8;
	v63 =	vld [tilespmem:$0x0]  }
0x3d5: {  	s29 =	rddreg [dreg:$0x1d]  }
0x3d6: {  	[tilespmem:s15], [sflag:$0x2] =	stream.indirect.gather [hbm4b:s5+s13], $0x80, s29, s13, $0xb8;
	v63 =	vld [tilespmem:$0x0]  }
0x3d7: {  	s6 =	rddreg [dreg:$0x1e]  }
0x3d8: {  	[tilespmem:s16], [sflag:$0x3] =	stream.indirect.gather [hbm4b:s5+s13], $0x80, s6, s13, $0xb8;
	v63 =	vld [tilespmem:$0x0]  }
0x3d9: {  	s29 =	rddreg [dreg:$0x1f]  }
0x3da: {  	[tilespmem:s17], [sflag:$0x4] =	stream.indirect.gather [hbm4b:s5+s13], $0x80, s29, s13, $0xb8;
	v63 =	vld [tilespmem:$0x0]  }
0x3db: {  	_ =	swait.ge [sflag:s18], $0x2000  }
0x3dc: {  	[sflag:s18] =	ssyncset.done $0x0  }
0x3dd: {  	[sflag:s18] =	ssyncadd.s32 $0xFFFFE000  }
0x3de: {  	[spmem:s1] =	stream.indirect.scatter.add.f32 [tilespmem:s14], [sflag:$0x5], $0x80, s12, s13, $0xb8;
	v63 =	vld [tilespmem:$0x0]  }
0x3df: {  	_ =	swait.ge [sflag:s19], $0x2000  }
0x3e0: {  	s29 =	sld [smem:$0x7E2]  }
0x3e1: {  	[sflag:s19] =	ssyncset.done $0x0  }
0x3e2: {  	[sflag:s19] =	ssyncadd.s32 $0xFFFFE000  }
0x3e3: {  	[spmem:s1] =	stream.indirect.scatter.add.f32 [tilespmem:s15], [sflag:$0x6], $0x80, s29, s13, $0xb8;
	v63 =	vld [tilespmem:$0x0]  }
0x3e4: {  	_ =	swait.ge [sflag:s20], $0x2000  }
0x3e5: {  	s6 =	sld [smem:$0x7E3]  }
0x3e6: {  	[sflag:s20] =	ssyncset.done $0x0  }
0x3e7: {  	[sflag:s20] =	ssyncadd.s32 $0xFFFFE000  }
0x3e8: {  	[spmem:s1] =	stream.indirect.scatter.add.f32 [tilespmem:s16], [sflag:$0x7], $0x80, s6, s13, $0xb8;
	v63 =	vld [tilespmem:$0x0]  }
0x3e9: {  	_ =	swait.ge [sflag:s21], $0x2000  }
0x3ea: {  	s29 =	sld [smem:$0x7E4]  }
0x3eb: {  	[sflag:s21] =	ssyncset.done $0x0  }
0x3ec: {  	[sflag:s21] =	ssyncadd.s32 $0xFFFFE000  }
0x3ed: {  	[tilespmem:s14], [sflag:$0x1] =	stream.indirect.gather [hbm4b:s5+s13], $0x80, s29, s13, $0xb8;
	v63 =	vld [tilespmem:$0x0]  }
0x3ee: {  	_ =	swait.ge [sflag:s22], $0x2000  }
0x3ef: {  	s6 =	sld [smem:$0x7E5]  }
0x3f0: {  	[sflag:s22] =	ssyncset.done $0x0  }
0x3f1: {  	[sflag:s22] =	ssyncadd.s32 $0xFFFFE000  }
0x3f2: {  	[spmem:s1] =	stream.indirect.scatter.add.f32 [tilespmem:s17], [sflag:$0x8], $0x80, s6, s13, $0xb8;
	v63 =	vld [tilespmem:$0x0]  }
0x3f3: {  	_ =	swait.ge [sflag:s23], $0x2000  }
0x3f4: {  	s29 =	sld [smem:$0x7E6]  }
0x3f5: {  	[sflag:s23] =	ssyncset.done $0x0  }
0x3f6: {  	[sflag:s23] =	ssyncadd.s32 $0xFFFFE000  }
0x3f7: {  	[tilespmem:s15], [sflag:$0x2] =	stream.indirect.gather [hbm4b:s5+s13], $0x80, s29, s13, $0xb8;
	v63 =	vld [tilespmem:$0x0]  }
0x3f8: {  	_ =	swait.ge [sflag:s18], $0x2000  }
0x3f9: {  	s6 =	sld [smem:$0x7E7]  }
0x3fa: {  	[sflag:s18] =	ssyncset.done $0x0  }
0x3fb: {  	[sflag:s18] =	ssyncadd.s32 $0xFFFFE000  }
0x3fc: {  	[spmem:s1] =	stream.indirect.scatter.add.f32 [tilespmem:s14], [sflag:$0x5], $0x80, s6, s13, $0xb8;
	v63 =	vld [tilespmem:$0x0]  }
0x3fd: {  	_ =	swait.ge [sflag:s24], $0x2000  }
0x3fe: {  	s29 =	sld [smem:$0x7E8]  }
0x3ff: {  	[sflag:s24] =	ssyncset.done $0x0  }
0x400: {  	[sflag:s24] =	ssyncadd.s32 $0xFFFFE000  }
0x401: {  	[tilespmem:s16], [sflag:$0x3] =	stream.indirect.gather [hbm4b:s5+s13], $0x80, s29, s13, $0xb8;
	v63 =	vld [tilespmem:$0x0]  }
0x402: {  	_ =	swait.ge [sflag:s19], $0x2000  }
0x403: {  	s6 =	sld [smem:$0x7E9]  }
0x404: {  	[sflag:s19] =	ssyncset.done $0x0  }
0x405: {  	[sflag:s19] =	ssyncadd.s32 $0xFFFFE000  }
0x406: {  	[spmem:s1] =	stream.indirect.scatter.add.f32 [tilespmem:s15], [sflag:$0x6], $0x80, s6, s13, $0xb8;
	v63 =	vld [tilespmem:$0x0]  }
0x407: {  	_ =	swait.ge [sflag:s25], $0x2000  }
0x408: {  	s29 =	sld [smem:$0x7EA]  }
0x409: {  	[sflag:s25] =	ssyncset.done $0x0  }
0x40a: {  	[sflag:s25] =	ssyncadd.s32 $0xFFFFE000  }
0x40b: {  	[tilespmem:s17], [sflag:$0x4] =	stream.indirect.gather [hbm4b:s5+s13], $0x80, s29, s13, $0xb8;
	v63 =	vld [tilespmem:$0x0]  }
0x40c: {  	_ =	swait.ge [sflag:s20], $0x2000  }
0x40d: {  	s6 =	sld [smem:$0x7EB]  }
0x40e: {  	[sflag:s20] =	ssyncset.done $0x0  }
0x40f: {  	[sflag:s20] =	ssyncadd.s32 $0xFFFFE000  }
0x410: {  	[spmem:s1] =	stream.indirect.scatter.add.f32 [tilespmem:s16], [sflag:$0x7], $0x80, s6, s13, $0xb8;
	v63 =	vld [tilespmem:$0x0]  }
0x411: {  	_ =	swait.ge [sflag:s21], $0x2000  }
0x412: {  	s29 =	sld [smem:$0x7EC]  }
0x413: {  	[sflag:s21] =	ssyncset.done $0x0  }
0x414: {  	[sflag:s21] =	ssyncadd.s32 $0xFFFFE000  }
0x415: {  	[tilespmem:s14], [sflag:$0x1] =	stream.indirect.gather [hbm4b:s5+s13], $0x80, s29, s13, $0xb8;
	v63 =	vld [tilespmem:$0x0]  }
0x416: {  	_ =	swait.ge [sflag:s22], $0x2000  }
0x417: {  	s6 =	sld [smem:$0x7ED]  }
0x418: {  	[sflag:s22] =	ssyncset.done $0x0  }
0x419: {  	[sflag:s22] =	ssyncadd.s32 $0xFFFFE000  }
0x41a: {  	[spmem:s1] =	stream.indirect.scatter.add.f32 [tilespmem:s17], [sflag:$0x8], $0x80, s6, s13, $0xb8;
	v63 =	vld [tilespmem:$0x0]  }
0x41b: {  	_ =	swait.ge [sflag:s23], $0x2000  }
0x41c: {  	s29 =	sld [smem:$0x7EE]  }
0x41d: {  	[sflag:s23] =	ssyncset.done $0x0  }
0x41e: {  	[sflag:s23] =	ssyncadd.s32 $0xFFFFE000  }
0x41f: {  	[tilespmem:s15], [sflag:$0x2] =	stream.indirect.gather [hbm4b:s5+s13], $0x80, s29, s13, $0xb8;
	v63 =	vld [tilespmem:$0x0]  }
0x420: {  	_ =	swait.ge [sflag:s18], $0x2000  }
0x421: {  	s6 =	sld [smem:$0x7EF]  }
0x422: {  	[sflag:s18] =	ssyncset.done $0x0  }
0x423: {  	[sflag:s18] =	ssyncadd.s32 $0xFFFFE000  }
0x424: {  	[spmem:s1] =	stream.indirect.scatter.add.f32 [tilespmem:s14], [sflag:$0x5], $0x80, s6, s13, $0xb8;
	v63 =	vld [tilespmem:$0x0]  }
0x425: {  	_ =	swait.ge [sflag:s24], $0x2000  }
0x426: {  	s29 =	sld [smem:$0x7F0]  }
0x427: {  	[sflag:s24] =	ssyncset.done $0x0  }
0x428: {  	[sflag:s24] =	ssyncadd.s32 $0xFFFFE000  }
0x429: {  	[tilespmem:s16], [sflag:$0x3] =	stream.indirect.gather [hbm4b:s5+s13], $0x80, s29, s13, $0xb8;
	v63 =	vld [tilespmem:$0x0]  }
0x42a: {  	_ =	swait.ge [sflag:s19], $0x2000  }
0x42b: {  	s6 =	sld [smem:$0x7F1]  }
0x42c: {  	[sflag:s19] =	ssyncset.done $0x0  }
0x42d: {  	[sflag:s19] =	ssyncadd.s32 $0xFFFFE000  }
0x42e: {  	[spmem:s1] =	stream.indirect.scatter.add.f32 [tilespmem:s15], [sflag:$0x6], $0x80, s6, s13, $0xb8;
	v63 =	vld [tilespmem:$0x0]  }
0x42f: {  	_ =	swait.ge [sflag:s25], $0x2000  }
0x430: {  	s29 =	sld [smem:$0x7F2]  }
0x431: {  	[sflag:s25] =	ssyncset.done $0x0  }
0x432: {  	[sflag:s25] =	ssyncadd.s32 $0xFFFFE000  }
0x433: {  	[tilespmem:s17], [sflag:$0x4] =	stream.indirect.gather [hbm4b:s5+s13], $0x80, s29, s13, $0xb8;
	v63 =	vld [tilespmem:$0x0]  }
0x434: {  	_ =	swait.ge [sflag:s20], $0x2000  }
0x435: {  	s6 =	sld [smem:$0x7F3]  }
0x436: {  	[sflag:s20] =	ssyncset.done $0x0  }
0x437: {  	[sflag:s20] =	ssyncadd.s32 $0xFFFFE000  }
0x438: {  	[spmem:s1] =	stream.indirect.scatter.add.f32 [tilespmem:s16], [sflag:$0x7], $0x80, s6, s13, $0xb8;
	v63 =	vld [tilespmem:$0x0]  }
0x439: {  	_ =	swait.ge [sflag:s21], $0x2000  }
0x43a: {  	s29 =	sld [smem:$0x7F4]  }
0x43b: {  	[sflag:s21] =	ssyncset.done $0x0  }
0x43c: {  	[sflag:s21] =	ssyncadd.s32 $0xFFFFE000  }
0x43d: {  	[tilespmem:s14], [sflag:$0x1] =	stream.indirect.gather [hbm4b:s5+s13], $0x80, s29, s13, $0xb8;
	v63 =	vld [tilespmem:$0x0]  }
0x43e: {  	_ =	swait.ge [sflag:s22], $0x2000  }
0x43f: {  	s6 =	sld [smem:$0x7F5]  }
0x440: {  	[sflag:s22] =	ssyncset.done $0x0  }
0x441: {  	[sflag:s22] =	ssyncadd.s32 $0xFFFFE000  }
0x442: {  	[spmem:s1] =	stream.indirect.scatter.add.f32 [tilespmem:s17], [sflag:$0x8], $0x80, s6, s13, $0xb8;
	v63 =	vld [tilespmem:$0x0]  }
0x443: {  	_ =	swait.ge [sflag:s23], $0x2000  }
0x444: {  	s29 =	sld [smem:$0x7F6]  }
0x445: {  	[sflag:s23] =	ssyncset.done $0x0  }
0x446: {  	[sflag:s23] =	ssyncadd.s32 $0xFFFFE000  }
0x447: {  	[tilespmem:s15], [sflag:$0x2] =	stream.indirect.gather [hbm4b:s5+s13], $0x80, s29, s13, $0xb8;
	v63 =	vld [tilespmem:$0x0]  }
0x448: {  	_ =	swait.ge [sflag:s18], $0x2000  }
0x449: {  	[sflag:s18] =	ssyncset.done $0x0  }
0x44a: {  	[sflag:s18] =	ssyncadd.s32 $0xFFFFE000  }
0x44b: {  	[spmem:s1] =	stream.indirect.scatter.add.f32 [tilespmem:s14], [sflag:$0x5], $0x80, s31, s13, $0xb8;
	v63 =	vld [tilespmem:$0x0]  }
0x44c: {  	_ =	swait.ge [sflag:s24], $0x2000  }
0x44d: {  	[sflag:s24] =	ssyncset.done $0x0  }
0x44e: {  	[sflag:s24] =	ssyncadd.s32 $0xFFFFE000  }
0x44f: {  	[tilespmem:s16], [sflag:$0x3] =	stream.indirect.gather [hbm4b:s5+s13], $0x80, s26, s13, $0xb8;
	v63 =	vld [tilespmem:$0x0]  }
0x450: {  	_ =	swait.ge [sflag:s19], $0x2000  }
0x451: {  	[sflag:s19] =	ssyncset.done $0x0  }
0x452: {  	[sflag:s19] =	ssyncadd.s32 $0xFFFFE000  }
0x453: {  	[spmem:s1] =	stream.indirect.scatter.add.f32 [tilespmem:s15], [sflag:$0x6], $0x80, s28, s13, $0xb8;
	v63 =	vld [tilespmem:$0x0]  }
0x454: {  	_ =	swait.ge [sflag:s25], $0x2000  }
0x455: {  	[sflag:s25] =	ssyncset.done $0x0  }
0x456: {  	[sflag:s25] =	ssyncadd.s32 $0xFFFFE000  }
0x457: {  	[tilespmem:s17], [sflag:$0x4] =	stream.indirect.gather [hbm4b:s5+s13], $0x80, s30, s13, $0xb8;
	v63 =	vld [tilespmem:$0x0]  }
0x458: {  	_ =	swait.ge [sflag:s20], $0x2000  }
0x459: {  	[sflag:s20] =	ssyncset.done $0x0  }
0x45a: {  	[sflag:s20] =	ssyncadd.s32 $0xFFFFE000  }
0x45b: {  	[spmem:s1] =	stream.indirect.scatter.add.f32 [tilespmem:s16], [sflag:$0x7], $0x80, s0, s13, $0xb8;
	v63 =	vld [tilespmem:$0x0]  }
0x45c: {  	_ =	swait.ge [sflag:s22], $0x2000  }
0x45d: {  	[sflag:s22] =	ssyncset.done $0x0  }
0x45e: {  	[sflag:s22] =	ssyncadd.s32 $0xFFFFE000  }
0x45f: {  	[spmem:s1] =	stream.indirect.scatter.add.f32 [tilespmem:s17], [sflag:$0x8], $0x80, s4, s13, $0xb8;
	v63 =	vld [tilespmem:$0x0]  }
0x460: {  	_ =	swait.ge [sflag:s21], $0x2000  }
0x461: {  	[sflag:s21] =	ssyncset.done $0x0  }
0x462: {  	[sflag:s21] =	ssyncadd.s32 $0xFFFFE000  }
0x463: {  	_ =	swait.ge [sflag:s23], $0x2000  }
0x464: {  	[sflag:s23] =	ssyncset.done $0x0  }
0x465: {  	[sflag:s23] =	ssyncadd.s32 $0xFFFFE000  }
0x466: {  	_ =	swait.ge [sflag:s24], $0x2000  }
0x467: {  	[sflag:s24] =	ssyncset.done $0x0  }
0x468: {  	[sflag:s24] =	ssyncadd.s32 $0xFFFFE000  }
0x469: {  	_ =	swait.ge [sflag:s25], $0x2000  }
0x46a: {  	s2 =	simm.s32 $0x100;
	s26 =	simm.s32 $0x200;
	[sflag:s25] =	ssyncset.done $0x0  }
.LBB2_20:
0x46b: {  	s28 =	sadd.s32 s2, s8;
	[sflag:s25] =	ssyncadd.s32 $0xFFFFE000  }
0x46c: {  	[tilespmem:s10], [sflag:$0x9] =	stream.linear.gather [hbm4b:s28+s9], $0x800, $0x38;
	v63 =	vld [tilespmem:$0x0]  }
0x46d: {  	_ =	swait.ge [sflag:s11], $0x800  }
0x46e: {  	s29 =	smov.u32 s26;
	s6 =	sadd.s32 $0x100, s26;
	[sflag:s11] =	ssyncset.done $0x0  }
0x46f: {  	p0 =	sne.s32 s26, $0x1300;
	s26 =	sadd.s32 s2, s7;
	[sflag:s11] =	ssyncadd.s32 $0xFFFFF800  }
0x470: {  	[tilespmem:s12], [sflag:$0x9] =	stream.linear.gather [hbm4b:s26+s9], $0x800, $0x38;
	v63 =	vld [tilespmem:$0x0]  }
0x471: {  	_ =	swait.ge [sflag:s11], $0x800  }
0x472: {  	[sflag:s11] =	ssyncset.done $0x0  }
0x473: {  	[sflag:s11] =	ssyncadd.s32 $0xFFFFF800  }
0x474: {  	[tilespmem:s14], [sflag:$0x1] =	stream.indirect.gather [hbm4b:s5+s13], $0x80, s10, s13, $0xb8;
	v63 =	vld [tilespmem:$0x0]  }
0x475: {  	s26 =	rddreg [dreg:$0x1d]  }
0x476: {  	[tilespmem:s15], [sflag:$0x2] =	stream.indirect.gather [hbm4b:s5+s13], $0x80, s26, s13, $0xb8;
	v63 =	vld [tilespmem:$0x0]  }
0x477: {  	s28 =	rddreg [dreg:$0x1e]  }
0x478: {  	[tilespmem:s16], [sflag:$0x3] =	stream.indirect.gather [hbm4b:s5+s13], $0x80, s28, s13, $0xb8;
	v63 =	vld [tilespmem:$0x0]  }
0x479: {  	s26 =	rddreg [dreg:$0x1f]  }
0x47a: {  	[tilespmem:s17], [sflag:$0x4] =	stream.indirect.gather [hbm4b:s5+s13], $0x80, s26, s13, $0xb8;
	v63 =	vld [tilespmem:$0x0]  }
0x47b: {  	_ =	swait.ge [sflag:s18], $0x2000  }
0x47c: {  	[sflag:s18] =	ssyncset.done $0x0  }
0x47d: {  	[sflag:s18] =	ssyncadd.s32 $0xFFFFE000  }
0x47e: {  	[spmem:s1] =	stream.indirect.scatter.add.f32 [tilespmem:s14], [sflag:$0x5], $0x80, s12, s13, $0xb8;
	v63 =	vld [tilespmem:$0x0]  }
0x47f: {  	_ =	swait.ge [sflag:s19], $0x2000  }
0x480: {  	s26 =	sld [smem:$0x7E2]  }
0x481: {  	[sflag:s19] =	ssyncset.done $0x0  }
0x482: {  	[sflag:s19] =	ssyncadd.s32 $0xFFFFE000  }
0x483: {  	[spmem:s1] =	stream.indirect.scatter.add.f32 [tilespmem:s15], [sflag:$0x6], $0x80, s26, s13, $0xb8;
	v63 =	vld [tilespmem:$0x0]  }
0x484: {  	_ =	swait.ge [sflag:s20], $0x2000  }
0x485: {  	s26 =	sld [smem:$0x7E3]  }
0x486: {  	[sflag:s20] =	ssyncset.done $0x0  }
0x487: {  	[sflag:s20] =	ssyncadd.s32 $0xFFFFE000  }
0x488: {  	[spmem:s1] =	stream.indirect.scatter.add.f32 [tilespmem:s16], [sflag:$0x7], $0x80, s26, s13, $0xb8;
	v63 =	vld [tilespmem:$0x0]  }
0x489: {  	_ =	swait.ge [sflag:s21], $0x2000  }
0x48a: {  	s26 =	sld [smem:$0x7E4]  }
0x48b: {  	[sflag:s21] =	ssyncset.done $0x0  }
0x48c: {  	[sflag:s21] =	ssyncadd.s32 $0xFFFFE000  }
0x48d: {  	[tilespmem:s14], [sflag:$0x1] =	stream.indirect.gather [hbm4b:s5+s13], $0x80, s26, s13, $0xb8;
	v63 =	vld [tilespmem:$0x0]  }
0x48e: {  	_ =	swait.ge [sflag:s22], $0x2000  }
0x48f: {  	s26 =	sld [smem:$0x7E5]  }
0x490: {  	[sflag:s22] =	ssyncset.done $0x0  }
0x491: {  	[sflag:s22] =	ssyncadd.s32 $0xFFFFE000  }
0x492: {  	[spmem:s1] =	stream.indirect.scatter.add.f32 [tilespmem:s17], [sflag:$0x8], $0x80, s26, s13, $0xb8;
	v63 =	vld [tilespmem:$0x0]  }
0x493: {  	_ =	swait.ge [sflag:s23], $0x2000  }
0x494: {  	s26 =	sld [smem:$0x7E6]  }
0x495: {  	[sflag:s23] =	ssyncset.done $0x0  }
0x496: {  	[sflag:s23] =	ssyncadd.s32 $0xFFFFE000  }
0x497: {  	[tilespmem:s15], [sflag:$0x2] =	stream.indirect.gather [hbm4b:s5+s13], $0x80, s26, s13, $0xb8;
	v63 =	vld [tilespmem:$0x0]  }
0x498: {  	_ =	swait.ge [sflag:s18], $0x2000  }
0x499: {  	s26 =	sld [smem:$0x7E7]  }
0x49a: {  	[sflag:s18] =	ssyncset.done $0x0  }
0x49b: {  	[sflag:s18] =	ssyncadd.s32 $0xFFFFE000  }
0x49c: {  	[spmem:s1] =	stream.indirect.scatter.add.f32 [tilespmem:s14], [sflag:$0x5], $0x80, s26, s13, $0xb8;
	v63 =	vld [tilespmem:$0x0]  }
0x49d: {  	_ =	swait.ge [sflag:s24], $0x2000  }
0x49e: {  	s26 =	sld [smem:$0x7E8]  }
0x49f: {  	[sflag:s24] =	ssyncset.done $0x0  }
0x4a0: {  	[sflag:s24] =	ssyncadd.s32 $0xFFFFE000  }
0x4a1: {  	[tilespmem:s16], [sflag:$0x3] =	stream.indirect.gather [hbm4b:s5+s13], $0x80, s26, s13, $0xb8;
	v63 =	vld [tilespmem:$0x0]  }
0x4a2: {  	_ =	swait.ge [sflag:s19], $0x2000  }
0x4a3: {  	s26 =	sld [smem:$0x7E9]  }
0x4a4: {  	[sflag:s19] =	ssyncset.done $0x0  }
0x4a5: {  	[sflag:s19] =	ssyncadd.s32 $0xFFFFE000  }
0x4a6: {  	[spmem:s1] =	stream.indirect.scatter.add.f32 [tilespmem:s15], [sflag:$0x6], $0x80, s26, s13, $0xb8;
	v63 =	vld [tilespmem:$0x0]  }
0x4a7: {  	_ =	swait.ge [sflag:s25], $0x2000  }
0x4a8: {  	s26 =	sld [smem:$0x7EA]  }
0x4a9: {  	[sflag:s25] =	ssyncset.done $0x0  }
0x4aa: {  	[sflag:s25] =	ssyncadd.s32 $0xFFFFE000  }
0x4ab: {  	[tilespmem:s17], [sflag:$0x4] =	stream.indirect.gather [hbm4b:s5+s13], $0x80, s26, s13, $0xb8;
	v63 =	vld [tilespmem:$0x0]  }
0x4ac: {  	_ =	swait.ge [sflag:s20], $0x2000  }
0x4ad: {  	s26 =	sld [smem:$0x7EB]  }
0x4ae: {  	[sflag:s20] =	ssyncset.done $0x0  }
0x4af: {  	[sflag:s20] =	ssyncadd.s32 $0xFFFFE000  }
0x4b0: {  	[spmem:s1] =	stream.indirect.scatter.add.f32 [tilespmem:s16], [sflag:$0x7], $0x80, s26, s13, $0xb8;
	v63 =	vld [tilespmem:$0x0]  }
0x4b1: {  	_ =	swait.ge [sflag:s21], $0x2000  }
0x4b2: {  	s26 =	sld [smem:$0x7EC]  }
0x4b3: {  	[sflag:s21] =	ssyncset.done $0x0  }
0x4b4: {  	[sflag:s21] =	ssyncadd.s32 $0xFFFFE000  }
0x4b5: {  	[tilespmem:s14], [sflag:$0x1] =	stream.indirect.gather [hbm4b:s5+s13], $0x80, s26, s13, $0xb8;
	v63 =	vld [tilespmem:$0x0]  }
0x4b6: {  	_ =	swait.ge [sflag:s22], $0x2000  }
0x4b7: {  	s26 =	sld [smem:$0x7ED]  }
0x4b8: {  	[sflag:s22] =	ssyncset.done $0x0  }
0x4b9: {  	[sflag:s22] =	ssyncadd.s32 $0xFFFFE000  }
0x4ba: {  	[spmem:s1] =	stream.indirect.scatter.add.f32 [tilespmem:s17], [sflag:$0x8], $0x80, s26, s13, $0xb8;
	v63 =	vld [tilespmem:$0x0]  }
0x4bb: {  	_ =	swait.ge [sflag:s23], $0x2000  }
0x4bc: {  	s26 =	sld [smem:$0x7EE]  }
0x4bd: {  	[sflag:s23] =	ssyncset.done $0x0  }
0x4be: {  	[sflag:s23] =	ssyncadd.s32 $0xFFFFE000  }
0x4bf: {  	[tilespmem:s15], [sflag:$0x2] =	stream.indirect.gather [hbm4b:s5+s13], $0x80, s26, s13, $0xb8;
	v63 =	vld [tilespmem:$0x0]  }
0x4c0: {  	_ =	swait.ge [sflag:s18], $0x2000  }
0x4c1: {  	s26 =	sld [smem:$0x7EF]  }
0x4c2: {  	[sflag:s18] =	ssyncset.done $0x0  }
0x4c3: {  	[sflag:s18] =	ssyncadd.s32 $0xFFFFE000  }
0x4c4: {  	[spmem:s1] =	stream.indirect.scatter.add.f32 [tilespmem:s14], [sflag:$0x5], $0x80, s26, s13, $0xb8;
	v63 =	vld [tilespmem:$0x0]  }
0x4c5: {  	_ =	swait.ge [sflag:s24], $0x2000  }
0x4c6: {  	s26 =	sld [smem:$0x7F0]  }
0x4c7: {  	[sflag:s24] =	ssyncset.done $0x0  }
0x4c8: {  	[sflag:s24] =	ssyncadd.s32 $0xFFFFE000  }
0x4c9: {  	[tilespmem:s16], [sflag:$0x3] =	stream.indirect.gather [hbm4b:s5+s13], $0x80, s26, s13, $0xb8;
	v63 =	vld [tilespmem:$0x0]  }
0x4ca: {  	_ =	swait.ge [sflag:s19], $0x2000  }
0x4cb: {  	s26 =	sld [smem:$0x7F1]  }
0x4cc: {  	[sflag:s19] =	ssyncset.done $0x0  }
0x4cd: {  	[sflag:s19] =	ssyncadd.s32 $0xFFFFE000  }
0x4ce: {  	[spmem:s1] =	stream.indirect.scatter.add.f32 [tilespmem:s15], [sflag:$0x6], $0x80, s26, s13, $0xb8;
	v63 =	vld [tilespmem:$0x0]  }
0x4cf: {  	_ =	swait.ge [sflag:s25], $0x2000  }
0x4d0: {  	s26 =	sld [smem:$0x7F2]  }
0x4d1: {  	[sflag:s25] =	ssyncset.done $0x0  }
0x4d2: {  	[sflag:s25] =	ssyncadd.s32 $0xFFFFE000  }
0x4d3: {  	[tilespmem:s17], [sflag:$0x4] =	stream.indirect.gather [hbm4b:s5+s13], $0x80, s26, s13, $0xb8;
	v63 =	vld [tilespmem:$0x0]  }
0x4d4: {  	_ =	swait.ge [sflag:s20], $0x2000  }
0x4d5: {  	s26 =	sld [smem:$0x7F3]  }
0x4d6: {  	[sflag:s20] =	ssyncset.done $0x0  }
0x4d7: {  	[sflag:s20] =	ssyncadd.s32 $0xFFFFE000  }
0x4d8: {  	[spmem:s1] =	stream.indirect.scatter.add.f32 [tilespmem:s16], [sflag:$0x7], $0x80, s26, s13, $0xb8;
	v63 =	vld [tilespmem:$0x0]  }
0x4d9: {  	_ =	swait.ge [sflag:s21], $0x2000  }
0x4da: {  	s26 =	sld [smem:$0x7F4]  }
0x4db: {  	[sflag:s21] =	ssyncset.done $0x0  }
0x4dc: {  	[sflag:s21] =	ssyncadd.s32 $0xFFFFE000  }
0x4dd: {  	[tilespmem:s14], [sflag:$0x1] =	stream.indirect.gather [hbm4b:s5+s13], $0x80, s26, s13, $0xb8;
	v63 =	vld [tilespmem:$0x0]  }
0x4de: {  	_ =	swait.ge [sflag:s22], $0x2000  }
0x4df: {  	s26 =	sld [smem:$0x7F5]  }
0x4e0: {  	[sflag:s22] =	ssyncset.done $0x0  }
0x4e1: {  	[sflag:s22] =	ssyncadd.s32 $0xFFFFE000  }
0x4e2: {  	[spmem:s1] =	stream.indirect.scatter.add.f32 [tilespmem:s17], [sflag:$0x8], $0x80, s26, s13, $0xb8;
	v63 =	vld [tilespmem:$0x0]  }
0x4e3: {  	_ =	swait.ge [sflag:s23], $0x2000  }
0x4e4: {  	s26 =	sld [smem:$0x7F6]  }
0x4e5: {  	[sflag:s23] =	ssyncset.done $0x0  }
0x4e6: {  	[sflag:s23] =	ssyncadd.s32 $0xFFFFE000  }
0x4e7: {  	[tilespmem:s15], [sflag:$0x2] =	stream.indirect.gather [hbm4b:s5+s13], $0x80, s26, s13, $0xb8;
	v63 =	vld [tilespmem:$0x0]  }
0x4e8: {  	_ =	swait.ge [sflag:s18], $0x2000  }
0x4e9: {  	[sflag:s18] =	ssyncset.done $0x0  }
0x4ea: {  	[sflag:s18] =	ssyncadd.s32 $0xFFFFE000  }
0x4eb: {  	[spmem:s1] =	stream.indirect.scatter.add.f32 [tilespmem:s14], [sflag:$0x5], $0x80, s31, s13, $0xb8;
	v63 =	vld [tilespmem:$0x0]  }
0x4ec: {  	_ =	swait.ge [sflag:s24], $0x2000  }
0x4ed: {  	[sflag:s24] =	ssyncset.done $0x0  }
0x4ee: {  	s28 =	simm.s32 $0x14980;
	[sflag:s24] =	ssyncadd.s32 $0xFFFFE000  }
0x4ef: {  	[tilespmem:s16], [sflag:$0x3] =	stream.indirect.gather [hbm4b:s5+s13], $0x80, s28, s13, $0xb8;
	v63 =	vld [tilespmem:$0x0]  }
0x4f0: {  	_ =	swait.ge [sflag:s19], $0x2000  }
0x4f1: {  	[sflag:s19] =	ssyncset.done $0x0  }
0x4f2: {  	s2 =	smov.u32 s29;
	s29 =	simm.s32 $0x15100;
	[sflag:s19] =	ssyncadd.s32 $0xFFFFE000  }
0x4f3: {  	[spmem:s1] =	stream.indirect.scatter.add.f32 [tilespmem:s15], [sflag:$0x6], $0x80, s29, s13, $0xb8;
	v63 =	vld [tilespmem:$0x0]  }
0x4f4: {  	_ =	swait.ge [sflag:s25], $0x2000  }
0x4f5: {  	[sflag:s25] =	ssyncset.done $0x0  }
0x4f6: {  	[sflag:s25] =	ssyncadd.s32 $0xFFFFE000  }
0x4f7: {  	[tilespmem:s17], [sflag:$0x4] =	stream.indirect.gather [hbm4b:s5+s13], $0x80, s30, s13, $0xb8;
	v63 =	vld [tilespmem:$0x0]  }
0x4f8: {  	_ =	swait.ge [sflag:s20], $0x2000  }
0x4f9: {  	[sflag:s20] =	ssyncset.done $0x0  }
0x4fa: {  	[sflag:s20] =	ssyncadd.s32 $0xFFFFE000  }
0x4fb: {  	[spmem:s1] =	stream.indirect.scatter.add.f32 [tilespmem:s16], [sflag:$0x7], $0x80, s0, s13, $0xb8;
	v63 =	vld [tilespmem:$0x0]  }
0x4fc: {  	_ =	swait.ge [sflag:s22], $0x2000  }
0x4fd: {  	[sflag:s22] =	ssyncset.done $0x0  }
0x4fe: {  	[sflag:s22] =	ssyncadd.s32 $0xFFFFE000  }
0x4ff: {  	[spmem:s1] =	stream.indirect.scatter.add.f32 [tilespmem:s17], [sflag:$0x8], $0x80, s4, s13, $0xb8;
	v63 =	vld [tilespmem:$0x0]  }
0x500: {  	_ =	swait.ge [sflag:s21], $0x2000  }
0x501: {  	[sflag:s21] =	ssyncset.done $0x0  }
0x502: {  	[sflag:s21] =	ssyncadd.s32 $0xFFFFE000  }
0x503: {  	_ =	swait.ge [sflag:s23], $0x2000  }
0x504: {  	[sflag:s23] =	ssyncset.done $0x0  }
0x505: {  	[sflag:s23] =	ssyncadd.s32 $0xFFFFE000  }
.Ltmp9:
0x506: {  	_ =	swait.ge [sflag:s24], $0x2000;
	(pc) =	sbr.rel @p0 .LBB2_20-.Ltmp9, $4  }
0x507: {  	[sflag:s24] =	ssyncset.done $0x0  }
0x508: {  	[sflag:s24] =	ssyncadd.s32 $0xFFFFE000  }
0x509: {  	_ =	swait.ge [sflag:s25], $0x2000  }
0x50a: {  	s26 =	smov.u32 s6;
	[sflag:s25] =	ssyncset.done $0x0  }
0x50b: {  	s6 =	sadd.s32 s2, s8;
	[sflag:s25] =	ssyncadd.s32 $0xFFFFE000  }
0x50c: {  	[tilespmem:s10], [sflag:$0x9] =	stream.linear.gather [hbm4b:s6+s9], $0x800, $0x38;
	v63 =	vld [tilespmem:$0x0]  }
0x50d: {  	_ =	swait.ge [sflag:s11], $0x800  }
0x50e: {  	[sflag:s11] =	ssyncset.done $0x0  }
0x50f: {  	s6 =	sadd.s32 s2, s7;
	[sflag:s11] =	ssyncadd.s32 $0xFFFFF800  }
0x510: {  	[tilespmem:s12], [sflag:$0x9] =	stream.linear.gather [hbm4b:s6+s9], $0x800, $0x38;
	v63 =	vld [tilespmem:$0x0]  }
0x511: {  	_ =	swait.ge [sflag:s11], $0x800  }
0x512: {  	[sflag:s11] =	ssyncset.done $0x0  }
0x513: {  	[sflag:s11] =	ssyncadd.s32 $0xFFFFF800  }
0x514: {  	[tilespmem:s14], [sflag:$0x1] =	stream.indirect.gather [hbm4b:s5+s13], $0x80, s10, s13, $0xb8;
	v63 =	vld [tilespmem:$0x0]  }
0x515: {  	s26 =	rddreg [dreg:$0x1d]  }
0x516: {  	[tilespmem:s15], [sflag:$0x2] =	stream.indirect.gather [hbm4b:s5+s13], $0x80, s26, s13, $0xb8;
	v63 =	vld [tilespmem:$0x0]  }
0x517: {  	s6 =	rddreg [dreg:$0x1e]  }
0x518: {  	[tilespmem:s16], [sflag:$0x3] =	stream.indirect.gather [hbm4b:s5+s13], $0x80, s6, s13, $0xb8;
	v63 =	vld [tilespmem:$0x0]  }
0x519: {  	s26 =	rddreg [dreg:$0x1f]  }
0x51a: {  	[tilespmem:s17], [sflag:$0x4] =	stream.indirect.gather [hbm4b:s5+s13], $0x80, s26, s13, $0xb8;
	v63 =	vld [tilespmem:$0x0]  }
0x51b: {  	_ =	swait.ge [sflag:s18], $0x2000  }
0x51c: {  	[sflag:s18] =	ssyncset.done $0x0  }
0x51d: {  	[sflag:s18] =	ssyncadd.s32 $0xFFFFE000  }
0x51e: {  	[spmem:s1] =	stream.indirect.scatter.add.f32 [tilespmem:s14], [sflag:$0x5], $0x80, s12, s13, $0xb8;
	v63 =	vld [tilespmem:$0x0]  }
0x51f: {  	_ =	swait.ge [sflag:s19], $0x2000  }
0x520: {  	s26 =	sld [smem:$0x7E2]  }
0x521: {  	[sflag:s19] =	ssyncset.done $0x0  }
0x522: {  	[sflag:s19] =	ssyncadd.s32 $0xFFFFE000  }
0x523: {  	[spmem:s1] =	stream.indirect.scatter.add.f32 [tilespmem:s15], [sflag:$0x6], $0x80, s26, s13, $0xb8;
	v63 =	vld [tilespmem:$0x0]  }
0x524: {  	_ =	swait.ge [sflag:s20], $0x2000  }
0x525: {  	s6 =	sld [smem:$0x7E3]  }
0x526: {  	[sflag:s20] =	ssyncset.done $0x0  }
0x527: {  	[sflag:s20] =	ssyncadd.s32 $0xFFFFE000  }
0x528: {  	[spmem:s1] =	stream.indirect.scatter.add.f32 [tilespmem:s16], [sflag:$0x7], $0x80, s6, s13, $0xb8;
	v63 =	vld [tilespmem:$0x0]  }
0x529: {  	_ =	swait.ge [sflag:s21], $0x2000  }
0x52a: {  	s26 =	sld [smem:$0x7E4]  }
0x52b: {  	[sflag:s21] =	ssyncset.done $0x0  }
0x52c: {  	[sflag:s21] =	ssyncadd.s32 $0xFFFFE000  }
0x52d: {  	[tilespmem:s14], [sflag:$0x1] =	stream.indirect.gather [hbm4b:s5+s13], $0x80, s26, s13, $0xb8;
	v63 =	vld [tilespmem:$0x0]  }
0x52e: {  	_ =	swait.ge [sflag:s22], $0x2000  }
0x52f: {  	s6 =	sld [smem:$0x7E5]  }
0x530: {  	[sflag:s22] =	ssyncset.done $0x0  }
0x531: {  	[sflag:s22] =	ssyncadd.s32 $0xFFFFE000  }
0x532: {  	[spmem:s1] =	stream.indirect.scatter.add.f32 [tilespmem:s17], [sflag:$0x8], $0x80, s6, s13, $0xb8;
	v63 =	vld [tilespmem:$0x0]  }
0x533: {  	_ =	swait.ge [sflag:s23], $0x2000  }
0x534: {  	s26 =	sld [smem:$0x7E6]  }
0x535: {  	[sflag:s23] =	ssyncset.done $0x0  }
0x536: {  	[sflag:s23] =	ssyncadd.s32 $0xFFFFE000  }
0x537: {  	[tilespmem:s15], [sflag:$0x2] =	stream.indirect.gather [hbm4b:s5+s13], $0x80, s26, s13, $0xb8;
	v63 =	vld [tilespmem:$0x0]  }
0x538: {  	_ =	swait.ge [sflag:s18], $0x2000  }
0x539: {  	s6 =	sld [smem:$0x7E7]  }
0x53a: {  	[sflag:s18] =	ssyncset.done $0x0  }
0x53b: {  	[sflag:s18] =	ssyncadd.s32 $0xFFFFE000  }
0x53c: {  	[spmem:s1] =	stream.indirect.scatter.add.f32 [tilespmem:s14], [sflag:$0x5], $0x80, s6, s13, $0xb8;
	v63 =	vld [tilespmem:$0x0]  }
0x53d: {  	_ =	swait.ge [sflag:s24], $0x2000  }
0x53e: {  	s26 =	sld [smem:$0x7E8]  }
0x53f: {  	[sflag:s24] =	ssyncset.done $0x0  }
0x540: {  	[sflag:s24] =	ssyncadd.s32 $0xFFFFE000  }
0x541: {  	[tilespmem:s16], [sflag:$0x3] =	stream.indirect.gather [hbm4b:s5+s13], $0x80, s26, s13, $0xb8;
	v63 =	vld [tilespmem:$0x0]  }
0x542: {  	_ =	swait.ge [sflag:s19], $0x2000  }
0x543: {  	s6 =	sld [smem:$0x7E9]  }
0x544: {  	[sflag:s19] =	ssyncset.done $0x0  }
0x545: {  	[sflag:s19] =	ssyncadd.s32 $0xFFFFE000  }
0x546: {  	[spmem:s1] =	stream.indirect.scatter.add.f32 [tilespmem:s15], [sflag:$0x6], $0x80, s6, s13, $0xb8;
	v63 =	vld [tilespmem:$0x0]  }
0x547: {  	_ =	swait.ge [sflag:s25], $0x2000  }
0x548: {  	s26 =	sld [smem:$0x7EA]  }
0x549: {  	[sflag:s25] =	ssyncset.done $0x0  }
0x54a: {  	[sflag:s25] =	ssyncadd.s32 $0xFFFFE000  }
0x54b: {  	[tilespmem:s17], [sflag:$0x4] =	stream.indirect.gather [hbm4b:s5+s13], $0x80, s26, s13, $0xb8;
	v63 =	vld [tilespmem:$0x0]  }
0x54c: {  	_ =	swait.ge [sflag:s20], $0x2000  }
0x54d: {  	s6 =	sld [smem:$0x7EB]  }
0x54e: {  	[sflag:s20] =	ssyncset.done $0x0  }
0x54f: {  	[sflag:s20] =	ssyncadd.s32 $0xFFFFE000  }
0x550: {  	[spmem:s1] =	stream.indirect.scatter.add.f32 [tilespmem:s16], [sflag:$0x7], $0x80, s6, s13, $0xb8;
	v63 =	vld [tilespmem:$0x0]  }
0x551: {  	_ =	swait.ge [sflag:s21], $0x2000  }
0x552: {  	s26 =	sld [smem:$0x7EC]  }
0x553: {  	[sflag:s21] =	ssyncset.done $0x0  }
0x554: {  	[sflag:s21] =	ssyncadd.s32 $0xFFFFE000  }
0x555: {  	[tilespmem:s14], [sflag:$0x1] =	stream.indirect.gather [hbm4b:s5+s13], $0x80, s26, s13, $0xb8;
	v63 =	vld [tilespmem:$0x0]  }
0x556: {  	_ =	swait.ge [sflag:s22], $0x2000  }
0x557: {  	s6 =	sld [smem:$0x7ED]  }
0x558: {  	[sflag:s22] =	ssyncset.done $0x0  }
0x559: {  	[sflag:s22] =	ssyncadd.s32 $0xFFFFE000  }
0x55a: {  	[spmem:s1] =	stream.indirect.scatter.add.f32 [tilespmem:s17], [sflag:$0x8], $0x80, s6, s13, $0xb8;
	v63 =	vld [tilespmem:$0x0]  }
0x55b: {  	_ =	swait.ge [sflag:s23], $0x2000  }
0x55c: {  	s26 =	sld [smem:$0x7EE]  }
0x55d: {  	[sflag:s23] =	ssyncset.done $0x0  }
0x55e: {  	[sflag:s23] =	ssyncadd.s32 $0xFFFFE000  }
0x55f: {  	[tilespmem:s15], [sflag:$0x2] =	stream.indirect.gather [hbm4b:s5+s13], $0x80, s26, s13, $0xb8;
	v63 =	vld [tilespmem:$0x0]  }
0x560: {  	_ =	swait.ge [sflag:s18], $0x2000  }
0x561: {  	s6 =	sld [smem:$0x7EF]  }
0x562: {  	[sflag:s18] =	ssyncset.done $0x0  }
0x563: {  	[sflag:s18] =	ssyncadd.s32 $0xFFFFE000  }
0x564: {  	[spmem:s1] =	stream.indirect.scatter.add.f32 [tilespmem:s14], [sflag:$0x5], $0x80, s6, s13, $0xb8;
	v63 =	vld [tilespmem:$0x0]  }
0x565: {  	_ =	swait.ge [sflag:s24], $0x2000  }
0x566: {  	s26 =	sld [smem:$0x7F0]  }
0x567: {  	[sflag:s24] =	ssyncset.done $0x0  }
0x568: {  	[sflag:s24] =	ssyncadd.s32 $0xFFFFE000  }
0x569: {  	[tilespmem:s16], [sflag:$0x3] =	stream.indirect.gather [hbm4b:s5+s13], $0x80, s26, s13, $0xb8;
	v63 =	vld [tilespmem:$0x0]  }
0x56a: {  	_ =	swait.ge [sflag:s19], $0x2000  }
0x56b: {  	s6 =	sld [smem:$0x7F1]  }
0x56c: {  	[sflag:s19] =	ssyncset.done $0x0  }
0x56d: {  	[sflag:s19] =	ssyncadd.s32 $0xFFFFE000  }
0x56e: {  	[spmem:s1] =	stream.indirect.scatter.add.f32 [tilespmem:s15], [sflag:$0x6], $0x80, s6, s13, $0xb8;
	v63 =	vld [tilespmem:$0x0]  }
0x56f: {  	_ =	swait.ge [sflag:s25], $0x2000  }
0x570: {  	s26 =	sld [smem:$0x7F2]  }
0x571: {  	[sflag:s25] =	ssyncset.done $0x0  }
0x572: {  	[sflag:s25] =	ssyncadd.s32 $0xFFFFE000  }
0x573: {  	[tilespmem:s17], [sflag:$0x4] =	stream.indirect.gather [hbm4b:s5+s13], $0x80, s26, s13, $0xb8;
	v63 =	vld [tilespmem:$0x0]  }
0x574: {  	_ =	swait.ge [sflag:s20], $0x2000  }
0x575: {  	s6 =	sld [smem:$0x7F3]  }
0x576: {  	[sflag:s20] =	ssyncset.done $0x0  }
0x577: {  	[sflag:s20] =	ssyncadd.s32 $0xFFFFE000  }
0x578: {  	[spmem:s1] =	stream.indirect.scatter.add.f32 [tilespmem:s16], [sflag:$0x7], $0x80, s6, s13, $0xb8;
	v63 =	vld [tilespmem:$0x0]  }
0x579: {  	_ =	swait.ge [sflag:s21], $0x2000  }
0x57a: {  	s26 =	sld [smem:$0x7F4]  }
0x57b: {  	[sflag:s21] =	ssyncset.done $0x0  }
0x57c: {  	[sflag:s21] =	ssyncadd.s32 $0xFFFFE000  }
0x57d: {  	[tilespmem:s14], [sflag:$0x1] =	stream.indirect.gather [hbm4b:s5+s13], $0x80, s26, s13, $0xb8;
	v63 =	vld [tilespmem:$0x0]  }
0x57e: {  	_ =	swait.ge [sflag:s22], $0x2000  }
0x57f: {  	s6 =	sld [smem:$0x7F5]  }
0x580: {  	[sflag:s22] =	ssyncset.done $0x0  }
0x581: {  	[sflag:s22] =	ssyncadd.s32 $0xFFFFE000  }
0x582: {  	[spmem:s1] =	stream.indirect.scatter.add.f32 [tilespmem:s17], [sflag:$0x8], $0x80, s6, s13, $0xb8;
	v63 =	vld [tilespmem:$0x0]  }
0x583: {  	_ =	swait.ge [sflag:s23], $0x2000  }
0x584: {  	s26 =	sld [smem:$0x7F6]  }
0x585: {  	[sflag:s23] =	ssyncset.done $0x0  }
0x586: {  	[sflag:s23] =	ssyncadd.s32 $0xFFFFE000  }
0x587: {  	[tilespmem:s15], [sflag:$0x2] =	stream.indirect.gather [hbm4b:s5+s13], $0x80, s26, s13, $0xb8;
	v63 =	vld [tilespmem:$0x0]  }
0x588: {  	_ =	swait.ge [sflag:s18], $0x2000  }
0x589: {  	[sflag:s18] =	ssyncset.done $0x0  }
0x58a: {  	[sflag:s18] =	ssyncadd.s32 $0xFFFFE000  }
0x58b: {  	[spmem:s1] =	stream.indirect.scatter.add.f32 [tilespmem:s14], [sflag:$0x5], $0x80, s31, s13, $0xb8;
	v63 =	vld [tilespmem:$0x0]  }
0x58c: {  	_ =	swait.ge [sflag:s24], $0x2000  }
0x58d: {  	[sflag:s24] =	ssyncset.done $0x0  }
0x58e: {  	[sflag:s24] =	ssyncadd.s32 $0xFFFFE000  }
0x58f: {  	[tilespmem:s16], [sflag:$0x3] =	stream.indirect.gather [hbm4b:s5+s13], $0x80, s28, s13, $0xb8;
	v63 =	vld [tilespmem:$0x0]  }
0x590: {  	_ =	swait.ge [sflag:s19], $0x2000  }
0x591: {  	[sflag:s19] =	ssyncset.done $0x0  }
0x592: {  	[sflag:s19] =	ssyncadd.s32 $0xFFFFE000  }
0x593: {  	[spmem:s1] =	stream.indirect.scatter.add.f32 [tilespmem:s15], [sflag:$0x6], $0x80, s29, s13, $0xb8;
	v63 =	vld [tilespmem:$0x0]  }
0x594: {  	_ =	swait.ge [sflag:s25], $0x2000  }
0x595: {  	[sflag:s25] =	ssyncset.done $0x0  }
0x596: {  	[sflag:s25] =	ssyncadd.s32 $0xFFFFE000  }
0x597: {  	[tilespmem:s17], [sflag:$0x4] =	stream.indirect.gather [hbm4b:s5+s13], $0x80, s30, s13, $0xb8;
	v63 =	vld [tilespmem:$0x0]  }
0x598: {  	_ =	swait.ge [sflag:s20], $0x2000  }
0x599: {  	[sflag:s20] =	ssyncset.done $0x0  }
0x59a: {  	[sflag:s20] =	ssyncadd.s32 $0xFFFFE000  }
0x59b: {  	[spmem:s1] =	stream.indirect.scatter.add.f32 [tilespmem:s16], [sflag:$0x7], $0x80, s0, s13, $0xb8;
	v63 =	vld [tilespmem:$0x0]  }
0x59c: {  	_ =	swait.ge [sflag:s22], $0x2000  }
0x59d: {  	[sflag:s22] =	ssyncset.done $0x0  }
0x59e: {  	[sflag:s22] =	ssyncadd.s32 $0xFFFFE000  }
0x59f: {  	[spmem:s1] =	stream.indirect.scatter.add.f32 [tilespmem:s17], [sflag:$0x8], $0x80, s4, s13, $0xb8;
	v63 =	vld [tilespmem:$0x0]  }
0x5a0: {  	_ =	swait.ge [sflag:s21], $0x2000  }
0x5a1: {  	[sflag:s21] =	ssyncset.done $0x0  }
0x5a2: {  	[sflag:s21] =	ssyncadd.s32 $0xFFFFE000  }
0x5a3: {  	_ =	swait.ge [sflag:s23], $0x2000  }
0x5a4: {  	[sflag:s23] =	ssyncset.done $0x0  }
0x5a5: {  	[sflag:s23] =	ssyncadd.s32 $0xFFFFE000  }
0x5a6: {  	_ =	swait.ge [sflag:s24], $0x2000  }
0x5a7: {  	[sflag:s24] =	ssyncset.done $0x0  }
0x5a8: {  	[sflag:s24] =	ssyncadd.s32 $0xFFFFE000  }
0x5a9: {  	_ =	swait.ge [sflag:s25], $0x2000  }
0x5aa: {  	[sflag:s25] =	ssyncset.done $0x0  }
0x5ab: {  	[sflag:s25] =	ssyncadd.s32 $0xFFFFE000  }
0x5ac: {  	[bflag:$0x0] =	sbarrier.arrive $0xFFFF  }
0x5ad: {  	s31 =	sld [smem:$0x7F7];
	_ =	sdelay $0x2  }
0x5ae: {  	s2 =	simm.s32 $0x0;
	s6 =	simm.s32 $0x0;
	p0 =	sne.s32 s31, $0x9  }
.LBB2_22:
0x5af: {  	s28 =	sld [smem:$0x7FA];
	_ =	sdelay $0x1  }
0x5b0: {  	s26 =	sshll.u32 s2, $0x4  }
0x5b1: {  	s26 =	sadd.s32 s28, s26  }
0x5b2: {  	s28 =	sshll.u32 s26, $0x7  }
0x5b3: {  	s28 =	sand.u32 $0x3FFFFF80, s28  }
0x5b4: {  	s29 =	simm.s32 $0x1D280;
	s28 =	sadd.s32 s28, s1  }
0x5b5: {  	[tilespmem:s29], [sflag:$0xA] =	stream.linear.gather [spmem:s28], $0x800, $0x38;
	v63 =	vld [tilespmem:$0x0]  }
0x5b6: {  	s29 =	simm.s32 $0xA  }
0x5b7: {  	_ =	swait.ge [sflag:s29], $0x800  }
0x5b8: {  	[sflag:s29] =	ssyncset.done $0x0  }
0x5b9: {  	s31 =	simm.s32 $0x1F280;
	[sflag:s29] =	ssyncadd.s32 $0xFFFFF800  }
0x5ba: {  	[spmem:s28] =	stream.linear.scatter [tilespmem:s31], [sflag:$0xA], $0x800, $0x38;
	v63 =	vld [tilespmem:$0x0]  }
0x5bb: {  	_ =	swait.ge [sflag:s29], $0x800  }
0x5bc: {  	s28 =	sshll.u32 s26, $0x4;
	s26 =	sld [smem:$0x7FC];
	_ =	sdelay $0x1  }
0x5bd: {  	s31 =	simm.s32 $0x0;
	[sflag:s29] =	ssyncset.done $0x0;
	[smem:$0x7E1] =	sst s28  }
0x5be: {  	[sflag:s29] =	ssyncadd.s32 $0xFFFFF800;
	s26 =	sadd.s32 s26, s28;
	s28 =	simm.s32 $0x1DA80  }
0x5bf: {  	[tilespmem:s28], [sflag:$0xA] =	stream.linear.gather [hbm4b:s26+s31], $0x800, $0x38;
	v63 =	vld [tilespmem:$0x0]  }
0x5c0: {  	_ =	swait.ge [sflag:s29], $0x800  }
0x5c1: {  	[sflag:s29] =	ssyncset.done $0x0  }
0x5c2: {  	s31 =	simm.s32 $0x0;
	[sflag:s29] =	ssyncadd.s32 $0xFFFFF800  }
0x5c3: {  	v0 =	vld [tilespmem:s31+$0x1D280]  }
0x5c4: {  	v2 =	vmov s6;
	v1 =	vld [tilespmem:s31+$0x1DA80]  }
0x5c5: {  	v3 =	vld [tilespmem:s31+$0x1D290]  }
0x5c6: {  	v4 =	vld [tilespmem:s31+$0x1DA90]  }
0x5c7: {  	v5 =	vld [tilespmem:s31+$0x1DAA0]  }
0x5c8: {  	v6 =	vld [tilespmem:s31+$0x1DAB0]  }
0x5c9: {  	v7 =	vld.idx.msk [tilespmem:v2+s3+$0x0], $0xffff  }
0x5ca: {  	v2 =	vld [tilespmem:s31+$0x1DAC0]  }
0x5cb: {  	v8 =	vld [tilespmem:s31+$0x1DAD0]  }
0x5cc: {  	v10 =	vld [tilespmem:s31+$0x1D2A0]  }
0x5cd: {  	v11 =	vld [tilespmem:s31+$0x1D2B0]  }
0x5ce: {  	v13 =	vld [tilespmem:s31+$0x1D2C0];
	v12 =	vmul.f32 $8.999999760e-01, v7  }
0x5cf: {  	v14 =	vld [tilespmem:s31+$0x1D2D0];
	v1 =	vmul.f32 $1.000000010e-01, v1;
	v4 =	vmul.f32 $1.000000010e-01, v4  }
0x5d0: {  	v9 =	vld [tilespmem:s31+$0x1DAE0];
	v5 =	vmul.f32 $1.000000010e-01, v5;
	v0 =	vmul.f32 v0, v12  }
0x5d1: {  	v15 =	vld [tilespmem:s31+$0x1DAF0];
	v6 =	vmul.f32 $1.000000010e-01, v6;
	v3 =	vmul.f32 v3, v12  }
0x5d2: {  	v16 =	vld [tilespmem:s31+$0x1D2E0];
	v2 =	vmul.f32 $1.000000010e-01, v2;
	v10 =	vmul.f32 v10, v12;
	v0 =	vadd.f32 v1, v0  }
0x5d3: {  	v1 =	vmul.f32 $1.000000010e-01, v8;
	v8 =	vmul.f32 v11, v12;
	v3 =	vadd.f32 v4, v3;
	v4 =	vld [tilespmem:s31+$0x1D2F0]  }
0x5d4: {  	v11 =	vmul.f32 v13, v12;
	v10 =	vadd.f32 v5, v10;
	v5 =	vmul.f32 v14, v12  }
0x5d5: {  	[tilespmem:s31+$0x1E280] =	vst v0;
	v0 =	vmul.f32 v0, v7;
	v62 =	vadd.f32 v6, v8;
	v6 =	vmul.f32 v3, v7  }
0x5d6: {  	[tilespmem:s31+$0x1E290] =	vst v3;
	v8 =	vmul.f32 $1.000000010e-01, v9;
	v2 =	vadd.f32 v2, v11;
	v9 =	vmul.f32 v10, v7  }
0x5d7: {  	v3 =	vadd.f32 v1, v5;
	v1 =	vmul.f32 v16, v12;
	v5 =	vmul.f32 $1.000000010e-01, v15;
	[tilespmem:s31+$0x1EA80] =	vst v0  }
0x5d8: {  	v0 =	vmul.f32 v62, v7;
	[tilespmem:s31+$0x1EA90] =	vst v6;
	v11 =	vmul.f32 v4, v12  }
0x5d9: {  	v6 =	vmul.f32 v2, v7;
	[tilespmem:s31+$0x1EAA0] =	vst v9;
	v4 =	vadd.f32 v8, v1  }
0x5da: {  	v9 =	vmul.f32 v3, v7;
	[tilespmem:s31+$0x1EAB0] =	vst v0;
	v5 =	vadd.f32 v5, v11  }
0x5db: {  	[tilespmem:s31+$0x1EAC0] =	vst v6;
	v1 =	vmul.f32 v4, v7  }
0x5dc: {  	s26 =	simm.s32 $0x80;
	[tilespmem:s31+$0x1EAD0] =	vst v9;
	v7 =	vmul.f32 v5, v7  }
0x5dd: {  	v0 =	vld [tilespmem:s26+$0x1D280];
	[tilespmem:s31+$0x1EAE0] =	vst v1  }
0x5de: {  	v6 =	vld [tilespmem:s26+$0x1DA80];
	[tilespmem:s31+$0x1EAF0] =	vst v7  }
0x5df: {  	s28 =	sadd.s32 $0x1, s6;
	v1 =	vld [tilespmem:s26+$0x1D290];
	[tilespmem:s31+$0x1E2A0] =	vst v10  }
0x5e0: {  	s29 =	simm.s32 $0x400;
	v8 =	vmov s28;
	v7 =	vld [tilespmem:s26+$0x1DA90];
	[tilespmem:s31+$0x1E2B0] =	vst v62  }
.LBB2_23:
0x5e1: {  	p1 =	sne.s32 s29, $0x1E00;
	v9 =	vld [tilespmem:s26+$0x1DAA0];
	[tilespmem:s31+$0x1E2C0] =	vst v2  }
0x5e2: {  	v2 =	vld [tilespmem:s26+$0x1DAB0];
	[tilespmem:s31+$0x1E2D0] =	vst v3  }
0x5e3: {  	v3 =	vld [tilespmem:s26+$0x1DAC0];
	[tilespmem:s31+$0x1E2E0] =	vst v4  }
0x5e4: {  	v4 =	vld [tilespmem:s26+$0x1DAD0];
	[tilespmem:s31+$0x1E2F0] =	vst v5;
	s31 =	smov.u32 s26  }
0x5e5: {  	v8 =	vld.idx.msk [tilespmem:v8+s3+$0x0], $0xffff  }
0x5e6: {  	v5 =	vld [tilespmem:s31+$0x1DAE0]  }
0x5e7: {  	v10 =	vld [tilespmem:s31+$0x1DAF0]  }
0x5e8: {  	v6 =	vmul.f32 $1.000000010e-01, v6;
	v11 =	vld [tilespmem:s31+$0x1D2A0]  }
0x5e9: {  	v7 =	vmul.f32 $1.000000010e-01, v7;
	v9 =	vmul.f32 $1.000000010e-01, v9;
	v12 =	vld [tilespmem:s31+$0x1D2B0]  }
0x5ea: {  	v2 =	vmul.f32 $1.000000010e-01, v2;
	v3 =	vmul.f32 $1.000000010e-01, v3;
	v13 =	vld [tilespmem:s31+$0x1D2C0]  }
0x5eb: {  	v4 =	vmul.f32 $1.000000010e-01, v4;
	v14 =	vmul.f32 $8.999999760e-01, v8;
	v15 =	vld [tilespmem:s31+$0x1D2D0]  }
0x5ec: {  	v5 =	vmul.f32 $1.000000010e-01, v5;
	v10 =	vmul.f32 $1.000000010e-01, v10  }
0x5ed: {  	v0 =	vmul.f32 v0, v14;
	v1 =	vmul.f32 v1, v14  }
0x5ee: {  	v11 =	vmul.f32 v11, v14;
	v12 =	vmul.f32 v12, v14;
	v16 =	vld [tilespmem:s31+$0x1D2E0]  }
0x5ef: {  	v0 =	vadd.f32 v6, v0;
	v1 =	vadd.f32 v7, v1;
	v6 =	vmul.f32 v13, v14;
	v7 =	vld [tilespmem:s31+$0x1D2F0]  }
0x5f0: {  	v9 =	vadd.f32 v9, v11;
	v11 =	vadd.f32 v2, v12;
	v12 =	vmul.f32 v15, v14  }
0x5f1: {  	v13 =	vmul.f32 v1, v8;
	[tilespmem:s31+$0x1E280] =	vst v0;
	v0 =	vmul.f32 v0, v8;
	v2 =	vadd.f32 v3, v6  }
0x5f2: {  	[tilespmem:s31+$0x1E290] =	vst v1;
	v1 =	vmul.f32 v9, v8;
	v6 =	vmul.f32 v11, v8;
	v3 =	vadd.f32 v4, v12  }
0x5f3: {  	[tilespmem:s31+$0x1EA80] =	vst v0;
	v0 =	vmul.f32 v2, v8;
	v4 =	vmul.f32 v16, v14  }
0x5f4: {  	[tilespmem:s31+$0x1EA90] =	vst v13;
	v12 =	vmul.f32 v3, v8;
	v7 =	vmul.f32 v7, v14  }
0x5f5: {  	[tilespmem:s31+$0x1EAA0] =	vst v1;
	v4 =	vadd.f32 v5, v4  }
0x5f6: {  	[tilespmem:s31+$0x1EAB0] =	vst v6;
	v5 =	vadd.f32 v10, v7  }
0x5f7: {  	[tilespmem:s31+$0x1EAC0] =	vst v0;
	v1 =	vmul.f32 v4, v8  }
.Ltmp10:
0x5f8: {  	s26 =	sshra.s32 s29, $0x2;
	[tilespmem:s31+$0x1EAD0] =	vst v12;
	v7 =	vmul.f32 v5, v8;
	(pc) =	sbr.rel @p1 .LBB2_23-.Ltmp10, $4  }
0x5f9: {  	v0 =	vld [tilespmem:s26+$0x1D280];
	[tilespmem:s31+$0x1EAE0] =	vst v1  }
0x5fa: {  	v6 =	vld [tilespmem:s26+$0x1DA80];
	[tilespmem:s31+$0x1EAF0] =	vst v7  }
0x5fb: {  	s28 =	sadd.s32 $0x1, s28;
	v1 =	vld [tilespmem:s26+$0x1D290];
	[tilespmem:s31+$0x1E2A0] =	vst v9  }
0x5fc: {  	s29 =	sadd.s32 $0x200, s29;
	v8 =	vmov s28;
	v7 =	vld [tilespmem:s26+$0x1DA90];
	[tilespmem:s31+$0x1E2B0] =	vst v11  }
0x5fd: {  	v9 =	vld [tilespmem:s26+$0x1DAA0];
	[tilespmem:s31+$0x1E2C0] =	vst v2  }
0x5fe: {  	v2 =	vld [tilespmem:s26+$0x1DAB0];
	[tilespmem:s31+$0x1E2D0] =	vst v3  }
0x5ff: {  	v3 =	vld [tilespmem:s26+$0x1DAC0];
	[tilespmem:s31+$0x1E2E0] =	vst v4  }
0x600: {  	v4 =	vld [tilespmem:s26+$0x1DAD0];
	[tilespmem:s31+$0x1E2F0] =	vst v5  }
0x601: {  	v5 =	vld.idx.msk [tilespmem:v8+s3+$0x0], $0xffff;
	_ =	sdelay $0x3  }
0x602: {  	v11 =	vld [tilespmem:s26+$0x1D2A0]  }
0x603: {  	v12 =	vld [tilespmem:s26+$0x1D2B0];
	v13 =	vmul.f32 $8.999999760e-01, v5  }
0x604: {  	v14 =	vld [tilespmem:s26+$0x1D2C0]  }
0x605: {  	v6 =	vmul.f32 $1.000000010e-01, v6;
	v15 =	vld [tilespmem:s26+$0x1D2D0];
	v0 =	vmul.f32 v0, v13  }
0x606: {  	v7 =	vmul.f32 $1.000000010e-01, v7;
	v1 =	vmul.f32 v1, v13  }
0x607: {  	v9 =	vmul.f32 $1.000000010e-01, v9;
	v11 =	vmul.f32 v11, v13;
	v0 =	vadd.f32 v6, v0  }
0x608: {  	v2 =	vmul.f32 $1.000000010e-01, v2;
	v12 =	vmul.f32 v12, v13;
	v1 =	vadd.f32 v7, v1  }
0x609: {  	v3 =	vmul.f32 $1.000000010e-01, v3;
	v52 =	vmul.f32 v14, v13;
	v9 =	vadd.f32 v9, v11;
	[tilespmem:s26+$0x1E280] =	vst v0  }
0x60a: {  	v10 =	vld [tilespmem:s26+$0x1DAF0];
	v4 =	vmul.f32 $1.000000010e-01, v4;
	v53 =	vmul.f32 v15, v13;
	v2 =	vadd.f32 v2, v12;
	[tilespmem:s26+$0x1E290] =	vst v1  }
0x60b: {  	v51 =	vld [tilespmem:s26+$0x1D2F0];
	v55 =	vadd.f32 v3, v52;
	[tilespmem:s26+$0x1E2A0] =	vst v9  }
0x60c: {  	v50 =	vld [tilespmem:s26+$0x1DAE0];
	v4 =	vadd.f32 v4, v53;
	[tilespmem:s26+$0x1E2B0] =	vst v2  }
0x60d: {  	v16 =	vld [tilespmem:s26+$0x1D2E0];
	v0 =	vmul.f32 v0, v5;
	[tilespmem:s26+$0x1E2C0] =	vst v55  }
0x60e: {  	v54 =	vmul.f32 v1, v5;
	[tilespmem:s26+$0x1E2D0] =	vst v4  }
0x60f: {  	v10 =	vmul.f32 $1.000000010e-01, v10;
	v56 =	vmul.f32 v9, v5;
	[tilespmem:s26+$0x1EA80] =	vst v0  }
0x610: {  	v6 =	vmul.f32 v51, v13;
	v58 =	vmul.f32 v2, v5;
	[tilespmem:s26+$0x1EA90] =	vst v54  }
0x611: {  	v8 =	vmul.f32 $1.000000010e-01, v50;
	v59 =	vmul.f32 v55, v5;
	[tilespmem:s26+$0x1EAA0] =	vst v56  }
0x612: {  	v57 =	vmul.f32 v16, v13;
	v60 =	vmul.f32 v4, v5;
	v6 =	vadd.f32 v10, v6;
	[tilespmem:s26+$0x1EAB0] =	vst v58  }
0x613: {  	[tilespmem:s26+$0x1EAC0] =	vst v59  }
0x614: {  	v0 =	vadd.f32 v8, v57;
	[tilespmem:s26+$0x1EAD0] =	vst v60;
	v62 =	vmul.f32 v6, v5  }
0x615: {  	s31 =	sld [smem:$0x7E1];
	[tilespmem:s26+$0x1E2F0] =	vst v6  }
0x616: {  	v61 =	vmul.f32 v0, v5;
	[tilespmem:s26+$0x1EAF0] =	vst v62  }
0x617: {  	[tilespmem:s26+$0x1E2E0] =	vst v0  }
0x618: {  	s28 =	simm.s32 @p0 $0x0;
	s29 =	simm.s32 @p0 $0x1EA80;
	[tilespmem:s26+$0x1EAE0] =	vst v61;
	s26 =	sadd.s32 @p0 s5, s31  }
0x619: {  	[hbm4b:s26+s28] =	stream.linear.scatter @p0 [tilespmem:s29], [sflag:$0x9], $0x800, $0x38;
	v63 =	vld [tilespmem:$0x0]  }
0x61a: {  	s26 =	sld [smem:$0x7FD]  }
0x61b: {  	s2 =	sadd.s32 $0x1, s2  }
0x61c: {  	p1 =	sne.s32 s2, $0x28  }
0x61d: {  	s28 =	simm.s32 @!p0 $0x0;
	s29 =	simm.s32 @!p0 $0x1E280;
	s26 =	sadd.s32 @!p0 s26, s31  }
0x61e: {  	[hbm4b:s26+s28] =	stream.linear.scatter @!p0 [tilespmem:s29], [sflag:$0xA], $0x800, $0x38;
	v63 =	vld [tilespmem:$0x0]  }
.Ltmp11:
0x61f: {  	s26 =	simm.s32 @!p0 $0xA;
	(pc) =	sbr.rel @p1 .LBB2_22-.Ltmp11, $4  }
0x620: {  	s26 =	simm.s32 @p0 $0x9  }
0x621: {  	_ =	swait.ge [sflag:s26], $0x800  }
0x622: {  	[sflag:s26] =	ssyncset.done $0x0  }
0x623: {  	s6 =	sadd.s32 $0x10, s6;
	[sflag:s26] =	ssyncadd.s32 $0xFFFFF800  }
0x624: {  	s2 =	sld [smem:$0x7F7];
	_ =	sdelay $0x2  }
0x625: {  	s2 =	sadd.s32 $0x1, s2  }
0x626: {  	p0 =	sne.s32 s2, $0xA  }
.Ltmp12:
0x627: {  	_ = 	snop;
	(pc) =	sbr.rel @p0 .LBB2_19-.Ltmp12, $4  }
0x628: {  	_ = 	snop  }
0x629: {  	[smem:$0x7F7] =	sst s2  }
0x62a: {  	[bflag:$0x0] =	sbarrier.arrive $0xFFFF  }
0x62b: {  	s31 =	simm.s32 $0x15080;
	s26 =	simm.s32 $0x14980;
	s28 =	simm.s32 $0x15100  }
0x62c: {  	_ =	sfence.sel $0x180000  }
0x62d: {  	[bflag:$0x0] =	sbarrier.arrive $0xFFFF  }
0x62e: {  	_ =	strace $0x90000047  }
0x62f: {  	s0 =	stileid.u32;
	[bflag:$0x2] =	sbarrier.arrive $0xFFFF  }
0x630: {  	p0 =	sne.s32 s0, $0x0;
	s0 =	rddreg [dreg:$0x4]  }
0x631: {  	s0 =	sadd.s32 @!p0 $0x100000, s0  }
0x632: {  	[sflag:s0] =	ssyncadd.tile.s32 @!p0 $0x1;
	_ =	shalt  }
.Lfunc_end2:
_tile_overlayer_lowered:
.L_overlay_start_2:
0x633: {  	(tag) =	ssettag $0x2  }
0x634: {  	s0 =	rddreg [dreg:$0x0];
	s2 =	stileid.u32  }
0x635: {  	s1 =	rddreg [dreg:$0x1];
	p0 =	sne.s32 s2, $0x0  }
0x636: {  	s3 =	rddreg [dreg:$0x2];
	[bflag:$0x3] =	sbarrier.arrive $0xFFFF;
	s2 =	simm.s32 @!p0 $0x1C09  }
0x637: {  	[timem:s3], [sflag:s2] =	dma.local @!p0 [hbm:s0], s1  }
0x638: {  	s0 =	simm.s32 @!p0 $0x9  }
0x639: {  	_ =	swait.ge @!p0 [sflag:s0], s1  }
0x63a: {  	s1 =	ssub.s32 @!p0 $0x0, s1;
	[sflag:s0] =	ssyncset.done @!p0 $0x0  }
0x63b: {  	[sflag:s0] =	ssyncadd.s32 @!p0 s1  }
0x63c: {  	[bflag:$0x3] =	sbarrier.arrive $0xFFFF  }
0x63d: {  	_ =	shalt  }

</sc_bundles>
